<compile_context>
chip_gen: v7x
topology: tpu7x:2x2x1
jax: 0.10.2.dev20260603
libtpu: 0.0.44.dev20260713+nightly
codegen_flags: <defaults>
</compile_context>

<pallas_src>
import functools

import jax
import jax.numpy as jnp
from jax import lax
from jax.experimental import pallas as pl
from jax.experimental.pallas import tpu as pltpu
from jax.experimental.pallas import tpu_sc as plsc

_EPS = 1e-5
_SLOPE = 0.1

_NC = 2
_NS = 16
_NW = _NC * _NS
_L = 16


def _leaky(v):
    return jnp.where(v >= 0, v, _SLOPE * v)


def _fold(g, be, mu, var):
    s = g / jnp.sqrt(var + _EPS)
    return s, be - mu * s


def _block_e(E):
    for be in (2560, 2048, 2000, 1280, 1024, 800, 640, 512, 400, 320, 256,
               200, 128, 64, 32, 16, 8):
        if E % be == 0:
            return be
    return E


def _chunk_e(Ew, cap=512):
    for c in (512, 400, 320, 256, 200, 128, 104, 80, 64, 40, 32, 16, 8):
        if c <= cap and Ew % c == 0:
            return c
    return Ew




def _sc_degrees(row, col, N):
    E = row.shape[0]
    Ew = E // _NW
    C = _chunk_e(Ew, cap=200)
    Nt = (N // (8 * _NS)) * 8
    rem = N - _NS * Nt
    mesh = plsc.VectorSubcoreMesh(core_axis_name="c", subcore_axis_name="s",
                                  num_cores=_NC, num_subcores=_NS)

    @functools.partial(
        pl.kernel,
        out_type=[jax.ShapeDtypeStruct((_NC, N, _L), jnp.float32),
                  jax.ShapeDtypeStruct((_NC, N, _L), jnp.float32)],
        mesh=mesh,
        compiler_params=pltpu.CompilerParams(use_tc_tiling_on_sc=False),
        scratch_types=[pltpu.VMEM((C,), jnp.int32),
                       pltpu.VMEM((C,), jnp.int32),
                       pltpu.VMEM((C, _L), jnp.float32),
                       pltpu.VMEM((8, _L), jnp.float32),
                       pltpu.VMEM_SHARED((N, _L), jnp.float32),
                       pltpu.VMEM_SHARED((N, _L), jnp.float32)],
    )
    def deg_kernel(row_h, col_h, outr_h, outc_h, ridx, cidx, ones_v, zero_v,
                   accr, accc):
        cid = lax.axis_index("c")
        sid = lax.axis_index("s")
        w = cid * _NS + sid
        base = w * Ew

        def fill(i, _):
            zero_v[i, :] = jnp.zeros((_L,), jnp.float32)
            return 0

        lax.fori_loop(0, 8, fill, 0)

        def fill1(i, _):
            ones_v[i, :] = jnp.ones((_L,), jnp.float32)
            return 0

        lax.fori_loop(0, C, fill1, 0)

        def zstamp(k, _):
            pltpu.sync_copy(zero_v, accr.at[pl.ds(sid * Nt + k * 8, 8)])
            pltpu.sync_copy(zero_v, accc.at[pl.ds(sid * Nt + k * 8, 8)])
            return 0

        lax.fori_loop(0, Nt // 8, zstamp, 0)
        if rem:
            @pl.when(sid == _NS - 1)
            def _():
                def zrem(k, _):
                    pltpu.sync_copy(zero_v,
                                    accr.at[pl.ds(_NS * Nt + k * 8, 8)])
                    pltpu.sync_copy(zero_v,
                                    accc.at[pl.ds(_NS * Nt + k * 8, 8)])
                    return 0

                lax.fori_loop(0, rem // 8, zrem, 0)
        plsc.subcore_barrier()

        def step(j, _):
            pltpu.sync_copy(row_h.at[pl.ds(base + j * C, C)], ridx)
            pltpu.sync_copy(col_h.at[pl.ds(base + j * C, C)], cidx)
            pltpu.sync_copy(ones_v, accr.at[ridx], add=True)
            pltpu.sync_copy(ones_v, accc.at[cidx], add=True)
            return 0

        lax.fori_loop(0, Ew // C, step, 0)
        plsc.subcore_barrier()
        pltpu.sync_copy(accr.at[pl.ds(sid * Nt, Nt)],
                        outr_h.at[cid, pl.ds(sid * Nt, Nt)])
        pltpu.sync_copy(accc.at[pl.ds(sid * Nt, Nt)],
                        outc_h.at[cid, pl.ds(sid * Nt, Nt)])
        if rem:
            @pl.when(sid == _NS - 1)
            def _():
                pltpu.sync_copy(accr.at[pl.ds(_NS * Nt, rem)],
                                outr_h.at[cid, pl.ds(_NS * Nt, rem)])
                pltpu.sync_copy(accc.at[pl.ds(_NS * Nt, rem)],
                                outc_h.at[cid, pl.ds(_NS * Nt, rem)])

    outr, outc = deg_kernel(row, col)
    degr = outr[0, :, 0] + outr[1, :, 0]
    degc = outc[0, :, 0] + outc[1, :, 0]
    return degr, degc


def _sc_gather(hb, row, col):
    E = row.shape[0]
    H = hb.shape[1]
    Ew = E // _NW
    C = _chunk_e(Ew, cap=256 if H <= 64 else 128)
    mesh = plsc.VectorSubcoreMesh(core_axis_name="c", subcore_axis_name="s",
                                  num_cores=_NC, num_subcores=_NS)

    @functools.partial(
        pl.kernel,
        out_type=[jax.ShapeDtypeStruct((E, H), jnp.float32),
                  jax.ShapeDtypeStruct((E, H), jnp.float32)],
        mesh=mesh,
        compiler_params=pltpu.CompilerParams(use_tc_tiling_on_sc=False),
        scratch_types=[pltpu.VMEM((C,), jnp.int32),
                       pltpu.VMEM((C,), jnp.int32),
                       pltpu.VMEM((C, H), jnp.float32),
                       pltpu.VMEM((C, H), jnp.float32),
                       pltpu.SemaphoreType.DMA,
                       pltpu.SemaphoreType.DMA],
    )
    def gather_kernel(hb_h, row_h, col_h, gs_h, gd_h,
                      ridx, cidx, bs, bd, sem0, sem1):
        cid = lax.axis_index("c")
        sid = lax.axis_index("s")
        w = cid * _NS + sid
        base = w * Ew

        def step(j, _):
            off = base + j * C
            pltpu.sync_copy(row_h.at[pl.ds(off, C)], ridx)
            pltpu.sync_copy(col_h.at[pl.ds(off, C)], cidx)
            c0 = pltpu.async_copy(hb_h.at[ridx], bs, sem0)
            c1 = pltpu.async_copy(hb_h.at[cidx], bd, sem1)
            c0.wait()
            pltpu.sync_copy(bs, gs_h.at[pl.ds(off, C)])
            c1.wait()
            pltpu.sync_copy(bd, gd_h.at[pl.ds(off, C)])
            return 0

        lax.fori_loop(0, Ew // C, step, 0)

    return gather_kernel(hb, row, col)


def _sc_scatter(m2, col, N):
    E, H = m2.shape
    Ew = E // _NW
    C = _chunk_e(Ew, cap=400)
    Nt = (N // (8 * _NS)) * 8
    rem = N - _NS * Nt
    mesh = plsc.VectorSubcoreMesh(core_axis_name="c", subcore_axis_name="s",
                                  num_cores=_NC, num_subcores=_NS)

    @functools.partial(
        pl.kernel,
        out_type=jax.ShapeDtypeStruct((_NC, N, H), jnp.float32),
        mesh=mesh,
        compiler_params=pltpu.CompilerParams(use_tc_tiling_on_sc=False),
        scratch_types=[pltpu.VMEM((C,), jnp.int32),
                       pltpu.VMEM((C, H), jnp.float32),
                       pltpu.VMEM((8, H), jnp.float32),
                       pltpu.VMEM_SHARED((N, H), jnp.float32)],
    )
    def scatter_kernel(m2_h, col_h, out_h, cidx, buf, zero_v, acc):
        cid = lax.axis_index("c")
        sid = lax.axis_index("s")
        w = cid * _NS + sid
        base = w * Ew
        def fill(i, _):
            for k in range(H // _L):
                zero_v[i, pl.ds(k * _L, _L)] = jnp.zeros((_L,), jnp.float32)
            return 0

        lax.fori_loop(0, 8, fill, 0)

        def zstamp(k, _):
            pltpu.sync_copy(zero_v, acc.at[pl.ds(sid * Nt + k * 8, 8)])
            return 0

        lax.fori_loop(0, Nt // 8, zstamp, 0)
        if rem:
            @pl.when(sid == _NS - 1)
            def _():
                def zrem(k, _):
                    pltpu.sync_copy(zero_v, acc.at[pl.ds(_NS * Nt + k * 8, 8)])
                    return 0

                lax.fori_loop(0, rem // 8, zrem, 0)
        plsc.subcore_barrier()

        def step(j, _):
            off = base + j * C
            pltpu.sync_copy(col_h.at[pl.ds(off, C)], cidx)
            pltpu.sync_copy(m2_h.at[pl.ds(off, C)], buf)
            pltpu.sync_copy(buf, acc.at[cidx], add=True)
            return 0

        lax.fori_loop(0, Ew // C, step, 0)
        plsc.subcore_barrier()
        pltpu.sync_copy(acc.at[pl.ds(sid * Nt, Nt)],
                        out_h.at[cid, pl.ds(sid * Nt, Nt)])
        if rem:
            @pl.when(sid == _NS - 1)
            def _():
                pltpu.sync_copy(acc.at[pl.ds(_NS * Nt, rem)],
                                out_h.at[cid, pl.ds(_NS * Nt, rem)])

    return scatter_kernel(m2, col)




def _tc_colstats(xe):
    E, K = xe.shape
    BE = _block_e(E)

    def body(x_ref, s_ref):
        x = x_ref[...]
        st = jnp.stack([jnp.sum(x, 0), jnp.sum(x * x, 0)])

        @pl.when(pl.program_id(0) == 0)
        def _():
            s_ref[...] = jnp.zeros_like(s_ref)

        s_ref[...] += st

    return pl.pallas_call(
        body,
        grid=(E // BE,),
        in_specs=[pl.BlockSpec((BE, K), lambda i: (i, 0))],
        out_specs=pl.BlockSpec((2, K), lambda i: (0, 0)),
        out_shape=jax.ShapeDtypeStruct((2, K), jnp.float32),
    )(xe)


def _tc_pass(xs, bnv, w, bias, *, act=True, stats=True, pred=None):
    E = xs[0].shape[0]
    Ks = [x.shape[1] for x in xs]
    K = sum(Ks)
    H = w.shape[1]
    BE = _block_e(E)
    nx = len(xs)
    operands = list(xs) + [bnv, w, bias.reshape(1, H)]
    in_specs = [pl.BlockSpec((BE, Ki), lambda i: (i, 0)) for Ki in Ks]
    in_specs += [pl.BlockSpec((4, K), lambda i: (0, 0)),
                 pl.BlockSpec((K, H), lambda i: (0, 0)),
                 pl.BlockSpec((1, H), lambda i: (0, 0))]
    if pred is not None:
        P, pb = pred
        KP = P.shape[1]
        operands += [P, pb.reshape(1, KP)]
        in_specs += [pl.BlockSpec((H, KP), lambda i: (0, 0)),
                     pl.BlockSpec((1, KP), lambda i: (0, 0))]

    out_shape = [jax.ShapeDtypeStruct((E, H), jnp.float32)]
    out_specs = [pl.BlockSpec((BE, H), lambda i: (i, 0))]
    if stats:
        out_shape.append(jax.ShapeDtypeStruct((2, H), jnp.float32))
        out_specs.append(pl.BlockSpec((2, H), lambda i: (0, 0)))
    if pred is not None:
        out_shape.append(jax.ShapeDtypeStruct((E, P.shape[1]), jnp.float32))
        out_specs.append(pl.BlockSpec((BE, P.shape[1]), lambda i: (i, 0)))

    def body(*refs):
        it = iter(refs)
        x_refs = [next(it) for _ in range(nx)]
        bn_ref = next(it)
        w_ref = next(it)
        b_ref = next(it)
        if pred is not None:
            p_ref = next(it)
            pb_ref = next(it)
        o_ref = next(it)
        s_ref = next(it) if stats else None
        po_ref = next(it) if pred is not None else None

        xcat = jnp.concatenate([r[...] for r in x_refs], axis=1)
        xn = (bn_ref[0:1] * (xcat - bn_ref[2:3])
              / jnp.sqrt(bn_ref[3:4] + _EPS) + bn_ref[1:2])
        v = jnp.dot(xn, w_ref[...], preferred_element_type=jnp.float32)
        v = v + b_ref[...]
        if act:
            v = _leaky(v)
        o_ref[...] = v
        if pred is not None:
            po_ref[...] = jnp.dot(v, p_ref[...],
                                  preferred_element_type=jnp.float32) + pb_ref[...]
        if stats:
            @pl.when(pl.program_id(0) == 0)
            def _():
                s_ref[...] = jnp.zeros_like(s_ref)

            s_ref[...] += jnp.stack([jnp.sum(v, 0), jnp.sum(v * v, 0)])

    res = pl.pallas_call(
        body,
        grid=(E // BE,),
        in_specs=in_specs,
        out_specs=out_specs,
        out_shape=out_shape,
    )(*operands)
    return res


def _tc_node_mlp2(hb, S, deg2, v0, w0, b3, v4, w1, w2, npw=None, npb=None):
    N, ni = hb.shape
    H = w1.shape[1]
    has_np = npw is not None

    def body(*refs):
        (hb_ref, s_ref, d_ref, v0_ref, w0_ref, b3_ref,
         v4_ref, w1_ref, w2_ref) = refs[:9]
        if has_np:
            npw_ref, npb_ref = refs[9:11]
            ho_ref = refs[11]
            np_ref = refs[12]
        else:
            ho_ref = refs[9]
            np_ref = None
        cnt = d_ref[:, 1:2]
        agg = (s_ref[0] + s_ref[1]) / jnp.maximum(cnt, 1.0)
        v = jnp.concatenate([hb_ref[...], agg], axis=1)

        def bn(v, gv, bv):
            m = jnp.mean(v, 0)
            va = jnp.mean(jnp.abs(v - m) ** 2, 0)
            return gv * (v - m) / jnp.sqrt(va + _EPS) + bv

        v = bn(v, v0_ref[0], v0_ref[1])
        v = jnp.dot(v, w0_ref[...], preferred_element_type=jnp.float32)
        v = _leaky(v + b3_ref[0:1])
        v = bn(v, v4_ref[0], v4_ref[1])
        v = jnp.dot(v, w1_ref[...], preferred_element_type=jnp.float32)
        v = _leaky(v + b3_ref[1:2])
        v = bn(v, v4_ref[2], v4_ref[3])
        v = jnp.dot(v, w2_ref[...], preferred_element_type=jnp.float32)
        v = v + b3_ref[2:3]
        ho_ref[...] = v
        if np_ref is not None:
            np_ref[...] = jnp.dot(v, npw_ref[...],
                                  preferred_element_type=jnp.float32) + npb_ref[...]

    operands = [hb, S, deg2, v0, w0, b3, v4, w1, w2]
    out_shape = [jax.ShapeDtypeStruct((N, H), jnp.float32)]
    if has_np:
        operands += [npw, npb.reshape(1, npw.shape[1])]
        out_shape.append(jax.ShapeDtypeStruct((N, npw.shape[1]), jnp.float32))
    res = pl.pallas_call(body, out_shape=out_shape)(*operands)
    return res if has_np else (res[0], None)




def _bn_ref(v, g, b, mu, var):
    return g * (v - mu) / jnp.sqrt(var + _EPS) + b


def kernel(x, edge_index, edge_attr, params):
    N = x.shape[0]
    E = edge_index.shape[1]
    row = edge_index[0]
    col = edge_index[1]
    Ef = float(E)

    degr, degc = _sc_degrees(row, col, N)
    deg2 = jnp.stack([degr, degc], axis=1)
    dr = degr[:, None]
    dc = degc[:, None]

    st0 = _tc_colstats(edge_attr)
    mu0 = st0[0] / Ef
    var0 = st0[1] / Ef - mu0 * mu0
    e = _bn_ref(edge_attr, params['bn_edge_g'], params['bn_edge_b'], mu0,
                var0)
    st_e = _tc_colstats(e)
    mu_e = st_e[0] / Ef
    var_e = st_e[1] / Ef - mu_e * mu_e

    h = x
    edge_pred = None
    for li, lp in enumerate(params['layers']):
        ni = h.shape[1]
        ep = lp['edge_mlp']
        q = lp['node_mlp1']
        r = lp['node_mlp2']
        last = li == len(params['layers']) - 1

        mu_h = jnp.mean(h, axis=0)
        var_h = jnp.var(h, axis=0)
        hb = _bn_ref(h, lp['bn_g'], lp['bn_b'], mu_h, var_h)
        mu_s = jnp.sum(dr * hb, 0) / Ef
        var_s = jnp.sum(dr * (hb - mu_s) ** 2, 0) / Ef
        mu_d = jnp.sum(dc * hb, 0) / Ef
        var_d = jnp.sum(dc * (hb - mu_d) ** 2, 0) / Ef

        gs, gd = _sc_gather(hb, row, col)

        bnv = jnp.stack([ep['g0'], ep['be0'],
                         jnp.concatenate([mu_s, mu_d, mu_e]),
                         jnp.concatenate([var_s, var_d, var_e])])
        v1, st1 = _tc_pass([gs, gd, e], bnv, ep['w0'], ep['b0'])
        mu1 = st1[0] / Ef
        bnv = jnp.stack([ep['g1'], ep['be1'], mu1, st1[1] / Ef - mu1 * mu1])
        v2, st2 = _tc_pass([v1], bnv, ep['w1'], ep['b1'])
        mu2 = st2[0] / Ef
        bnv = jnp.stack([ep['g2'], ep['be2'], mu2, st2[1] / Ef - mu2 * mu2])
        if last:
            e, ste, edge_pred = _tc_pass(
                [v2], bnv, ep['w2'], ep['b2'], act=False,
                pred=(params['ep_w'], params['ep_b']))
        else:
            e, ste = _tc_pass([v2], bnv, ep['w2'], ep['b2'], act=False)
        mu_e = ste[0] / Ef
        var_e = ste[1] / Ef - mu_e * mu_e

        bnv = jnp.stack([q['g0'], q['be0'],
                         jnp.concatenate([mu_s, mu_e]),
                         jnp.concatenate([var_s, var_e])])
        m1, stm1 = _tc_pass([gs, e], bnv, q['w0'], q['b0'])
        mum1 = stm1[0] / Ef
        bnv = jnp.stack([q['g1'], q['be1'], mum1,
                         stm1[1] / Ef - mum1 * mum1])
        m2, stm2 = _tc_pass([m1], bnv, q['w1'], q['b1'])
        mum2 = stm2[0] / Ef
        bnv = jnp.stack([q['g2'], q['be2'], mum2,
                         stm2[1] / Ef - mum2 * mum2])
        m3 = _tc_pass([m2], bnv, q['w2'], q['b2'], act=False,
                      stats=False)[0]

        S = _sc_scatter(m3, col, N)

        v0 = jnp.stack([r['g0'], r['be0']])
        b3 = jnp.stack([r['b0'], r['b1'], r['b2']])
        v4 = jnp.stack([r['g1'], r['be1'], r['g2'], r['be2']])
        if last:
            h, node_pred = _tc_node_mlp2(hb, S, deg2, v0, r['w0'], b3, v4,
                                         r['w1'], r['w2'],
                                         params['np_w'], params['np_b'])
        else:
            h, _ = _tc_node_mlp2(hb, S, deg2, v0, r['w0'], b3, v4,
                                 r['w1'], r['w2'])

    return node_pred, edge_pred

# --- scband reference (transcript-rebuilt; emitter-appended) ---
"""Pipeline reference for scband-meta-layer-model-33852932227351 (READ-ONLY COPY).

The authoritative reference and input builder live on the scoring server;
editing this copy changes nothing except your own understanding.
"""

import jax, jax.numpy as jnp
import numpy as np

N = 10000
E = 320000
F_X = 128
F_E = 16
H = 64
NC = 5
EC = 2
NODE_IN = [128, 64, 64]
EDGE_IN = [16, 64, 64]
EPS = 1e-5
SLOPE = 0.1


def _mlp_params(key, din, dh):
    k0, k1, k2 = jax.random.split(key, 3)
    return {
        'g0': jnp.ones((din,), jnp.float32), 'be0': jnp.zeros((din,), jnp.float32),
        'w0': (jax.random.normal(k0, (din, dh), jnp.float32) / np.sqrt(din)).astype(jnp.float32),
        'b0': jnp.zeros((dh,), jnp.float32),
        'g1': jnp.ones((dh,), jnp.float32), 'be1': jnp.zeros((dh,), jnp.float32),
        'w1': (jax.random.normal(k1, (dh, dh), jnp.float32) / np.sqrt(dh)).astype(jnp.float32),
        'b1': jnp.zeros((dh,), jnp.float32),
        'g2': jnp.ones((dh,), jnp.float32), 'be2': jnp.zeros((dh,), jnp.float32),
        'w2': (jax.random.normal(k2, (dh, dh), jnp.float32) / np.sqrt(dh)).astype(jnp.float32),
        'b2': jnp.zeros((dh,), jnp.float32),
    }


def _make_params(key):
    keys = jax.random.split(key, 16)
    layers = []
    for i in range(3):
        ni = NODE_IN[i]
        ei = EDGE_IN[i]
        layers.append({
            'bn_g': jnp.ones((ni,), jnp.float32),
            'bn_b': jnp.zeros((ni,), jnp.float32),
            'edge_mlp': _mlp_params(keys[3 * i], 2 * ni + ei, H),
            'node_mlp1': _mlp_params(keys[3 * i + 1], ni + H, H),
            'node_mlp2': _mlp_params(keys[3 * i + 2], ni + H, H),
        })
    return {
        'bn_edge_g': jnp.ones((F_E,), jnp.float32),
        'bn_edge_b': jnp.zeros((F_E,), jnp.float32),
        'layers': layers,
        'np_w': (jax.random.normal(keys[10], (H, NC), jnp.float32) / np.sqrt(H)).astype(jnp.float32),
        'np_b': jnp.zeros((NC,), jnp.float32),
        'ep_w': (jax.random.normal(keys[11], (H, EC), jnp.float32) / np.sqrt(H)).astype(jnp.float32),
        'ep_b': jnp.zeros((EC,), jnp.float32),
    }


def setup_inputs(seed: int = 0):
    key = jax.random.key(seed)
    k0, k1, k2, k3 = jax.random.split(key, 4)
    x = jax.random.normal(k0, (N, F_X), jnp.float32)
    edge_index = jax.random.randint(k1, (2, E), 0, N, dtype=jnp.int32)
    edge_attr = jax.random.normal(k2, (E, F_E), jnp.float32)
    params = _make_params(k3)
    return {'x': x, 'edge_index': edge_index, 'edge_attr': edge_attr, 'params': params}


def _bn(v, g, b):
    mu = jnp.mean(v, axis=0)
    var = jnp.var(v, axis=0)
    return g * (v - mu) / jnp.sqrt(var + EPS) + b


def _mlp(v, p):
    v = _bn(v, p['g0'], p['be0'])
    v = v @ p['w0'] + p['b0']
    v = jax.nn.leaky_relu(v, SLOPE)
    v = _bn(v, p['g1'], p['be1'])
    v = v @ p['w1'] + p['b1']
    v = jax.nn.leaky_relu(v, SLOPE)
    v = _bn(v, p['g2'], p['be2'])
    v = v @ p['w2'] + p['b2']
    return v


def _segment_mean(data, ids, n):
    s = jax.ops.segment_sum(data, ids, num_segments=n)
    c = jax.ops.segment_sum(jnp.ones((data.shape[0], 1), data.dtype), ids, num_segments=n)
    return s / jnp.maximum(c, 1.0)


def reference(x, edge_index, edge_attr, params):
    row = edge_index[0]
    col = edge_index[1]
    # input edge batch-norm (training-mode batch statistics)
    e = _bn(edge_attr, params['bn_edge_g'], params['bn_edge_b'])
    h = x
    for lp in params['layers']:
        # per-step node batch-norm
        h = _bn(h, lp['bn_g'], lp['bn_b'])
        # EdgeLayer: MLP on [src, dst, edge_attr]
        src = jnp.take(h, row, axis=0)
        dst = jnp.take(h, col, axis=0)
        e = _mlp(jnp.concatenate([src, dst, e], axis=1), lp['edge_mlp'])
        # NodeLayer: message MLP on [x[row], e], scatter-mean onto dst, then update MLP
        m = _mlp(jnp.concatenate([jnp.take(h, row, axis=0), e], axis=1), lp['node_mlp1'])
        agg = _segment_mean(m, col, h.shape[0])
        h = _mlp(jnp.concatenate([h, agg], axis=1), lp['node_mlp2'])
    node_pred = h @ params['np_w'] + params['np_b']
    edge_pred = e @ params['ep_w'] + params['ep_b']
    return node_pred, edge_pred

if __name__ == "__main__":
    import jax
    _d = setup_inputs()
    print(jax.jit(kernel)(*tuple(_d.values())))

</pallas_src>

<mosaic_0001>
#map = affine_map<(d0, d1) -> (0, 0)>
#map1 = affine_map<(d0, d1) -> (0)>
module attributes {stable_mosaic.version = 14 : i64} {
  func.func @gather_kernel(%arg0: i32, %arg1: i32, %arg2: memref<10000x64xf32, #tpu.memory_space<hbm>>, %arg3: memref<320000xi32, #tpu.memory_space<hbm>>, %arg4: memref<320000xi32, #tpu.memory_space<hbm>>, %arg5: memref<320000x64xf32, #tpu.memory_space<hbm>>, %arg6: memref<320000x64xf32, #tpu.memory_space<hbm>>, %arg7: memref<200xi32, #tpu.memory_space<vmem>>, %arg8: memref<200xi32, #tpu.memory_space<vmem>>, %arg9: memref<200x64xf32, #tpu.memory_space<vmem>>, %arg10: memref<200x64xf32, #tpu.memory_space<vmem>>, %arg11: memref<!tpu.dma_semaphore, #tpu.memory_space<semaphore_mem>>, %arg12: memref<!tpu.dma_semaphore, #tpu.memory_space<semaphore_mem>>) attributes {dimension_semantics = [#tpu.dimension_semantics<core_parallel>, #tpu.dimension_semantics<subcore_parallel>], iteration_bounds = array<i64: 2, 16>, scalar_prefetch = 0 : i64, scratch_operands = 6 : i64, tpu.core_type = #tpu.core_type<sc_vector_subcore>, window_params = [{transform_indices = #map}, {transform_indices = #map1}, {transform_indices = #map1}, {transform_indices = #map}, {transform_indices = #map}]} {
    %mul3A = arith.constant 16 : i32
    %mul3A_0 = arith.muli %arg0, %mul3A : i32
    %add3A = arith.addi %mul3A_0, %arg1 : i32
    %mul3A_1 = arith.constant 10000 : i32
    %mul3A_2 = arith.muli %add3A, %mul3A_1 : i32
    %scan3A = arith.constant 0 : i32
    %scan3A_3 = arith.constant 0 : i32
    %scan3A_4 = arith.constant 50 : i32
    %scan3A_5 = arith.addi %scan3A_3, %scan3A_4 : i32
    %scan3A_6 = arith.constant 1 : i32
    %scan3A_7 = scf.for %scan3A_9 = %scan3A_3 to %scan3A_5 step %scan3A_6 iter_args(%scan3A_10 = %scan3A) -> (i32)  : i32 {
      %mul3A_11 = arith.constant 200 : i32
      %mul3A_12 = arith.muli %scan3A_9, %mul3A_11 : i32
      %add3A_13 = arith.addi %mul3A_2, %mul3A_12 : i32
      "tpu.region"() ({
        %run_scoped3A = tpu.sem_alloc : memref<!tpu.dma_semaphore, #tpu.memory_space<semaphore_mem>>
        %dma_start3A_25 = tpu.memref_slice %arg3[%add3A_13] : memref<320000xi32, #tpu.memory_space<hbm>> -> memref<200xi32, #tpu.memory_space<hbm>>
        %dma_start3A_26 = tpu.memref_slice %arg3[%add3A_13] : memref<320000xi32, #tpu.memory_space<hbm>> -> memref<200xi32, #tpu.memory_space<hbm>>
        tpu.enqueue_dma source(%dma_start3A_26 : memref<200xi32, #tpu.memory_space<hbm>>) target(%arg7 : memref<200xi32, #tpu.memory_space<vmem>>) target_semaphore(%run_scoped3A : memref<!tpu.dma_semaphore, #tpu.memory_space<semaphore_mem>>)
        %dma_wait3A_27 = tpu.memref_slice %arg3[%add3A_13] : memref<320000xi32, #tpu.memory_space<hbm>> -> memref<200xi32, #tpu.memory_space<hbm>>
        %dma_wait3A_28 = tpu.memref_slice %arg3[%add3A_13] : memref<320000xi32, #tpu.memory_space<hbm>> -> memref<200xi32, #tpu.memory_space<hbm>>
        tpu.wait_dma2 semaphore(%run_scoped3A : memref<!tpu.dma_semaphore, #tpu.memory_space<semaphore_mem>>) src(%dma_wait3A_28 : memref<200xi32, #tpu.memory_space<hbm>>) dst(%arg7 : memref<200xi32, #tpu.memory_space<vmem>>)
        tpu.yield
      }) : () -> ()
      "tpu.region"() ({
        %run_scoped3A = tpu.sem_alloc : memref<!tpu.dma_semaphore, #tpu.memory_space<semaphore_mem>>
        %dma_start3A_25 = tpu.memref_slice %arg4[%add3A_13] : memref<320000xi32, #tpu.memory_space<hbm>> -> memref<200xi32, #tpu.memory_space<hbm>>
        %dma_start3A_26 = tpu.memref_slice %arg4[%add3A_13] : memref<320000xi32, #tpu.memory_space<hbm>> -> memref<200xi32, #tpu.memory_space<hbm>>
        tpu.enqueue_dma source(%dma_start3A_26 : memref<200xi32, #tpu.memory_space<hbm>>) target(%arg8 : memref<200xi32, #tpu.memory_space<vmem>>) target_semaphore(%run_scoped3A : memref<!tpu.dma_semaphore, #tpu.memory_space<semaphore_mem>>)
        %dma_wait3A_27 = tpu.memref_slice %arg4[%add3A_13] : memref<320000xi32, #tpu.memory_space<hbm>> -> memref<200xi32, #tpu.memory_space<hbm>>
        %dma_wait3A_28 = tpu.memref_slice %arg4[%add3A_13] : memref<320000xi32, #tpu.memory_space<hbm>> -> memref<200xi32, #tpu.memory_space<hbm>>
        tpu.wait_dma2 semaphore(%run_scoped3A : memref<!tpu.dma_semaphore, #tpu.memory_space<semaphore_mem>>) src(%dma_wait3A_28 : memref<200xi32, #tpu.memory_space<hbm>>) dst(%arg8 : memref<200xi32, #tpu.memory_space<vmem>>)
        tpu.yield
      }) : () -> ()
      %dma_start3A = arith.constant 0 : i32
      %dma_start3A_14 = arith.constant 0 : i32
      %dma_start3A_15 = tpu.memref_slice %arg2[%dma_start3A, %dma_start3A_14] : memref<10000x64xf32, #tpu.memory_space<hbm>> -> memref<10000x64xf32, #tpu.memory_space<hbm>>
      tpu.enqueue_indirect_dma source(%dma_start3A_15 : memref<10000x64xf32, #tpu.memory_space<hbm>>) target(%arg9 : memref<200x64xf32, #tpu.memory_space<vmem>>) offsets(%arg7 : memref<200xi32, #tpu.memory_space<vmem>>) semaphore(%arg11 : memref<!tpu.dma_semaphore, #tpu.memory_space<semaphore_mem>>)
      %dma_start3A_16 = arith.constant 0 : i32
      %dma_start3A_17 = arith.constant 0 : i32
      %dma_start3A_18 = tpu.memref_slice %arg2[%dma_start3A_16, %dma_start3A_17] : memref<10000x64xf32, #tpu.memory_space<hbm>> -> memref<10000x64xf32, #tpu.memory_space<hbm>>
      tpu.enqueue_indirect_dma source(%dma_start3A_18 : memref<10000x64xf32, #tpu.memory_space<hbm>>) target(%arg10 : memref<200x64xf32, #tpu.memory_space<vmem>>) offsets(%arg8 : memref<200xi32, #tpu.memory_space<vmem>>) semaphore(%arg12 : memref<!tpu.dma_semaphore, #tpu.memory_space<semaphore_mem>>)
      %dma_wait3A = arith.constant 0 : i32
      %dma_wait3A_19 = arith.constant 0 : i32
      %dma_wait3A_20 = tpu.memref_slice %arg2[%dma_wait3A, %dma_wait3A_19] : memref<10000x64xf32, #tpu.memory_space<hbm>> -> memref<10000x64xf32, #tpu.memory_space<hbm>>
      tpu.wait_indirect_dma semaphore(%arg11 : memref<!tpu.dma_semaphore, #tpu.memory_space<semaphore_mem>>) src(%dma_wait3A_20 : memref<10000x64xf32, #tpu.memory_space<hbm>>) dst(%arg9 : memref<200x64xf32, #tpu.memory_space<vmem>>)
      "tpu.region"() ({
        %run_scoped3A = tpu.sem_alloc : memref<!tpu.dma_semaphore, #tpu.memory_space<semaphore_mem>>
        %dma_start3A_25 = arith.constant 0 : i32
        %dma_start3A_26 = tpu.memref_slice %arg5[%add3A_13, %dma_start3A_25] : memref<320000x64xf32, #tpu.memory_space<hbm>> -> memref<200x64xf32, #tpu.memory_space<hbm>>
        %dma_start3A_27 = arith.constant 0 : i32
        %dma_start3A_28 = tpu.memref_slice %arg5[%add3A_13, %dma_start3A_27] : memref<320000x64xf32, #tpu.memory_space<hbm>> -> memref<200x64xf32, #tpu.memory_space<hbm>>
        tpu.enqueue_dma source(%arg9 : memref<200x64xf32, #tpu.memory_space<vmem>>) target(%dma_start3A_28 : memref<200x64xf32, #tpu.memory_space<hbm>>) target_semaphore(%run_scoped3A : memref<!tpu.dma_semaphore, #tpu.memory_space<semaphore_mem>>)
        %dma_wait3A_29 = arith.constant 0 : i32
        %dma_wait3A_30 = tpu.memref_slice %arg5[%add3A_13, %dma_wait3A_29] : memref<320000x64xf32, #tpu.memory_space<hbm>> -> memref<200x64xf32, #tpu.memory_space<hbm>>
        %dma_wait3A_31 = arith.constant 0 : i32
        %dma_wait3A_32 = tpu.memref_slice %arg5[%add3A_13, %dma_wait3A_31] : memref<320000x64xf32, #tpu.memory_space<hbm>> -> memref<200x64xf32, #tpu.memory_space<hbm>>
        tpu.wait_dma2 semaphore(%run_scoped3A : memref<!tpu.dma_semaphore, #tpu.memory_space<semaphore_mem>>) src(%arg9 : memref<200x64xf32, #tpu.memory_space<vmem>>) dst(%dma_wait3A_32 : memref<200x64xf32, #tpu.memory_space<hbm>>)
        tpu.yield
      }) : () -> ()
      %dma_wait3A_21 = arith.constant 0 : i32
      %dma_wait3A_22 = arith.constant 0 : i32
      %dma_wait3A_23 = tpu.memref_slice %arg2[%dma_wait3A_21, %dma_wait3A_22] : memref<10000x64xf32, #tpu.memory_space<hbm>> -> memref<10000x64xf32, #tpu.memory_space<hbm>>
      tpu.wait_indirect_dma semaphore(%arg12 : memref<!tpu.dma_semaphore, #tpu.memory_space<semaphore_mem>>) src(%dma_wait3A_23 : memref<10000x64xf32, #tpu.memory_space<hbm>>) dst(%arg10 : memref<200x64xf32, #tpu.memory_space<vmem>>)
      "tpu.region"() ({
        %run_scoped3A = tpu.sem_alloc : memref<!tpu.dma_semaphore, #tpu.memory_space<semaphore_mem>>
        %dma_start3A_25 = arith.constant 0 : i32
        %dma_start3A_26 = tpu.memref_slice %arg6[%add3A_13, %dma_start3A_25] : memref<320000x64xf32, #tpu.memory_space<hbm>> -> memref<200x64xf32, #tpu.memory_space<hbm>>
        %dma_start3A_27 = arith.constant 0 : i32
        %dma_start3A_28 = tpu.memref_slice %arg6[%add3A_13, %dma_start3A_27] : memref<320000x64xf32, #tpu.memory_space<hbm>> -> memref<200x64xf32, #tpu.memory_space<hbm>>
        tpu.enqueue_dma source(%arg10 : memref<200x64xf32, #tpu.memory_space<vmem>>) target(%dma_start3A_28 : memref<200x64xf32, #tpu.memory_space<hbm>>) target_semaphore(%run_scoped3A : memref<!tpu.dma_semaphore, #tpu.memory_space<semaphore_mem>>)
        %dma_wait3A_29 = arith.constant 0 : i32
        %dma_wait3A_30 = tpu.memref_slice %arg6[%add3A_13, %dma_wait3A_29] : memref<320000x64xf32, #tpu.memory_space<hbm>> -> memref<200x64xf32, #tpu.memory_space<hbm>>
        %dma_wait3A_31 = arith.constant 0 : i32
        %dma_wait3A_32 = tpu.memref_slice %arg6[%add3A_13, %dma_wait3A_31] : memref<320000x64xf32, #tpu.memory_space<hbm>> -> memref<200x64xf32, #tpu.memory_space<hbm>>
        tpu.wait_dma2 semaphore(%run_scoped3A : memref<!tpu.dma_semaphore, #tpu.memory_space<semaphore_mem>>) src(%arg10 : memref<200x64xf32, #tpu.memory_space<vmem>>) dst(%dma_wait3A_32 : memref<200x64xf32, #tpu.memory_space<hbm>>)
        tpu.yield
      }) : () -> ()
      %scan3A_24 = arith.constant 0 : i32
      scf.yield %scan3A_24 : i32
    }
    %scan3A_8 = arith.constant 50 : i32
    return
  }
}

#map = affine_map<(d0, d1) -> (0, 0)>
#map1 = affine_map<(d0, d1) -> (0)>
module attributes {stable_mosaic.version = 14 : i64} {
  func.func @gather_kernel(%arg0: i32, %arg1: i32, %arg2: memref<10000x128xf32, #tpu.memory_space<hbm>>, %arg3: memref<320000xi32, #tpu.memory_space<hbm>>, %arg4: memref<320000xi32, #tpu.memory_space<hbm>>, %arg5: memref<320000x128xf32, #tpu.memory_space<hbm>>, %arg6: memref<320000x128xf32, #tpu.memory_space<hbm>>, %arg7: memref<80xi32, #tpu.memory_space<vmem>>, %arg8: memref<80xi32, #tpu.memory_space<vmem>>, %arg9: memref<80x128xf32, #tpu.memory_space<vmem>>, %arg10: memref<80x128xf32, #tpu.memory_space<vmem>>, %arg11: memref<!tpu.dma_semaphore, #tpu.memory_space<semaphore_mem>>, %arg12: memref<!tpu.dma_semaphore, #tpu.memory_space<semaphore_mem>>) attributes {dimension_semantics = [#tpu.dimension_semantics<core_parallel>, #tpu.dimension_semantics<subcore_parallel>], iteration_bounds = array<i64: 2, 16>, scalar_prefetch = 0 : i64, scratch_operands = 6 : i64, tpu.core_type = #tpu.core_type<sc_vector_subcore>, window_params = [{transform_indices = #map}, {transform_indices = #map1}, {transform_indices = #map1}, {transform_indices = #map}, {transform_indices = #map}]} {
    %mul3A = arith.constant 16 : i32
    %mul3A_0 = arith.muli %arg0, %mul3A : i32
    %add3A = arith.addi %mul3A_0, %arg1 : i32
    %mul3A_1 = arith.constant 10000 : i32
    %mul3A_2 = arith.muli %add3A, %mul3A_1 : i32
    %scan3A = arith.constant 0 : i32
    %scan3A_3 = arith.constant 0 : i32
    %scan3A_4 = arith.constant 125 : i32
    %scan3A_5 = arith.addi %scan3A_3, %scan3A_4 : i32
    %scan3A_6 = arith.constant 1 : i32
    %scan3A_7 = scf.for %scan3A_9 = %scan3A_3 to %scan3A_5 step %scan3A_6 iter_args(%scan3A_10 = %scan3A) -> (i32)  : i32 {
      %mul3A_11 = arith.constant 80 : i32
      %mul3A_12 = arith.muli %scan3A_9, %mul3A_11 : i32
      %add3A_13 = arith.addi %mul3A_2, %mul3A_12 : i32
      "tpu.region"() ({
        %run_scoped3A = tpu.sem_alloc : memref<!tpu.dma_semaphore, #tpu.memory_space<semaphore_mem>>
        %dma_start3A_25 = tpu.memref_slice %arg3[%add3A_13] : memref<320000xi32, #tpu.memory_space<hbm>> -> memref<80xi32, #tpu.memory_space<hbm>>
        %dma_start3A_26 = tpu.memref_slice %arg3[%add3A_13] : memref<320000xi32, #tpu.memory_space<hbm>> -> memref<80xi32, #tpu.memory_space<hbm>>
        tpu.enqueue_dma source(%dma_start3A_26 : memref<80xi32, #tpu.memory_space<hbm>>) target(%arg7 : memref<80xi32, #tpu.memory_space<vmem>>) target_semaphore(%run_scoped3A : memref<!tpu.dma_semaphore, #tpu.memory_space<semaphore_mem>>)
        %dma_wait3A_27 = tpu.memref_slice %arg3[%add3A_13] : memref<320000xi32, #tpu.memory_space<hbm>> -> memref<80xi32, #tpu.memory_space<hbm>>
        %dma_wait3A_28 = tpu.memref_slice %arg3[%add3A_13] : memref<320000xi32, #tpu.memory_space<hbm>> -> memref<80xi32, #tpu.memory_space<hbm>>
        tpu.wait_dma2 semaphore(%run_scoped3A : memref<!tpu.dma_semaphore, #tpu.memory_space<semaphore_mem>>) src(%dma_wait3A_28 : memref<80xi32, #tpu.memory_space<hbm>>) dst(%arg7 : memref<80xi32, #tpu.memory_space<vmem>>)
        tpu.yield
      }) : () -> ()
      "tpu.region"() ({
        %run_scoped3A = tpu.sem_alloc : memref<!tpu.dma_semaphore, #tpu.memory_space<semaphore_mem>>
        %dma_start3A_25 = tpu.memref_slice %arg4[%add3A_13] : memref<320000xi32, #tpu.memory_space<hbm>> -> memref<80xi32, #tpu.memory_space<hbm>>
        %dma_start3A_26 = tpu.memref_slice %arg4[%add3A_13] : memref<320000xi32, #tpu.memory_space<hbm>> -> memref<80xi32, #tpu.memory_space<hbm>>
        tpu.enqueue_dma source(%dma_start3A_26 : memref<80xi32, #tpu.memory_space<hbm>>) target(%arg8 : memref<80xi32, #tpu.memory_space<vmem>>) target_semaphore(%run_scoped3A : memref<!tpu.dma_semaphore, #tpu.memory_space<semaphore_mem>>)
        %dma_wait3A_27 = tpu.memref_slice %arg4[%add3A_13] : memref<320000xi32, #tpu.memory_space<hbm>> -> memref<80xi32, #tpu.memory_space<hbm>>
        %dma_wait3A_28 = tpu.memref_slice %arg4[%add3A_13] : memref<320000xi32, #tpu.memory_space<hbm>> -> memref<80xi32, #tpu.memory_space<hbm>>
        tpu.wait_dma2 semaphore(%run_scoped3A : memref<!tpu.dma_semaphore, #tpu.memory_space<semaphore_mem>>) src(%dma_wait3A_28 : memref<80xi32, #tpu.memory_space<hbm>>) dst(%arg8 : memref<80xi32, #tpu.memory_space<vmem>>)
        tpu.yield
      }) : () -> ()
      %dma_start3A = arith.constant 0 : i32
      %dma_start3A_14 = arith.constant 0 : i32
      %dma_start3A_15 = tpu.memref_slice %arg2[%dma_start3A, %dma_start3A_14] : memref<10000x128xf32, #tpu.memory_space<hbm>> -> memref<10000x128xf32, #tpu.memory_space<hbm>>
      tpu.enqueue_indirect_dma source(%dma_start3A_15 : memref<10000x128xf32, #tpu.memory_space<hbm>>) target(%arg9 : memref<80x128xf32, #tpu.memory_space<vmem>>) offsets(%arg7 : memref<80xi32, #tpu.memory_space<vmem>>) semaphore(%arg11 : memref<!tpu.dma_semaphore, #tpu.memory_space<semaphore_mem>>)
      %dma_start3A_16 = arith.constant 0 : i32
      %dma_start3A_17 = arith.constant 0 : i32
      %dma_start3A_18 = tpu.memref_slice %arg2[%dma_start3A_16, %dma_start3A_17] : memref<10000x128xf32, #tpu.memory_space<hbm>> -> memref<10000x128xf32, #tpu.memory_space<hbm>>
      tpu.enqueue_indirect_dma source(%dma_start3A_18 : memref<10000x128xf32, #tpu.memory_space<hbm>>) target(%arg10 : memref<80x128xf32, #tpu.memory_space<vmem>>) offsets(%arg8 : memref<80xi32, #tpu.memory_space<vmem>>) semaphore(%arg12 : memref<!tpu.dma_semaphore, #tpu.memory_space<semaphore_mem>>)
      %dma_wait3A = arith.constant 0 : i32
      %dma_wait3A_19 = arith.constant 0 : i32
      %dma_wait3A_20 = tpu.memref_slice %arg2[%dma_wait3A, %dma_wait3A_19] : memref<10000x128xf32, #tpu.memory_space<hbm>> -> memref<10000x128xf32, #tpu.memory_space<hbm>>
      tpu.wait_indirect_dma semaphore(%arg11 : memref<!tpu.dma_semaphore, #tpu.memory_space<semaphore_mem>>) src(%dma_wait3A_20 : memref<10000x128xf32, #tpu.memory_space<hbm>>) dst(%arg9 : memref<80x128xf32, #tpu.memory_space<vmem>>)
      "tpu.region"() ({
        %run_scoped3A = tpu.sem_alloc : memref<!tpu.dma_semaphore, #tpu.memory_space<semaphore_mem>>
        %dma_start3A_25 = arith.constant 0 : i32
        %dma_start3A_26 = tpu.memref_slice %arg5[%add3A_13, %dma_start3A_25] : memref<320000x128xf32, #tpu.memory_space<hbm>> -> memref<80x128xf32, #tpu.memory_space<hbm>>
        %dma_start3A_27 = arith.constant 0 : i32
        %dma_start3A_28 = tpu.memref_slice %arg5[%add3A_13, %dma_start3A_27] : memref<320000x128xf32, #tpu.memory_space<hbm>> -> memref<80x128xf32, #tpu.memory_space<hbm>>
        tpu.enqueue_dma source(%arg9 : memref<80x128xf32, #tpu.memory_space<vmem>>) target(%dma_start3A_28 : memref<80x128xf32, #tpu.memory_space<hbm>>) target_semaphore(%run_scoped3A : memref<!tpu.dma_semaphore, #tpu.memory_space<semaphore_mem>>)
        %dma_wait3A_29 = arith.constant 0 : i32
        %dma_wait3A_30 = tpu.memref_slice %arg5[%add3A_13, %dma_wait3A_29] : memref<320000x128xf32, #tpu.memory_space<hbm>> -> memref<80x128xf32, #tpu.memory_space<hbm>>
        %dma_wait3A_31 = arith.constant 0 : i32
        %dma_wait3A_32 = tpu.memref_slice %arg5[%add3A_13, %dma_wait3A_31] : memref<320000x128xf32, #tpu.memory_space<hbm>> -> memref<80x128xf32, #tpu.memory_space<hbm>>
        tpu.wait_dma2 semaphore(%run_scoped3A : memref<!tpu.dma_semaphore, #tpu.memory_space<semaphore_mem>>) src(%arg9 : memref<80x128xf32, #tpu.memory_space<vmem>>) dst(%dma_wait3A_32 : memref<80x128xf32, #tpu.memory_space<hbm>>)
        tpu.yield
      }) : () -> ()
      %dma_wait3A_21 = arith.constant 0 : i32
      %dma_wait3A_22 = arith.constant 0 : i32
      %dma_wait3A_23 = tpu.memref_slice %arg2[%dma_wait3A_21, %dma_wait3A_22] : memref<10000x128xf32, #tpu.memory_space<hbm>> -> memref<10000x128xf32, #tpu.memory_space<hbm>>
      tpu.wait_indirect_dma semaphore(%arg12 : memref<!tpu.dma_semaphore, #tpu.memory_space<semaphore_mem>>) src(%dma_wait3A_23 : memref<10000x128xf32, #tpu.memory_space<hbm>>) dst(%arg10 : memref<80x128xf32, #tpu.memory_space<vmem>>)
      "tpu.region"() ({
        %run_scoped3A = tpu.sem_alloc : memref<!tpu.dma_semaphore, #tpu.memory_space<semaphore_mem>>
        %dma_start3A_25 = arith.constant 0 : i32
        %dma_start3A_26 = tpu.memref_slice %arg6[%add3A_13, %dma_start3A_25] : memref<320000x128xf32, #tpu.memory_space<hbm>> -> memref<80x128xf32, #tpu.memory_space<hbm>>
        %dma_start3A_27 = arith.constant 0 : i32
        %dma_start3A_28 = tpu.memref_slice %arg6[%add3A_13, %dma_start3A_27] : memref<320000x128xf32, #tpu.memory_space<hbm>> -> memref<80x128xf32, #tpu.memory_space<hbm>>
        tpu.enqueue_dma source(%arg10 : memref<80x128xf32, #tpu.memory_space<vmem>>) target(%dma_start3A_28 : memref<80x128xf32, #tpu.memory_space<hbm>>) target_semaphore(%run_scoped3A : memref<!tpu.dma_semaphore, #tpu.memory_space<semaphore_mem>>)
        %dma_wait3A_29 = arith.constant 0 : i32
        %dma_wait3A_30 = tpu.memref_slice %arg6[%add3A_13, %dma_wait3A_29] : memref<320000x128xf32, #tpu.memory_space<hbm>> -> memref<80x128xf32, #tpu.memory_space<hbm>>
        %dma_wait3A_31 = arith.constant 0 : i32
        %dma_wait3A_32 = tpu.memref_slice %arg6[%add3A_13, %dma_wait3A_31] : memref<320000x128xf32, #tpu.memory_space<hbm>> -> memref<80x128xf32, #tpu.memory_space<hbm>>
        tpu.wait_dma2 semaphore(%run_scoped3A : memref<!tpu.dma_semaphore, #tpu.memory_space<semaphore_mem>>) src(%arg10 : memref<80x128xf32, #tpu.memory_space<vmem>>) dst(%dma_wait3A_32 : memref<80x128xf32, #tpu.memory_space<hbm>>)
        tpu.yield
      }) : () -> ()
      %scan3A_24 = arith.constant 0 : i32
      scf.yield %scan3A_24 : i32
    }
    %scan3A_8 = arith.constant 125 : i32
    return
  }
}

#map = affine_map<(d0, d1) -> (0)>
#map1 = affine_map<(d0, d1) -> (0, 0, 0)>
module attributes {stable_mosaic.version = 14 : i64} {
  func.func @deg_kernel(%arg0: i32, %arg1: i32, %arg2: memref<320000xi32, #tpu.memory_space<hbm>>, %arg3: memref<320000xi32, #tpu.memory_space<hbm>>, %arg4: memref<2x10000x16xf32, #tpu.memory_space<hbm>>, %arg5: memref<2x10000x16xf32, #tpu.memory_space<hbm>>, %arg6: memref<200xi32, #tpu.memory_space<vmem>>, %arg7: memref<200xi32, #tpu.memory_space<vmem>>, %arg8: memref<200x16xf32, #tpu.memory_space<vmem>>, %arg9: memref<8x16xf32, #tpu.memory_space<vmem>>, %arg10: memref<10000x16xf32, #tpu.memory_space<vmem_shared>>, %arg11: memref<10000x16xf32, #tpu.memory_space<vmem_shared>>) attributes {dimension_semantics = [#tpu.dimension_semantics<core_parallel>, #tpu.dimension_semantics<subcore_parallel>], iteration_bounds = array<i64: 2, 16>, scalar_prefetch = 0 : i64, scratch_operands = 6 : i64, tpu.core_type = #tpu.core_type<sc_vector_subcore>, window_params = [{transform_indices = #map}, {transform_indices = #map}, {transform_indices = #map1}, {transform_indices = #map1}]} {
    %mul3A = arith.constant 16 : i32
    %mul3A_0 = arith.muli %arg0, %mul3A : i32
    %add3A = arith.addi %mul3A_0, %arg1 : i32
    %mul3A_1 = arith.constant 10000 : i32
    %mul3A_2 = arith.muli %add3A, %mul3A_1 : i32
    %scan3A = arith.constant 0 : i32
    %scan3A_3 = arith.constant 0 : i32
    %scan3A_4 = arith.constant 8 : i32
    %scan3A_5 = arith.addi %scan3A_3, %scan3A_4 : i32
    %scan3A_6 = arith.constant 1 : i32
    %scan3A_7 = scf.for %scan3A_46 = %scan3A_3 to %scan3A_5 step %scan3A_6 iter_args(%scan3A_47 = %scan3A) -> (i32)  : i32 {
      %broadcast_in_dim3A = arith.constant 0.000000e+00 : f32
      %broadcast_in_dim3A_48 = vector.broadcast %broadcast_in_dim3A : f32 to vector<16xf32>
      %swap3A = arith.index_cast %scan3A_46 : i32 to index
      %swap3A_49 = arith.constant 0 : index
      %swap3A_50 = tpu.vector_load %arg9[%swap3A, %swap3A_49] {strides = array<i32>} : memref<8x16xf32, #tpu.memory_space<vmem>>, vector<1x16xf32>,
      %swap3A_51 = vector.shape_cast %swap3A_50 : vector<1x16xf32> to vector<16xf32>
      %swap3A_52 = vector.shape_cast %broadcast_in_dim3A_48 : vector<16xf32> to vector<1x16xf32>
      tpu.vector_store %arg9[%swap3A, %swap3A_49], %swap3A_52 {strides = array<i32>} : memref<8x16xf32, #tpu.memory_space<vmem>>, vector<1x16xf32>,
      %scan3A_53 = arith.constant 0 : i32
      scf.yield %scan3A_53 : i32
    }
    %scan3A_8 = arith.constant 8 : i32
    %scan3A_9 = arith.constant 0 : i32
    %scan3A_10 = arith.constant 0 : i32
    %scan3A_11 = arith.constant 200 : i32
    %scan3A_12 = arith.addi %scan3A_10, %scan3A_11 : i32
    %scan3A_13 = arith.constant 1 : i32
    %scan3A_14 = scf.for %scan3A_46 = %scan3A_10 to %scan3A_12 step %scan3A_13 iter_args(%scan3A_47 = %scan3A_9) -> (i32)  : i32 {
      %broadcast_in_dim3A = arith.constant 1.000000e+00 : f32
      %broadcast_in_dim3A_48 = vector.broadcast %broadcast_in_dim3A : f32 to vector<16xf32>
      %swap3A = arith.index_cast %scan3A_46 : i32 to index
      %swap3A_49 = arith.constant 0 : index
      %swap3A_50 = tpu.vector_load %arg8[%swap3A, %swap3A_49] {strides = array<i32>} : memref<200x16xf32, #tpu.memory_space<vmem>>, vector<1x16xf32>,
      %swap3A_51 = vector.shape_cast %swap3A_50 : vector<1x16xf32> to vector<16xf32>
      %swap3A_52 = vector.shape_cast %broadcast_in_dim3A_48 : vector<16xf32> to vector<1x16xf32>
      tpu.vector_store %arg8[%swap3A, %swap3A_49], %swap3A_52 {strides = array<i32>} : memref<200x16xf32, #tpu.memory_space<vmem>>, vector<1x16xf32>,
      %scan3A_53 = arith.constant 0 : i32
      scf.yield %scan3A_53 : i32
    }
    %scan3A_15 = arith.constant 200 : i32
    %scan3A_16 = arith.constant 0 : i32
    %scan3A_17 = arith.constant 0 : i32
    %scan3A_18 = arith.constant 78 : i32
    %scan3A_19 = arith.addi %scan3A_17, %scan3A_18 : i32
    %scan3A_20 = arith.constant 1 : i32
    %scan3A_21 = scf.for %scan3A_46 = %scan3A_17 to %scan3A_19 step %scan3A_20 iter_args(%scan3A_47 = %scan3A_16) -> (i32)  : i32 {
      %mul3A_48 = arith.constant 624 : i32
      %mul3A_49 = arith.muli %arg1, %mul3A_48 : i32
      %mul3A_50 = arith.constant 8 : i32
      %mul3A_51 = arith.muli %scan3A_46, %mul3A_50 : i32
      %add3A_52 = arith.addi %mul3A_49, %mul3A_51 : i32
      "tpu.region"() ({
        %run_scoped3A = tpu.sem_alloc : memref<!tpu.dma_semaphore, #tpu.memory_space<semaphore_mem>>
        %dma_start3A = arith.constant 0 : i32
        %dma_start3A_59 = tpu.memref_slice %arg10[%add3A_52, %dma_start3A] : memref<10000x16xf32, #tpu.memory_space<vmem_shared>> -> memref<8x16xf32, #tpu.memory_space<vmem_shared>>
        %dma_start3A_60 = arith.constant 0 : i32
        %dma_start3A_61 = tpu.memref_slice %arg10[%add3A_52, %dma_start3A_60] : memref<10000x16xf32, #tpu.memory_space<vmem_shared>> -> memref<8x16xf32, #tpu.memory_space<vmem_shared>>
        tpu.enqueue_dma source(%arg9 : memref<8x16xf32, #tpu.memory_space<vmem>>) target(%dma_start3A_61 : memref<8x16xf32, #tpu.memory_space<vmem_shared>>) target_semaphore(%run_scoped3A : memref<!tpu.dma_semaphore, #tpu.memory_space<semaphore_mem>>)
        %dma_wait3A = arith.constant 0 : i32
        %dma_wait3A_62 = tpu.memref_slice %arg10[%add3A_52, %dma_wait3A] : memref<10000x16xf32, #tpu.memory_space<vmem_shared>> -> memref<8x16xf32, #tpu.memory_space<vmem_shared>>
        %dma_wait3A_63 = arith.constant 0 : i32
        %dma_wait3A_64 = tpu.memref_slice %arg10[%add3A_52, %dma_wait3A_63] : memref<10000x16xf32, #tpu.memory_space<vmem_shared>> -> memref<8x16xf32, #tpu.memory_space<vmem_shared>>
        tpu.wait_dma2 semaphore(%run_scoped3A : memref<!tpu.dma_semaphore, #tpu.memory_space<semaphore_mem>>) src(%arg9 : memref<8x16xf32, #tpu.memory_space<vmem>>) dst(%dma_wait3A_64 : memref<8x16xf32, #tpu.memory_space<vmem_shared>>)
        tpu.yield
      }) : () -> ()
      %mul3A_53 = arith.constant 624 : i32
      %mul3A_54 = arith.muli %arg1, %mul3A_53 : i32
      %mul3A_55 = arith.constant 8 : i32
      %mul3A_56 = arith.muli %scan3A_46, %mul3A_55 : i32
      %add3A_57 = arith.addi %mul3A_54, %mul3A_56 : i32
      "tpu.region"() ({
        %run_scoped3A = tpu.sem_alloc : memref<!tpu.dma_semaphore, #tpu.memory_space<semaphore_mem>>
        %dma_start3A = arith.constant 0 : i32
        %dma_start3A_59 = tpu.memref_slice %arg11[%add3A_57, %dma_start3A] : memref<10000x16xf32, #tpu.memory_space<vmem_shared>> -> memref<8x16xf32, #tpu.memory_space<vmem_shared>>
        %dma_start3A_60 = arith.constant 0 : i32
        %dma_start3A_61 = tpu.memref_slice %arg11[%add3A_57, %dma_start3A_60] : memref<10000x16xf32, #tpu.memory_space<vmem_shared>> -> memref<8x16xf32, #tpu.memory_space<vmem_shared>>
        tpu.enqueue_dma source(%arg9 : memref<8x16xf32, #tpu.memory_space<vmem>>) target(%dma_start3A_61 : memref<8x16xf32, #tpu.memory_space<vmem_shared>>) target_semaphore(%run_scoped3A : memref<!tpu.dma_semaphore, #tpu.memory_space<semaphore_mem>>)
        %dma_wait3A = arith.constant 0 : i32
        %dma_wait3A_62 = tpu.memref_slice %arg11[%add3A_57, %dma_wait3A] : memref<10000x16xf32, #tpu.memory_space<vmem_shared>> -> memref<8x16xf32, #tpu.memory_space<vmem_shared>>
        %dma_wait3A_63 = arith.constant 0 : i32
        %dma_wait3A_64 = tpu.memref_slice %arg11[%add3A_57, %dma_wait3A_63] : memref<10000x16xf32, #tpu.memory_space<vmem_shared>> -> memref<8x16xf32, #tpu.memory_space<vmem_shared>>
        tpu.wait_dma2 semaphore(%run_scoped3A : memref<!tpu.dma_semaphore, #tpu.memory_space<semaphore_mem>>) src(%arg9 : memref<8x16xf32, #tpu.memory_space<vmem>>) dst(%dma_wait3A_64 : memref<8x16xf32, #tpu.memory_space<vmem_shared>>)
        tpu.yield
      }) : () -> ()
      %scan3A_58 = arith.constant 0 : i32
      scf.yield %scan3A_58 : i32
    }
    %scan3A_22 = arith.constant 78 : i32
    %eq3A = arith.constant 15 : i32
    %eq3A_23 = arith.cmpi eq, %arg1, %eq3A : i32
    %convert_element_type3A = arith.extui %eq3A_23 : i1 to i32
    %cond3A = arith.constant 0 : i32
    %cond3A_24 = arith.cmpi ne, %convert_element_type3A, %cond3A : i32
    scf.if %cond3A_24 {
      %scan3A_46 = arith.constant 0 : i32
      %scan3A_47 = arith.constant 0 : i32
      %scan3A_48 = arith.constant 2 : i32
      %scan3A_49 = arith.addi %scan3A_47, %scan3A_48 : i32
      %scan3A_50 = arith.constant 1 : i32
      %scan3A_51 = scf.for %scan3A_53 = %scan3A_47 to %scan3A_49 step %scan3A_50 iter_args(%scan3A_54 = %scan3A_46) -> (i32)  : i32 {
        %mul3A_55 = arith.constant 8 : i32
        %mul3A_56 = arith.muli %scan3A_53, %mul3A_55 : i32
        %add3A_57 = arith.constant 9984 : i32
        %add3A_58 = arith.addi %add3A_57, %mul3A_56 : i32
        "tpu.region"() ({
          %run_scoped3A = tpu.sem_alloc : memref<!tpu.dma_semaphore, #tpu.memory_space<semaphore_mem>>
          %dma_start3A = arith.constant 0 : i32
          %dma_start3A_64 = tpu.memref_slice %arg10[%add3A_58, %dma_start3A] : memref<10000x16xf32, #tpu.memory_space<vmem_shared>> -> memref<8x16xf32, #tpu.memory_space<vmem_shared>>
          %dma_start3A_65 = arith.constant 0 : i32
          %dma_start3A_66 = tpu.memref_slice %arg10[%add3A_58, %dma_start3A_65] : memref<10000x16xf32, #tpu.memory_space<vmem_shared>> -> memref<8x16xf32, #tpu.memory_space<vmem_shared>>
          tpu.enqueue_dma source(%arg9 : memref<8x16xf32, #tpu.memory_space<vmem>>) target(%dma_start3A_66 : memref<8x16xf32, #tpu.memory_space<vmem_shared>>) target_semaphore(%run_scoped3A : memref<!tpu.dma_semaphore, #tpu.memory_space<semaphore_mem>>)
          %dma_wait3A = arith.constant 0 : i32
          %dma_wait3A_67 = tpu.memref_slice %arg10[%add3A_58, %dma_wait3A] : memref<10000x16xf32, #tpu.memory_space<vmem_shared>> -> memref<8x16xf32, #tpu.memory_space<vmem_shared>>
          %dma_wait3A_68 = arith.constant 0 : i32
          %dma_wait3A_69 = tpu.memref_slice %arg10[%add3A_58, %dma_wait3A_68] : memref<10000x16xf32, #tpu.memory_space<vmem_shared>> -> memref<8x16xf32, #tpu.memory_space<vmem_shared>>
          tpu.wait_dma2 semaphore(%run_scoped3A : memref<!tpu.dma_semaphore, #tpu.memory_space<semaphore_mem>>) src(%arg9 : memref<8x16xf32, #tpu.memory_space<vmem>>) dst(%dma_wait3A_69 : memref<8x16xf32, #tpu.memory_space<vmem_shared>>)
          tpu.yield
        }) : () -> ()
        %mul3A_59 = arith.constant 8 : i32
        %mul3A_60 = arith.muli %scan3A_53, %mul3A_59 : i32
        %add3A_61 = arith.constant 9984 : i32
        %add3A_62 = arith.addi %add3A_61, %mul3A_60 : i32
        "tpu.region"() ({
          %run_scoped3A = tpu.sem_alloc : memref<!tpu.dma_semaphore, #tpu.memory_space<semaphore_mem>>
          %dma_start3A = arith.constant 0 : i32
          %dma_start3A_64 = tpu.memref_slice %arg11[%add3A_62, %dma_start3A] : memref<10000x16xf32, #tpu.memory_space<vmem_shared>> -> memref<8x16xf32, #tpu.memory_space<vmem_shared>>
          %dma_start3A_65 = arith.constant 0 : i32
          %dma_start3A_66 = tpu.memref_slice %arg11[%add3A_62, %dma_start3A_65] : memref<10000x16xf32, #tpu.memory_space<vmem_shared>> -> memref<8x16xf32, #tpu.memory_space<vmem_shared>>
          tpu.enqueue_dma source(%arg9 : memref<8x16xf32, #tpu.memory_space<vmem>>) target(%dma_start3A_66 : memref<8x16xf32, #tpu.memory_space<vmem_shared>>) target_semaphore(%run_scoped3A : memref<!tpu.dma_semaphore, #tpu.memory_space<semaphore_mem>>)
          %dma_wait3A = arith.constant 0 : i32
          %dma_wait3A_67 = tpu.memref_slice %arg11[%add3A_62, %dma_wait3A] : memref<10000x16xf32, #tpu.memory_space<vmem_shared>> -> memref<8x16xf32, #tpu.memory_space<vmem_shared>>
          %dma_wait3A_68 = arith.constant 0 : i32
          %dma_wait3A_69 = tpu.memref_slice %arg11[%add3A_62, %dma_wait3A_68] : memref<10000x16xf32, #tpu.memory_space<vmem_shared>> -> memref<8x16xf32, #tpu.memory_space<vmem_shared>>
          tpu.wait_dma2 semaphore(%run_scoped3A : memref<!tpu.dma_semaphore, #tpu.memory_space<semaphore_mem>>) src(%arg9 : memref<8x16xf32, #tpu.memory_space<vmem>>) dst(%dma_wait3A_69 : memref<8x16xf32, #tpu.memory_space<vmem_shared>>)
          tpu.yield
        }) : () -> ()
        %scan3A_63 = arith.constant 0 : i32
        scf.yield %scan3A_63 : i32
      }
      %scan3A_52 = arith.constant 2 : i32
    } else {
    }
    %barrier3A = arith.constant 0 : index
    tpu.barrier barrier_id(%barrier3A)
    %scan3A_25 = arith.constant 0 : i32
    %scan3A_26 = arith.constant 0 : i32
    %scan3A_27 = arith.constant 50 : i32
    %scan3A_28 = arith.addi %scan3A_26, %scan3A_27 : i32
    %scan3A_29 = arith.constant 1 : i32
    %scan3A_30 = scf.for %scan3A_46 = %scan3A_26 to %scan3A_28 step %scan3A_29 iter_args(%scan3A_47 = %scan3A_25) -> (i32)  : i32 {
      %mul3A_48 = arith.constant 200 : i32
      %mul3A_49 = arith.muli %scan3A_46, %mul3A_48 : i32
      %add3A_50 = arith.addi %mul3A_2, %mul3A_49 : i32
      "tpu.region"() ({
        %run_scoped3A = tpu.sem_alloc : memref<!tpu.dma_semaphore, #tpu.memory_space<semaphore_mem>>
        %dma_start3A = tpu.memref_slice %arg2[%add3A_50] : memref<320000xi32, #tpu.memory_space<hbm>> -> memref<200xi32, #tpu.memory_space<hbm>>
        %dma_start3A_55 = tpu.memref_slice %arg2[%add3A_50] : memref<320000xi32, #tpu.memory_space<hbm>> -> memref<200xi32, #tpu.memory_space<hbm>>
        tpu.enqueue_dma source(%dma_start3A_55 : memref<200xi32, #tpu.memory_space<hbm>>) target(%arg6 : memref<200xi32, #tpu.memory_space<vmem>>) target_semaphore(%run_scoped3A : memref<!tpu.dma_semaphore, #tpu.memory_space<semaphore_mem>>)
        %dma_wait3A = tpu.memref_slice %arg2[%add3A_50] : memref<320000xi32, #tpu.memory_space<hbm>> -> memref<200xi32, #tpu.memory_space<hbm>>
        %dma_wait3A_56 = tpu.memref_slice %arg2[%add3A_50] : memref<320000xi32, #tpu.memory_space<hbm>> -> memref<200xi32, #tpu.memory_space<hbm>>
        tpu.wait_dma2 semaphore(%run_scoped3A : memref<!tpu.dma_semaphore, #tpu.memory_space<semaphore_mem>>) src(%dma_wait3A_56 : memref<200xi32, #tpu.memory_space<hbm>>) dst(%arg6 : memref<200xi32, #tpu.memory_space<vmem>>)
        tpu.yield
      }) : () -> ()
      %mul3A_51 = arith.constant 200 : i32
      %mul3A_52 = arith.muli %scan3A_46, %mul3A_51 : i32
      %add3A_53 = arith.addi %mul3A_2, %mul3A_52 : i32
      "tpu.region"() ({
        %run_scoped3A = tpu.sem_alloc : memref<!tpu.dma_semaphore, #tpu.memory_space<semaphore_mem>>
        %dma_start3A = tpu.memref_slice %arg3[%add3A_53] : memref<320000xi32, #tpu.memory_space<hbm>> -> memref<200xi32, #tpu.memory_space<hbm>>
        %dma_start3A_55 = tpu.memref_slice %arg3[%add3A_53] : memref<320000xi32, #tpu.memory_space<hbm>> -> memref<200xi32, #tpu.memory_space<hbm>>
        tpu.enqueue_dma source(%dma_start3A_55 : memref<200xi32, #tpu.memory_space<hbm>>) target(%arg7 : memref<200xi32, #tpu.memory_space<vmem>>) target_semaphore(%run_scoped3A : memref<!tpu.dma_semaphore, #tpu.memory_space<semaphore_mem>>)
        %dma_wait3A = tpu.memref_slice %arg3[%add3A_53] : memref<320000xi32, #tpu.memory_space<hbm>> -> memref<200xi32, #tpu.memory_space<hbm>>
        %dma_wait3A_56 = tpu.memref_slice %arg3[%add3A_53] : memref<320000xi32, #tpu.memory_space<hbm>> -> memref<200xi32, #tpu.memory_space<hbm>>
        tpu.wait_dma2 semaphore(%run_scoped3A : memref<!tpu.dma_semaphore, #tpu.memory_space<semaphore_mem>>) src(%dma_wait3A_56 : memref<200xi32, #tpu.memory_space<hbm>>) dst(%arg7 : memref<200xi32, #tpu.memory_space<vmem>>)
        tpu.yield
      }) : () -> ()
      "tpu.region"() ({
        %run_scoped3A = tpu.sem_alloc : memref<!tpu.dma_semaphore, #tpu.memory_space<semaphore_mem>>
        %dma_start3A = arith.constant 0 : i32
        %dma_start3A_55 = arith.constant 0 : i32
        %dma_start3A_56 = tpu.memref_slice %arg10[%dma_start3A, %dma_start3A_55] : memref<10000x16xf32, #tpu.memory_space<vmem_shared>> -> memref<10000x16xf32, #tpu.memory_space<vmem_shared>>
        tpu.enqueue_indirect_dma source(%arg8 : memref<200x16xf32, #tpu.memory_space<vmem>>) target(%dma_start3A_56 : memref<10000x16xf32, #tpu.memory_space<vmem_shared>>) offsets(%arg6 : memref<200xi32, #tpu.memory_space<vmem>>) semaphore(%run_scoped3A : memref<!tpu.dma_semaphore, #tpu.memory_space<semaphore_mem>>) {add = true}
        %dma_wait3A = arith.constant 0 : i32
        %dma_wait3A_57 = arith.constant 0 : i32
        %dma_wait3A_58 = tpu.memref_slice %arg10[%dma_wait3A, %dma_wait3A_57] : memref<10000x16xf32, #tpu.memory_space<vmem_shared>> -> memref<10000x16xf32, #tpu.memory_space<vmem_shared>>
        tpu.wait_indirect_dma semaphore(%run_scoped3A : memref<!tpu.dma_semaphore, #tpu.memory_space<semaphore_mem>>) src(%arg8 : memref<200x16xf32, #tpu.memory_space<vmem>>) dst(%dma_wait3A_58 : memref<10000x16xf32, #tpu.memory_space<vmem_shared>>)
        tpu.yield
      }) : () -> ()
      "tpu.region"() ({
        %run_scoped3A = tpu.sem_alloc : memref<!tpu.dma_semaphore, #tpu.memory_space<semaphore_mem>>
        %dma_start3A = arith.constant 0 : i32
        %dma_start3A_55 = arith.constant 0 : i32
        %dma_start3A_56 = tpu.memref_slice %arg11[%dma_start3A, %dma_start3A_55] : memref<10000x16xf32, #tpu.memory_space<vmem_shared>> -> memref<10000x16xf32, #tpu.memory_space<vmem_shared>>
        tpu.enqueue_indirect_dma source(%arg8 : memref<200x16xf32, #tpu.memory_space<vmem>>) target(%dma_start3A_56 : memref<10000x16xf32, #tpu.memory_space<vmem_shared>>) offsets(%arg7 : memref<200xi32, #tpu.memory_space<vmem>>) semaphore(%run_scoped3A : memref<!tpu.dma_semaphore, #tpu.memory_space<semaphore_mem>>) {add = true}
        %dma_wait3A = arith.constant 0 : i32
        %dma_wait3A_57 = arith.constant 0 : i32
        %dma_wait3A_58 = tpu.memref_slice %arg11[%dma_wait3A, %dma_wait3A_57] : memref<10000x16xf32, #tpu.memory_space<vmem_shared>> -> memref<10000x16xf32, #tpu.memory_space<vmem_shared>>
        tpu.wait_indirect_dma semaphore(%run_scoped3A : memref<!tpu.dma_semaphore, #tpu.memory_space<semaphore_mem>>) src(%arg8 : memref<200x16xf32, #tpu.memory_space<vmem>>) dst(%dma_wait3A_58 : memref<10000x16xf32, #tpu.memory_space<vmem_shared>>)
        tpu.yield
      }) : () -> ()
      %scan3A_54 = arith.constant 0 : i32
      scf.yield %scan3A_54 : i32
    }
    %scan3A_31 = arith.constant 50 : i32
    %barrier3A_32 = arith.constant 0 : index
    tpu.barrier barrier_id(%barrier3A_32)
    %mul3A_33 = arith.constant 624 : i32
    %mul3A_34 = arith.muli %arg1, %mul3A_33 : i32
    %mul3A_35 = arith.constant 624 : i32
    %mul3A_36 = arith.muli %arg1, %mul3A_35 : i32
    "tpu.region"() ({
      %run_scoped3A = tpu.sem_alloc : memref<!tpu.dma_semaphore, #tpu.memory_space<semaphore_mem>>
      %dma_start3A = arith.constant 0 : i32
      %dma_start3A_46 = tpu.memref_slice %arg4[%arg0, %mul3A_36, %dma_start3A] : memref<2x10000x16xf32, #tpu.memory_space<hbm>> -> memref<1x624x16xf32, #tpu.memory_space<hbm>>
      %dma_start3A_47 = tpu.memref_squeeze %dma_start3A_46 : memref<1x624x16xf32, #tpu.memory_space<hbm>> -> memref<624x16xf32, #tpu.memory_space<hbm>>
      %dma_start3A_48 = arith.constant 0 : i32
      %dma_start3A_49 = tpu.memref_slice %arg10[%mul3A_34, %dma_start3A_48] : memref<10000x16xf32, #tpu.memory_space<vmem_shared>> -> memref<624x16xf32, #tpu.memory_space<vmem_shared>>
      tpu.enqueue_dma source(%dma_start3A_49 : memref<624x16xf32, #tpu.memory_space<vmem_shared>>) target(%dma_start3A_47 : memref<624x16xf32, #tpu.memory_space<hbm>>) target_semaphore(%run_scoped3A : memref<!tpu.dma_semaphore, #tpu.memory_space<semaphore_mem>>)
      %dma_wait3A = arith.constant 0 : i32
      %dma_wait3A_50 = tpu.memref_slice %arg4[%arg0, %mul3A_36, %dma_wait3A] : memref<2x10000x16xf32, #tpu.memory_space<hbm>> -> memref<1x624x16xf32, #tpu.memory_space<hbm>>
      %dma_wait3A_51 = tpu.memref_squeeze %dma_wait3A_50 : memref<1x624x16xf32, #tpu.memory_space<hbm>> -> memref<624x16xf32, #tpu.memory_space<hbm>>
      %dma_wait3A_52 = arith.constant 0 : i32
      %dma_wait3A_53 = tpu.memref_slice %arg10[%mul3A_34, %dma_wait3A_52] : memref<10000x16xf32, #tpu.memory_space<vmem_shared>> -> memref<624x16xf32, #tpu.memory_space<vmem_shared>>
      tpu.wait_dma2 semaphore(%run_scoped3A : memref<!tpu.dma_semaphore, #tpu.memory_space<semaphore_mem>>) src(%dma_wait3A_53 : memref<624x16xf32, #tpu.memory_space<vmem_shared>>) dst(%dma_wait3A_51 : memref<624x16xf32, #tpu.memory_space<hbm>>)
      tpu.yield
    }) : () -> ()
    %mul3A_37 = arith.constant 624 : i32
    %mul3A_38 = arith.muli %arg1, %mul3A_37 : i32
    %mul3A_39 = arith.constant 624 : i32
    %mul3A_40 = arith.muli %arg1, %mul3A_39 : i32
    "tpu.region"() ({
      %run_scoped3A = tpu.sem_alloc : memref<!tpu.dma_semaphore, #tpu.memory_space<semaphore_mem>>
      %dma_start3A = arith.constant 0 : i32
      %dma_start3A_46 = tpu.memref_slice %arg5[%arg0, %mul3A_40, %dma_start3A] : memref<2x10000x16xf32, #tpu.memory_space<hbm>> -> memref<1x624x16xf32, #tpu.memory_space<hbm>>
      %dma_start3A_47 = tpu.memref_squeeze %dma_start3A_46 : memref<1x624x16xf32, #tpu.memory_space<hbm>> -> memref<624x16xf32, #tpu.memory_space<hbm>>
      %dma_start3A_48 = arith.constant 0 : i32
      %dma_start3A_49 = tpu.memref_slice %arg11[%mul3A_38, %dma_start3A_48] : memref<10000x16xf32, #tpu.memory_space<vmem_shared>> -> memref<624x16xf32, #tpu.memory_space<vmem_shared>>
      tpu.enqueue_dma source(%dma_start3A_49 : memref<624x16xf32, #tpu.memory_space<vmem_shared>>) target(%dma_start3A_47 : memref<624x16xf32, #tpu.memory_space<hbm>>) target_semaphore(%run_scoped3A : memref<!tpu.dma_semaphore, #tpu.memory_space<semaphore_mem>>)
      %dma_wait3A = arith.constant 0 : i32
      %dma_wait3A_50 = tpu.memref_slice %arg5[%arg0, %mul3A_40, %dma_wait3A] : memref<2x10000x16xf32, #tpu.memory_space<hbm>> -> memref<1x624x16xf32, #tpu.memory_space<hbm>>
      %dma_wait3A_51 = tpu.memref_squeeze %dma_wait3A_50 : memref<1x624x16xf32, #tpu.memory_space<hbm>> -> memref<624x16xf32, #tpu.memory_space<hbm>>
      %dma_wait3A_52 = arith.constant 0 : i32
      %dma_wait3A_53 = tpu.memref_slice %arg11[%mul3A_38, %dma_wait3A_52] : memref<10000x16xf32, #tpu.memory_space<vmem_shared>> -> memref<624x16xf32, #tpu.memory_space<vmem_shared>>
      tpu.wait_dma2 semaphore(%run_scoped3A : memref<!tpu.dma_semaphore, #tpu.memory_space<semaphore_mem>>) src(%dma_wait3A_53 : memref<624x16xf32, #tpu.memory_space<vmem_shared>>) dst(%dma_wait3A_51 : memref<624x16xf32, #tpu.memory_space<hbm>>)
      tpu.yield
    }) : () -> ()
    %eq3A_41 = arith.constant 15 : i32
    %eq3A_42 = arith.cmpi eq, %arg1, %eq3A_41 : i32
    %convert_element_type3A_43 = arith.extui %eq3A_42 : i1 to i32
    %cond3A_44 = arith.constant 0 : i32
    %cond3A_45 = arith.cmpi ne, %convert_element_type3A_43, %cond3A_44 : i32
    scf.if %cond3A_45 {
      "tpu.region"() ({
        %run_scoped3A = tpu.sem_alloc : memref<!tpu.dma_semaphore, #tpu.memory_space<semaphore_mem>>
        %dma_start3A = arith.constant 9984 : i32
        %dma_start3A_46 = arith.constant 0 : i32
        %dma_start3A_47 = tpu.memref_slice %arg4[%arg0, %dma_start3A, %dma_start3A_46] : memref<2x10000x16xf32, #tpu.memory_space<hbm>> -> memref<1x16x16xf32, #tpu.memory_space<hbm>>
        %dma_start3A_48 = tpu.memref_squeeze %dma_start3A_47 : memref<1x16x16xf32, #tpu.memory_space<hbm>> -> memref<16x16xf32, #tpu.memory_space<hbm>>
        %dma_start3A_49 = arith.constant 9984 : i32
        %dma_start3A_50 = arith.constant 0 : i32
        %dma_start3A_51 = tpu.memref_slice %arg10[%dma_start3A_49, %dma_start3A_50] : memref<10000x16xf32, #tpu.memory_space<vmem_shared>> -> memref<16x16xf32, #tpu.memory_space<vmem_shared>>
        tpu.enqueue_dma source(%dma_start3A_51 : memref<16x16xf32, #tpu.memory_space<vmem_shared>>) target(%dma_start3A_48 : memref<16x16xf32, #tpu.memory_space<hbm>>) target_semaphore(%run_scoped3A : memref<!tpu.dma_semaphore, #tpu.memory_space<semaphore_mem>>)
        %dma_wait3A = arith.constant 9984 : i32
        %dma_wait3A_52 = arith.constant 0 : i32
        %dma_wait3A_53 = tpu.memref_slice %arg4[%arg0, %dma_wait3A, %dma_wait3A_52] : memref<2x10000x16xf32, #tpu.memory_space<hbm>> -> memref<1x16x16xf32, #tpu.memory_space<hbm>>
        %dma_wait3A_54 = tpu.memref_squeeze %dma_wait3A_53 : memref<1x16x16xf32, #tpu.memory_space<hbm>> -> memref<16x16xf32, #tpu.memory_space<hbm>>
        %dma_wait3A_55 = arith.constant 9984 : i32
        %dma_wait3A_56 = arith.constant 0 : i32
        %dma_wait3A_57 = tpu.memref_slice %arg10[%dma_wait3A_55, %dma_wait3A_56] : memref<10000x16xf32, #tpu.memory_space<vmem_shared>> -> memref<16x16xf32, #tpu.memory_space<vmem_shared>>
        tpu.wait_dma2 semaphore(%run_scoped3A : memref<!tpu.dma_semaphore, #tpu.memory_space<semaphore_mem>>) src(%dma_wait3A_57 : memref<16x16xf32, #tpu.memory_space<vmem_shared>>) dst(%dma_wait3A_54 : memref<16x16xf32, #tpu.memory_space<hbm>>)
        tpu.yield
      }) : () -> ()
      "tpu.region"() ({
        %run_scoped3A = tpu.sem_alloc : memref<!tpu.dma_semaphore, #tpu.memory_space<semaphore_mem>>
        %dma_start3A = arith.constant 9984 : i32
        %dma_start3A_46 = arith.constant 0 : i32
        %dma_start3A_47 = tpu.memref_slice %arg5[%arg0, %dma_start3A, %dma_start3A_46] : memref<2x10000x16xf32, #tpu.memory_space<hbm>> -> memref<1x16x16xf32, #tpu.memory_space<hbm>>
        %dma_start3A_48 = tpu.memref_squeeze %dma_start3A_47 : memref<1x16x16xf32, #tpu.memory_space<hbm>> -> memref<16x16xf32, #tpu.memory_space<hbm>>
        %dma_start3A_49 = arith.constant 9984 : i32
        %dma_start3A_50 = arith.constant 0 : i32
        %dma_start3A_51 = tpu.memref_slice %arg11[%dma_start3A_49, %dma_start3A_50] : memref<10000x16xf32, #tpu.memory_space<vmem_shared>> -> memref<16x16xf32, #tpu.memory_space<vmem_shared>>
        tpu.enqueue_dma source(%dma_start3A_51 : memref<16x16xf32, #tpu.memory_space<vmem_shared>>) target(%dma_start3A_48 : memref<16x16xf32, #tpu.memory_space<hbm>>) target_semaphore(%run_scoped3A : memref<!tpu.dma_semaphore, #tpu.memory_space<semaphore_mem>>)
        %dma_wait3A = arith.constant 9984 : i32
        %dma_wait3A_52 = arith.constant 0 : i32
        %dma_wait3A_53 = tpu.memref_slice %arg5[%arg0, %dma_wait3A, %dma_wait3A_52] : memref<2x10000x16xf32, #tpu.memory_space<hbm>> -> memref<1x16x16xf32, #tpu.memory_space<hbm>>
        %dma_wait3A_54 = tpu.memref_squeeze %dma_wait3A_53 : memref<1x16x16xf32, #tpu.memory_space<hbm>> -> memref<16x16xf32, #tpu.memory_space<hbm>>
        %dma_wait3A_55 = arith.constant 9984 : i32
        %dma_wait3A_56 = arith.constant 0 : i32
        %dma_wait3A_57 = tpu.memref_slice %arg11[%dma_wait3A_55, %dma_wait3A_56] : memref<10000x16xf32, #tpu.memory_space<vmem_shared>> -> memref<16x16xf32, #tpu.memory_space<vmem_shared>>
        tpu.wait_dma2 semaphore(%run_scoped3A : memref<!tpu.dma_semaphore, #tpu.memory_space<semaphore_mem>>) src(%dma_wait3A_57 : memref<16x16xf32, #tpu.memory_space<vmem_shared>>) dst(%dma_wait3A_54 : memref<16x16xf32, #tpu.memory_space<hbm>>)
        tpu.yield
      }) : () -> ()
    } else {
    }
    return
  }
}

#map = affine_map<(d0, d1) -> (0, 0)>
#map1 = affine_map<(d0, d1) -> (0)>
#map2 = affine_map<(d0, d1) -> (0, 0, 0)>
module attributes {stable_mosaic.version = 14 : i64} {
  func.func @scatter_kernel(%arg0: i32, %arg1: i32, %arg2: memref<320000x64xf32, #tpu.memory_space<hbm>>, %arg3: memref<320000xi32, #tpu.memory_space<hbm>>, %arg4: memref<2x10000x64xf32, #tpu.memory_space<hbm>>, %arg5: memref<400xi32, #tpu.memory_space<vmem>>, %arg6: memref<400x64xf32, #tpu.memory_space<vmem>>, %arg7: memref<8x64xf32, #tpu.memory_space<vmem>>, %arg8: memref<10000x64xf32, #tpu.memory_space<vmem_shared>>) attributes {dimension_semantics = [#tpu.dimension_semantics<core_parallel>, #tpu.dimension_semantics<subcore_parallel>], iteration_bounds = array<i64: 2, 16>, scalar_prefetch = 0 : i64, scratch_operands = 4 : i64, tpu.core_type = #tpu.core_type<sc_vector_subcore>, window_params = [{transform_indices = #map}, {transform_indices = #map1}, {transform_indices = #map2}]} {
    %mul3A = arith.constant 16 : i32
    %mul3A_0 = arith.muli %arg0, %mul3A : i32
    %add3A = arith.addi %mul3A_0, %arg1 : i32
    %mul3A_1 = arith.constant 10000 : i32
    %mul3A_2 = arith.muli %add3A, %mul3A_1 : i32
    %scan3A = arith.constant 0 : i32
    %scan3A_3 = arith.constant 0 : i32
    %scan3A_4 = arith.constant 8 : i32
    %scan3A_5 = arith.addi %scan3A_3, %scan3A_4 : i32
    %scan3A_6 = arith.constant 1 : i32
    %scan3A_7 = scf.for %scan3A_35 = %scan3A_3 to %scan3A_5 step %scan3A_6 iter_args(%scan3A_36 = %scan3A) -> (i32)  : i32 {
      %broadcast_in_dim3A = arith.constant 0.000000e+00 : f32
      %broadcast_in_dim3A_37 = vector.broadcast %broadcast_in_dim3A : f32 to vector<16xf32>
      %swap3A = arith.index_cast %scan3A_35 : i32 to index
      %swap3A_38 = arith.constant 0 : index
      %swap3A_39 = tpu.vector_load %arg7[%swap3A, %swap3A_38] {strides = array<i32>} : memref<8x64xf32, #tpu.memory_space<vmem>>, vector<1x16xf32>,
      %swap3A_40 = vector.shape_cast %swap3A_39 : vector<1x16xf32> to vector<16xf32>
      %swap3A_41 = vector.shape_cast %broadcast_in_dim3A_37 : vector<16xf32> to vector<1x16xf32>
      tpu.vector_store %arg7[%swap3A, %swap3A_38], %swap3A_41 {strides = array<i32>} : memref<8x64xf32, #tpu.memory_space<vmem>>, vector<1x16xf32>,
      %broadcast_in_dim3A_42 = arith.constant 0.000000e+00 : f32
      %broadcast_in_dim3A_43 = vector.broadcast %broadcast_in_dim3A_42 : f32 to vector<16xf32>
      %swap3A_44 = arith.index_cast %scan3A_35 : i32 to index
      %swap3A_45 = arith.constant 16 : index
      %swap3A_46 = tpu.vector_load %arg7[%swap3A_44, %swap3A_45] {strides = array<i32>} : memref<8x64xf32, #tpu.memory_space<vmem>>, vector<1x16xf32>,
      %swap3A_47 = vector.shape_cast %swap3A_46 : vector<1x16xf32> to vector<16xf32>
      %swap3A_48 = vector.shape_cast %broadcast_in_dim3A_43 : vector<16xf32> to vector<1x16xf32>
      tpu.vector_store %arg7[%swap3A_44, %swap3A_45], %swap3A_48 {strides = array<i32>} : memref<8x64xf32, #tpu.memory_space<vmem>>, vector<1x16xf32>,
      %broadcast_in_dim3A_49 = arith.constant 0.000000e+00 : f32
      %broadcast_in_dim3A_50 = vector.broadcast %broadcast_in_dim3A_49 : f32 to vector<16xf32>
      %swap3A_51 = arith.index_cast %scan3A_35 : i32 to index
      %swap3A_52 = arith.constant 32 : index
      %swap3A_53 = tpu.vector_load %arg7[%swap3A_51, %swap3A_52] {strides = array<i32>} : memref<8x64xf32, #tpu.memory_space<vmem>>, vector<1x16xf32>,
      %swap3A_54 = vector.shape_cast %swap3A_53 : vector<1x16xf32> to vector<16xf32>
      %swap3A_55 = vector.shape_cast %broadcast_in_dim3A_50 : vector<16xf32> to vector<1x16xf32>
      tpu.vector_store %arg7[%swap3A_51, %swap3A_52], %swap3A_55 {strides = array<i32>} : memref<8x64xf32, #tpu.memory_space<vmem>>, vector<1x16xf32>,
      %broadcast_in_dim3A_56 = arith.constant 0.000000e+00 : f32
      %broadcast_in_dim3A_57 = vector.broadcast %broadcast_in_dim3A_56 : f32 to vector<16xf32>
      %swap3A_58 = arith.index_cast %scan3A_35 : i32 to index
      %swap3A_59 = arith.constant 48 : index
      %swap3A_60 = tpu.vector_load %arg7[%swap3A_58, %swap3A_59] {strides = array<i32>} : memref<8x64xf32, #tpu.memory_space<vmem>>, vector<1x16xf32>,
      %swap3A_61 = vector.shape_cast %swap3A_60 : vector<1x16xf32> to vector<16xf32>
      %swap3A_62 = vector.shape_cast %broadcast_in_dim3A_57 : vector<16xf32> to vector<1x16xf32>
      tpu.vector_store %arg7[%swap3A_58, %swap3A_59], %swap3A_62 {strides = array<i32>} : memref<8x64xf32, #tpu.memory_space<vmem>>, vector<1x16xf32>,
      %scan3A_63 = arith.constant 0 : i32
      scf.yield %scan3A_63 : i32
    }
    %scan3A_8 = arith.constant 8 : i32
    %scan3A_9 = arith.constant 0 : i32
    %scan3A_10 = arith.constant 0 : i32
    %scan3A_11 = arith.constant 78 : i32
    %scan3A_12 = arith.addi %scan3A_10, %scan3A_11 : i32
    %scan3A_13 = arith.constant 1 : i32
    %scan3A_14 = scf.for %scan3A_35 = %scan3A_10 to %scan3A_12 step %scan3A_13 iter_args(%scan3A_36 = %scan3A_9) -> (i32)  : i32 {
      %mul3A_37 = arith.constant 624 : i32
      %mul3A_38 = arith.muli %arg1, %mul3A_37 : i32
      %mul3A_39 = arith.constant 8 : i32
      %mul3A_40 = arith.muli %scan3A_35, %mul3A_39 : i32
      %add3A_41 = arith.addi %mul3A_38, %mul3A_40 : i32
      "tpu.region"() ({
        %run_scoped3A = tpu.sem_alloc : memref<!tpu.dma_semaphore, #tpu.memory_space<semaphore_mem>>
        %dma_start3A = arith.constant 0 : i32
        %dma_start3A_43 = tpu.memref_slice %arg8[%add3A_41, %dma_start3A] : memref<10000x64xf32, #tpu.memory_space<vmem_shared>> -> memref<8x64xf32, #tpu.memory_space<vmem_shared>>
        %dma_start3A_44 = arith.constant 0 : i32
        %dma_start3A_45 = tpu.memref_slice %arg8[%add3A_41, %dma_start3A_44] : memref<10000x64xf32, #tpu.memory_space<vmem_shared>> -> memref<8x64xf32, #tpu.memory_space<vmem_shared>>
        tpu.enqueue_dma source(%arg7 : memref<8x64xf32, #tpu.memory_space<vmem>>) target(%dma_start3A_45 : memref<8x64xf32, #tpu.memory_space<vmem_shared>>) target_semaphore(%run_scoped3A : memref<!tpu.dma_semaphore, #tpu.memory_space<semaphore_mem>>)
        %dma_wait3A = arith.constant 0 : i32
        %dma_wait3A_46 = tpu.memref_slice %arg8[%add3A_41, %dma_wait3A] : memref<10000x64xf32, #tpu.memory_space<vmem_shared>> -> memref<8x64xf32, #tpu.memory_space<vmem_shared>>
        %dma_wait3A_47 = arith.constant 0 : i32
        %dma_wait3A_48 = tpu.memref_slice %arg8[%add3A_41, %dma_wait3A_47] : memref<10000x64xf32, #tpu.memory_space<vmem_shared>> -> memref<8x64xf32, #tpu.memory_space<vmem_shared>>
        tpu.wait_dma2 semaphore(%run_scoped3A : memref<!tpu.dma_semaphore, #tpu.memory_space<semaphore_mem>>) src(%arg7 : memref<8x64xf32, #tpu.memory_space<vmem>>) dst(%dma_wait3A_48 : memref<8x64xf32, #tpu.memory_space<vmem_shared>>)
        tpu.yield
      }) : () -> ()
      %scan3A_42 = arith.constant 0 : i32
      scf.yield %scan3A_42 : i32
    }
    %scan3A_15 = arith.constant 78 : i32
    %eq3A = arith.constant 15 : i32
    %eq3A_16 = arith.cmpi eq, %arg1, %eq3A : i32
    %convert_element_type3A = arith.extui %eq3A_16 : i1 to i32
    %cond3A = arith.constant 0 : i32
    %cond3A_17 = arith.cmpi ne, %convert_element_type3A, %cond3A : i32
    scf.if %cond3A_17 {
      %scan3A_35 = arith.constant 0 : i32
      %scan3A_36 = arith.constant 0 : i32
      %scan3A_37 = arith.constant 2 : i32
      %scan3A_38 = arith.addi %scan3A_36, %scan3A_37 : i32
      %scan3A_39 = arith.constant 1 : i32
      %scan3A_40 = scf.for %scan3A_42 = %scan3A_36 to %scan3A_38 step %scan3A_39 iter_args(%scan3A_43 = %scan3A_35) -> (i32)  : i32 {
        %mul3A_44 = arith.constant 8 : i32
        %mul3A_45 = arith.muli %scan3A_42, %mul3A_44 : i32
        %add3A_46 = arith.constant 9984 : i32
        %add3A_47 = arith.addi %add3A_46, %mul3A_45 : i32
        "tpu.region"() ({
          %run_scoped3A = tpu.sem_alloc : memref<!tpu.dma_semaphore, #tpu.memory_space<semaphore_mem>>
          %dma_start3A = arith.constant 0 : i32
          %dma_start3A_49 = tpu.memref_slice %arg8[%add3A_47, %dma_start3A] : memref<10000x64xf32, #tpu.memory_space<vmem_shared>> -> memref<8x64xf32, #tpu.memory_space<vmem_shared>>
          %dma_start3A_50 = arith.constant 0 : i32
          %dma_start3A_51 = tpu.memref_slice %arg8[%add3A_47, %dma_start3A_50] : memref<10000x64xf32, #tpu.memory_space<vmem_shared>> -> memref<8x64xf32, #tpu.memory_space<vmem_shared>>
          tpu.enqueue_dma source(%arg7 : memref<8x64xf32, #tpu.memory_space<vmem>>) target(%dma_start3A_51 : memref<8x64xf32, #tpu.memory_space<vmem_shared>>) target_semaphore(%run_scoped3A : memref<!tpu.dma_semaphore, #tpu.memory_space<semaphore_mem>>)
          %dma_wait3A = arith.constant 0 : i32
          %dma_wait3A_52 = tpu.memref_slice %arg8[%add3A_47, %dma_wait3A] : memref<10000x64xf32, #tpu.memory_space<vmem_shared>> -> memref<8x64xf32, #tpu.memory_space<vmem_shared>>
          %dma_wait3A_53 = arith.constant 0 : i32
          %dma_wait3A_54 = tpu.memref_slice %arg8[%add3A_47, %dma_wait3A_53] : memref<10000x64xf32, #tpu.memory_space<vmem_shared>> -> memref<8x64xf32, #tpu.memory_space<vmem_shared>>
          tpu.wait_dma2 semaphore(%run_scoped3A : memref<!tpu.dma_semaphore, #tpu.memory_space<semaphore_mem>>) src(%arg7 : memref<8x64xf32, #tpu.memory_space<vmem>>) dst(%dma_wait3A_54 : memref<8x64xf32, #tpu.memory_space<vmem_shared>>)
          tpu.yield
        }) : () -> ()
        %scan3A_48 = arith.constant 0 : i32
        scf.yield %scan3A_48 : i32
      }
      %scan3A_41 = arith.constant 2 : i32
    } else {
    }
    %barrier3A = arith.constant 0 : index
    tpu.barrier barrier_id(%barrier3A)
    %scan3A_18 = arith.constant 0 : i32
    %scan3A_19 = arith.constant 0 : i32
    %scan3A_20 = arith.constant 25 : i32
    %scan3A_21 = arith.addi %scan3A_19, %scan3A_20 : i32
    %scan3A_22 = arith.constant 1 : i32
    %scan3A_23 = scf.for %scan3A_35 = %scan3A_19 to %scan3A_21 step %scan3A_22 iter_args(%scan3A_36 = %scan3A_18) -> (i32)  : i32 {
      %mul3A_37 = arith.constant 400 : i32
      %mul3A_38 = arith.muli %scan3A_35, %mul3A_37 : i32
      %add3A_39 = arith.addi %mul3A_2, %mul3A_38 : i32
      "tpu.region"() ({
        %run_scoped3A = tpu.sem_alloc : memref<!tpu.dma_semaphore, #tpu.memory_space<semaphore_mem>>
        %dma_start3A = tpu.memref_slice %arg3[%add3A_39] : memref<320000xi32, #tpu.memory_space<hbm>> -> memref<400xi32, #tpu.memory_space<hbm>>
        %dma_start3A_41 = tpu.memref_slice %arg3[%add3A_39] : memref<320000xi32, #tpu.memory_space<hbm>> -> memref<400xi32, #tpu.memory_space<hbm>>
        tpu.enqueue_dma source(%dma_start3A_41 : memref<400xi32, #tpu.memory_space<hbm>>) target(%arg5 : memref<400xi32, #tpu.memory_space<vmem>>) target_semaphore(%run_scoped3A : memref<!tpu.dma_semaphore, #tpu.memory_space<semaphore_mem>>)
        %dma_wait3A = tpu.memref_slice %arg3[%add3A_39] : memref<320000xi32, #tpu.memory_space<hbm>> -> memref<400xi32, #tpu.memory_space<hbm>>
        %dma_wait3A_42 = tpu.memref_slice %arg3[%add3A_39] : memref<320000xi32, #tpu.memory_space<hbm>> -> memref<400xi32, #tpu.memory_space<hbm>>
        tpu.wait_dma2 semaphore(%run_scoped3A : memref<!tpu.dma_semaphore, #tpu.memory_space<semaphore_mem>>) src(%dma_wait3A_42 : memref<400xi32, #tpu.memory_space<hbm>>) dst(%arg5 : memref<400xi32, #tpu.memory_space<vmem>>)
        tpu.yield
      }) : () -> ()
      "tpu.region"() ({
        %run_scoped3A = tpu.sem_alloc : memref<!tpu.dma_semaphore, #tpu.memory_space<semaphore_mem>>
        %dma_start3A = arith.constant 0 : i32
        %dma_start3A_41 = tpu.memref_slice %arg2[%add3A_39, %dma_start3A] : memref<320000x64xf32, #tpu.memory_space<hbm>> -> memref<400x64xf32, #tpu.memory_space<hbm>>
        %dma_start3A_42 = arith.constant 0 : i32
        %dma_start3A_43 = tpu.memref_slice %arg2[%add3A_39, %dma_start3A_42] : memref<320000x64xf32, #tpu.memory_space<hbm>> -> memref<400x64xf32, #tpu.memory_space<hbm>>
        tpu.enqueue_dma source(%dma_start3A_43 : memref<400x64xf32, #tpu.memory_space<hbm>>) target(%arg6 : memref<400x64xf32, #tpu.memory_space<vmem>>) target_semaphore(%run_scoped3A : memref<!tpu.dma_semaphore, #tpu.memory_space<semaphore_mem>>)
        %dma_wait3A = arith.constant 0 : i32
        %dma_wait3A_44 = tpu.memref_slice %arg2[%add3A_39, %dma_wait3A] : memref<320000x64xf32, #tpu.memory_space<hbm>> -> memref<400x64xf32, #tpu.memory_space<hbm>>
        %dma_wait3A_45 = arith.constant 0 : i32
        %dma_wait3A_46 = tpu.memref_slice %arg2[%add3A_39, %dma_wait3A_45] : memref<320000x64xf32, #tpu.memory_space<hbm>> -> memref<400x64xf32, #tpu.memory_space<hbm>>
        tpu.wait_dma2 semaphore(%run_scoped3A : memref<!tpu.dma_semaphore, #tpu.memory_space<semaphore_mem>>) src(%dma_wait3A_46 : memref<400x64xf32, #tpu.memory_space<hbm>>) dst(%arg6 : memref<400x64xf32, #tpu.memory_space<vmem>>)
        tpu.yield
      }) : () -> ()
      "tpu.region"() ({
        %run_scoped3A = tpu.sem_alloc : memref<!tpu.dma_semaphore, #tpu.memory_space<semaphore_mem>>
        %dma_start3A = arith.constant 0 : i32
        %dma_start3A_41 = arith.constant 0 : i32
        %dma_start3A_42 = tpu.memref_slice %arg8[%dma_start3A, %dma_start3A_41] : memref<10000x64xf32, #tpu.memory_space<vmem_shared>> -> memref<10000x64xf32, #tpu.memory_space<vmem_shared>>
        tpu.enqueue_indirect_dma source(%arg6 : memref<400x64xf32, #tpu.memory_space<vmem>>) target(%dma_start3A_42 : memref<10000x64xf32, #tpu.memory_space<vmem_shared>>) offsets(%arg5 : memref<400xi32, #tpu.memory_space<vmem>>) semaphore(%run_scoped3A : memref<!tpu.dma_semaphore, #tpu.memory_space<semaphore_mem>>) {add = true}
        %dma_wait3A = arith.constant 0 : i32
        %dma_wait3A_43 = arith.constant 0 : i32
        %dma_wait3A_44 = tpu.memref_slice %arg8[%dma_wait3A, %dma_wait3A_43] : memref<10000x64xf32, #tpu.memory_space<vmem_shared>> -> memref<10000x64xf32, #tpu.memory_space<vmem_shared>>
        tpu.wait_indirect_dma semaphore(%run_scoped3A : memref<!tpu.dma_semaphore, #tpu.memory_space<semaphore_mem>>) src(%arg6 : memref<400x64xf32, #tpu.memory_space<vmem>>) dst(%dma_wait3A_44 : memref<10000x64xf32, #tpu.memory_space<vmem_shared>>)
        tpu.yield
      }) : () -> ()
      %scan3A_40 = arith.constant 0 : i32
      scf.yield %scan3A_40 : i32
    }
    %scan3A_24 = arith.constant 25 : i32
    %barrier3A_25 = arith.constant 0 : index
    tpu.barrier barrier_id(%barrier3A_25)
    %mul3A_26 = arith.constant 624 : i32
    %mul3A_27 = arith.muli %arg1, %mul3A_26 : i32
    %mul3A_28 = arith.constant 624 : i32
    %mul3A_29 = arith.muli %arg1, %mul3A_28 : i32
    "tpu.region"() ({
      %run_scoped3A = tpu.sem_alloc : memref<!tpu.dma_semaphore, #tpu.memory_space<semaphore_mem>>
      %dma_start3A = arith.constant 0 : i32
      %dma_start3A_35 = tpu.memref_slice %arg4[%arg0, %mul3A_29, %dma_start3A] : memref<2x10000x64xf32, #tpu.memory_space<hbm>> -> memref<1x624x64xf32, #tpu.memory_space<hbm>>
      %dma_start3A_36 = tpu.memref_squeeze %dma_start3A_35 : memref<1x624x64xf32, #tpu.memory_space<hbm>> -> memref<624x64xf32, #tpu.memory_space<hbm>>
      %dma_start3A_37 = arith.constant 0 : i32
      %dma_start3A_38 = tpu.memref_slice %arg8[%mul3A_27, %dma_start3A_37] : memref<10000x64xf32, #tpu.memory_space<vmem_shared>> -> memref<624x64xf32, #tpu.memory_space<vmem_shared>>
      tpu.enqueue_dma source(%dma_start3A_38 : memref<624x64xf32, #tpu.memory_space<vmem_shared>>) target(%dma_start3A_36 : memref<624x64xf32, #tpu.memory_space<hbm>>) target_semaphore(%run_scoped3A : memref<!tpu.dma_semaphore, #tpu.memory_space<semaphore_mem>>)
      %dma_wait3A = arith.constant 0 : i32
      %dma_wait3A_39 = tpu.memref_slice %arg4[%arg0, %mul3A_29, %dma_wait3A] : memref<2x10000x64xf32, #tpu.memory_space<hbm>> -> memref<1x624x64xf32, #tpu.memory_space<hbm>>
      %dma_wait3A_40 = tpu.memref_squeeze %dma_wait3A_39 : memref<1x624x64xf32, #tpu.memory_space<hbm>> -> memref<624x64xf32, #tpu.memory_space<hbm>>
      %dma_wait3A_41 = arith.constant 0 : i32
      %dma_wait3A_42 = tpu.memref_slice %arg8[%mul3A_27, %dma_wait3A_41] : memref<10000x64xf32, #tpu.memory_space<vmem_shared>> -> memref<624x64xf32, #tpu.memory_space<vmem_shared>>
      tpu.wait_dma2 semaphore(%run_scoped3A : memref<!tpu.dma_semaphore, #tpu.memory_space<semaphore_mem>>) src(%dma_wait3A_42 : memref<624x64xf32, #tpu.memory_space<vmem_shared>>) dst(%dma_wait3A_40 : memref<624x64xf32, #tpu.memory_space<hbm>>)
      tpu.yield
    }) : () -> ()
    %eq3A_30 = arith.constant 15 : i32
    %eq3A_31 = arith.cmpi eq, %arg1, %eq3A_30 : i32
    %convert_element_type3A_32 = arith.extui %eq3A_31 : i1 to i32
    %cond3A_33 = arith.constant 0 : i32
    %cond3A_34 = arith.cmpi ne, %convert_element_type3A_32, %cond3A_33 : i32
    scf.if %cond3A_34 {
      "tpu.region"() ({
        %run_scoped3A = tpu.sem_alloc : memref<!tpu.dma_semaphore, #tpu.memory_space<semaphore_mem>>
        %dma_start3A = arith.constant 9984 : i32
        %dma_start3A_35 = arith.constant 0 : i32
        %dma_start3A_36 = tpu.memref_slice %arg4[%arg0, %dma_start3A, %dma_start3A_35] : memref<2x10000x64xf32, #tpu.memory_space<hbm>> -> memref<1x16x64xf32, #tpu.memory_space<hbm>>
        %dma_start3A_37 = tpu.memref_squeeze %dma_start3A_36 : memref<1x16x64xf32, #tpu.memory_space<hbm>> -> memref<16x64xf32, #tpu.memory_space<hbm>>
        %dma_start3A_38 = arith.constant 9984 : i32
        %dma_start3A_39 = arith.constant 0 : i32
        %dma_start3A_40 = tpu.memref_slice %arg8[%dma_start3A_38, %dma_start3A_39] : memref<10000x64xf32, #tpu.memory_space<vmem_shared>> -> memref<16x64xf32, #tpu.memory_space<vmem_shared>>
        tpu.enqueue_dma source(%dma_start3A_40 : memref<16x64xf32, #tpu.memory_space<vmem_shared>>) target(%dma_start3A_37 : memref<16x64xf32, #tpu.memory_space<hbm>>) target_semaphore(%run_scoped3A : memref<!tpu.dma_semaphore, #tpu.memory_space<semaphore_mem>>)
        %dma_wait3A = arith.constant 9984 : i32
        %dma_wait3A_41 = arith.constant 0 : i32
        %dma_wait3A_42 = tpu.memref_slice %arg4[%arg0, %dma_wait3A, %dma_wait3A_41] : memref<2x10000x64xf32, #tpu.memory_space<hbm>> -> memref<1x16x64xf32, #tpu.memory_space<hbm>>
        %dma_wait3A_43 = tpu.memref_squeeze %dma_wait3A_42 : memref<1x16x64xf32, #tpu.memory_space<hbm>> -> memref<16x64xf32, #tpu.memory_space<hbm>>
        %dma_wait3A_44 = arith.constant 9984 : i32
        %dma_wait3A_45 = arith.constant 0 : i32
        %dma_wait3A_46 = tpu.memref_slice %arg8[%dma_wait3A_44, %dma_wait3A_45] : memref<10000x64xf32, #tpu.memory_space<vmem_shared>> -> memref<16x64xf32, #tpu.memory_space<vmem_shared>>
        tpu.wait_dma2 semaphore(%run_scoped3A : memref<!tpu.dma_semaphore, #tpu.memory_space<semaphore_mem>>) src(%dma_wait3A_46 : memref<16x64xf32, #tpu.memory_space<vmem_shared>>) dst(%dma_wait3A_43 : memref<16x64xf32, #tpu.memory_space<hbm>>)
        tpu.yield
      }) : () -> ()
    } else {
    }
    return
  }
}

#map = affine_map<(d0, d1) -> (0, 0)>
#map1 = affine_map<(d0, d1) -> (0)>
#map2 = affine_map<(d0, d1) -> (0, 0, 0)>
module attributes {stable_mosaic.version = 14 : i64} {
  func.func @scatter_kernel(%arg0: i32, %arg1: i32, %arg2: memref<320000x64xf32, #tpu.memory_space<hbm>>, %arg3: memref<320000xi32, #tpu.memory_space<hbm>>, %arg4: memref<2x10000x64xf32, #tpu.memory_space<hbm>>, %arg5: memref<400xi32, #tpu.memory_space<vmem>>, %arg6: memref<400x64xf32, #tpu.memory_space<vmem>>, %arg7: memref<8x64xf32, #tpu.memory_space<vmem>>, %arg8: memref<10000x64xf32, #tpu.memory_space<vmem_shared>>) attributes {dimension_semantics = [#tpu.dimension_semantics<core_parallel>, #tpu.dimension_semantics<subcore_parallel>], iteration_bounds = array<i64: 2, 16>, scalar_prefetch = 0 : i64, scratch_operands = 4 : i64, tpu.core_type = #tpu.core_type<sc_vector_subcore>, window_params = [{transform_indices = #map}, {transform_indices = #map1}, {transform_indices = #map2}]} {
    %mul3A = arith.constant 16 : i32
    %mul3A_0 = arith.muli %arg0, %mul3A : i32
    %add3A = arith.addi %mul3A_0, %arg1 : i32
    %mul3A_1 = arith.constant 10000 : i32
    %mul3A_2 = arith.muli %add3A, %mul3A_1 : i32
    %scan3A = arith.constant 0 : i32
    %scan3A_3 = arith.constant 0 : i32
    %scan3A_4 = arith.constant 8 : i32
    %scan3A_5 = arith.addi %scan3A_3, %scan3A_4 : i32
    %scan3A_6 = arith.constant 1 : i32
    %scan3A_7 = scf.for %scan3A_35 = %scan3A_3 to %scan3A_5 step %scan3A_6 iter_args(%scan3A_36 = %scan3A) -> (i32)  : i32 {
      %broadcast_in_dim3A = arith.constant 0.000000e+00 : f32
      %broadcast_in_dim3A_37 = vector.broadcast %broadcast_in_dim3A : f32 to vector<16xf32>
      %swap3A = arith.index_cast %scan3A_35 : i32 to index
      %swap3A_38 = arith.constant 0 : index
      %swap3A_39 = tpu.vector_load %arg7[%swap3A, %swap3A_38] {strides = array<i32>} : memref<8x64xf32, #tpu.memory_space<vmem>>, vector<1x16xf32>,
      %swap3A_40 = vector.shape_cast %swap3A_39 : vector<1x16xf32> to vector<16xf32>
      %swap3A_41 = vector.shape_cast %broadcast_in_dim3A_37 : vector<16xf32> to vector<1x16xf32>
      tpu.vector_store %arg7[%swap3A, %swap3A_38], %swap3A_41 {strides = array<i32>} : memref<8x64xf32, #tpu.memory_space<vmem>>, vector<1x16xf32>,
      %broadcast_in_dim3A_42 = arith.constant 0.000000e+00 : f32
      %broadcast_in_dim3A_43 = vector.broadcast %broadcast_in_dim3A_42 : f32 to vector<16xf32>
      %swap3A_44 = arith.index_cast %scan3A_35 : i32 to index
      %swap3A_45 = arith.constant 16 : index
      %swap3A_46 = tpu.vector_load %arg7[%swap3A_44, %swap3A_45] {strides = array<i32>} : memref<8x64xf32, #tpu.memory_space<vmem>>, vector<1x16xf32>,
      %swap3A_47 = vector.shape_cast %swap3A_46 : vector<1x16xf32> to vector<16xf32>
      %swap3A_48 = vector.shape_cast %broadcast_in_dim3A_43 : vector<16xf32> to vector<1x16xf32>
      tpu.vector_store %arg7[%swap3A_44, %swap3A_45], %swap3A_48 {strides = array<i32>} : memref<8x64xf32, #tpu.memory_space<vmem>>, vector<1x16xf32>,
      %broadcast_in_dim3A_49 = arith.constant 0.000000e+00 : f32
      %broadcast_in_dim3A_50 = vector.broadcast %broadcast_in_dim3A_49 : f32 to vector<16xf32>
      %swap3A_51 = arith.index_cast %scan3A_35 : i32 to index
      %swap3A_52 = arith.constant 32 : index
      %swap3A_53 = tpu.vector_load %arg7[%swap3A_51, %swap3A_52] {strides = array<i32>} : memref<8x64xf32, #tpu.memory_space<vmem>>, vector<1x16xf32>,
      %swap3A_54 = vector.shape_cast %swap3A_53 : vector<1x16xf32> to vector<16xf32>
      %swap3A_55 = vector.shape_cast %broadcast_in_dim3A_50 : vector<16xf32> to vector<1x16xf32>
      tpu.vector_store %arg7[%swap3A_51, %swap3A_52], %swap3A_55 {strides = array<i32>} : memref<8x64xf32, #tpu.memory_space<vmem>>, vector<1x16xf32>,
      %broadcast_in_dim3A_56 = arith.constant 0.000000e+00 : f32
      %broadcast_in_dim3A_57 = vector.broadcast %broadcast_in_dim3A_56 : f32 to vector<16xf32>
      %swap3A_58 = arith.index_cast %scan3A_35 : i32 to index
      %swap3A_59 = arith.constant 48 : index
      %swap3A_60 = tpu.vector_load %arg7[%swap3A_58, %swap3A_59] {strides = array<i32>} : memref<8x64xf32, #tpu.memory_space<vmem>>, vector<1x16xf32>,
      %swap3A_61 = vector.shape_cast %swap3A_60 : vector<1x16xf32> to vector<16xf32>
      %swap3A_62 = vector.shape_cast %broadcast_in_dim3A_57 : vector<16xf32> to vector<1x16xf32>
      tpu.vector_store %arg7[%swap3A_58, %swap3A_59], %swap3A_62 {strides = array<i32>} : memref<8x64xf32, #tpu.memory_space<vmem>>, vector<1x16xf32>,
      %scan3A_63 = arith.constant 0 : i32
      scf.yield %scan3A_63 : i32
    }
    %scan3A_8 = arith.constant 8 : i32
    %scan3A_9 = arith.constant 0 : i32
    %scan3A_10 = arith.constant 0 : i32
    %scan3A_11 = arith.constant 78 : i32
    %scan3A_12 = arith.addi %scan3A_10, %scan3A_11 : i32
    %scan3A_13 = arith.constant 1 : i32
    %scan3A_14 = scf.for %scan3A_35 = %scan3A_10 to %scan3A_12 step %scan3A_13 iter_args(%scan3A_36 = %scan3A_9) -> (i32)  : i32 {
      %mul3A_37 = arith.constant 624 : i32
      %mul3A_38 = arith.muli %arg1, %mul3A_37 : i32
      %mul3A_39 = arith.constant 8 : i32
      %mul3A_40 = arith.muli %scan3A_35, %mul3A_39 : i32
      %add3A_41 = arith.addi %mul3A_38, %mul3A_40 : i32
      "tpu.region"() ({
        %run_scoped3A = tpu.sem_alloc : memref<!tpu.dma_semaphore, #tpu.memory_space<semaphore_mem>>
        %dma_start3A = arith.constant 0 : i32
        %dma_start3A_43 = tpu.memref_slice %arg8[%add3A_41, %dma_start3A] : memref<10000x64xf32, #tpu.memory_space<vmem_shared>> -> memref<8x64xf32, #tpu.memory_space<vmem_shared>>
        %dma_start3A_44 = arith.constant 0 : i32
        %dma_start3A_45 = tpu.memref_slice %arg8[%add3A_41, %dma_start3A_44] : memref<10000x64xf32, #tpu.memory_space<vmem_shared>> -> memref<8x64xf32, #tpu.memory_space<vmem_shared>>
        tpu.enqueue_dma source(%arg7 : memref<8x64xf32, #tpu.memory_space<vmem>>) target(%dma_start3A_45 : memref<8x64xf32, #tpu.memory_space<vmem_shared>>) target_semaphore(%run_scoped3A : memref<!tpu.dma_semaphore, #tpu.memory_space<semaphore_mem>>)
        %dma_wait3A = arith.constant 0 : i32
        %dma_wait3A_46 = tpu.memref_slice %arg8[%add3A_41, %dma_wait3A] : memref<10000x64xf32, #tpu.memory_space<vmem_shared>> -> memref<8x64xf32, #tpu.memory_space<vmem_shared>>
        %dma_wait3A_47 = arith.constant 0 : i32
        %dma_wait3A_48 = tpu.memref_slice %arg8[%add3A_41, %dma_wait3A_47] : memref<10000x64xf32, #tpu.memory_space<vmem_shared>> -> memref<8x64xf32, #tpu.memory_space<vmem_shared>>
        tpu.wait_dma2 semaphore(%run_scoped3A : memref<!tpu.dma_semaphore, #tpu.memory_space<semaphore_mem>>) src(%arg7 : memref<8x64xf32, #tpu.memory_space<vmem>>) dst(%dma_wait3A_48 : memref<8x64xf32, #tpu.memory_space<vmem_shared>>)
        tpu.yield
      }) : () -> ()
      %scan3A_42 = arith.constant 0 : i32
      scf.yield %scan3A_42 : i32
    }
    %scan3A_15 = arith.constant 78 : i32
    %eq3A = arith.constant 15 : i32
    %eq3A_16 = arith.cmpi eq, %arg1, %eq3A : i32
    %convert_element_type3A = arith.extui %eq3A_16 : i1 to i32
    %cond3A = arith.constant 0 : i32
    %cond3A_17 = arith.cmpi ne, %convert_element_type3A, %cond3A : i32
    scf.if %cond3A_17 {
      %scan3A_35 = arith.constant 0 : i32
      %scan3A_36 = arith.constant 0 : i32
      %scan3A_37 = arith.constant 2 : i32
      %scan3A_38 = arith.addi %scan3A_36, %scan3A_37 : i32
      %scan3A_39 = arith.constant 1 : i32
      %scan3A_40 = scf.for %scan3A_42 = %scan3A_36 to %scan3A_38 step %scan3A_39 iter_args(%scan3A_43 = %scan3A_35) -> (i32)  : i32 {
        %mul3A_44 = arith.constant 8 : i32
        %mul3A_45 = arith.muli %scan3A_42, %mul3A_44 : i32
        %add3A_46 = arith.constant 9984 : i32
        %add3A_47 = arith.addi %add3A_46, %mul3A_45 : i32
        "tpu.region"() ({
          %run_scoped3A = tpu.sem_alloc : memref<!tpu.dma_semaphore, #tpu.memory_space<semaphore_mem>>
          %dma_start3A = arith.constant 0 : i32
          %dma_start3A_49 = tpu.memref_slice %arg8[%add3A_47, %dma_start3A] : memref<10000x64xf32, #tpu.memory_space<vmem_shared>> -> memref<8x64xf32, #tpu.memory_space<vmem_shared>>
          %dma_start3A_50 = arith.constant 0 : i32
          %dma_start3A_51 = tpu.memref_slice %arg8[%add3A_47, %dma_start3A_50] : memref<10000x64xf32, #tpu.memory_space<vmem_shared>> -> memref<8x64xf32, #tpu.memory_space<vmem_shared>>
          tpu.enqueue_dma source(%arg7 : memref<8x64xf32, #tpu.memory_space<vmem>>) target(%dma_start3A_51 : memref<8x64xf32, #tpu.memory_space<vmem_shared>>) target_semaphore(%run_scoped3A : memref<!tpu.dma_semaphore, #tpu.memory_space<semaphore_mem>>)
          %dma_wait3A = arith.constant 0 : i32
          %dma_wait3A_52 = tpu.memref_slice %arg8[%add3A_47, %dma_wait3A] : memref<10000x64xf32, #tpu.memory_space<vmem_shared>> -> memref<8x64xf32, #tpu.memory_space<vmem_shared>>
          %dma_wait3A_53 = arith.constant 0 : i32
          %dma_wait3A_54 = tpu.memref_slice %arg8[%add3A_47, %dma_wait3A_53] : memref<10000x64xf32, #tpu.memory_space<vmem_shared>> -> memref<8x64xf32, #tpu.memory_space<vmem_shared>>
          tpu.wait_dma2 semaphore(%run_scoped3A : memref<!tpu.dma_semaphore, #tpu.memory_space<semaphore_mem>>) src(%arg7 : memref<8x64xf32, #tpu.memory_space<vmem>>) dst(%dma_wait3A_54 : memref<8x64xf32, #tpu.memory_space<vmem_shared>>)
          tpu.yield
        }) : () -> ()
        %scan3A_48 = arith.constant 0 : i32
        scf.yield %scan3A_48 : i32
      }
      %scan3A_41 = arith.constant 2 : i32
    } else {
    }
    %barrier3A = arith.constant 0 : index
    tpu.barrier barrier_id(%barrier3A)
    %scan3A_18 = arith.constant 0 : i32
    %scan3A_19 = arith.constant 0 : i32
    %scan3A_20 = arith.constant 25 : i32
    %scan3A_21 = arith.addi %scan3A_19, %scan3A_20 : i32
    %scan3A_22 = arith.constant 1 : i32
    %scan3A_23 = scf.for %scan3A_35 = %scan3A_19 to %scan3A_21 step %scan3A_22 iter_args(%scan3A_36 = %scan3A_18) -> (i32)  : i32 {
      %mul3A_37 = arith.constant 400 : i32
      %mul3A_38 = arith.muli %scan3A_35, %mul3A_37 : i32
      %add3A_39 = arith.addi %mul3A_2, %mul3A_38 : i32
      "tpu.region"() ({
        %run_scoped3A = tpu.sem_alloc : memref<!tpu.dma_semaphore, #tpu.memory_space<semaphore_mem>>
        %dma_start3A = tpu.memref_slice %arg3[%add3A_39] : memref<320000xi32, #tpu.memory_space<hbm>> -> memref<400xi32, #tpu.memory_space<hbm>>
        %dma_start3A_41 = tpu.memref_slice %arg3[%add3A_39] : memref<320000xi32, #tpu.memory_space<hbm>> -> memref<400xi32, #tpu.memory_space<hbm>>
        tpu.enqueue_dma source(%dma_start3A_41 : memref<400xi32, #tpu.memory_space<hbm>>) target(%arg5 : memref<400xi32, #tpu.memory_space<vmem>>) target_semaphore(%run_scoped3A : memref<!tpu.dma_semaphore, #tpu.memory_space<semaphore_mem>>)
        %dma_wait3A = tpu.memref_slice %arg3[%add3A_39] : memref<320000xi32, #tpu.memory_space<hbm>> -> memref<400xi32, #tpu.memory_space<hbm>>
        %dma_wait3A_42 = tpu.memref_slice %arg3[%add3A_39] : memref<320000xi32, #tpu.memory_space<hbm>> -> memref<400xi32, #tpu.memory_space<hbm>>
        tpu.wait_dma2 semaphore(%run_scoped3A : memref<!tpu.dma_semaphore, #tpu.memory_space<semaphore_mem>>) src(%dma_wait3A_42 : memref<400xi32, #tpu.memory_space<hbm>>) dst(%arg5 : memref<400xi32, #tpu.memory_space<vmem>>)
        tpu.yield
      }) : () -> ()
      "tpu.region"() ({
        %run_scoped3A = tpu.sem_alloc : memref<!tpu.dma_semaphore, #tpu.memory_space<semaphore_mem>>
        %dma_start3A = arith.constant 0 : i32
        %dma_start3A_41 = tpu.memref_slice %arg2[%add3A_39, %dma_start3A] : memref<320000x64xf32, #tpu.memory_space<hbm>> -> memref<400x64xf32, #tpu.memory_space<hbm>>
        %dma_start3A_42 = arith.constant 0 : i32
        %dma_start3A_43 = tpu.memref_slice %arg2[%add3A_39, %dma_start3A_42] : memref<320000x64xf32, #tpu.memory_space<hbm>> -> memref<400x64xf32, #tpu.memory_space<hbm>>
        tpu.enqueue_dma source(%dma_start3A_43 : memref<400x64xf32, #tpu.memory_space<hbm>>) target(%arg6 : memref<400x64xf32, #tpu.memory_space<vmem>>) target_semaphore(%run_scoped3A : memref<!tpu.dma_semaphore, #tpu.memory_space<semaphore_mem>>)
        %dma_wait3A = arith.constant 0 : i32
        %dma_wait3A_44 = tpu.memref_slice %arg2[%add3A_39, %dma_wait3A] : memref<320000x64xf32, #tpu.memory_space<hbm>> -> memref<400x64xf32, #tpu.memory_space<hbm>>
        %dma_wait3A_45 = arith.constant 0 : i32
        %dma_wait3A_46 = tpu.memref_slice %arg2[%add3A_39, %dma_wait3A_45] : memref<320000x64xf32, #tpu.memory_space<hbm>> -> memref<400x64xf32, #tpu.memory_space<hbm>>
        tpu.wait_dma2 semaphore(%run_scoped3A : memref<!tpu.dma_semaphore, #tpu.memory_space<semaphore_mem>>) src(%dma_wait3A_46 : memref<400x64xf32, #tpu.memory_space<hbm>>) dst(%arg6 : memref<400x64xf32, #tpu.memory_space<vmem>>)
        tpu.yield
      }) : () -> ()
      "tpu.region"() ({
        %run_scoped3A = tpu.sem_alloc : memref<!tpu.dma_semaphore, #tpu.memory_space<semaphore_mem>>
        %dma_start3A = arith.constant 0 : i32
        %dma_start3A_41 = arith.constant 0 : i32
        %dma_start3A_42 = tpu.memref_slice %arg8[%dma_start3A, %dma_start3A_41] : memref<10000x64xf32, #tpu.memory_space<vmem_shared>> -> memref<10000x64xf32, #tpu.memory_space<vmem_shared>>
        tpu.enqueue_indirect_dma source(%arg6 : memref<400x64xf32, #tpu.memory_space<vmem>>) target(%dma_start3A_42 : memref<10000x64xf32, #tpu.memory_space<vmem_shared>>) offsets(%arg5 : memref<400xi32, #tpu.memory_space<vmem>>) semaphore(%run_scoped3A : memref<!tpu.dma_semaphore, #tpu.memory_space<semaphore_mem>>) {add = true}
        %dma_wait3A = arith.constant 0 : i32
        %dma_wait3A_43 = arith.constant 0 : i32
        %dma_wait3A_44 = tpu.memref_slice %arg8[%dma_wait3A, %dma_wait3A_43] : memref<10000x64xf32, #tpu.memory_space<vmem_shared>> -> memref<10000x64xf32, #tpu.memory_space<vmem_shared>>
        tpu.wait_indirect_dma semaphore(%run_scoped3A : memref<!tpu.dma_semaphore, #tpu.memory_space<semaphore_mem>>) src(%arg6 : memref<400x64xf32, #tpu.memory_space<vmem>>) dst(%dma_wait3A_44 : memref<10000x64xf32, #tpu.memory_space<vmem_shared>>)
        tpu.yield
      }) : () -> ()
      %scan3A_40 = arith.constant 0 : i32
      scf.yield %scan3A_40 : i32
    }
    %scan3A_24 = arith.constant 25 : i32
    %barrier3A_25 = arith.constant 0 : index
    tpu.barrier barrier_id(%barrier3A_25)
    %mul3A_26 = arith.constant 624 : i32
    %mul3A_27 = arith.muli %arg1, %mul3A_26 : i32
    %mul3A_28 = arith.constant 624 : i32
    %mul3A_29 = arith.muli %arg1, %mul3A_28 : i32
    "tpu.region"() ({
      %run_scoped3A = tpu.sem_alloc : memref<!tpu.dma_semaphore, #tpu.memory_space<semaphore_mem>>
      %dma_start3A = arith.constant 0 : i32
      %dma_start3A_35 = tpu.memref_slice %arg4[%arg0, %mul3A_29, %dma_start3A] : memref<2x10000x64xf32, #tpu.memory_space<hbm>> -> memref<1x624x64xf32, #tpu.memory_space<hbm>>
      %dma_start3A_36 = tpu.memref_squeeze %dma_start3A_35 : memref<1x624x64xf32, #tpu.memory_space<hbm>> -> memref<624x64xf32, #tpu.memory_space<hbm>>
      %dma_start3A_37 = arith.constant 0 : i32
      %dma_start3A_38 = tpu.memref_slice %arg8[%mul3A_27, %dma_start3A_37] : memref<10000x64xf32, #tpu.memory_space<vmem_shared>> -> memref<624x64xf32, #tpu.memory_space<vmem_shared>>
      tpu.enqueue_dma source(%dma_start3A_38 : memref<624x64xf32, #tpu.memory_space<vmem_shared>>) target(%dma_start3A_36 : memref<624x64xf32, #tpu.memory_space<hbm>>) target_semaphore(%run_scoped3A : memref<!tpu.dma_semaphore, #tpu.memory_space<semaphore_mem>>)
      %dma_wait3A = arith.constant 0 : i32
      %dma_wait3A_39 = tpu.memref_slice %arg4[%arg0, %mul3A_29, %dma_wait3A] : memref<2x10000x64xf32, #tpu.memory_space<hbm>> -> memref<1x624x64xf32, #tpu.memory_space<hbm>>
      %dma_wait3A_40 = tpu.memref_squeeze %dma_wait3A_39 : memref<1x624x64xf32, #tpu.memory_space<hbm>> -> memref<624x64xf32, #tpu.memory_space<hbm>>
      %dma_wait3A_41 = arith.constant 0 : i32
      %dma_wait3A_42 = tpu.memref_slice %arg8[%mul3A_27, %dma_wait3A_41] : memref<10000x64xf32, #tpu.memory_space<vmem_shared>> -> memref<624x64xf32, #tpu.memory_space<vmem_shared>>
      tpu.wait_dma2 semaphore(%run_scoped3A : memref<!tpu.dma_semaphore, #tpu.memory_space<semaphore_mem>>) src(%dma_wait3A_42 : memref<624x64xf32, #tpu.memory_space<vmem_shared>>) dst(%dma_wait3A_40 : memref<624x64xf32, #tpu.memory_space<hbm>>)
      tpu.yield
    }) : () -> ()
    %eq3A_30 = arith.constant 15 : i32
    %eq3A_31 = arith.cmpi eq, %arg1, %eq3A_30 : i32
    %convert_element_type3A_32 = arith.extui %eq3A_31 : i1 to i32
    %cond3A_33 = arith.constant 0 : i32
    %cond3A_34 = arith.cmpi ne, %convert_element_type3A_32, %cond3A_33 : i32
    scf.if %cond3A_34 {
      "tpu.region"() ({
        %run_scoped3A = tpu.sem_alloc : memref<!tpu.dma_semaphore, #tpu.memory_space<semaphore_mem>>
        %dma_start3A = arith.constant 9984 : i32
        %dma_start3A_35 = arith.constant 0 : i32
        %dma_start3A_36 = tpu.memref_slice %arg4[%arg0, %dma_start3A, %dma_start3A_35] : memref<2x10000x64xf32, #tpu.memory_space<hbm>> -> memref<1x16x64xf32, #tpu.memory_space<hbm>>
        %dma_start3A_37 = tpu.memref_squeeze %dma_start3A_36 : memref<1x16x64xf32, #tpu.memory_space<hbm>> -> memref<16x64xf32, #tpu.memory_space<hbm>>
        %dma_start3A_38 = arith.constant 9984 : i32
        %dma_start3A_39 = arith.constant 0 : i32
        %dma_start3A_40 = tpu.memref_slice %arg8[%dma_start3A_38, %dma_start3A_39] : memref<10000x64xf32, #tpu.memory_space<vmem_shared>> -> memref<16x64xf32, #tpu.memory_space<vmem_shared>>
        tpu.enqueue_dma source(%dma_start3A_40 : memref<16x64xf32, #tpu.memory_space<vmem_shared>>) target(%dma_start3A_37 : memref<16x64xf32, #tpu.memory_space<hbm>>) target_semaphore(%run_scoped3A : memref<!tpu.dma_semaphore, #tpu.memory_space<semaphore_mem>>)
        %dma_wait3A = arith.constant 9984 : i32
        %dma_wait3A_41 = arith.constant 0 : i32
        %dma_wait3A_42 = tpu.memref_slice %arg4[%arg0, %dma_wait3A, %dma_wait3A_41] : memref<2x10000x64xf32, #tpu.memory_space<hbm>> -> memref<1x16x64xf32, #tpu.memory_space<hbm>>
        %dma_wait3A_43 = tpu.memref_squeeze %dma_wait3A_42 : memref<1x16x64xf32, #tpu.memory_space<hbm>> -> memref<16x64xf32, #tpu.memory_space<hbm>>
        %dma_wait3A_44 = arith.constant 9984 : i32
        %dma_wait3A_45 = arith.constant 0 : i32
        %dma_wait3A_46 = tpu.memref_slice %arg8[%dma_wait3A_44, %dma_wait3A_45] : memref<10000x64xf32, #tpu.memory_space<vmem_shared>> -> memref<16x64xf32, #tpu.memory_space<vmem_shared>>
        tpu.wait_dma2 semaphore(%run_scoped3A : memref<!tpu.dma_semaphore, #tpu.memory_space<semaphore_mem>>) src(%dma_wait3A_46 : memref<16x64xf32, #tpu.memory_space<vmem_shared>>) dst(%dma_wait3A_43 : memref<16x64xf32, #tpu.memory_space<hbm>>)
        tpu.yield
      }) : () -> ()
    } else {
    }
    return
  }
}

#map = affine_map<(d0, d1) -> (0, 0)>
#map1 = affine_map<(d0, d1) -> (0)>
module attributes {stable_mosaic.version = 14 : i64} {
  func.func @gather_kernel(%arg0: i32, %arg1: i32, %arg2: memref<10000x64xf32, #tpu.memory_space<hbm>>, %arg3: memref<320000xi32, #tpu.memory_space<hbm>>, %arg4: memref<320000xi32, #tpu.memory_space<hbm>>, %arg5: memref<320000x64xf32, #tpu.memory_space<hbm>>, %arg6: memref<320000x64xf32, #tpu.memory_space<hbm>>, %arg7: memref<200xi32, #tpu.memory_space<vmem>>, %arg8: memref<200xi32, #tpu.memory_space<vmem>>, %arg9: memref<200x64xf32, #tpu.memory_space<vmem>>, %arg10: memref<200x64xf32, #tpu.memory_space<vmem>>, %arg11: memref<!tpu.dma_semaphore, #tpu.memory_space<semaphore_mem>>, %arg12: memref<!tpu.dma_semaphore, #tpu.memory_space<semaphore_mem>>) attributes {dimension_semantics = [#tpu.dimension_semantics<core_parallel>, #tpu.dimension_semantics<subcore_parallel>], iteration_bounds = array<i64: 2, 16>, scalar_prefetch = 0 : i64, scratch_operands = 6 : i64, tpu.core_type = #tpu.core_type<sc_vector_subcore>, window_params = [{transform_indices = #map}, {transform_indices = #map1}, {transform_indices = #map1}, {transform_indices = #map}, {transform_indices = #map}]} {
    %mul3A = arith.constant 16 : i32
    %mul3A_0 = arith.muli %arg0, %mul3A : i32
    %add3A = arith.addi %mul3A_0, %arg1 : i32
    %mul3A_1 = arith.constant 10000 : i32
    %mul3A_2 = arith.muli %add3A, %mul3A_1 : i32
    %scan3A = arith.constant 0 : i32
    %scan3A_3 = arith.constant 0 : i32
    %scan3A_4 = arith.constant 50 : i32
    %scan3A_5 = arith.addi %scan3A_3, %scan3A_4 : i32
    %scan3A_6 = arith.constant 1 : i32
    %scan3A_7 = scf.for %scan3A_9 = %scan3A_3 to %scan3A_5 step %scan3A_6 iter_args(%scan3A_10 = %scan3A) -> (i32)  : i32 {
      %mul3A_11 = arith.constant 200 : i32
      %mul3A_12 = arith.muli %scan3A_9, %mul3A_11 : i32
      %add3A_13 = arith.addi %mul3A_2, %mul3A_12 : i32
      "tpu.region"() ({
        %run_scoped3A = tpu.sem_alloc : memref<!tpu.dma_semaphore, #tpu.memory_space<semaphore_mem>>
        %dma_start3A_25 = tpu.memref_slice %arg3[%add3A_13] : memref<320000xi32, #tpu.memory_space<hbm>> -> memref<200xi32, #tpu.memory_space<hbm>>
        %dma_start3A_26 = tpu.memref_slice %arg3[%add3A_13] : memref<320000xi32, #tpu.memory_space<hbm>> -> memref<200xi32, #tpu.memory_space<hbm>>
        tpu.enqueue_dma source(%dma_start3A_26 : memref<200xi32, #tpu.memory_space<hbm>>) target(%arg7 : memref<200xi32, #tpu.memory_space<vmem>>) target_semaphore(%run_scoped3A : memref<!tpu.dma_semaphore, #tpu.memory_space<semaphore_mem>>)
        %dma_wait3A_27 = tpu.memref_slice %arg3[%add3A_13] : memref<320000xi32, #tpu.memory_space<hbm>> -> memref<200xi32, #tpu.memory_space<hbm>>
        %dma_wait3A_28 = tpu.memref_slice %arg3[%add3A_13] : memref<320000xi32, #tpu.memory_space<hbm>> -> memref<200xi32, #tpu.memory_space<hbm>>
        tpu.wait_dma2 semaphore(%run_scoped3A : memref<!tpu.dma_semaphore, #tpu.memory_space<semaphore_mem>>) src(%dma_wait3A_28 : memref<200xi32, #tpu.memory_space<hbm>>) dst(%arg7 : memref<200xi32, #tpu.memory_space<vmem>>)
        tpu.yield
      }) : () -> ()
      "tpu.region"() ({
        %run_scoped3A = tpu.sem_alloc : memref<!tpu.dma_semaphore, #tpu.memory_space<semaphore_mem>>
        %dma_start3A_25 = tpu.memref_slice %arg4[%add3A_13] : memref<320000xi32, #tpu.memory_space<hbm>> -> memref<200xi32, #tpu.memory_space<hbm>>
        %dma_start3A_26 = tpu.memref_slice %arg4[%add3A_13] : memref<320000xi32, #tpu.memory_space<hbm>> -> memref<200xi32, #tpu.memory_space<hbm>>
        tpu.enqueue_dma source(%dma_start3A_26 : memref<200xi32, #tpu.memory_space<hbm>>) target(%arg8 : memref<200xi32, #tpu.memory_space<vmem>>) target_semaphore(%run_scoped3A : memref<!tpu.dma_semaphore, #tpu.memory_space<semaphore_mem>>)
        %dma_wait3A_27 = tpu.memref_slice %arg4[%add3A_13] : memref<320000xi32, #tpu.memory_space<hbm>> -> memref<200xi32, #tpu.memory_space<hbm>>
        %dma_wait3A_28 = tpu.memref_slice %arg4[%add3A_13] : memref<320000xi32, #tpu.memory_space<hbm>> -> memref<200xi32, #tpu.memory_space<hbm>>
        tpu.wait_dma2 semaphore(%run_scoped3A : memref<!tpu.dma_semaphore, #tpu.memory_space<semaphore_mem>>) src(%dma_wait3A_28 : memref<200xi32, #tpu.memory_space<hbm>>) dst(%arg8 : memref<200xi32, #tpu.memory_space<vmem>>)
        tpu.yield
      }) : () -> ()
      %dma_start3A = arith.constant 0 : i32
      %dma_start3A_14 = arith.constant 0 : i32
      %dma_start3A_15 = tpu.memref_slice %arg2[%dma_start3A, %dma_start3A_14] : memref<10000x64xf32, #tpu.memory_space<hbm>> -> memref<10000x64xf32, #tpu.memory_space<hbm>>
      tpu.enqueue_indirect_dma source(%dma_start3A_15 : memref<10000x64xf32, #tpu.memory_space<hbm>>) target(%arg9 : memref<200x64xf32, #tpu.memory_space<vmem>>) offsets(%arg7 : memref<200xi32, #tpu.memory_space<vmem>>) semaphore(%arg11 : memref<!tpu.dma_semaphore, #tpu.memory_space<semaphore_mem>>)
      %dma_start3A_16 = arith.constant 0 : i32
      %dma_start3A_17 = arith.constant 0 : i32
      %dma_start3A_18 = tpu.memref_slice %arg2[%dma_start3A_16, %dma_start3A_17] : memref<10000x64xf32, #tpu.memory_space<hbm>> -> memref<10000x64xf32, #tpu.memory_space<hbm>>
      tpu.enqueue_indirect_dma source(%dma_start3A_18 : memref<10000x64xf32, #tpu.memory_space<hbm>>) target(%arg10 : memref<200x64xf32, #tpu.memory_space<vmem>>) offsets(%arg8 : memref<200xi32, #tpu.memory_space<vmem>>) semaphore(%arg12 : memref<!tpu.dma_semaphore, #tpu.memory_space<semaphore_mem>>)
      %dma_wait3A = arith.constant 0 : i32
      %dma_wait3A_19 = arith.constant 0 : i32
      %dma_wait3A_20 = tpu.memref_slice %arg2[%dma_wait3A, %dma_wait3A_19] : memref<10000x64xf32, #tpu.memory_space<hbm>> -> memref<10000x64xf32, #tpu.memory_space<hbm>>
      tpu.wait_indirect_dma semaphore(%arg11 : memref<!tpu.dma_semaphore, #tpu.memory_space<semaphore_mem>>) src(%dma_wait3A_20 : memref<10000x64xf32, #tpu.memory_space<hbm>>) dst(%arg9 : memref<200x64xf32, #tpu.memory_space<vmem>>)
      "tpu.region"() ({
        %run_scoped3A = tpu.sem_alloc : memref<!tpu.dma_semaphore, #tpu.memory_space<semaphore_mem>>
        %dma_start3A_25 = arith.constant 0 : i32
        %dma_start3A_26 = tpu.memref_slice %arg5[%add3A_13, %dma_start3A_25] : memref<320000x64xf32, #tpu.memory_space<hbm>> -> memref<200x64xf32, #tpu.memory_space<hbm>>
        %dma_start3A_27 = arith.constant 0 : i32
        %dma_start3A_28 = tpu.memref_slice %arg5[%add3A_13, %dma_start3A_27] : memref<320000x64xf32, #tpu.memory_space<hbm>> -> memref<200x64xf32, #tpu.memory_space<hbm>>
        tpu.enqueue_dma source(%arg9 : memref<200x64xf32, #tpu.memory_space<vmem>>) target(%dma_start3A_28 : memref<200x64xf32, #tpu.memory_space<hbm>>) target_semaphore(%run_scoped3A : memref<!tpu.dma_semaphore, #tpu.memory_space<semaphore_mem>>)
        %dma_wait3A_29 = arith.constant 0 : i32
        %dma_wait3A_30 = tpu.memref_slice %arg5[%add3A_13, %dma_wait3A_29] : memref<320000x64xf32, #tpu.memory_space<hbm>> -> memref<200x64xf32, #tpu.memory_space<hbm>>
        %dma_wait3A_31 = arith.constant 0 : i32
        %dma_wait3A_32 = tpu.memref_slice %arg5[%add3A_13, %dma_wait3A_31] : memref<320000x64xf32, #tpu.memory_space<hbm>> -> memref<200x64xf32, #tpu.memory_space<hbm>>
        tpu.wait_dma2 semaphore(%run_scoped3A : memref<!tpu.dma_semaphore, #tpu.memory_space<semaphore_mem>>) src(%arg9 : memref<200x64xf32, #tpu.memory_space<vmem>>) dst(%dma_wait3A_32 : memref<200x64xf32, #tpu.memory_space<hbm>>)
        tpu.yield
      }) : () -> ()
      %dma_wait3A_21 = arith.constant 0 : i32
      %dma_wait3A_22 = arith.constant 0 : i32
      %dma_wait3A_23 = tpu.memref_slice %arg2[%dma_wait3A_21, %dma_wait3A_22] : memref<10000x64xf32, #tpu.memory_space<hbm>> -> memref<10000x64xf32, #tpu.memory_space<hbm>>
      tpu.wait_indirect_dma semaphore(%arg12 : memref<!tpu.dma_semaphore, #tpu.memory_space<semaphore_mem>>) src(%dma_wait3A_23 : memref<10000x64xf32, #tpu.memory_space<hbm>>) dst(%arg10 : memref<200x64xf32, #tpu.memory_space<vmem>>)
      "tpu.region"() ({
        %run_scoped3A = tpu.sem_alloc : memref<!tpu.dma_semaphore, #tpu.memory_space<semaphore_mem>>
        %dma_start3A_25 = arith.constant 0 : i32
        %dma_start3A_26 = tpu.memref_slice %arg6[%add3A_13, %dma_start3A_25] : memref<320000x64xf32, #tpu.memory_space<hbm>> -> memref<200x64xf32, #tpu.memory_space<hbm>>
        %dma_start3A_27 = arith.constant 0 : i32
        %dma_start3A_28 = tpu.memref_slice %arg6[%add3A_13, %dma_start3A_27] : memref<320000x64xf32, #tpu.memory_space<hbm>> -> memref<200x64xf32, #tpu.memory_space<hbm>>
        tpu.enqueue_dma source(%arg10 : memref<200x64xf32, #tpu.memory_space<vmem>>) target(%dma_start3A_28 : memref<200x64xf32, #tpu.memory_space<hbm>>) target_semaphore(%run_scoped3A : memref<!tpu.dma_semaphore, #tpu.memory_space<semaphore_mem>>)
        %dma_wait3A_29 = arith.constant 0 : i32
        %dma_wait3A_30 = tpu.memref_slice %arg6[%add3A_13, %dma_wait3A_29] : memref<320000x64xf32, #tpu.memory_space<hbm>> -> memref<200x64xf32, #tpu.memory_space<hbm>>
        %dma_wait3A_31 = arith.constant 0 : i32
        %dma_wait3A_32 = tpu.memref_slice %arg6[%add3A_13, %dma_wait3A_31] : memref<320000x64xf32, #tpu.memory_space<hbm>> -> memref<200x64xf32, #tpu.memory_space<hbm>>
        tpu.wait_dma2 semaphore(%run_scoped3A : memref<!tpu.dma_semaphore, #tpu.memory_space<semaphore_mem>>) src(%arg10 : memref<200x64xf32, #tpu.memory_space<vmem>>) dst(%dma_wait3A_32 : memref<200x64xf32, #tpu.memory_space<hbm>>)
        tpu.yield
      }) : () -> ()
      %scan3A_24 = arith.constant 0 : i32
      scf.yield %scan3A_24 : i32
    }
    %scan3A_8 = arith.constant 50 : i32
    return
  }
}

#map = affine_map<(d0, d1) -> (0, 0)>
#map1 = affine_map<(d0, d1) -> (0)>
#map2 = affine_map<(d0, d1) -> (0, 0, 0)>
module attributes {stable_mosaic.version = 14 : i64} {
  func.func @scatter_kernel(%arg0: i32, %arg1: i32, %arg2: memref<320000x64xf32, #tpu.memory_space<hbm>>, %arg3: memref<320000xi32, #tpu.memory_space<hbm>>, %arg4: memref<2x10000x64xf32, #tpu.memory_space<hbm>>, %arg5: memref<400xi32, #tpu.memory_space<vmem>>, %arg6: memref<400x64xf32, #tpu.memory_space<vmem>>, %arg7: memref<8x64xf32, #tpu.memory_space<vmem>>, %arg8: memref<10000x64xf32, #tpu.memory_space<vmem_shared>>) attributes {dimension_semantics = [#tpu.dimension_semantics<core_parallel>, #tpu.dimension_semantics<subcore_parallel>], iteration_bounds = array<i64: 2, 16>, scalar_prefetch = 0 : i64, scratch_operands = 4 : i64, tpu.core_type = #tpu.core_type<sc_vector_subcore>, window_params = [{transform_indices = #map}, {transform_indices = #map1}, {transform_indices = #map2}]} {
    %mul3A = arith.constant 16 : i32
    %mul3A_0 = arith.muli %arg0, %mul3A : i32
    %add3A = arith.addi %mul3A_0, %arg1 : i32
    %mul3A_1 = arith.constant 10000 : i32
    %mul3A_2 = arith.muli %add3A, %mul3A_1 : i32
    %scan3A = arith.constant 0 : i32
    %scan3A_3 = arith.constant 0 : i32
    %scan3A_4 = arith.constant 8 : i32
    %scan3A_5 = arith.addi %scan3A_3, %scan3A_4 : i32
    %scan3A_6 = arith.constant 1 : i32
    %scan3A_7 = scf.for %scan3A_35 = %scan3A_3 to %scan3A_5 step %scan3A_6 iter_args(%scan3A_36 = %scan3A) -> (i32)  : i32 {
      %broadcast_in_dim3A = arith.constant 0.000000e+00 : f32
      %broadcast_in_dim3A_37 = vector.broadcast %broadcast_in_dim3A : f32 to vector<16xf32>
      %swap3A = arith.index_cast %scan3A_35 : i32 to index
      %swap3A_38 = arith.constant 0 : index
      %swap3A_39 = tpu.vector_load %arg7[%swap3A, %swap3A_38] {strides = array<i32>} : memref<8x64xf32, #tpu.memory_space<vmem>>, vector<1x16xf32>,
      %swap3A_40 = vector.shape_cast %swap3A_39 : vector<1x16xf32> to vector<16xf32>
      %swap3A_41 = vector.shape_cast %broadcast_in_dim3A_37 : vector<16xf32> to vector<1x16xf32>
      tpu.vector_store %arg7[%swap3A, %swap3A_38], %swap3A_41 {strides = array<i32>} : memref<8x64xf32, #tpu.memory_space<vmem>>, vector<1x16xf32>,
      %broadcast_in_dim3A_42 = arith.constant 0.000000e+00 : f32
      %broadcast_in_dim3A_43 = vector.broadcast %broadcast_in_dim3A_42 : f32 to vector<16xf32>
      %swap3A_44 = arith.index_cast %scan3A_35 : i32 to index
      %swap3A_45 = arith.constant 16 : index
      %swap3A_46 = tpu.vector_load %arg7[%swap3A_44, %swap3A_45] {strides = array<i32>} : memref<8x64xf32, #tpu.memory_space<vmem>>, vector<1x16xf32>,
      %swap3A_47 = vector.shape_cast %swap3A_46 : vector<1x16xf32> to vector<16xf32>
      %swap3A_48 = vector.shape_cast %broadcast_in_dim3A_43 : vector<16xf32> to vector<1x16xf32>
      tpu.vector_store %arg7[%swap3A_44, %swap3A_45], %swap3A_48 {strides = array<i32>} : memref<8x64xf32, #tpu.memory_space<vmem>>, vector<1x16xf32>,
      %broadcast_in_dim3A_49 = arith.constant 0.000000e+00 : f32
      %broadcast_in_dim3A_50 = vector.broadcast %broadcast_in_dim3A_49 : f32 to vector<16xf32>
      %swap3A_51 = arith.index_cast %scan3A_35 : i32 to index
      %swap3A_52 = arith.constant 32 : index
      %swap3A_53 = tpu.vector_load %arg7[%swap3A_51, %swap3A_52] {strides = array<i32>} : memref<8x64xf32, #tpu.memory_space<vmem>>, vector<1x16xf32>,
      %swap3A_54 = vector.shape_cast %swap3A_53 : vector<1x16xf32> to vector<16xf32>
      %swap3A_55 = vector.shape_cast %broadcast_in_dim3A_50 : vector<16xf32> to vector<1x16xf32>
      tpu.vector_store %arg7[%swap3A_51, %swap3A_52], %swap3A_55 {strides = array<i32>} : memref<8x64xf32, #tpu.memory_space<vmem>>, vector<1x16xf32>,
      %broadcast_in_dim3A_56 = arith.constant 0.000000e+00 : f32
      %broadcast_in_dim3A_57 = vector.broadcast %broadcast_in_dim3A_56 : f32 to vector<16xf32>
      %swap3A_58 = arith.index_cast %scan3A_35 : i32 to index
      %swap3A_59 = arith.constant 48 : index
      %swap3A_60 = tpu.vector_load %arg7[%swap3A_58, %swap3A_59] {strides = array<i32>} : memref<8x64xf32, #tpu.memory_space<vmem>>, vector<1x16xf32>,
      %swap3A_61 = vector.shape_cast %swap3A_60 : vector<1x16xf32> to vector<16xf32>
      %swap3A_62 = vector.shape_cast %broadcast_in_dim3A_57 : vector<16xf32> to vector<1x16xf32>
      tpu.vector_store %arg7[%swap3A_58, %swap3A_59], %swap3A_62 {strides = array<i32>} : memref<8x64xf32, #tpu.memory_space<vmem>>, vector<1x16xf32>,
      %scan3A_63 = arith.constant 0 : i32
      scf.yield %scan3A_63 : i32
    }
    %scan3A_8 = arith.constant 8 : i32
    %scan3A_9 = arith.constant 0 : i32
    %scan3A_10 = arith.constant 0 : i32
    %scan3A_11 = arith.constant 78 : i32
    %scan3A_12 = arith.addi %scan3A_10, %scan3A_11 : i32
    %scan3A_13 = arith.constant 1 : i32
    %scan3A_14 = scf.for %scan3A_35 = %scan3A_10 to %scan3A_12 step %scan3A_13 iter_args(%scan3A_36 = %scan3A_9) -> (i32)  : i32 {
      %mul3A_37 = arith.constant 624 : i32
      %mul3A_38 = arith.muli %arg1, %mul3A_37 : i32
      %mul3A_39 = arith.constant 8 : i32
      %mul3A_40 = arith.muli %scan3A_35, %mul3A_39 : i32
      %add3A_41 = arith.addi %mul3A_38, %mul3A_40 : i32
      "tpu.region"() ({
        %run_scoped3A = tpu.sem_alloc : memref<!tpu.dma_semaphore, #tpu.memory_space<semaphore_mem>>
        %dma_start3A = arith.constant 0 : i32
        %dma_start3A_43 = tpu.memref_slice %arg8[%add3A_41, %dma_start3A] : memref<10000x64xf32, #tpu.memory_space<vmem_shared>> -> memref<8x64xf32, #tpu.memory_space<vmem_shared>>
        %dma_start3A_44 = arith.constant 0 : i32
        %dma_start3A_45 = tpu.memref_slice %arg8[%add3A_41, %dma_start3A_44] : memref<10000x64xf32, #tpu.memory_space<vmem_shared>> -> memref<8x64xf32, #tpu.memory_space<vmem_shared>>
        tpu.enqueue_dma source(%arg7 : memref<8x64xf32, #tpu.memory_space<vmem>>) target(%dma_start3A_45 : memref<8x64xf32, #tpu.memory_space<vmem_shared>>) target_semaphore(%run_scoped3A : memref<!tpu.dma_semaphore, #tpu.memory_space<semaphore_mem>>)
        %dma_wait3A = arith.constant 0 : i32
        %dma_wait3A_46 = tpu.memref_slice %arg8[%add3A_41, %dma_wait3A] : memref<10000x64xf32, #tpu.memory_space<vmem_shared>> -> memref<8x64xf32, #tpu.memory_space<vmem_shared>>
        %dma_wait3A_47 = arith.constant 0 : i32
        %dma_wait3A_48 = tpu.memref_slice %arg8[%add3A_41, %dma_wait3A_47] : memref<10000x64xf32, #tpu.memory_space<vmem_shared>> -> memref<8x64xf32, #tpu.memory_space<vmem_shared>>
        tpu.wait_dma2 semaphore(%run_scoped3A : memref<!tpu.dma_semaphore, #tpu.memory_space<semaphore_mem>>) src(%arg7 : memref<8x64xf32, #tpu.memory_space<vmem>>) dst(%dma_wait3A_48 : memref<8x64xf32, #tpu.memory_space<vmem_shared>>)
        tpu.yield
      }) : () -> ()
      %scan3A_42 = arith.constant 0 : i32
      scf.yield %scan3A_42 : i32
    }
    %scan3A_15 = arith.constant 78 : i32
    %eq3A = arith.constant 15 : i32
    %eq3A_16 = arith.cmpi eq, %arg1, %eq3A : i32
    %convert_element_type3A = arith.extui %eq3A_16 : i1 to i32
    %cond3A = arith.constant 0 : i32
    %cond3A_17 = arith.cmpi ne, %convert_element_type3A, %cond3A : i32
    scf.if %cond3A_17 {
      %scan3A_35 = arith.constant 0 : i32
      %scan3A_36 = arith.constant 0 : i32
      %scan3A_37 = arith.constant 2 : i32
      %scan3A_38 = arith.addi %scan3A_36, %scan3A_37 : i32
      %scan3A_39 = arith.constant 1 : i32
      %scan3A_40 = scf.for %scan3A_42 = %scan3A_36 to %scan3A_38 step %scan3A_39 iter_args(%scan3A_43 = %scan3A_35) -> (i32)  : i32 {
        %mul3A_44 = arith.constant 8 : i32
        %mul3A_45 = arith.muli %scan3A_42, %mul3A_44 : i32
        %add3A_46 = arith.constant 9984 : i32
        %add3A_47 = arith.addi %add3A_46, %mul3A_45 : i32
        "tpu.region"() ({
          %run_scoped3A = tpu.sem_alloc : memref<!tpu.dma_semaphore, #tpu.memory_space<semaphore_mem>>
          %dma_start3A = arith.constant 0 : i32
          %dma_start3A_49 = tpu.memref_slice %arg8[%add3A_47, %dma_start3A] : memref<10000x64xf32, #tpu.memory_space<vmem_shared>> -> memref<8x64xf32, #tpu.memory_space<vmem_shared>>
          %dma_start3A_50 = arith.constant 0 : i32
          %dma_start3A_51 = tpu.memref_slice %arg8[%add3A_47, %dma_start3A_50] : memref<10000x64xf32, #tpu.memory_space<vmem_shared>> -> memref<8x64xf32, #tpu.memory_space<vmem_shared>>
          tpu.enqueue_dma source(%arg7 : memref<8x64xf32, #tpu.memory_space<vmem>>) target(%dma_start3A_51 : memref<8x64xf32, #tpu.memory_space<vmem_shared>>) target_semaphore(%run_scoped3A : memref<!tpu.dma_semaphore, #tpu.memory_space<semaphore_mem>>)
          %dma_wait3A = arith.constant 0 : i32
          %dma_wait3A_52 = tpu.memref_slice %arg8[%add3A_47, %dma_wait3A] : memref<10000x64xf32, #tpu.memory_space<vmem_shared>> -> memref<8x64xf32, #tpu.memory_space<vmem_shared>>
          %dma_wait3A_53 = arith.constant 0 : i32
          %dma_wait3A_54 = tpu.memref_slice %arg8[%add3A_47, %dma_wait3A_53] : memref<10000x64xf32, #tpu.memory_space<vmem_shared>> -> memref<8x64xf32, #tpu.memory_space<vmem_shared>>
          tpu.wait_dma2 semaphore(%run_scoped3A : memref<!tpu.dma_semaphore, #tpu.memory_space<semaphore_mem>>) src(%arg7 : memref<8x64xf32, #tpu.memory_space<vmem>>) dst(%dma_wait3A_54 : memref<8x64xf32, #tpu.memory_space<vmem_shared>>)
          tpu.yield
        }) : () -> ()
        %scan3A_48 = arith.constant 0 : i32
        scf.yield %scan3A_48 : i32
      }
      %scan3A_41 = arith.constant 2 : i32
    } else {
    }
    %barrier3A = arith.constant 0 : index
    tpu.barrier barrier_id(%barrier3A)
    %scan3A_18 = arith.constant 0 : i32
    %scan3A_19 = arith.constant 0 : i32
    %scan3A_20 = arith.constant 25 : i32
    %scan3A_21 = arith.addi %scan3A_19, %scan3A_20 : i32
    %scan3A_22 = arith.constant 1 : i32
    %scan3A_23 = scf.for %scan3A_35 = %scan3A_19 to %scan3A_21 step %scan3A_22 iter_args(%scan3A_36 = %scan3A_18) -> (i32)  : i32 {
      %mul3A_37 = arith.constant 400 : i32
      %mul3A_38 = arith.muli %scan3A_35, %mul3A_37 : i32
      %add3A_39 = arith.addi %mul3A_2, %mul3A_38 : i32
      "tpu.region"() ({
        %run_scoped3A = tpu.sem_alloc : memref<!tpu.dma_semaphore, #tpu.memory_space<semaphore_mem>>
        %dma_start3A = tpu.memref_slice %arg3[%add3A_39] : memref<320000xi32, #tpu.memory_space<hbm>> -> memref<400xi32, #tpu.memory_space<hbm>>
        %dma_start3A_41 = tpu.memref_slice %arg3[%add3A_39] : memref<320000xi32, #tpu.memory_space<hbm>> -> memref<400xi32, #tpu.memory_space<hbm>>
        tpu.enqueue_dma source(%dma_start3A_41 : memref<400xi32, #tpu.memory_space<hbm>>) target(%arg5 : memref<400xi32, #tpu.memory_space<vmem>>) target_semaphore(%run_scoped3A : memref<!tpu.dma_semaphore, #tpu.memory_space<semaphore_mem>>)
        %dma_wait3A = tpu.memref_slice %arg3[%add3A_39] : memref<320000xi32, #tpu.memory_space<hbm>> -> memref<400xi32, #tpu.memory_space<hbm>>
        %dma_wait3A_42 = tpu.memref_slice %arg3[%add3A_39] : memref<320000xi32, #tpu.memory_space<hbm>> -> memref<400xi32, #tpu.memory_space<hbm>>
        tpu.wait_dma2 semaphore(%run_scoped3A : memref<!tpu.dma_semaphore, #tpu.memory_space<semaphore_mem>>) src(%dma_wait3A_42 : memref<400xi32, #tpu.memory_space<hbm>>) dst(%arg5 : memref<400xi32, #tpu.memory_space<vmem>>)
        tpu.yield
      }) : () -> ()
      "tpu.region"() ({
        %run_scoped3A = tpu.sem_alloc : memref<!tpu.dma_semaphore, #tpu.memory_space<semaphore_mem>>
        %dma_start3A = arith.constant 0 : i32
        %dma_start3A_41 = tpu.memref_slice %arg2[%add3A_39, %dma_start3A] : memref<320000x64xf32, #tpu.memory_space<hbm>> -> memref<400x64xf32, #tpu.memory_space<hbm>>
        %dma_start3A_42 = arith.constant 0 : i32
        %dma_start3A_43 = tpu.memref_slice %arg2[%add3A_39, %dma_start3A_42] : memref<320000x64xf32, #tpu.memory_space<hbm>> -> memref<400x64xf32, #tpu.memory_space<hbm>>
        tpu.enqueue_dma source(%dma_start3A_43 : memref<400x64xf32, #tpu.memory_space<hbm>>) target(%arg6 : memref<400x64xf32, #tpu.memory_space<vmem>>) target_semaphore(%run_scoped3A : memref<!tpu.dma_semaphore, #tpu.memory_space<semaphore_mem>>)
        %dma_wait3A = arith.constant 0 : i32
        %dma_wait3A_44 = tpu.memref_slice %arg2[%add3A_39, %dma_wait3A] : memref<320000x64xf32, #tpu.memory_space<hbm>> -> memref<400x64xf32, #tpu.memory_space<hbm>>
        %dma_wait3A_45 = arith.constant 0 : i32
        %dma_wait3A_46 = tpu.memref_slice %arg2[%add3A_39, %dma_wait3A_45] : memref<320000x64xf32, #tpu.memory_space<hbm>> -> memref<400x64xf32, #tpu.memory_space<hbm>>
        tpu.wait_dma2 semaphore(%run_scoped3A : memref<!tpu.dma_semaphore, #tpu.memory_space<semaphore_mem>>) src(%dma_wait3A_46 : memref<400x64xf32, #tpu.memory_space<hbm>>) dst(%arg6 : memref<400x64xf32, #tpu.memory_space<vmem>>)
        tpu.yield
      }) : () -> ()
      "tpu.region"() ({
        %run_scoped3A = tpu.sem_alloc : memref<!tpu.dma_semaphore, #tpu.memory_space<semaphore_mem>>
        %dma_start3A = arith.constant 0 : i32
        %dma_start3A_41 = arith.constant 0 : i32
        %dma_start3A_42 = tpu.memref_slice %arg8[%dma_start3A, %dma_start3A_41] : memref<10000x64xf32, #tpu.memory_space<vmem_shared>> -> memref<10000x64xf32, #tpu.memory_space<vmem_shared>>
        tpu.enqueue_indirect_dma source(%arg6 : memref<400x64xf32, #tpu.memory_space<vmem>>) target(%dma_start3A_42 : memref<10000x64xf32, #tpu.memory_space<vmem_shared>>) offsets(%arg5 : memref<400xi32, #tpu.memory_space<vmem>>) semaphore(%run_scoped3A : memref<!tpu.dma_semaphore, #tpu.memory_space<semaphore_mem>>) {add = true}
        %dma_wait3A = arith.constant 0 : i32
        %dma_wait3A_43 = arith.constant 0 : i32
        %dma_wait3A_44 = tpu.memref_slice %arg8[%dma_wait3A, %dma_wait3A_43] : memref<10000x64xf32, #tpu.memory_space<vmem_shared>> -> memref<10000x64xf32, #tpu.memory_space<vmem_shared>>
        tpu.wait_indirect_dma semaphore(%run_scoped3A : memref<!tpu.dma_semaphore, #tpu.memory_space<semaphore_mem>>) src(%arg6 : memref<400x64xf32, #tpu.memory_space<vmem>>) dst(%dma_wait3A_44 : memref<10000x64xf32, #tpu.memory_space<vmem_shared>>)
        tpu.yield
      }) : () -> ()
      %scan3A_40 = arith.constant 0 : i32
      scf.yield %scan3A_40 : i32
    }
    %scan3A_24 = arith.constant 25 : i32
    %barrier3A_25 = arith.constant 0 : index
    tpu.barrier barrier_id(%barrier3A_25)
    %mul3A_26 = arith.constant 624 : i32
    %mul3A_27 = arith.muli %arg1, %mul3A_26 : i32
    %mul3A_28 = arith.constant 624 : i32
    %mul3A_29 = arith.muli %arg1, %mul3A_28 : i32
    "tpu.region"() ({
      %run_scoped3A = tpu.sem_alloc : memref<!tpu.dma_semaphore, #tpu.memory_space<semaphore_mem>>
      %dma_start3A = arith.constant 0 : i32
      %dma_start3A_35 = tpu.memref_slice %arg4[%arg0, %mul3A_29, %dma_start3A] : memref<2x10000x64xf32, #tpu.memory_space<hbm>> -> memref<1x624x64xf32, #tpu.memory_space<hbm>>
      %dma_start3A_36 = tpu.memref_squeeze %dma_start3A_35 : memref<1x624x64xf32, #tpu.memory_space<hbm>> -> memref<624x64xf32, #tpu.memory_space<hbm>>
      %dma_start3A_37 = arith.constant 0 : i32
      %dma_start3A_38 = tpu.memref_slice %arg8[%mul3A_27, %dma_start3A_37] : memref<10000x64xf32, #tpu.memory_space<vmem_shared>> -> memref<624x64xf32, #tpu.memory_space<vmem_shared>>
      tpu.enqueue_dma source(%dma_start3A_38 : memref<624x64xf32, #tpu.memory_space<vmem_shared>>) target(%dma_start3A_36 : memref<624x64xf32, #tpu.memory_space<hbm>>) target_semaphore(%run_scoped3A : memref<!tpu.dma_semaphore, #tpu.memory_space<semaphore_mem>>)
      %dma_wait3A = arith.constant 0 : i32
      %dma_wait3A_39 = tpu.memref_slice %arg4[%arg0, %mul3A_29, %dma_wait3A] : memref<2x10000x64xf32, #tpu.memory_space<hbm>> -> memref<1x624x64xf32, #tpu.memory_space<hbm>>
      %dma_wait3A_40 = tpu.memref_squeeze %dma_wait3A_39 : memref<1x624x64xf32, #tpu.memory_space<hbm>> -> memref<624x64xf32, #tpu.memory_space<hbm>>
      %dma_wait3A_41 = arith.constant 0 : i32
      %dma_wait3A_42 = tpu.memref_slice %arg8[%mul3A_27, %dma_wait3A_41] : memref<10000x64xf32, #tpu.memory_space<vmem_shared>> -> memref<624x64xf32, #tpu.memory_space<vmem_shared>>
      tpu.wait_dma2 semaphore(%run_scoped3A : memref<!tpu.dma_semaphore, #tpu.memory_space<semaphore_mem>>) src(%dma_wait3A_42 : memref<624x64xf32, #tpu.memory_space<vmem_shared>>) dst(%dma_wait3A_40 : memref<624x64xf32, #tpu.memory_space<hbm>>)
      tpu.yield
    }) : () -> ()
    %eq3A_30 = arith.constant 15 : i32
    %eq3A_31 = arith.cmpi eq, %arg1, %eq3A_30 : i32
    %convert_element_type3A_32 = arith.extui %eq3A_31 : i1 to i32
    %cond3A_33 = arith.constant 0 : i32
    %cond3A_34 = arith.cmpi ne, %convert_element_type3A_32, %cond3A_33 : i32
    scf.if %cond3A_34 {
      "tpu.region"() ({
        %run_scoped3A = tpu.sem_alloc : memref<!tpu.dma_semaphore, #tpu.memory_space<semaphore_mem>>
        %dma_start3A = arith.constant 9984 : i32
        %dma_start3A_35 = arith.constant 0 : i32
        %dma_start3A_36 = tpu.memref_slice %arg4[%arg0, %dma_start3A, %dma_start3A_35] : memref<2x10000x64xf32, #tpu.memory_space<hbm>> -> memref<1x16x64xf32, #tpu.memory_space<hbm>>
        %dma_start3A_37 = tpu.memref_squeeze %dma_start3A_36 : memref<1x16x64xf32, #tpu.memory_space<hbm>> -> memref<16x64xf32, #tpu.memory_space<hbm>>
        %dma_start3A_38 = arith.constant 9984 : i32
        %dma_start3A_39 = arith.constant 0 : i32
        %dma_start3A_40 = tpu.memref_slice %arg8[%dma_start3A_38, %dma_start3A_39] : memref<10000x64xf32, #tpu.memory_space<vmem_shared>> -> memref<16x64xf32, #tpu.memory_space<vmem_shared>>
        tpu.enqueue_dma source(%dma_start3A_40 : memref<16x64xf32, #tpu.memory_space<vmem_shared>>) target(%dma_start3A_37 : memref<16x64xf32, #tpu.memory_space<hbm>>) target_semaphore(%run_scoped3A : memref<!tpu.dma_semaphore, #tpu.memory_space<semaphore_mem>>)
        %dma_wait3A = arith.constant 9984 : i32
        %dma_wait3A_41 = arith.constant 0 : i32
        %dma_wait3A_42 = tpu.memref_slice %arg4[%arg0, %dma_wait3A, %dma_wait3A_41] : memref<2x10000x64xf32, #tpu.memory_space<hbm>> -> memref<1x16x64xf32, #tpu.memory_space<hbm>>
        %dma_wait3A_43 = tpu.memref_squeeze %dma_wait3A_42 : memref<1x16x64xf32, #tpu.memory_space<hbm>> -> memref<16x64xf32, #tpu.memory_space<hbm>>
        %dma_wait3A_44 = arith.constant 9984 : i32
        %dma_wait3A_45 = arith.constant 0 : i32
        %dma_wait3A_46 = tpu.memref_slice %arg8[%dma_wait3A_44, %dma_wait3A_45] : memref<10000x64xf32, #tpu.memory_space<vmem_shared>> -> memref<16x64xf32, #tpu.memory_space<vmem_shared>>
        tpu.wait_dma2 semaphore(%run_scoped3A : memref<!tpu.dma_semaphore, #tpu.memory_space<semaphore_mem>>) src(%dma_wait3A_46 : memref<16x64xf32, #tpu.memory_space<vmem_shared>>) dst(%dma_wait3A_43 : memref<16x64xf32, #tpu.memory_space<hbm>>)
        tpu.yield
      }) : () -> ()
    } else {
    }
    return
  }
}

module attributes {stable_mosaic.version = 14 : i64} {
  func.func @body(%arg0: i32, %arg1: memref<2560x16xf32, #tpu.memory_space<vmem>>, %arg2: memref<2x16xf32, #tpu.memory_space<vmem>>) attributes {dimension_semantics = [#tpu.dimension_semantics<arbitrary>], iteration_bounds = array<i64: 125>, scalar_prefetch = 0 : i64, scratch_operands = 0 : i64, tpu.core_type = #tpu.core_type<tc>, window_params = [{transform_indices = @transform_0, window_bounds = array<i64: 2560, 16>}, {pipeline_mode = #tpu.pipeline_mode<synchronous>, transform_indices = @transform_1, window_bounds = array<i64: 2, 16>}]} {
    %get3A = arith.constant 0 : index
    %get3A_0 = arith.constant 0 : index
    %get3A_1 = vector.load %arg1[%get3A, %get3A_0] : memref<2560x16xf32, #tpu.memory_space<vmem>>, vector<2560x16xf32>
    %reduce_sum3A = arith.constant dense<0.000000e+00> : vector<16xf32>
    %reduce_sum3A_2 = vector.multi_reduction <add>, %get3A_1, %reduce_sum3A [0] : vector<2560x16xf32> to vector<16xf32>
    %mul3A = arith.mulf %get3A_1, %get3A_1 : vector<2560x16xf32>
    %reduce_sum3A_3 = arith.constant dense<0.000000e+00> : vector<16xf32>
    %reduce_sum3A_4 = vector.multi_reduction <add>, %mul3A, %reduce_sum3A_3 [0] : vector<2560x16xf32> to vector<16xf32>
    %stack3A = vector.shape_cast %reduce_sum3A_2 : vector<16xf32> to vector<1x16xf32>
    %stack3A_5 = vector.shape_cast %reduce_sum3A_4 : vector<16xf32> to vector<1x16xf32>
    %stack3A_6 = tpu.concatenate %stack3A, %stack3A_5 in 0 : vector<1x16xf32>, vector<1x16xf32> -> vector<2x16xf32>
    %eq3A = arith.constant 0 : i32
    %eq3A_7 = arith.cmpi eq, %arg0, %eq3A : i32
    %convert_element_type3A = arith.extui %eq3A_7 : i1 to i32
    %cond3A = arith.constant 0 : i32
    %cond3A_8 = arith.cmpi ne, %convert_element_type3A, %cond3A : i32
    scf.if %cond3A_8 {
      %broadcast_in_dim3A = arith.constant 0.000000e+00 : f32
      %broadcast_in_dim3A_14 = vector.broadcast %broadcast_in_dim3A : f32 to vector<2x16xf32>
      %swap3A_15 = arith.constant 0 : index
      %swap3A_16 = arith.constant 0 : index
      %swap3A_17 = vector.load %arg2[%swap3A_15, %swap3A_16] : memref<2x16xf32, #tpu.memory_space<vmem>>, vector<2x16xf32>
      tpu.vector_store %arg2[%swap3A_15, %swap3A_16], %broadcast_in_dim3A_14 {strides = array<i32>} : memref<2x16xf32, #tpu.memory_space<vmem>>, vector<2x16xf32>,
    } else {
    }
    %get3A_9 = arith.constant 0 : index
    %get3A_10 = arith.constant 0 : index
    %get3A_11 = vector.load %arg2[%get3A_9, %get3A_10] : memref<2x16xf32, #tpu.memory_space<vmem>>, vector<2x16xf32>
    %add3A = arith.addf %get3A_11, %stack3A_6 : vector<2x16xf32>
    %swap3A = arith.constant 0 : index
    %swap3A_12 = arith.constant 0 : index
    %swap3A_13 = vector.load %arg2[%swap3A, %swap3A_12] : memref<2x16xf32, #tpu.memory_space<vmem>>, vector<2x16xf32>
    tpu.vector_store %arg2[%swap3A, %swap3A_12], %add3A {strides = array<i32>} : memref<2x16xf32, #tpu.memory_space<vmem>>, vector<2x16xf32>,
    return
  }
  func.func @transform_0(%arg0: i32) -> (i32, i32) {
    %c0_i32 = arith.constant 0 : i32
    %c0_i32_0 = arith.constant 0 : i32
    return %arg0, %c0_i32 : i32, i32
  }
  func.func @transform_1(%arg0: i32) -> (i32, i32) {
    %c0_i32 = arith.constant 0 : i32
    %c0_i32_0 = arith.constant 0 : i32
    %c0_i32_1 = arith.constant 0 : i32
    return %c0_i32, %c0_i32_0 : i32, i32
  }
}

module attributes {stable_mosaic.version = 14 : i64} {
  func.func @body(%arg0: i32, %arg1: memref<2560x128xf32, #tpu.memory_space<vmem>>, %arg2: memref<2560x128xf32, #tpu.memory_space<vmem>>, %arg3: memref<2560x16xf32, #tpu.memory_space<vmem>>, %arg4: memref<4x272xf32, #tpu.memory_space<vmem>>, %arg5: memref<272x64xf32, #tpu.memory_space<vmem>>, %arg6: memref<1x64xf32, #tpu.memory_space<vmem>>, %arg7: memref<2560x64xf32, #tpu.memory_space<vmem>>, %arg8: memref<2x64xf32, #tpu.memory_space<vmem>>) attributes {dimension_semantics = [#tpu.dimension_semantics<arbitrary>], iteration_bounds = array<i64: 125>, scalar_prefetch = 0 : i64, scratch_operands = 0 : i64, tpu.core_type = #tpu.core_type<tc>, window_params = [{transform_indices = @transform_0, window_bounds = array<i64: 2560, 128>}, {transform_indices = @transform_1, window_bounds = array<i64: 2560, 128>}, {transform_indices = @transform_2, window_bounds = array<i64: 2560, 16>}, {pipeline_mode = #tpu.pipeline_mode<synchronous>, transform_indices = @transform_3, window_bounds = array<i64: 4, 272>}, {pipeline_mode = #tpu.pipeline_mode<synchronous>, transform_indices = @transform_4, window_bounds = array<i64: 272, 64>}, {pipeline_mode = #tpu.pipeline_mode<synchronous>, transform_indices = @transform_5, window_bounds = array<i64: 1, 64>}, {transform_indices = @transform_6, window_bounds = array<i64: 2560, 64>}, {pipeline_mode = #tpu.pipeline_mode<synchronous>, transform_indices = @transform_7, window_bounds = array<i64: 2, 64>}]} {
    %get3A = arith.constant 0 : index
    %get3A_0 = arith.constant 0 : index
    %get3A_1 = vector.load %arg1[%get3A, %get3A_0] : memref<2560x128xf32, #tpu.memory_space<vmem>>, vector<2560x128xf32>
    %get3A_2 = arith.constant 0 : index
    %get3A_3 = arith.constant 0 : index
    %get3A_4 = vector.load %arg2[%get3A_2, %get3A_3] : memref<2560x128xf32, #tpu.memory_space<vmem>>, vector<2560x128xf32>
    %get3A_5 = arith.constant 0 : index
    %get3A_6 = arith.constant 0 : index
    %get3A_7 = vector.load %arg3[%get3A_5, %get3A_6] : memref<2560x16xf32, #tpu.memory_space<vmem>>, vector<2560x16xf32>
    %concatenate3A = tpu.concatenate %get3A_1, %get3A_4, %get3A_7 in 1 : vector<2560x128xf32>, vector<2560x128xf32>, vector<2560x16xf32> -> vector<2560x272xf32>
    %get3A_8 = arith.constant 0 : index
    %get3A_9 = arith.constant 0 : index
    %get3A_10 = vector.load %arg4[%get3A_8, %get3A_9] : memref<4x272xf32, #tpu.memory_space<vmem>>, vector<1x272xf32>
    %get3A_11 = arith.constant 2 : index
    %get3A_12 = arith.constant 0 : index
    %get3A_13 = vector.load %arg4[%get3A_11, %get3A_12] : memref<4x272xf32, #tpu.memory_space<vmem>>, vector<1x272xf32>
    %sub3A = vector.broadcast %get3A_13 : vector<1x272xf32> to vector<2560x272xf32>
    %sub3A_14 = arith.subf %concatenate3A, %sub3A : vector<2560x272xf32>
    %mul3A = vector.broadcast %get3A_10 : vector<1x272xf32> to vector<2560x272xf32>
    %mul3A_15 = arith.mulf %mul3A, %sub3A_14 : vector<2560x272xf32>
    %get3A_16 = arith.constant 3 : index
    %get3A_17 = arith.constant 0 : index
    %get3A_18 = vector.load %arg4[%get3A_16, %get3A_17] : memref<4x272xf32, #tpu.memory_space<vmem>>, vector<1x272xf32>
    %add3A = arith.constant 9.99999974E-6 : f32
    %add3A_19 = vector.broadcast %add3A : f32 to vector<1x272xf32>
    %add3A_20 = arith.addf %get3A_18, %add3A_19 : vector<1x272xf32>
    %sqrt3A = math.sqrt %add3A_20 : vector<1x272xf32>
    %div3A = vector.broadcast %sqrt3A : vector<1x272xf32> to vector<2560x272xf32>
    %div3A_21 = arith.divf %mul3A_15, %div3A : vector<2560x272xf32>
    %get3A_22 = arith.constant 1 : index
    %get3A_23 = arith.constant 0 : index
    %get3A_24 = vector.load %arg4[%get3A_22, %get3A_23] : memref<4x272xf32, #tpu.memory_space<vmem>>, vector<1x272xf32>
    %add3A_25 = vector.broadcast %get3A_24 : vector<1x272xf32> to vector<2560x272xf32>
    %add3A_26 = arith.addf %div3A_21, %add3A_25 : vector<2560x272xf32>
    %get3A_27 = arith.constant 0 : index
    %get3A_28 = arith.constant 0 : index
    %get3A_29 = vector.load %arg5[%get3A_27, %get3A_28] : memref<272x64xf32, #tpu.memory_space<vmem>>, vector<272x64xf32>
    %dot_general3A = arith.constant dense<0.000000e+00> : vector<2560x64xf32>
    %dot_general3A_30 = tpu.matmul %add3A_26, %get3A_29, %dot_general3A {dimension_numbers = #tpu.dot_dimension_numbers<[1], [0], [0], [1], [0, 0, 1, 1], [], []>, transpose_lhs_hint = false} : vector<2560x272xf32>, vector<272x64xf32>, vector<2560x64xf32> -> vector<2560x64xf32>
    %get3A_31 = arith.constant 0 : index
    %get3A_32 = arith.constant 0 : index
    %get3A_33 = vector.load %arg6[%get3A_31, %get3A_32] : memref<1x64xf32, #tpu.memory_space<vmem>>, vector<1x64xf32>
    %add3A_34 = vector.broadcast %get3A_33 : vector<1x64xf32> to vector<2560x64xf32>
    %add3A_35 = arith.addf %dot_general3A_30, %add3A_34 : vector<2560x64xf32>
    %ge3A = arith.constant 0.000000e+00 : f32
    %ge3A_36 = vector.broadcast %ge3A : f32 to vector<2560x64xf32>
    %ge3A_37 = arith.cmpf oge, %add3A_35, %ge3A_36 : vector<2560x64xf32>
    %mul3A_38 = arith.constant 1.000000e-01 : f32
    %mul3A_39 = vector.broadcast %mul3A_38 : f32 to vector<2560x64xf32>
    %mul3A_40 = arith.mulf %mul3A_39, %add3A_35 : vector<2560x64xf32>
    %select_n3A = arith.select %ge3A_37, %add3A_35, %mul3A_40 : vector<2560x64xi1>, vector<2560x64xf32>
    %swap3A = arith.constant 0 : index
    %swap3A_41 = arith.constant 0 : index
    %swap3A_42 = vector.load %arg7[%swap3A, %swap3A_41] : memref<2560x64xf32, #tpu.memory_space<vmem>>, vector<2560x64xf32>
    tpu.vector_store %arg7[%swap3A, %swap3A_41], %select_n3A {strides = array<i32>} : memref<2560x64xf32, #tpu.memory_space<vmem>>, vector<2560x64xf32>,
    %eq3A = arith.constant 0 : i32
    %eq3A_43 = arith.cmpi eq, %arg0, %eq3A : i32
    %convert_element_type3A = arith.extui %eq3A_43 : i1 to i32
    %cond3A = arith.constant 0 : i32
    %cond3A_44 = arith.cmpi ne, %convert_element_type3A, %cond3A : i32
    scf.if %cond3A_44 {
      %broadcast_in_dim3A = arith.constant 0.000000e+00 : f32
      %broadcast_in_dim3A_58 = vector.broadcast %broadcast_in_dim3A : f32 to vector<2x64xf32>
      %swap3A_59 = arith.constant 0 : index
      %swap3A_60 = arith.constant 0 : index
      %swap3A_61 = vector.load %arg8[%swap3A_59, %swap3A_60] : memref<2x64xf32, #tpu.memory_space<vmem>>, vector<2x64xf32>
      tpu.vector_store %arg8[%swap3A_59, %swap3A_60], %broadcast_in_dim3A_58 {strides = array<i32>} : memref<2x64xf32, #tpu.memory_space<vmem>>, vector<2x64xf32>,
    } else {
    }
    %get3A_45 = arith.constant 0 : index
    %get3A_46 = arith.constant 0 : index
    %get3A_47 = vector.load %arg8[%get3A_45, %get3A_46] : memref<2x64xf32, #tpu.memory_space<vmem>>, vector<2x64xf32>
    %reduce_sum3A = arith.constant dense<0.000000e+00> : vector<64xf32>
    %reduce_sum3A_48 = vector.multi_reduction <add>, %select_n3A, %reduce_sum3A [0] : vector<2560x64xf32> to vector<64xf32>
    %mul3A_49 = arith.mulf %select_n3A, %select_n3A : vector<2560x64xf32>
    %reduce_sum3A_50 = arith.constant dense<0.000000e+00> : vector<64xf32>
    %reduce_sum3A_51 = vector.multi_reduction <add>, %mul3A_49, %reduce_sum3A_50 [0] : vector<2560x64xf32> to vector<64xf32>
    %stack3A = vector.shape_cast %reduce_sum3A_48 : vector<64xf32> to vector<1x64xf32>
    %stack3A_52 = vector.shape_cast %reduce_sum3A_51 : vector<64xf32> to vector<1x64xf32>
    %stack3A_53 = tpu.concatenate %stack3A, %stack3A_52 in 0 : vector<1x64xf32>, vector<1x64xf32> -> vector<2x64xf32>
    %add3A_54 = arith.addf %get3A_47, %stack3A_53 : vector<2x64xf32>
    %swap3A_55 = arith.constant 0 : index
    %swap3A_56 = arith.constant 0 : index
    %swap3A_57 = vector.load %arg8[%swap3A_55, %swap3A_56] : memref<2x64xf32, #tpu.memory_space<vmem>>, vector<2x64xf32>
    tpu.vector_store %arg8[%swap3A_55, %swap3A_56], %add3A_54 {strides = array<i32>} : memref<2x64xf32, #tpu.memory_space<vmem>>, vector<2x64xf32>,
    return
  }
  func.func @transform_0(%arg0: i32) -> (i32, i32) {
    %c0_i32 = arith.constant 0 : i32
    %c0_i32_0 = arith.constant 0 : i32
    return %arg0, %c0_i32 : i32, i32
  }
  func.func @transform_1(%arg0: i32) -> (i32, i32) {
    %c0_i32 = arith.constant 0 : i32
    %c0_i32_0 = arith.constant 0 : i32
    return %arg0, %c0_i32 : i32, i32
  }
  func.func @transform_2(%arg0: i32) -> (i32, i32) {
    %c0_i32 = arith.constant 0 : i32
    %c0_i32_0 = arith.constant 0 : i32
    return %arg0, %c0_i32 : i32, i32
  }
  func.func @transform_3(%arg0: i32) -> (i32, i32) {
    %c0_i32 = arith.constant 0 : i32
    %c0_i32_0 = arith.constant 0 : i32
    %c0_i32_1 = arith.constant 0 : i32
    return %c0_i32, %c0_i32_0 : i32, i32
  }
  func.func @transform_4(%arg0: i32) -> (i32, i32) {
    %c0_i32 = arith.constant 0 : i32
    %c0_i32_0 = arith.constant 0 : i32
    %c0_i32_1 = arith.constant 0 : i32
    return %c0_i32, %c0_i32_0 : i32, i32
  }
  func.func @transform_5(%arg0: i32) -> (i32, i32) {
    %c0_i32 = arith.constant 0 : i32
    %c0_i32_0 = arith.constant 0 : i32
    %c0_i32_1 = arith.constant 0 : i32
    return %c0_i32, %c0_i32_0 : i32, i32
  }
  func.func @transform_6(%arg0: i32) -> (i32, i32) {
    %c0_i32 = arith.constant 0 : i32
    %c0_i32_0 = arith.constant 0 : i32
    return %arg0, %c0_i32 : i32, i32
  }
  func.func @transform_7(%arg0: i32) -> (i32, i32) {
    %c0_i32 = arith.constant 0 : i32
    %c0_i32_0 = arith.constant 0 : i32
    %c0_i32_1 = arith.constant 0 : i32
    return %c0_i32, %c0_i32_0 : i32, i32
  }
}

module attributes {stable_mosaic.version = 14 : i64} {
  func.func @body(%arg0: i32, %arg1: memref<2560x64xf32, #tpu.memory_space<vmem>>, %arg2: memref<4x64xf32, #tpu.memory_space<vmem>>, %arg3: memref<64x64xf32, #tpu.memory_space<vmem>>, %arg4: memref<1x64xf32, #tpu.memory_space<vmem>>, %arg5: memref<2560x64xf32, #tpu.memory_space<vmem>>, %arg6: memref<2x64xf32, #tpu.memory_space<vmem>>) attributes {dimension_semantics = [#tpu.dimension_semantics<arbitrary>], iteration_bounds = array<i64: 125>, scalar_prefetch = 0 : i64, scratch_operands = 0 : i64, tpu.core_type = #tpu.core_type<tc>, window_params = [{transform_indices = @transform_0, window_bounds = array<i64: 2560, 64>}, {pipeline_mode = #tpu.pipeline_mode<synchronous>, transform_indices = @transform_1, window_bounds = array<i64: 4, 64>}, {pipeline_mode = #tpu.pipeline_mode<synchronous>, transform_indices = @transform_2, window_bounds = array<i64: 64, 64>}, {pipeline_mode = #tpu.pipeline_mode<synchronous>, transform_indices = @transform_3, window_bounds = array<i64: 1, 64>}, {transform_indices = @transform_4, window_bounds = array<i64: 2560, 64>}, {pipeline_mode = #tpu.pipeline_mode<synchronous>, transform_indices = @transform_5, window_bounds = array<i64: 2, 64>}]} {
    %get3A = arith.constant 0 : index
    %get3A_0 = arith.constant 0 : index
    %get3A_1 = vector.load %arg1[%get3A, %get3A_0] : memref<2560x64xf32, #tpu.memory_space<vmem>>, vector<2560x64xf32>
    %get3A_2 = arith.constant 0 : index
    %get3A_3 = arith.constant 0 : index
    %get3A_4 = vector.load %arg2[%get3A_2, %get3A_3] : memref<4x64xf32, #tpu.memory_space<vmem>>, vector<1x64xf32>
    %get3A_5 = arith.constant 2 : index
    %get3A_6 = arith.constant 0 : index
    %get3A_7 = vector.load %arg2[%get3A_5, %get3A_6] : memref<4x64xf32, #tpu.memory_space<vmem>>, vector<1x64xf32>
    %sub3A = vector.broadcast %get3A_7 : vector<1x64xf32> to vector<2560x64xf32>
    %sub3A_8 = arith.subf %get3A_1, %sub3A : vector<2560x64xf32>
    %mul3A = vector.broadcast %get3A_4 : vector<1x64xf32> to vector<2560x64xf32>
    %mul3A_9 = arith.mulf %mul3A, %sub3A_8 : vector<2560x64xf32>
    %get3A_10 = arith.constant 3 : index
    %get3A_11 = arith.constant 0 : index
    %get3A_12 = vector.load %arg2[%get3A_10, %get3A_11] : memref<4x64xf32, #tpu.memory_space<vmem>>, vector<1x64xf32>
    %add3A = arith.constant 9.99999974E-6 : f32
    %add3A_13 = vector.broadcast %add3A : f32 to vector<1x64xf32>
    %add3A_14 = arith.addf %get3A_12, %add3A_13 : vector<1x64xf32>
    %sqrt3A = math.sqrt %add3A_14 : vector<1x64xf32>
    %div3A = vector.broadcast %sqrt3A : vector<1x64xf32> to vector<2560x64xf32>
    %div3A_15 = arith.divf %mul3A_9, %div3A : vector<2560x64xf32>
    %get3A_16 = arith.constant 1 : index
    %get3A_17 = arith.constant 0 : index
    %get3A_18 = vector.load %arg2[%get3A_16, %get3A_17] : memref<4x64xf32, #tpu.memory_space<vmem>>, vector<1x64xf32>
    %add3A_19 = vector.broadcast %get3A_18 : vector<1x64xf32> to vector<2560x64xf32>
    %add3A_20 = arith.addf %div3A_15, %add3A_19 : vector<2560x64xf32>
    %get3A_21 = arith.constant 0 : index
    %get3A_22 = arith.constant 0 : index
    %get3A_23 = vector.load %arg3[%get3A_21, %get3A_22] : memref<64x64xf32, #tpu.memory_space<vmem>>, vector<64x64xf32>
    %dot_general3A = arith.constant dense<0.000000e+00> : vector<2560x64xf32>
    %dot_general3A_24 = tpu.matmul %add3A_20, %get3A_23, %dot_general3A {dimension_numbers = #tpu.dot_dimension_numbers<[1], [0], [0], [1], [0, 0, 1, 1], [], []>, transpose_lhs_hint = false} : vector<2560x64xf32>, vector<64x64xf32>, vector<2560x64xf32> -> vector<2560x64xf32>
    %get3A_25 = arith.constant 0 : index
    %get3A_26 = arith.constant 0 : index
    %get3A_27 = vector.load %arg4[%get3A_25, %get3A_26] : memref<1x64xf32, #tpu.memory_space<vmem>>, vector<1x64xf32>
    %add3A_28 = vector.broadcast %get3A_27 : vector<1x64xf32> to vector<2560x64xf32>
    %add3A_29 = arith.addf %dot_general3A_24, %add3A_28 : vector<2560x64xf32>
    %ge3A = arith.constant 0.000000e+00 : f32
    %ge3A_30 = vector.broadcast %ge3A : f32 to vector<2560x64xf32>
    %ge3A_31 = arith.cmpf oge, %add3A_29, %ge3A_30 : vector<2560x64xf32>
    %mul3A_32 = arith.constant 1.000000e-01 : f32
    %mul3A_33 = vector.broadcast %mul3A_32 : f32 to vector<2560x64xf32>
    %mul3A_34 = arith.mulf %mul3A_33, %add3A_29 : vector<2560x64xf32>
    %select_n3A = arith.select %ge3A_31, %add3A_29, %mul3A_34 : vector<2560x64xi1>, vector<2560x64xf32>
    %swap3A = arith.constant 0 : index
    %swap3A_35 = arith.constant 0 : index
    %swap3A_36 = vector.load %arg5[%swap3A, %swap3A_35] : memref<2560x64xf32, #tpu.memory_space<vmem>>, vector<2560x64xf32>
    tpu.vector_store %arg5[%swap3A, %swap3A_35], %select_n3A {strides = array<i32>} : memref<2560x64xf32, #tpu.memory_space<vmem>>, vector<2560x64xf32>,
    %eq3A = arith.constant 0 : i32
    %eq3A_37 = arith.cmpi eq, %arg0, %eq3A : i32
    %convert_element_type3A = arith.extui %eq3A_37 : i1 to i32
    %cond3A = arith.constant 0 : i32
    %cond3A_38 = arith.cmpi ne, %convert_element_type3A, %cond3A : i32
    scf.if %cond3A_38 {
      %broadcast_in_dim3A = arith.constant 0.000000e+00 : f32
      %broadcast_in_dim3A_52 = vector.broadcast %broadcast_in_dim3A : f32 to vector<2x64xf32>
      %swap3A_53 = arith.constant 0 : index
      %swap3A_54 = arith.constant 0 : index
      %swap3A_55 = vector.load %arg6[%swap3A_53, %swap3A_54] : memref<2x64xf32, #tpu.memory_space<vmem>>, vector<2x64xf32>
      tpu.vector_store %arg6[%swap3A_53, %swap3A_54], %broadcast_in_dim3A_52 {strides = array<i32>} : memref<2x64xf32, #tpu.memory_space<vmem>>, vector<2x64xf32>,
    } else {
    }
    %get3A_39 = arith.constant 0 : index
    %get3A_40 = arith.constant 0 : index
    %get3A_41 = vector.load %arg6[%get3A_39, %get3A_40] : memref<2x64xf32, #tpu.memory_space<vmem>>, vector<2x64xf32>
    %reduce_sum3A = arith.constant dense<0.000000e+00> : vector<64xf32>
    %reduce_sum3A_42 = vector.multi_reduction <add>, %select_n3A, %reduce_sum3A [0] : vector<2560x64xf32> to vector<64xf32>
    %mul3A_43 = arith.mulf %select_n3A, %select_n3A : vector<2560x64xf32>
    %reduce_sum3A_44 = arith.constant dense<0.000000e+00> : vector<64xf32>
    %reduce_sum3A_45 = vector.multi_reduction <add>, %mul3A_43, %reduce_sum3A_44 [0] : vector<2560x64xf32> to vector<64xf32>
    %stack3A = vector.shape_cast %reduce_sum3A_42 : vector<64xf32> to vector<1x64xf32>
    %stack3A_46 = vector.shape_cast %reduce_sum3A_45 : vector<64xf32> to vector<1x64xf32>
    %stack3A_47 = tpu.concatenate %stack3A, %stack3A_46 in 0 : vector<1x64xf32>, vector<1x64xf32> -> vector<2x64xf32>
    %add3A_48 = arith.addf %get3A_41, %stack3A_47 : vector<2x64xf32>
    %swap3A_49 = arith.constant 0 : index
    %swap3A_50 = arith.constant 0 : index
    %swap3A_51 = vector.load %arg6[%swap3A_49, %swap3A_50] : memref<2x64xf32, #tpu.memory_space<vmem>>, vector<2x64xf32>
    tpu.vector_store %arg6[%swap3A_49, %swap3A_50], %add3A_48 {strides = array<i32>} : memref<2x64xf32, #tpu.memory_space<vmem>>, vector<2x64xf32>,
    return
  }
  func.func @transform_0(%arg0: i32) -> (i32, i32) {
    %c0_i32 = arith.constant 0 : i32
    %c0_i32_0 = arith.constant 0 : i32
    return %arg0, %c0_i32 : i32, i32
  }
  func.func @transform_1(%arg0: i32) -> (i32, i32) {
    %c0_i32 = arith.constant 0 : i32
    %c0_i32_0 = arith.constant 0 : i32
    %c0_i32_1 = arith.constant 0 : i32
    return %c0_i32, %c0_i32_0 : i32, i32
  }
  func.func @transform_2(%arg0: i32) -> (i32, i32) {
    %c0_i32 = arith.constant 0 : i32
    %c0_i32_0 = arith.constant 0 : i32
    %c0_i32_1 = arith.constant 0 : i32
    return %c0_i32, %c0_i32_0 : i32, i32
  }
  func.func @transform_3(%arg0: i32) -> (i32, i32) {
    %c0_i32 = arith.constant 0 : i32
    %c0_i32_0 = arith.constant 0 : i32
    %c0_i32_1 = arith.constant 0 : i32
    return %c0_i32, %c0_i32_0 : i32, i32
  }
  func.func @transform_4(%arg0: i32) -> (i32, i32) {
    %c0_i32 = arith.constant 0 : i32
    %c0_i32_0 = arith.constant 0 : i32
    return %arg0, %c0_i32 : i32, i32
  }
  func.func @transform_5(%arg0: i32) -> (i32, i32) {
    %c0_i32 = arith.constant 0 : i32
    %c0_i32_0 = arith.constant 0 : i32
    %c0_i32_1 = arith.constant 0 : i32
    return %c0_i32, %c0_i32_0 : i32, i32
  }
}

module attributes {stable_mosaic.version = 14 : i64} {
  func.func @body(%arg0: i32, %arg1: memref<2560x64xf32, #tpu.memory_space<vmem>>, %arg2: memref<4x64xf32, #tpu.memory_space<vmem>>, %arg3: memref<64x64xf32, #tpu.memory_space<vmem>>, %arg4: memref<1x64xf32, #tpu.memory_space<vmem>>, %arg5: memref<2560x64xf32, #tpu.memory_space<vmem>>, %arg6: memref<2x64xf32, #tpu.memory_space<vmem>>) attributes {dimension_semantics = [#tpu.dimension_semantics<arbitrary>], iteration_bounds = array<i64: 125>, scalar_prefetch = 0 : i64, scratch_operands = 0 : i64, tpu.core_type = #tpu.core_type<tc>, window_params = [{transform_indices = @transform_0, window_bounds = array<i64: 2560, 64>}, {pipeline_mode = #tpu.pipeline_mode<synchronous>, transform_indices = @transform_1, window_bounds = array<i64: 4, 64>}, {pipeline_mode = #tpu.pipeline_mode<synchronous>, transform_indices = @transform_2, window_bounds = array<i64: 64, 64>}, {pipeline_mode = #tpu.pipeline_mode<synchronous>, transform_indices = @transform_3, window_bounds = array<i64: 1, 64>}, {transform_indices = @transform_4, window_bounds = array<i64: 2560, 64>}, {pipeline_mode = #tpu.pipeline_mode<synchronous>, transform_indices = @transform_5, window_bounds = array<i64: 2, 64>}]} {
    %get3A = arith.constant 0 : index
    %get3A_0 = arith.constant 0 : index
    %get3A_1 = vector.load %arg1[%get3A, %get3A_0] : memref<2560x64xf32, #tpu.memory_space<vmem>>, vector<2560x64xf32>
    %get3A_2 = arith.constant 0 : index
    %get3A_3 = arith.constant 0 : index
    %get3A_4 = vector.load %arg2[%get3A_2, %get3A_3] : memref<4x64xf32, #tpu.memory_space<vmem>>, vector<1x64xf32>
    %get3A_5 = arith.constant 2 : index
    %get3A_6 = arith.constant 0 : index
    %get3A_7 = vector.load %arg2[%get3A_5, %get3A_6] : memref<4x64xf32, #tpu.memory_space<vmem>>, vector<1x64xf32>
    %sub3A = vector.broadcast %get3A_7 : vector<1x64xf32> to vector<2560x64xf32>
    %sub3A_8 = arith.subf %get3A_1, %sub3A : vector<2560x64xf32>
    %mul3A = vector.broadcast %get3A_4 : vector<1x64xf32> to vector<2560x64xf32>
    %mul3A_9 = arith.mulf %mul3A, %sub3A_8 : vector<2560x64xf32>
    %get3A_10 = arith.constant 3 : index
    %get3A_11 = arith.constant 0 : index
    %get3A_12 = vector.load %arg2[%get3A_10, %get3A_11] : memref<4x64xf32, #tpu.memory_space<vmem>>, vector<1x64xf32>
    %add3A = arith.constant 9.99999974E-6 : f32
    %add3A_13 = vector.broadcast %add3A : f32 to vector<1x64xf32>
    %add3A_14 = arith.addf %get3A_12, %add3A_13 : vector<1x64xf32>
    %sqrt3A = math.sqrt %add3A_14 : vector<1x64xf32>
    %div3A = vector.broadcast %sqrt3A : vector<1x64xf32> to vector<2560x64xf32>
    %div3A_15 = arith.divf %mul3A_9, %div3A : vector<2560x64xf32>
    %get3A_16 = arith.constant 1 : index
    %get3A_17 = arith.constant 0 : index
    %get3A_18 = vector.load %arg2[%get3A_16, %get3A_17] : memref<4x64xf32, #tpu.memory_space<vmem>>, vector<1x64xf32>
    %add3A_19 = vector.broadcast %get3A_18 : vector<1x64xf32> to vector<2560x64xf32>
    %add3A_20 = arith.addf %div3A_15, %add3A_19 : vector<2560x64xf32>
    %get3A_21 = arith.constant 0 : index
    %get3A_22 = arith.constant 0 : index
    %get3A_23 = vector.load %arg3[%get3A_21, %get3A_22] : memref<64x64xf32, #tpu.memory_space<vmem>>, vector<64x64xf32>
    %dot_general3A = arith.constant dense<0.000000e+00> : vector<2560x64xf32>
    %dot_general3A_24 = tpu.matmul %add3A_20, %get3A_23, %dot_general3A {dimension_numbers = #tpu.dot_dimension_numbers<[1], [0], [0], [1], [0, 0, 1, 1], [], []>, transpose_lhs_hint = false} : vector<2560x64xf32>, vector<64x64xf32>, vector<2560x64xf32> -> vector<2560x64xf32>
    %get3A_25 = arith.constant 0 : index
    %get3A_26 = arith.constant 0 : index
    %get3A_27 = vector.load %arg4[%get3A_25, %get3A_26] : memref<1x64xf32, #tpu.memory_space<vmem>>, vector<1x64xf32>
    %add3A_28 = vector.broadcast %get3A_27 : vector<1x64xf32> to vector<2560x64xf32>
    %add3A_29 = arith.addf %dot_general3A_24, %add3A_28 : vector<2560x64xf32>
    %swap3A = arith.constant 0 : index
    %swap3A_30 = arith.constant 0 : index
    %swap3A_31 = vector.load %arg5[%swap3A, %swap3A_30] : memref<2560x64xf32, #tpu.memory_space<vmem>>, vector<2560x64xf32>
    tpu.vector_store %arg5[%swap3A, %swap3A_30], %add3A_29 {strides = array<i32>} : memref<2560x64xf32, #tpu.memory_space<vmem>>, vector<2560x64xf32>,
    %eq3A = arith.constant 0 : i32
    %eq3A_32 = arith.cmpi eq, %arg0, %eq3A : i32
    %convert_element_type3A = arith.extui %eq3A_32 : i1 to i32
    %cond3A = arith.constant 0 : i32
    %cond3A_33 = arith.cmpi ne, %convert_element_type3A, %cond3A : i32
    scf.if %cond3A_33 {
      %broadcast_in_dim3A = arith.constant 0.000000e+00 : f32
      %broadcast_in_dim3A_47 = vector.broadcast %broadcast_in_dim3A : f32 to vector<2x64xf32>
      %swap3A_48 = arith.constant 0 : index
      %swap3A_49 = arith.constant 0 : index
      %swap3A_50 = vector.load %arg6[%swap3A_48, %swap3A_49] : memref<2x64xf32, #tpu.memory_space<vmem>>, vector<2x64xf32>
      tpu.vector_store %arg6[%swap3A_48, %swap3A_49], %broadcast_in_dim3A_47 {strides = array<i32>} : memref<2x64xf32, #tpu.memory_space<vmem>>, vector<2x64xf32>,
    } else {
    }
    %get3A_34 = arith.constant 0 : index
    %get3A_35 = arith.constant 0 : index
    %get3A_36 = vector.load %arg6[%get3A_34, %get3A_35] : memref<2x64xf32, #tpu.memory_space<vmem>>, vector<2x64xf32>
    %reduce_sum3A = arith.constant dense<0.000000e+00> : vector<64xf32>
    %reduce_sum3A_37 = vector.multi_reduction <add>, %add3A_29, %reduce_sum3A [0] : vector<2560x64xf32> to vector<64xf32>
    %mul3A_38 = arith.mulf %add3A_29, %add3A_29 : vector<2560x64xf32>
    %reduce_sum3A_39 = arith.constant dense<0.000000e+00> : vector<64xf32>
    %reduce_sum3A_40 = vector.multi_reduction <add>, %mul3A_38, %reduce_sum3A_39 [0] : vector<2560x64xf32> to vector<64xf32>
    %stack3A = vector.shape_cast %reduce_sum3A_37 : vector<64xf32> to vector<1x64xf32>
    %stack3A_41 = vector.shape_cast %reduce_sum3A_40 : vector<64xf32> to vector<1x64xf32>
    %stack3A_42 = tpu.concatenate %stack3A, %stack3A_41 in 0 : vector<1x64xf32>, vector<1x64xf32> -> vector<2x64xf32>
    %add3A_43 = arith.addf %get3A_36, %stack3A_42 : vector<2x64xf32>
    %swap3A_44 = arith.constant 0 : index
    %swap3A_45 = arith.constant 0 : index
    %swap3A_46 = vector.load %arg6[%swap3A_44, %swap3A_45] : memref<2x64xf32, #tpu.memory_space<vmem>>, vector<2x64xf32>
    tpu.vector_store %arg6[%swap3A_44, %swap3A_45], %add3A_43 {strides = array<i32>} : memref<2x64xf32, #tpu.memory_space<vmem>>, vector<2x64xf32>,
    return
  }
  func.func @transform_0(%arg0: i32) -> (i32, i32) {
    %c0_i32 = arith.constant 0 : i32
    %c0_i32_0 = arith.constant 0 : i32
    return %arg0, %c0_i32 : i32, i32
  }
  func.func @transform_1(%arg0: i32) -> (i32, i32) {
    %c0_i32 = arith.constant 0 : i32
    %c0_i32_0 = arith.constant 0 : i32
    %c0_i32_1 = arith.constant 0 : i32
    return %c0_i32, %c0_i32_0 : i32, i32
  }
  func.func @transform_2(%arg0: i32) -> (i32, i32) {
    %c0_i32 = arith.constant 0 : i32
    %c0_i32_0 = arith.constant 0 : i32
    %c0_i32_1 = arith.constant 0 : i32
    return %c0_i32, %c0_i32_0 : i32, i32
  }
  func.func @transform_3(%arg0: i32) -> (i32, i32) {
    %c0_i32 = arith.constant 0 : i32
    %c0_i32_0 = arith.constant 0 : i32
    %c0_i32_1 = arith.constant 0 : i32
    return %c0_i32, %c0_i32_0 : i32, i32
  }
  func.func @transform_4(%arg0: i32) -> (i32, i32) {
    %c0_i32 = arith.constant 0 : i32
    %c0_i32_0 = arith.constant 0 : i32
    return %arg0, %c0_i32 : i32, i32
  }
  func.func @transform_5(%arg0: i32) -> (i32, i32) {
    %c0_i32 = arith.constant 0 : i32
    %c0_i32_0 = arith.constant 0 : i32
    %c0_i32_1 = arith.constant 0 : i32
    return %c0_i32, %c0_i32_0 : i32, i32
  }
}

module attributes {stable_mosaic.version = 14 : i64} {
  func.func @body(%arg0: i32, %arg1: memref<2560x128xf32, #tpu.memory_space<vmem>>, %arg2: memref<2560x64xf32, #tpu.memory_space<vmem>>, %arg3: memref<4x192xf32, #tpu.memory_space<vmem>>, %arg4: memref<192x64xf32, #tpu.memory_space<vmem>>, %arg5: memref<1x64xf32, #tpu.memory_space<vmem>>, %arg6: memref<2560x64xf32, #tpu.memory_space<vmem>>, %arg7: memref<2x64xf32, #tpu.memory_space<vmem>>) attributes {dimension_semantics = [#tpu.dimension_semantics<arbitrary>], iteration_bounds = array<i64: 125>, scalar_prefetch = 0 : i64, scratch_operands = 0 : i64, tpu.core_type = #tpu.core_type<tc>, window_params = [{transform_indices = @transform_0, window_bounds = array<i64: 2560, 128>}, {transform_indices = @transform_1, window_bounds = array<i64: 2560, 64>}, {pipeline_mode = #tpu.pipeline_mode<synchronous>, transform_indices = @transform_2, window_bounds = array<i64: 4, 192>}, {pipeline_mode = #tpu.pipeline_mode<synchronous>, transform_indices = @transform_3, window_bounds = array<i64: 192, 64>}, {pipeline_mode = #tpu.pipeline_mode<synchronous>, transform_indices = @transform_4, window_bounds = array<i64: 1, 64>}, {transform_indices = @transform_5, window_bounds = array<i64: 2560, 64>}, {pipeline_mode = #tpu.pipeline_mode<synchronous>, transform_indices = @transform_6, window_bounds = array<i64: 2, 64>}]} {
    %get3A = arith.constant 0 : index
    %get3A_0 = arith.constant 0 : index
    %get3A_1 = vector.load %arg1[%get3A, %get3A_0] : memref<2560x128xf32, #tpu.memory_space<vmem>>, vector<2560x128xf32>
    %get3A_2 = arith.constant 0 : index
    %get3A_3 = arith.constant 0 : index
    %get3A_4 = vector.load %arg2[%get3A_2, %get3A_3] : memref<2560x64xf32, #tpu.memory_space<vmem>>, vector<2560x64xf32>
    %concatenate3A = tpu.concatenate %get3A_1, %get3A_4 in 1 : vector<2560x128xf32>, vector<2560x64xf32> -> vector<2560x192xf32>
    %get3A_5 = arith.constant 0 : index
    %get3A_6 = arith.constant 0 : index
    %get3A_7 = vector.load %arg3[%get3A_5, %get3A_6] : memref<4x192xf32, #tpu.memory_space<vmem>>, vector<1x192xf32>
    %get3A_8 = arith.constant 2 : index
    %get3A_9 = arith.constant 0 : index
    %get3A_10 = vector.load %arg3[%get3A_8, %get3A_9] : memref<4x192xf32, #tpu.memory_space<vmem>>, vector<1x192xf32>
    %sub3A = vector.broadcast %get3A_10 : vector<1x192xf32> to vector<2560x192xf32>
    %sub3A_11 = arith.subf %concatenate3A, %sub3A : vector<2560x192xf32>
    %mul3A = vector.broadcast %get3A_7 : vector<1x192xf32> to vector<2560x192xf32>
    %mul3A_12 = arith.mulf %mul3A, %sub3A_11 : vector<2560x192xf32>
    %get3A_13 = arith.constant 3 : index
    %get3A_14 = arith.constant 0 : index
    %get3A_15 = vector.load %arg3[%get3A_13, %get3A_14] : memref<4x192xf32, #tpu.memory_space<vmem>>, vector<1x192xf32>
    %add3A = arith.constant 9.99999974E-6 : f32
    %add3A_16 = vector.broadcast %add3A : f32 to vector<1x192xf32>
    %add3A_17 = arith.addf %get3A_15, %add3A_16 : vector<1x192xf32>
    %sqrt3A = math.sqrt %add3A_17 : vector<1x192xf32>
    %div3A = vector.broadcast %sqrt3A : vector<1x192xf32> to vector<2560x192xf32>
    %div3A_18 = arith.divf %mul3A_12, %div3A : vector<2560x192xf32>
    %get3A_19 = arith.constant 1 : index
    %get3A_20 = arith.constant 0 : index
    %get3A_21 = vector.load %arg3[%get3A_19, %get3A_20] : memref<4x192xf32, #tpu.memory_space<vmem>>, vector<1x192xf32>
    %add3A_22 = vector.broadcast %get3A_21 : vector<1x192xf32> to vector<2560x192xf32>
    %add3A_23 = arith.addf %div3A_18, %add3A_22 : vector<2560x192xf32>
    %get3A_24 = arith.constant 0 : index
    %get3A_25 = arith.constant 0 : index
    %get3A_26 = vector.load %arg4[%get3A_24, %get3A_25] : memref<192x64xf32, #tpu.memory_space<vmem>>, vector<192x64xf32>
    %dot_general3A = arith.constant dense<0.000000e+00> : vector<2560x64xf32>
    %dot_general3A_27 = tpu.matmul %add3A_23, %get3A_26, %dot_general3A {dimension_numbers = #tpu.dot_dimension_numbers<[1], [0], [0], [1], [0, 0, 1, 1], [], []>, transpose_lhs_hint = false} : vector<2560x192xf32>, vector<192x64xf32>, vector<2560x64xf32> -> vector<2560x64xf32>
    %get3A_28 = arith.constant 0 : index
    %get3A_29 = arith.constant 0 : index
    %get3A_30 = vector.load %arg5[%get3A_28, %get3A_29] : memref<1x64xf32, #tpu.memory_space<vmem>>, vector<1x64xf32>
    %add3A_31 = vector.broadcast %get3A_30 : vector<1x64xf32> to vector<2560x64xf32>
    %add3A_32 = arith.addf %dot_general3A_27, %add3A_31 : vector<2560x64xf32>
    %ge3A = arith.constant 0.000000e+00 : f32
    %ge3A_33 = vector.broadcast %ge3A : f32 to vector<2560x64xf32>
    %ge3A_34 = arith.cmpf oge, %add3A_32, %ge3A_33 : vector<2560x64xf32>
    %mul3A_35 = arith.constant 1.000000e-01 : f32
    %mul3A_36 = vector.broadcast %mul3A_35 : f32 to vector<2560x64xf32>
    %mul3A_37 = arith.mulf %mul3A_36, %add3A_32 : vector<2560x64xf32>
    %select_n3A = arith.select %ge3A_34, %add3A_32, %mul3A_37 : vector<2560x64xi1>, vector<2560x64xf32>
    %swap3A = arith.constant 0 : index
    %swap3A_38 = arith.constant 0 : index
    %swap3A_39 = vector.load %arg6[%swap3A, %swap3A_38] : memref<2560x64xf32, #tpu.memory_space<vmem>>, vector<2560x64xf32>
    tpu.vector_store %arg6[%swap3A, %swap3A_38], %select_n3A {strides = array<i32>} : memref<2560x64xf32, #tpu.memory_space<vmem>>, vector<2560x64xf32>,
    %eq3A = arith.constant 0 : i32
    %eq3A_40 = arith.cmpi eq, %arg0, %eq3A : i32
    %convert_element_type3A = arith.extui %eq3A_40 : i1 to i32
    %cond3A = arith.constant 0 : i32
    %cond3A_41 = arith.cmpi ne, %convert_element_type3A, %cond3A : i32
    scf.if %cond3A_41 {
      %broadcast_in_dim3A = arith.constant 0.000000e+00 : f32
      %broadcast_in_dim3A_55 = vector.broadcast %broadcast_in_dim3A : f32 to vector<2x64xf32>
      %swap3A_56 = arith.constant 0 : index
      %swap3A_57 = arith.constant 0 : index
      %swap3A_58 = vector.load %arg7[%swap3A_56, %swap3A_57] : memref<2x64xf32, #tpu.memory_space<vmem>>, vector<2x64xf32>
      tpu.vector_store %arg7[%swap3A_56, %swap3A_57], %broadcast_in_dim3A_55 {strides = array<i32>} : memref<2x64xf32, #tpu.memory_space<vmem>>, vector<2x64xf32>,
    } else {
    }
    %get3A_42 = arith.constant 0 : index
    %get3A_43 = arith.constant 0 : index
    %get3A_44 = vector.load %arg7[%get3A_42, %get3A_43] : memref<2x64xf32, #tpu.memory_space<vmem>>, vector<2x64xf32>
    %reduce_sum3A = arith.constant dense<0.000000e+00> : vector<64xf32>
    %reduce_sum3A_45 = vector.multi_reduction <add>, %select_n3A, %reduce_sum3A [0] : vector<2560x64xf32> to vector<64xf32>
    %mul3A_46 = arith.mulf %select_n3A, %select_n3A : vector<2560x64xf32>
    %reduce_sum3A_47 = arith.constant dense<0.000000e+00> : vector<64xf32>
    %reduce_sum3A_48 = vector.multi_reduction <add>, %mul3A_46, %reduce_sum3A_47 [0] : vector<2560x64xf32> to vector<64xf32>
    %stack3A = vector.shape_cast %reduce_sum3A_45 : vector<64xf32> to vector<1x64xf32>
    %stack3A_49 = vector.shape_cast %reduce_sum3A_48 : vector<64xf32> to vector<1x64xf32>
    %stack3A_50 = tpu.concatenate %stack3A, %stack3A_49 in 0 : vector<1x64xf32>, vector<1x64xf32> -> vector<2x64xf32>
    %add3A_51 = arith.addf %get3A_44, %stack3A_50 : vector<2x64xf32>
    %swap3A_52 = arith.constant 0 : index
    %swap3A_53 = arith.constant 0 : index
    %swap3A_54 = vector.load %arg7[%swap3A_52, %swap3A_53] : memref<2x64xf32, #tpu.memory_space<vmem>>, vector<2x64xf32>
    tpu.vector_store %arg7[%swap3A_52, %swap3A_53], %add3A_51 {strides = array<i32>} : memref<2x64xf32, #tpu.memory_space<vmem>>, vector<2x64xf32>,
    return
  }
  func.func @transform_0(%arg0: i32) -> (i32, i32) {
    %c0_i32 = arith.constant 0 : i32
    %c0_i32_0 = arith.constant 0 : i32
    return %arg0, %c0_i32 : i32, i32
  }
  func.func @transform_1(%arg0: i32) -> (i32, i32) {
    %c0_i32 = arith.constant 0 : i32
    %c0_i32_0 = arith.constant 0 : i32
    return %arg0, %c0_i32 : i32, i32
  }
  func.func @transform_2(%arg0: i32) -> (i32, i32) {
    %c0_i32 = arith.constant 0 : i32
    %c0_i32_0 = arith.constant 0 : i32
    %c0_i32_1 = arith.constant 0 : i32
    return %c0_i32, %c0_i32_0 : i32, i32
  }
  func.func @transform_3(%arg0: i32) -> (i32, i32) {
    %c0_i32 = arith.constant 0 : i32
    %c0_i32_0 = arith.constant 0 : i32
    %c0_i32_1 = arith.constant 0 : i32
    return %c0_i32, %c0_i32_0 : i32, i32
  }
  func.func @transform_4(%arg0: i32) -> (i32, i32) {
    %c0_i32 = arith.constant 0 : i32
    %c0_i32_0 = arith.constant 0 : i32
    %c0_i32_1 = arith.constant 0 : i32
    return %c0_i32, %c0_i32_0 : i32, i32
  }
  func.func @transform_5(%arg0: i32) -> (i32, i32) {
    %c0_i32 = arith.constant 0 : i32
    %c0_i32_0 = arith.constant 0 : i32
    return %arg0, %c0_i32 : i32, i32
  }
  func.func @transform_6(%arg0: i32) -> (i32, i32) {
    %c0_i32 = arith.constant 0 : i32
    %c0_i32_0 = arith.constant 0 : i32
    %c0_i32_1 = arith.constant 0 : i32
    return %c0_i32, %c0_i32_0 : i32, i32
  }
}

module attributes {stable_mosaic.version = 14 : i64} {
  func.func @body(%arg0: i32, %arg1: memref<2560x64xf32, #tpu.memory_space<vmem>>, %arg2: memref<4x64xf32, #tpu.memory_space<vmem>>, %arg3: memref<64x64xf32, #tpu.memory_space<vmem>>, %arg4: memref<1x64xf32, #tpu.memory_space<vmem>>, %arg5: memref<2560x64xf32, #tpu.memory_space<vmem>>) attributes {dimension_semantics = [#tpu.dimension_semantics<arbitrary>], iteration_bounds = array<i64: 125>, scalar_prefetch = 0 : i64, scratch_operands = 0 : i64, tpu.core_type = #tpu.core_type<tc>, window_params = [{transform_indices = @transform_0, window_bounds = array<i64: 2560, 64>}, {pipeline_mode = #tpu.pipeline_mode<synchronous>, transform_indices = @transform_1, window_bounds = array<i64: 4, 64>}, {pipeline_mode = #tpu.pipeline_mode<synchronous>, transform_indices = @transform_2, window_bounds = array<i64: 64, 64>}, {pipeline_mode = #tpu.pipeline_mode<synchronous>, transform_indices = @transform_3, window_bounds = array<i64: 1, 64>}, {transform_indices = @transform_4, window_bounds = array<i64: 2560, 64>}]} {
    %get3A = arith.constant 0 : index
    %get3A_0 = arith.constant 0 : index
    %get3A_1 = vector.load %arg1[%get3A, %get3A_0] : memref<2560x64xf32, #tpu.memory_space<vmem>>, vector<2560x64xf32>
    %get3A_2 = arith.constant 0 : index
    %get3A_3 = arith.constant 0 : index
    %get3A_4 = vector.load %arg2[%get3A_2, %get3A_3] : memref<4x64xf32, #tpu.memory_space<vmem>>, vector<1x64xf32>
    %get3A_5 = arith.constant 2 : index
    %get3A_6 = arith.constant 0 : index
    %get3A_7 = vector.load %arg2[%get3A_5, %get3A_6] : memref<4x64xf32, #tpu.memory_space<vmem>>, vector<1x64xf32>
    %sub3A = vector.broadcast %get3A_7 : vector<1x64xf32> to vector<2560x64xf32>
    %sub3A_8 = arith.subf %get3A_1, %sub3A : vector<2560x64xf32>
    %mul3A = vector.broadcast %get3A_4 : vector<1x64xf32> to vector<2560x64xf32>
    %mul3A_9 = arith.mulf %mul3A, %sub3A_8 : vector<2560x64xf32>
    %get3A_10 = arith.constant 3 : index
    %get3A_11 = arith.constant 0 : index
    %get3A_12 = vector.load %arg2[%get3A_10, %get3A_11] : memref<4x64xf32, #tpu.memory_space<vmem>>, vector<1x64xf32>
    %add3A = arith.constant 9.99999974E-6 : f32
    %add3A_13 = vector.broadcast %add3A : f32 to vector<1x64xf32>
    %add3A_14 = arith.addf %get3A_12, %add3A_13 : vector<1x64xf32>
    %sqrt3A = math.sqrt %add3A_14 : vector<1x64xf32>
    %div3A = vector.broadcast %sqrt3A : vector<1x64xf32> to vector<2560x64xf32>
    %div3A_15 = arith.divf %mul3A_9, %div3A : vector<2560x64xf32>
    %get3A_16 = arith.constant 1 : index
    %get3A_17 = arith.constant 0 : index
    %get3A_18 = vector.load %arg2[%get3A_16, %get3A_17] : memref<4x64xf32, #tpu.memory_space<vmem>>, vector<1x64xf32>
    %add3A_19 = vector.broadcast %get3A_18 : vector<1x64xf32> to vector<2560x64xf32>
    %add3A_20 = arith.addf %div3A_15, %add3A_19 : vector<2560x64xf32>
    %get3A_21 = arith.constant 0 : index
    %get3A_22 = arith.constant 0 : index
    %get3A_23 = vector.load %arg3[%get3A_21, %get3A_22] : memref<64x64xf32, #tpu.memory_space<vmem>>, vector<64x64xf32>
    %dot_general3A = arith.constant dense<0.000000e+00> : vector<2560x64xf32>
    %dot_general3A_24 = tpu.matmul %add3A_20, %get3A_23, %dot_general3A {dimension_numbers = #tpu.dot_dimension_numbers<[1], [0], [0], [1], [0, 0, 1, 1], [], []>, transpose_lhs_hint = false} : vector<2560x64xf32>, vector<64x64xf32>, vector<2560x64xf32> -> vector<2560x64xf32>
    %get3A_25 = arith.constant 0 : index
    %get3A_26 = arith.constant 0 : index
    %get3A_27 = vector.load %arg4[%get3A_25, %get3A_26] : memref<1x64xf32, #tpu.memory_space<vmem>>, vector<1x64xf32>
    %add3A_28 = vector.broadcast %get3A_27 : vector<1x64xf32> to vector<2560x64xf32>
    %add3A_29 = arith.addf %dot_general3A_24, %add3A_28 : vector<2560x64xf32>
    %swap3A = arith.constant 0 : index
    %swap3A_30 = arith.constant 0 : index
    %swap3A_31 = vector.load %arg5[%swap3A, %swap3A_30] : memref<2560x64xf32, #tpu.memory_space<vmem>>, vector<2560x64xf32>
    tpu.vector_store %arg5[%swap3A, %swap3A_30], %add3A_29 {strides = array<i32>} : memref<2560x64xf32, #tpu.memory_space<vmem>>, vector<2560x64xf32>,
    return
  }
  func.func @transform_0(%arg0: i32) -> (i32, i32) {
    %c0_i32 = arith.constant 0 : i32
    %c0_i32_0 = arith.constant 0 : i32
    return %arg0, %c0_i32 : i32, i32
  }
  func.func @transform_1(%arg0: i32) -> (i32, i32) {
    %c0_i32 = arith.constant 0 : i32
    %c0_i32_0 = arith.constant 0 : i32
    %c0_i32_1 = arith.constant 0 : i32
    return %c0_i32, %c0_i32_0 : i32, i32
  }
  func.func @transform_2(%arg0: i32) -> (i32, i32) {
    %c0_i32 = arith.constant 0 : i32
    %c0_i32_0 = arith.constant 0 : i32
    %c0_i32_1 = arith.constant 0 : i32
    return %c0_i32, %c0_i32_0 : i32, i32
  }
  func.func @transform_3(%arg0: i32) -> (i32, i32) {
    %c0_i32 = arith.constant 0 : i32
    %c0_i32_0 = arith.constant 0 : i32
    %c0_i32_1 = arith.constant 0 : i32
    return %c0_i32, %c0_i32_0 : i32, i32
  }
  func.func @transform_4(%arg0: i32) -> (i32, i32) {
    %c0_i32 = arith.constant 0 : i32
    %c0_i32_0 = arith.constant 0 : i32
    return %arg0, %c0_i32 : i32, i32
  }
}

module attributes {stable_mosaic.version = 14 : i64} {
  func.func @body(%arg0: memref<10000x128xf32, #tpu.memory_space<vmem>>, %arg1: memref<2x10000x64xf32, #tpu.memory_space<vmem>>, %arg2: memref<10000x2xf32, #tpu.memory_space<vmem>>, %arg3: memref<2x192xf32, #tpu.memory_space<vmem>>, %arg4: memref<192x64xf32, #tpu.memory_space<vmem>>, %arg5: memref<3x64xf32, #tpu.memory_space<vmem>>, %arg6: memref<4x64xf32, #tpu.memory_space<vmem>>, %arg7: memref<64x64xf32, #tpu.memory_space<vmem>>, %arg8: memref<64x64xf32, #tpu.memory_space<vmem>>, %arg9: memref<10000x64xf32, #tpu.memory_space<vmem>>) attributes {dimension_semantics = [], scalar_prefetch = 0 : i64, scratch_operands = 0 : i64, tpu.core_type = #tpu.core_type<tc>} {
    %get3A = arith.constant 0 : index
    %get3A_0 = arith.constant 1 : index
    %get3A_1 = vector.load %arg2[%get3A, %get3A_0] : memref<10000x2xf32, #tpu.memory_space<vmem>>, vector<10000x1xf32>
    %get3A_2 = arith.constant 0 : index
    %get3A_3 = arith.constant 0 : index
    %get3A_4 = arith.constant 0 : index
    %get3A_5 = vector.load %arg1[%get3A_2, %get3A_3, %get3A_4] : memref<2x10000x64xf32, #tpu.memory_space<vmem>>, vector<1x10000x64xf32>
    %get3A_6 = vector.shape_cast %get3A_5 : vector<1x10000x64xf32> to vector<10000x64xf32>
    %get3A_7 = arith.constant 1 : index
    %get3A_8 = arith.constant 0 : index
    %get3A_9 = arith.constant 0 : index
    %get3A_10 = vector.load %arg1[%get3A_7, %get3A_8, %get3A_9] : memref<2x10000x64xf32, #tpu.memory_space<vmem>>, vector<1x10000x64xf32>
    %get3A_11 = vector.shape_cast %get3A_10 : vector<1x10000x64xf32> to vector<10000x64xf32>
    %add3A = arith.addf %get3A_6, %get3A_11 : vector<10000x64xf32>
    %max3A = arith.constant 1.000000e+00 : f32
    %max3A_12 = vector.broadcast %max3A : f32 to vector<10000x1xf32>
    %max3A_13 = arith.maximumf %get3A_1, %max3A_12 : vector<10000x1xf32>
    %div3A = vector.broadcast %max3A_13 : vector<10000x1xf32> to vector<10000x64xf32>
    %div3A_14 = arith.divf %add3A, %div3A : vector<10000x64xf32>
    %get3A_15 = arith.constant 0 : index
    %get3A_16 = arith.constant 0 : index
    %get3A_17 = vector.load %arg0[%get3A_15, %get3A_16] : memref<10000x128xf32, #tpu.memory_space<vmem>>, vector<10000x128xf32>
    %concatenate3A = tpu.concatenate %get3A_17, %div3A_14 in 1 : vector<10000x128xf32>, vector<10000x64xf32> -> vector<10000x192xf32>
    %get3A_18 = arith.constant 0 : index
    %get3A_19 = arith.constant 0 : index
    %get3A_20 = vector.load %arg3[%get3A_18, %get3A_19] : memref<2x192xf32, #tpu.memory_space<vmem>>, vector<1x192xf32>
    %get3A_21 = vector.shape_cast %get3A_20 : vector<1x192xf32> to vector<192xf32>
    %get3A_22 = arith.constant 1 : index
    %get3A_23 = arith.constant 0 : index
    %get3A_24 = vector.load %arg3[%get3A_22, %get3A_23] : memref<2x192xf32, #tpu.memory_space<vmem>>, vector<1x192xf32>
    %get3A_25 = vector.shape_cast %get3A_24 : vector<1x192xf32> to vector<192xf32>
    %reduce_sum3A = arith.constant dense<0.000000e+00> : vector<192xf32>
    %reduce_sum3A_26 = vector.multi_reduction <add>, %concatenate3A, %reduce_sum3A [0] : vector<10000x192xf32> to vector<192xf32>
    %div3A_27 = arith.constant 1.000000e+04 : f32
    %div3A_28 = vector.broadcast %div3A_27 : f32 to vector<192xf32>
    %div3A_29 = arith.divf %reduce_sum3A_26, %div3A_28 : vector<192xf32>
    %broadcast_in_dim3A = vector.shape_cast %div3A_29 : vector<192xf32> to vector<1x192xf32>
    %sub3A = vector.broadcast %broadcast_in_dim3A : vector<1x192xf32> to vector<10000x192xf32>
    %sub3A_30 = arith.subf %concatenate3A, %sub3A : vector<10000x192xf32>
    %abs3A = math.absf %sub3A_30 : vector<10000x192xf32>
    %integer_pow3A = arith.mulf %abs3A, %abs3A : vector<10000x192xf32>
    %reduce_sum3A_31 = arith.constant dense<0.000000e+00> : vector<192xf32>
    %reduce_sum3A_32 = vector.multi_reduction <add>, %integer_pow3A, %reduce_sum3A_31 [0] : vector<10000x192xf32> to vector<192xf32>
    %div3A_33 = arith.constant 1.000000e+04 : f32
    %div3A_34 = vector.broadcast %div3A_33 : f32 to vector<192xf32>
    %div3A_35 = arith.divf %reduce_sum3A_32, %div3A_34 : vector<192xf32>
    %broadcast_in_dim3A_36 = vector.shape_cast %div3A_29 : vector<192xf32> to vector<1x192xf32>
    %sub3A_37 = vector.broadcast %broadcast_in_dim3A_36 : vector<1x192xf32> to vector<10000x192xf32>
    %sub3A_38 = arith.subf %concatenate3A, %sub3A_37 : vector<10000x192xf32>
    %broadcast_in_dim3A_39 = vector.shape_cast %get3A_21 : vector<192xf32> to vector<1x192xf32>
    %mul3A = vector.broadcast %broadcast_in_dim3A_39 : vector<1x192xf32> to vector<10000x192xf32>
    %mul3A_40 = arith.mulf %mul3A, %sub3A_38 : vector<10000x192xf32>
    %add3A_41 = arith.constant 9.99999974E-6 : f32
    %add3A_42 = vector.broadcast %add3A_41 : f32 to vector<192xf32>
    %add3A_43 = arith.addf %div3A_35, %add3A_42 : vector<192xf32>
    %sqrt3A = math.sqrt %add3A_43 : vector<192xf32>
    %broadcast_in_dim3A_44 = vector.shape_cast %sqrt3A : vector<192xf32> to vector<1x192xf32>
    %div3A_45 = vector.broadcast %broadcast_in_dim3A_44 : vector<1x192xf32> to vector<10000x192xf32>
    %div3A_46 = arith.divf %mul3A_40, %div3A_45 : vector<10000x192xf32>
    %broadcast_in_dim3A_47 = vector.shape_cast %get3A_25 : vector<192xf32> to vector<1x192xf32>
    %add3A_48 = vector.broadcast %broadcast_in_dim3A_47 : vector<1x192xf32> to vector<10000x192xf32>
    %add3A_49 = arith.addf %div3A_46, %add3A_48 : vector<10000x192xf32>
    %get3A_50 = arith.constant 0 : index
    %get3A_51 = arith.constant 0 : index
    %get3A_52 = vector.load %arg4[%get3A_50, %get3A_51] : memref<192x64xf32, #tpu.memory_space<vmem>>, vector<192x64xf32>
    %dot_general3A = arith.constant dense<0.000000e+00> : vector<10000x64xf32>
    %dot_general3A_53 = tpu.matmul %add3A_49, %get3A_52, %dot_general3A {dimension_numbers = #tpu.dot_dimension_numbers<[1], [0], [0], [1], [0, 0, 1, 1], [], []>, transpose_lhs_hint = false} : vector<10000x192xf32>, vector<192x64xf32>, vector<10000x64xf32> -> vector<10000x64xf32>
    %get3A_54 = arith.constant 0 : index
    %get3A_55 = arith.constant 0 : index
    %get3A_56 = vector.load %arg5[%get3A_54, %get3A_55] : memref<3x64xf32, #tpu.memory_space<vmem>>, vector<1x64xf32>
    %add3A_57 = vector.broadcast %get3A_56 : vector<1x64xf32> to vector<10000x64xf32>
    %add3A_58 = arith.addf %dot_general3A_53, %add3A_57 : vector<10000x64xf32>
    %ge3A = arith.constant 0.000000e+00 : f32
    %ge3A_59 = vector.broadcast %ge3A : f32 to vector<10000x64xf32>
    %ge3A_60 = arith.cmpf oge, %add3A_58, %ge3A_59 : vector<10000x64xf32>
    %mul3A_61 = arith.constant 1.000000e-01 : f32
    %mul3A_62 = vector.broadcast %mul3A_61 : f32 to vector<10000x64xf32>
    %mul3A_63 = arith.mulf %mul3A_62, %add3A_58 : vector<10000x64xf32>
    %select_n3A = arith.select %ge3A_60, %add3A_58, %mul3A_63 : vector<10000x64xi1>, vector<10000x64xf32>
    %get3A_64 = arith.constant 0 : index
    %get3A_65 = arith.constant 0 : index
    %get3A_66 = vector.load %arg6[%get3A_64, %get3A_65] : memref<4x64xf32, #tpu.memory_space<vmem>>, vector<1x64xf32>
    %get3A_67 = vector.shape_cast %get3A_66 : vector<1x64xf32> to vector<64xf32>
    %get3A_68 = arith.constant 1 : index
    %get3A_69 = arith.constant 0 : index
    %get3A_70 = vector.load %arg6[%get3A_68, %get3A_69] : memref<4x64xf32, #tpu.memory_space<vmem>>, vector<1x64xf32>
    %get3A_71 = vector.shape_cast %get3A_70 : vector<1x64xf32> to vector<64xf32>
    %reduce_sum3A_72 = arith.constant dense<0.000000e+00> : vector<64xf32>
    %reduce_sum3A_73 = vector.multi_reduction <add>, %select_n3A, %reduce_sum3A_72 [0] : vector<10000x64xf32> to vector<64xf32>
    %div3A_74 = arith.constant 1.000000e+04 : f32
    %div3A_75 = vector.broadcast %div3A_74 : f32 to vector<64xf32>
    %div3A_76 = arith.divf %reduce_sum3A_73, %div3A_75 : vector<64xf32>
    %broadcast_in_dim3A_77 = vector.shape_cast %div3A_76 : vector<64xf32> to vector<1x64xf32>
    %sub3A_78 = vector.broadcast %broadcast_in_dim3A_77 : vector<1x64xf32> to vector<10000x64xf32>
    %sub3A_79 = arith.subf %select_n3A, %sub3A_78 : vector<10000x64xf32>
    %abs3A_80 = math.absf %sub3A_79 : vector<10000x64xf32>
    %integer_pow3A_81 = arith.mulf %abs3A_80, %abs3A_80 : vector<10000x64xf32>
    %reduce_sum3A_82 = arith.constant dense<0.000000e+00> : vector<64xf32>
    %reduce_sum3A_83 = vector.multi_reduction <add>, %integer_pow3A_81, %reduce_sum3A_82 [0] : vector<10000x64xf32> to vector<64xf32>
    %div3A_84 = arith.constant 1.000000e+04 : f32
    %div3A_85 = vector.broadcast %div3A_84 : f32 to vector<64xf32>
    %div3A_86 = arith.divf %reduce_sum3A_83, %div3A_85 : vector<64xf32>
    %broadcast_in_dim3A_87 = vector.shape_cast %div3A_76 : vector<64xf32> to vector<1x64xf32>
    %sub3A_88 = vector.broadcast %broadcast_in_dim3A_87 : vector<1x64xf32> to vector<10000x64xf32>
    %sub3A_89 = arith.subf %select_n3A, %sub3A_88 : vector<10000x64xf32>
    %broadcast_in_dim3A_90 = vector.shape_cast %get3A_67 : vector<64xf32> to vector<1x64xf32>
    %mul3A_91 = vector.broadcast %broadcast_in_dim3A_90 : vector<1x64xf32> to vector<10000x64xf32>
    %mul3A_92 = arith.mulf %mul3A_91, %sub3A_89 : vector<10000x64xf32>
    %add3A_93 = arith.constant 9.99999974E-6 : f32
    %add3A_94 = vector.broadcast %add3A_93 : f32 to vector<64xf32>
    %add3A_95 = arith.addf %div3A_86, %add3A_94 : vector<64xf32>
    %sqrt3A_96 = math.sqrt %add3A_95 : vector<64xf32>
    %broadcast_in_dim3A_97 = vector.shape_cast %sqrt3A_96 : vector<64xf32> to vector<1x64xf32>
    %div3A_98 = vector.broadcast %broadcast_in_dim3A_97 : vector<1x64xf32> to vector<10000x64xf32>
    %div3A_99 = arith.divf %mul3A_92, %div3A_98 : vector<10000x64xf32>
    %broadcast_in_dim3A_100 = vector.shape_cast %get3A_71 : vector<64xf32> to vector<1x64xf32>
    %add3A_101 = vector.broadcast %broadcast_in_dim3A_100 : vector<1x64xf32> to vector<10000x64xf32>
    %add3A_102 = arith.addf %div3A_99, %add3A_101 : vector<10000x64xf32>
    %get3A_103 = arith.constant 0 : index
    %get3A_104 = arith.constant 0 : index
    %get3A_105 = vector.load %arg7[%get3A_103, %get3A_104] : memref<64x64xf32, #tpu.memory_space<vmem>>, vector<64x64xf32>
    %dot_general3A_106 = arith.constant dense<0.000000e+00> : vector<10000x64xf32>
    %dot_general3A_107 = tpu.matmul %add3A_102, %get3A_105, %dot_general3A_106 {dimension_numbers = #tpu.dot_dimension_numbers<[1], [0], [0], [1], [0, 0, 1, 1], [], []>, transpose_lhs_hint = false} : vector<10000x64xf32>, vector<64x64xf32>, vector<10000x64xf32> -> vector<10000x64xf32>
    %get3A_108 = arith.constant 1 : index
    %get3A_109 = arith.constant 0 : index
    %get3A_110 = vector.load %arg5[%get3A_108, %get3A_109] : memref<3x64xf32, #tpu.memory_space<vmem>>, vector<1x64xf32>
    %add3A_111 = vector.broadcast %get3A_110 : vector<1x64xf32> to vector<10000x64xf32>
    %add3A_112 = arith.addf %dot_general3A_107, %add3A_111 : vector<10000x64xf32>
    %ge3A_113 = arith.constant 0.000000e+00 : f32
    %ge3A_114 = vector.broadcast %ge3A_113 : f32 to vector<10000x64xf32>
    %ge3A_115 = arith.cmpf oge, %add3A_112, %ge3A_114 : vector<10000x64xf32>
    %mul3A_116 = arith.constant 1.000000e-01 : f32
    %mul3A_117 = vector.broadcast %mul3A_116 : f32 to vector<10000x64xf32>
    %mul3A_118 = arith.mulf %mul3A_117, %add3A_112 : vector<10000x64xf32>
    %select_n3A_119 = arith.select %ge3A_115, %add3A_112, %mul3A_118 : vector<10000x64xi1>, vector<10000x64xf32>
    %get3A_120 = arith.constant 2 : index
    %get3A_121 = arith.constant 0 : index
    %get3A_122 = vector.load %arg6[%get3A_120, %get3A_121] : memref<4x64xf32, #tpu.memory_space<vmem>>, vector<1x64xf32>
    %get3A_123 = vector.shape_cast %get3A_122 : vector<1x64xf32> to vector<64xf32>
    %get3A_124 = arith.constant 3 : index
    %get3A_125 = arith.constant 0 : index
    %get3A_126 = vector.load %arg6[%get3A_124, %get3A_125] : memref<4x64xf32, #tpu.memory_space<vmem>>, vector<1x64xf32>
    %get3A_127 = vector.shape_cast %get3A_126 : vector<1x64xf32> to vector<64xf32>
    %reduce_sum3A_128 = arith.constant dense<0.000000e+00> : vector<64xf32>
    %reduce_sum3A_129 = vector.multi_reduction <add>, %select_n3A_119, %reduce_sum3A_128 [0] : vector<10000x64xf32> to vector<64xf32>
    %div3A_130 = arith.constant 1.000000e+04 : f32
    %div3A_131 = vector.broadcast %div3A_130 : f32 to vector<64xf32>
    %div3A_132 = arith.divf %reduce_sum3A_129, %div3A_131 : vector<64xf32>
    %broadcast_in_dim3A_133 = vector.shape_cast %div3A_132 : vector<64xf32> to vector<1x64xf32>
    %sub3A_134 = vector.broadcast %broadcast_in_dim3A_133 : vector<1x64xf32> to vector<10000x64xf32>
    %sub3A_135 = arith.subf %select_n3A_119, %sub3A_134 : vector<10000x64xf32>
    %abs3A_136 = math.absf %sub3A_135 : vector<10000x64xf32>
    %integer_pow3A_137 = arith.mulf %abs3A_136, %abs3A_136 : vector<10000x64xf32>
    %reduce_sum3A_138 = arith.constant dense<0.000000e+00> : vector<64xf32>
    %reduce_sum3A_139 = vector.multi_reduction <add>, %integer_pow3A_137, %reduce_sum3A_138 [0] : vector<10000x64xf32> to vector<64xf32>
    %div3A_140 = arith.constant 1.000000e+04 : f32
    %div3A_141 = vector.broadcast %div3A_140 : f32 to vector<64xf32>
    %div3A_142 = arith.divf %reduce_sum3A_139, %div3A_141 : vector<64xf32>
    %broadcast_in_dim3A_143 = vector.shape_cast %div3A_132 : vector<64xf32> to vector<1x64xf32>
    %sub3A_144 = vector.broadcast %broadcast_in_dim3A_143 : vector<1x64xf32> to vector<10000x64xf32>
    %sub3A_145 = arith.subf %select_n3A_119, %sub3A_144 : vector<10000x64xf32>
    %broadcast_in_dim3A_146 = vector.shape_cast %get3A_123 : vector<64xf32> to vector<1x64xf32>
    %mul3A_147 = vector.broadcast %broadcast_in_dim3A_146 : vector<1x64xf32> to vector<10000x64xf32>
    %mul3A_148 = arith.mulf %mul3A_147, %sub3A_145 : vector<10000x64xf32>
    %add3A_149 = arith.constant 9.99999974E-6 : f32
    %add3A_150 = vector.broadcast %add3A_149 : f32 to vector<64xf32>
    %add3A_151 = arith.addf %div3A_142, %add3A_150 : vector<64xf32>
    %sqrt3A_152 = math.sqrt %add3A_151 : vector<64xf32>
    %broadcast_in_dim3A_153 = vector.shape_cast %sqrt3A_152 : vector<64xf32> to vector<1x64xf32>
    %div3A_154 = vector.broadcast %broadcast_in_dim3A_153 : vector<1x64xf32> to vector<10000x64xf32>
    %div3A_155 = arith.divf %mul3A_148, %div3A_154 : vector<10000x64xf32>
    %broadcast_in_dim3A_156 = vector.shape_cast %get3A_127 : vector<64xf32> to vector<1x64xf32>
    %add3A_157 = vector.broadcast %broadcast_in_dim3A_156 : vector<1x64xf32> to vector<10000x64xf32>
    %add3A_158 = arith.addf %div3A_155, %add3A_157 : vector<10000x64xf32>
    %get3A_159 = arith.constant 0 : index
    %get3A_160 = arith.constant 0 : index
    %get3A_161 = vector.load %arg8[%get3A_159, %get3A_160] : memref<64x64xf32, #tpu.memory_space<vmem>>, vector<64x64xf32>
    %dot_general3A_162 = arith.constant dense<0.000000e+00> : vector<10000x64xf32>
    %dot_general3A_163 = tpu.matmul %add3A_158, %get3A_161, %dot_general3A_162 {dimension_numbers = #tpu.dot_dimension_numbers<[1], [0], [0], [1], [0, 0, 1, 1], [], []>, transpose_lhs_hint = false} : vector<10000x64xf32>, vector<64x64xf32>, vector<10000x64xf32> -> vector<10000x64xf32>
    %get3A_164 = arith.constant 2 : index
    %get3A_165 = arith.constant 0 : index
    %get3A_166 = vector.load %arg5[%get3A_164, %get3A_165] : memref<3x64xf32, #tpu.memory_space<vmem>>, vector<1x64xf32>
    %add3A_167 = vector.broadcast %get3A_166 : vector<1x64xf32> to vector<10000x64xf32>
    %add3A_168 = arith.addf %dot_general3A_163, %add3A_167 : vector<10000x64xf32>
    %swap3A = arith.constant 0 : index
    %swap3A_169 = arith.constant 0 : index
    %swap3A_170 = vector.load %arg9[%swap3A, %swap3A_169] : memref<10000x64xf32, #tpu.memory_space<vmem>>, vector<10000x64xf32>
    tpu.vector_store %arg9[%swap3A, %swap3A_169], %add3A_168 {strides = array<i32>} : memref<10000x64xf32, #tpu.memory_space<vmem>>, vector<10000x64xf32>,
    return
  }
}

module attributes {stable_mosaic.version = 14 : i64} {
  func.func @body(%arg0: i32, %arg1: memref<2560x64xf32, #tpu.memory_space<vmem>>, %arg2: memref<2560x64xf32, #tpu.memory_space<vmem>>, %arg3: memref<2560x64xf32, #tpu.memory_space<vmem>>, %arg4: memref<4x192xf32, #tpu.memory_space<vmem>>, %arg5: memref<192x64xf32, #tpu.memory_space<vmem>>, %arg6: memref<1x64xf32, #tpu.memory_space<vmem>>, %arg7: memref<2560x64xf32, #tpu.memory_space<vmem>>, %arg8: memref<2x64xf32, #tpu.memory_space<vmem>>) attributes {dimension_semantics = [#tpu.dimension_semantics<arbitrary>], iteration_bounds = array<i64: 125>, scalar_prefetch = 0 : i64, scratch_operands = 0 : i64, tpu.core_type = #tpu.core_type<tc>, window_params = [{transform_indices = @transform_0, window_bounds = array<i64: 2560, 64>}, {transform_indices = @transform_1, window_bounds = array<i64: 2560, 64>}, {transform_indices = @transform_2, window_bounds = array<i64: 2560, 64>}, {pipeline_mode = #tpu.pipeline_mode<synchronous>, transform_indices = @transform_3, window_bounds = array<i64: 4, 192>}, {pipeline_mode = #tpu.pipeline_mode<synchronous>, transform_indices = @transform_4, window_bounds = array<i64: 192, 64>}, {pipeline_mode = #tpu.pipeline_mode<synchronous>, transform_indices = @transform_5, window_bounds = array<i64: 1, 64>}, {transform_indices = @transform_6, window_bounds = array<i64: 2560, 64>}, {pipeline_mode = #tpu.pipeline_mode<synchronous>, transform_indices = @transform_7, window_bounds = array<i64: 2, 64>}]} {
    %get3A = arith.constant 0 : index
    %get3A_0 = arith.constant 0 : index
    %get3A_1 = vector.load %arg1[%get3A, %get3A_0] : memref<2560x64xf32, #tpu.memory_space<vmem>>, vector<2560x64xf32>
    %get3A_2 = arith.constant 0 : index
    %get3A_3 = arith.constant 0 : index
    %get3A_4 = vector.load %arg2[%get3A_2, %get3A_3] : memref<2560x64xf32, #tpu.memory_space<vmem>>, vector<2560x64xf32>
    %get3A_5 = arith.constant 0 : index
    %get3A_6 = arith.constant 0 : index
    %get3A_7 = vector.load %arg3[%get3A_5, %get3A_6] : memref<2560x64xf32, #tpu.memory_space<vmem>>, vector<2560x64xf32>
    %concatenate3A = tpu.concatenate %get3A_1, %get3A_4, %get3A_7 in 1 : vector<2560x64xf32>, vector<2560x64xf32>, vector<2560x64xf32> -> vector<2560x192xf32>
    %get3A_8 = arith.constant 0 : index
    %get3A_9 = arith.constant 0 : index
    %get3A_10 = vector.load %arg4[%get3A_8, %get3A_9] : memref<4x192xf32, #tpu.memory_space<vmem>>, vector<1x192xf32>
    %get3A_11 = arith.constant 2 : index
    %get3A_12 = arith.constant 0 : index
    %get3A_13 = vector.load %arg4[%get3A_11, %get3A_12] : memref<4x192xf32, #tpu.memory_space<vmem>>, vector<1x192xf32>
    %sub3A = vector.broadcast %get3A_13 : vector<1x192xf32> to vector<2560x192xf32>
    %sub3A_14 = arith.subf %concatenate3A, %sub3A : vector<2560x192xf32>
    %mul3A = vector.broadcast %get3A_10 : vector<1x192xf32> to vector<2560x192xf32>
    %mul3A_15 = arith.mulf %mul3A, %sub3A_14 : vector<2560x192xf32>
    %get3A_16 = arith.constant 3 : index
    %get3A_17 = arith.constant 0 : index
    %get3A_18 = vector.load %arg4[%get3A_16, %get3A_17] : memref<4x192xf32, #tpu.memory_space<vmem>>, vector<1x192xf32>
    %add3A = arith.constant 9.99999974E-6 : f32
    %add3A_19 = vector.broadcast %add3A : f32 to vector<1x192xf32>
    %add3A_20 = arith.addf %get3A_18, %add3A_19 : vector<1x192xf32>
    %sqrt3A = math.sqrt %add3A_20 : vector<1x192xf32>
    %div3A = vector.broadcast %sqrt3A : vector<1x192xf32> to vector<2560x192xf32>
    %div3A_21 = arith.divf %mul3A_15, %div3A : vector<2560x192xf32>
    %get3A_22 = arith.constant 1 : index
    %get3A_23 = arith.constant 0 : index
    %get3A_24 = vector.load %arg4[%get3A_22, %get3A_23] : memref<4x192xf32, #tpu.memory_space<vmem>>, vector<1x192xf32>
    %add3A_25 = vector.broadcast %get3A_24 : vector<1x192xf32> to vector<2560x192xf32>
    %add3A_26 = arith.addf %div3A_21, %add3A_25 : vector<2560x192xf32>
    %get3A_27 = arith.constant 0 : index
    %get3A_28 = arith.constant 0 : index
    %get3A_29 = vector.load %arg5[%get3A_27, %get3A_28] : memref<192x64xf32, #tpu.memory_space<vmem>>, vector<192x64xf32>
    %dot_general3A = arith.constant dense<0.000000e+00> : vector<2560x64xf32>
    %dot_general3A_30 = tpu.matmul %add3A_26, %get3A_29, %dot_general3A {dimension_numbers = #tpu.dot_dimension_numbers<[1], [0], [0], [1], [0, 0, 1, 1], [], []>, transpose_lhs_hint = false} : vector<2560x192xf32>, vector<192x64xf32>, vector<2560x64xf32> -> vector<2560x64xf32>
    %get3A_31 = arith.constant 0 : index
    %get3A_32 = arith.constant 0 : index
    %get3A_33 = vector.load %arg6[%get3A_31, %get3A_32] : memref<1x64xf32, #tpu.memory_space<vmem>>, vector<1x64xf32>
    %add3A_34 = vector.broadcast %get3A_33 : vector<1x64xf32> to vector<2560x64xf32>
    %add3A_35 = arith.addf %dot_general3A_30, %add3A_34 : vector<2560x64xf32>
    %ge3A = arith.constant 0.000000e+00 : f32
    %ge3A_36 = vector.broadcast %ge3A : f32 to vector<2560x64xf32>
    %ge3A_37 = arith.cmpf oge, %add3A_35, %ge3A_36 : vector<2560x64xf32>
    %mul3A_38 = arith.constant 1.000000e-01 : f32
    %mul3A_39 = vector.broadcast %mul3A_38 : f32 to vector<2560x64xf32>
    %mul3A_40 = arith.mulf %mul3A_39, %add3A_35 : vector<2560x64xf32>
    %select_n3A = arith.select %ge3A_37, %add3A_35, %mul3A_40 : vector<2560x64xi1>, vector<2560x64xf32>
    %swap3A = arith.constant 0 : index
    %swap3A_41 = arith.constant 0 : index
    %swap3A_42 = vector.load %arg7[%swap3A, %swap3A_41] : memref<2560x64xf32, #tpu.memory_space<vmem>>, vector<2560x64xf32>
    tpu.vector_store %arg7[%swap3A, %swap3A_41], %select_n3A {strides = array<i32>} : memref<2560x64xf32, #tpu.memory_space<vmem>>, vector<2560x64xf32>,
    %eq3A = arith.constant 0 : i32
    %eq3A_43 = arith.cmpi eq, %arg0, %eq3A : i32
    %convert_element_type3A = arith.extui %eq3A_43 : i1 to i32
    %cond3A = arith.constant 0 : i32
    %cond3A_44 = arith.cmpi ne, %convert_element_type3A, %cond3A : i32
    scf.if %cond3A_44 {
      %broadcast_in_dim3A = arith.constant 0.000000e+00 : f32
      %broadcast_in_dim3A_58 = vector.broadcast %broadcast_in_dim3A : f32 to vector<2x64xf32>
      %swap3A_59 = arith.constant 0 : index
      %swap3A_60 = arith.constant 0 : index
      %swap3A_61 = vector.load %arg8[%swap3A_59, %swap3A_60] : memref<2x64xf32, #tpu.memory_space<vmem>>, vector<2x64xf32>
      tpu.vector_store %arg8[%swap3A_59, %swap3A_60], %broadcast_in_dim3A_58 {strides = array<i32>} : memref<2x64xf32, #tpu.memory_space<vmem>>, vector<2x64xf32>,
    } else {
    }
    %get3A_45 = arith.constant 0 : index
    %get3A_46 = arith.constant 0 : index
    %get3A_47 = vector.load %arg8[%get3A_45, %get3A_46] : memref<2x64xf32, #tpu.memory_space<vmem>>, vector<2x64xf32>
    %reduce_sum3A = arith.constant dense<0.000000e+00> : vector<64xf32>
    %reduce_sum3A_48 = vector.multi_reduction <add>, %select_n3A, %reduce_sum3A [0] : vector<2560x64xf32> to vector<64xf32>
    %mul3A_49 = arith.mulf %select_n3A, %select_n3A : vector<2560x64xf32>
    %reduce_sum3A_50 = arith.constant dense<0.000000e+00> : vector<64xf32>
    %reduce_sum3A_51 = vector.multi_reduction <add>, %mul3A_49, %reduce_sum3A_50 [0] : vector<2560x64xf32> to vector<64xf32>
    %stack3A = vector.shape_cast %reduce_sum3A_48 : vector<64xf32> to vector<1x64xf32>
    %stack3A_52 = vector.shape_cast %reduce_sum3A_51 : vector<64xf32> to vector<1x64xf32>
    %stack3A_53 = tpu.concatenate %stack3A, %stack3A_52 in 0 : vector<1x64xf32>, vector<1x64xf32> -> vector<2x64xf32>
    %add3A_54 = arith.addf %get3A_47, %stack3A_53 : vector<2x64xf32>
    %swap3A_55 = arith.constant 0 : index
    %swap3A_56 = arith.constant 0 : index
    %swap3A_57 = vector.load %arg8[%swap3A_55, %swap3A_56] : memref<2x64xf32, #tpu.memory_space<vmem>>, vector<2x64xf32>
    tpu.vector_store %arg8[%swap3A_55, %swap3A_56], %add3A_54 {strides = array<i32>} : memref<2x64xf32, #tpu.memory_space<vmem>>, vector<2x64xf32>,
    return
  }
  func.func @transform_0(%arg0: i32) -> (i32, i32) {
    %c0_i32 = arith.constant 0 : i32
    %c0_i32_0 = arith.constant 0 : i32
    return %arg0, %c0_i32 : i32, i32
  }
  func.func @transform_1(%arg0: i32) -> (i32, i32) {
    %c0_i32 = arith.constant 0 : i32
    %c0_i32_0 = arith.constant 0 : i32
    return %arg0, %c0_i32 : i32, i32
  }
  func.func @transform_2(%arg0: i32) -> (i32, i32) {
    %c0_i32 = arith.constant 0 : i32
    %c0_i32_0 = arith.constant 0 : i32
    return %arg0, %c0_i32 : i32, i32
  }
  func.func @transform_3(%arg0: i32) -> (i32, i32) {
    %c0_i32 = arith.constant 0 : i32
    %c0_i32_0 = arith.constant 0 : i32
    %c0_i32_1 = arith.constant 0 : i32
    return %c0_i32, %c0_i32_0 : i32, i32
  }
  func.func @transform_4(%arg0: i32) -> (i32, i32) {
    %c0_i32 = arith.constant 0 : i32
    %c0_i32_0 = arith.constant 0 : i32
    %c0_i32_1 = arith.constant 0 : i32
    return %c0_i32, %c0_i32_0 : i32, i32
  }
  func.func @transform_5(%arg0: i32) -> (i32, i32) {
    %c0_i32 = arith.constant 0 : i32
    %c0_i32_0 = arith.constant 0 : i32
    %c0_i32_1 = arith.constant 0 : i32
    return %c0_i32, %c0_i32_0 : i32, i32
  }
  func.func @transform_6(%arg0: i32) -> (i32, i32) {
    %c0_i32 = arith.constant 0 : i32
    %c0_i32_0 = arith.constant 0 : i32
    return %arg0, %c0_i32 : i32, i32
  }
  func.func @transform_7(%arg0: i32) -> (i32, i32) {
    %c0_i32 = arith.constant 0 : i32
    %c0_i32_0 = arith.constant 0 : i32
    %c0_i32_1 = arith.constant 0 : i32
    return %c0_i32, %c0_i32_0 : i32, i32
  }
}

module attributes {stable_mosaic.version = 14 : i64} {
  func.func @body(%arg0: i32, %arg1: memref<2560x64xf32, #tpu.memory_space<vmem>>, %arg2: memref<2560x64xf32, #tpu.memory_space<vmem>>, %arg3: memref<4x128xf32, #tpu.memory_space<vmem>>, %arg4: memref<128x64xf32, #tpu.memory_space<vmem>>, %arg5: memref<1x64xf32, #tpu.memory_space<vmem>>, %arg6: memref<2560x64xf32, #tpu.memory_space<vmem>>, %arg7: memref<2x64xf32, #tpu.memory_space<vmem>>) attributes {dimension_semantics = [#tpu.dimension_semantics<arbitrary>], iteration_bounds = array<i64: 125>, scalar_prefetch = 0 : i64, scratch_operands = 0 : i64, tpu.core_type = #tpu.core_type<tc>, window_params = [{transform_indices = @transform_0, window_bounds = array<i64: 2560, 64>}, {transform_indices = @transform_1, window_bounds = array<i64: 2560, 64>}, {pipeline_mode = #tpu.pipeline_mode<synchronous>, transform_indices = @transform_2, window_bounds = array<i64: 4, 128>}, {pipeline_mode = #tpu.pipeline_mode<synchronous>, transform_indices = @transform_3, window_bounds = array<i64: 128, 64>}, {pipeline_mode = #tpu.pipeline_mode<synchronous>, transform_indices = @transform_4, window_bounds = array<i64: 1, 64>}, {transform_indices = @transform_5, window_bounds = array<i64: 2560, 64>}, {pipeline_mode = #tpu.pipeline_mode<synchronous>, transform_indices = @transform_6, window_bounds = array<i64: 2, 64>}]} {
    %get3A = arith.constant 0 : index
    %get3A_0 = arith.constant 0 : index
    %get3A_1 = vector.load %arg1[%get3A, %get3A_0] : memref<2560x64xf32, #tpu.memory_space<vmem>>, vector<2560x64xf32>
    %get3A_2 = arith.constant 0 : index
    %get3A_3 = arith.constant 0 : index
    %get3A_4 = vector.load %arg2[%get3A_2, %get3A_3] : memref<2560x64xf32, #tpu.memory_space<vmem>>, vector<2560x64xf32>
    %concatenate3A = tpu.concatenate %get3A_1, %get3A_4 in 1 : vector<2560x64xf32>, vector<2560x64xf32> -> vector<2560x128xf32>
    %get3A_5 = arith.constant 0 : index
    %get3A_6 = arith.constant 0 : index
    %get3A_7 = vector.load %arg3[%get3A_5, %get3A_6] : memref<4x128xf32, #tpu.memory_space<vmem>>, vector<1x128xf32>
    %get3A_8 = arith.constant 2 : index
    %get3A_9 = arith.constant 0 : index
    %get3A_10 = vector.load %arg3[%get3A_8, %get3A_9] : memref<4x128xf32, #tpu.memory_space<vmem>>, vector<1x128xf32>
    %sub3A = vector.broadcast %get3A_10 : vector<1x128xf32> to vector<2560x128xf32>
    %sub3A_11 = arith.subf %concatenate3A, %sub3A : vector<2560x128xf32>
    %mul3A = vector.broadcast %get3A_7 : vector<1x128xf32> to vector<2560x128xf32>
    %mul3A_12 = arith.mulf %mul3A, %sub3A_11 : vector<2560x128xf32>
    %get3A_13 = arith.constant 3 : index
    %get3A_14 = arith.constant 0 : index
    %get3A_15 = vector.load %arg3[%get3A_13, %get3A_14] : memref<4x128xf32, #tpu.memory_space<vmem>>, vector<1x128xf32>
    %add3A = arith.constant 9.99999974E-6 : f32
    %add3A_16 = vector.broadcast %add3A : f32 to vector<1x128xf32>
    %add3A_17 = arith.addf %get3A_15, %add3A_16 : vector<1x128xf32>
    %sqrt3A = math.sqrt %add3A_17 : vector<1x128xf32>
    %div3A = vector.broadcast %sqrt3A : vector<1x128xf32> to vector<2560x128xf32>
    %div3A_18 = arith.divf %mul3A_12, %div3A : vector<2560x128xf32>
    %get3A_19 = arith.constant 1 : index
    %get3A_20 = arith.constant 0 : index
    %get3A_21 = vector.load %arg3[%get3A_19, %get3A_20] : memref<4x128xf32, #tpu.memory_space<vmem>>, vector<1x128xf32>
    %add3A_22 = vector.broadcast %get3A_21 : vector<1x128xf32> to vector<2560x128xf32>
    %add3A_23 = arith.addf %div3A_18, %add3A_22 : vector<2560x128xf32>
    %get3A_24 = arith.constant 0 : index
    %get3A_25 = arith.constant 0 : index
    %get3A_26 = vector.load %arg4[%get3A_24, %get3A_25] : memref<128x64xf32, #tpu.memory_space<vmem>>, vector<128x64xf32>
    %dot_general3A = arith.constant dense<0.000000e+00> : vector<2560x64xf32>
    %dot_general3A_27 = tpu.matmul %add3A_23, %get3A_26, %dot_general3A {dimension_numbers = #tpu.dot_dimension_numbers<[1], [0], [0], [1], [0, 0, 1, 1], [], []>, transpose_lhs_hint = false} : vector<2560x128xf32>, vector<128x64xf32>, vector<2560x64xf32> -> vector<2560x64xf32>
    %get3A_28 = arith.constant 0 : index
    %get3A_29 = arith.constant 0 : index
    %get3A_30 = vector.load %arg5[%get3A_28, %get3A_29] : memref<1x64xf32, #tpu.memory_space<vmem>>, vector<1x64xf32>
    %add3A_31 = vector.broadcast %get3A_30 : vector<1x64xf32> to vector<2560x64xf32>
    %add3A_32 = arith.addf %dot_general3A_27, %add3A_31 : vector<2560x64xf32>
    %ge3A = arith.constant 0.000000e+00 : f32
    %ge3A_33 = vector.broadcast %ge3A : f32 to vector<2560x64xf32>
    %ge3A_34 = arith.cmpf oge, %add3A_32, %ge3A_33 : vector<2560x64xf32>
    %mul3A_35 = arith.constant 1.000000e-01 : f32
    %mul3A_36 = vector.broadcast %mul3A_35 : f32 to vector<2560x64xf32>
    %mul3A_37 = arith.mulf %mul3A_36, %add3A_32 : vector<2560x64xf32>
    %select_n3A = arith.select %ge3A_34, %add3A_32, %mul3A_37 : vector<2560x64xi1>, vector<2560x64xf32>
    %swap3A = arith.constant 0 : index
    %swap3A_38 = arith.constant 0 : index
    %swap3A_39 = vector.load %arg6[%swap3A, %swap3A_38] : memref<2560x64xf32, #tpu.memory_space<vmem>>, vector<2560x64xf32>
    tpu.vector_store %arg6[%swap3A, %swap3A_38], %select_n3A {strides = array<i32>} : memref<2560x64xf32, #tpu.memory_space<vmem>>, vector<2560x64xf32>,
    %eq3A = arith.constant 0 : i32
    %eq3A_40 = arith.cmpi eq, %arg0, %eq3A : i32
    %convert_element_type3A = arith.extui %eq3A_40 : i1 to i32
    %cond3A = arith.constant 0 : i32
    %cond3A_41 = arith.cmpi ne, %convert_element_type3A, %cond3A : i32
    scf.if %cond3A_41 {
      %broadcast_in_dim3A = arith.constant 0.000000e+00 : f32
      %broadcast_in_dim3A_55 = vector.broadcast %broadcast_in_dim3A : f32 to vector<2x64xf32>
      %swap3A_56 = arith.constant 0 : index
      %swap3A_57 = arith.constant 0 : index
      %swap3A_58 = vector.load %arg7[%swap3A_56, %swap3A_57] : memref<2x64xf32, #tpu.memory_space<vmem>>, vector<2x64xf32>
      tpu.vector_store %arg7[%swap3A_56, %swap3A_57], %broadcast_in_dim3A_55 {strides = array<i32>} : memref<2x64xf32, #tpu.memory_space<vmem>>, vector<2x64xf32>,
    } else {
    }
    %get3A_42 = arith.constant 0 : index
    %get3A_43 = arith.constant 0 : index
    %get3A_44 = vector.load %arg7[%get3A_42, %get3A_43] : memref<2x64xf32, #tpu.memory_space<vmem>>, vector<2x64xf32>
    %reduce_sum3A = arith.constant dense<0.000000e+00> : vector<64xf32>
    %reduce_sum3A_45 = vector.multi_reduction <add>, %select_n3A, %reduce_sum3A [0] : vector<2560x64xf32> to vector<64xf32>
    %mul3A_46 = arith.mulf %select_n3A, %select_n3A : vector<2560x64xf32>
    %reduce_sum3A_47 = arith.constant dense<0.000000e+00> : vector<64xf32>
    %reduce_sum3A_48 = vector.multi_reduction <add>, %mul3A_46, %reduce_sum3A_47 [0] : vector<2560x64xf32> to vector<64xf32>
    %stack3A = vector.shape_cast %reduce_sum3A_45 : vector<64xf32> to vector<1x64xf32>
    %stack3A_49 = vector.shape_cast %reduce_sum3A_48 : vector<64xf32> to vector<1x64xf32>
    %stack3A_50 = tpu.concatenate %stack3A, %stack3A_49 in 0 : vector<1x64xf32>, vector<1x64xf32> -> vector<2x64xf32>
    %add3A_51 = arith.addf %get3A_44, %stack3A_50 : vector<2x64xf32>
    %swap3A_52 = arith.constant 0 : index
    %swap3A_53 = arith.constant 0 : index
    %swap3A_54 = vector.load %arg7[%swap3A_52, %swap3A_53] : memref<2x64xf32, #tpu.memory_space<vmem>>, vector<2x64xf32>
    tpu.vector_store %arg7[%swap3A_52, %swap3A_53], %add3A_51 {strides = array<i32>} : memref<2x64xf32, #tpu.memory_space<vmem>>, vector<2x64xf32>,
    return
  }
  func.func @transform_0(%arg0: i32) -> (i32, i32) {
    %c0_i32 = arith.constant 0 : i32
    %c0_i32_0 = arith.constant 0 : i32
    return %arg0, %c0_i32 : i32, i32
  }
  func.func @transform_1(%arg0: i32) -> (i32, i32) {
    %c0_i32 = arith.constant 0 : i32
    %c0_i32_0 = arith.constant 0 : i32
    return %arg0, %c0_i32 : i32, i32
  }
  func.func @transform_2(%arg0: i32) -> (i32, i32) {
    %c0_i32 = arith.constant 0 : i32
    %c0_i32_0 = arith.constant 0 : i32
    %c0_i32_1 = arith.constant 0 : i32
    return %c0_i32, %c0_i32_0 : i32, i32
  }
  func.func @transform_3(%arg0: i32) -> (i32, i32) {
    %c0_i32 = arith.constant 0 : i32
    %c0_i32_0 = arith.constant 0 : i32
    %c0_i32_1 = arith.constant 0 : i32
    return %c0_i32, %c0_i32_0 : i32, i32
  }
  func.func @transform_4(%arg0: i32) -> (i32, i32) {
    %c0_i32 = arith.constant 0 : i32
    %c0_i32_0 = arith.constant 0 : i32
    %c0_i32_1 = arith.constant 0 : i32
    return %c0_i32, %c0_i32_0 : i32, i32
  }
  func.func @transform_5(%arg0: i32) -> (i32, i32) {
    %c0_i32 = arith.constant 0 : i32
    %c0_i32_0 = arith.constant 0 : i32
    return %arg0, %c0_i32 : i32, i32
  }
  func.func @transform_6(%arg0: i32) -> (i32, i32) {
    %c0_i32 = arith.constant 0 : i32
    %c0_i32_0 = arith.constant 0 : i32
    %c0_i32_1 = arith.constant 0 : i32
    return %c0_i32, %c0_i32_0 : i32, i32
  }
}

module attributes {stable_mosaic.version = 14 : i64} {
  func.func @body(%arg0: memref<10000x64xf32, #tpu.memory_space<vmem>>, %arg1: memref<2x10000x64xf32, #tpu.memory_space<vmem>>, %arg2: memref<10000x2xf32, #tpu.memory_space<vmem>>, %arg3: memref<2x128xf32, #tpu.memory_space<vmem>>, %arg4: memref<128x64xf32, #tpu.memory_space<vmem>>, %arg5: memref<3x64xf32, #tpu.memory_space<vmem>>, %arg6: memref<4x64xf32, #tpu.memory_space<vmem>>, %arg7: memref<64x64xf32, #tpu.memory_space<vmem>>, %arg8: memref<64x64xf32, #tpu.memory_space<vmem>>, %arg9: memref<10000x64xf32, #tpu.memory_space<vmem>>) attributes {dimension_semantics = [], scalar_prefetch = 0 : i64, scratch_operands = 0 : i64, tpu.core_type = #tpu.core_type<tc>} {
    %get3A = arith.constant 0 : index
    %get3A_0 = arith.constant 1 : index
    %get3A_1 = vector.load %arg2[%get3A, %get3A_0] : memref<10000x2xf32, #tpu.memory_space<vmem>>, vector<10000x1xf32>
    %get3A_2 = arith.constant 0 : index
    %get3A_3 = arith.constant 0 : index
    %get3A_4 = arith.constant 0 : index
    %get3A_5 = vector.load %arg1[%get3A_2, %get3A_3, %get3A_4] : memref<2x10000x64xf32, #tpu.memory_space<vmem>>, vector<1x10000x64xf32>
    %get3A_6 = vector.shape_cast %get3A_5 : vector<1x10000x64xf32> to vector<10000x64xf32>
    %get3A_7 = arith.constant 1 : index
    %get3A_8 = arith.constant 0 : index
    %get3A_9 = arith.constant 0 : index
    %get3A_10 = vector.load %arg1[%get3A_7, %get3A_8, %get3A_9] : memref<2x10000x64xf32, #tpu.memory_space<vmem>>, vector<1x10000x64xf32>
    %get3A_11 = vector.shape_cast %get3A_10 : vector<1x10000x64xf32> to vector<10000x64xf32>
    %add3A = arith.addf %get3A_6, %get3A_11 : vector<10000x64xf32>
    %max3A = arith.constant 1.000000e+00 : f32
    %max3A_12 = vector.broadcast %max3A : f32 to vector<10000x1xf32>
    %max3A_13 = arith.maximumf %get3A_1, %max3A_12 : vector<10000x1xf32>
    %div3A = vector.broadcast %max3A_13 : vector<10000x1xf32> to vector<10000x64xf32>
    %div3A_14 = arith.divf %add3A, %div3A : vector<10000x64xf32>
    %get3A_15 = arith.constant 0 : index
    %get3A_16 = arith.constant 0 : index
    %get3A_17 = vector.load %arg0[%get3A_15, %get3A_16] : memref<10000x64xf32, #tpu.memory_space<vmem>>, vector<10000x64xf32>
    %concatenate3A = tpu.concatenate %get3A_17, %div3A_14 in 1 : vector<10000x64xf32>, vector<10000x64xf32> -> vector<10000x128xf32>
    %get3A_18 = arith.constant 0 : index
    %get3A_19 = arith.constant 0 : index
    %get3A_20 = vector.load %arg3[%get3A_18, %get3A_19] : memref<2x128xf32, #tpu.memory_space<vmem>>, vector<1x128xf32>
    %get3A_21 = vector.shape_cast %get3A_20 : vector<1x128xf32> to vector<128xf32>
    %get3A_22 = arith.constant 1 : index
    %get3A_23 = arith.constant 0 : index
    %get3A_24 = vector.load %arg3[%get3A_22, %get3A_23] : memref<2x128xf32, #tpu.memory_space<vmem>>, vector<1x128xf32>
    %get3A_25 = vector.shape_cast %get3A_24 : vector<1x128xf32> to vector<128xf32>
    %reduce_sum3A = arith.constant dense<0.000000e+00> : vector<128xf32>
    %reduce_sum3A_26 = vector.multi_reduction <add>, %concatenate3A, %reduce_sum3A [0] : vector<10000x128xf32> to vector<128xf32>
    %div3A_27 = arith.constant 1.000000e+04 : f32
    %div3A_28 = vector.broadcast %div3A_27 : f32 to vector<128xf32>
    %div3A_29 = arith.divf %reduce_sum3A_26, %div3A_28 : vector<128xf32>
    %broadcast_in_dim3A = vector.shape_cast %div3A_29 : vector<128xf32> to vector<1x128xf32>
    %sub3A = vector.broadcast %broadcast_in_dim3A : vector<1x128xf32> to vector<10000x128xf32>
    %sub3A_30 = arith.subf %concatenate3A, %sub3A : vector<10000x128xf32>
    %abs3A = math.absf %sub3A_30 : vector<10000x128xf32>
    %integer_pow3A = arith.mulf %abs3A, %abs3A : vector<10000x128xf32>
    %reduce_sum3A_31 = arith.constant dense<0.000000e+00> : vector<128xf32>
    %reduce_sum3A_32 = vector.multi_reduction <add>, %integer_pow3A, %reduce_sum3A_31 [0] : vector<10000x128xf32> to vector<128xf32>
    %div3A_33 = arith.constant 1.000000e+04 : f32
    %div3A_34 = vector.broadcast %div3A_33 : f32 to vector<128xf32>
    %div3A_35 = arith.divf %reduce_sum3A_32, %div3A_34 : vector<128xf32>
    %broadcast_in_dim3A_36 = vector.shape_cast %div3A_29 : vector<128xf32> to vector<1x128xf32>
    %sub3A_37 = vector.broadcast %broadcast_in_dim3A_36 : vector<1x128xf32> to vector<10000x128xf32>
    %sub3A_38 = arith.subf %concatenate3A, %sub3A_37 : vector<10000x128xf32>
    %broadcast_in_dim3A_39 = vector.shape_cast %get3A_21 : vector<128xf32> to vector<1x128xf32>
    %mul3A = vector.broadcast %broadcast_in_dim3A_39 : vector<1x128xf32> to vector<10000x128xf32>
    %mul3A_40 = arith.mulf %mul3A, %sub3A_38 : vector<10000x128xf32>
    %add3A_41 = arith.constant 9.99999974E-6 : f32
    %add3A_42 = vector.broadcast %add3A_41 : f32 to vector<128xf32>
    %add3A_43 = arith.addf %div3A_35, %add3A_42 : vector<128xf32>
    %sqrt3A = math.sqrt %add3A_43 : vector<128xf32>
    %broadcast_in_dim3A_44 = vector.shape_cast %sqrt3A : vector<128xf32> to vector<1x128xf32>
    %div3A_45 = vector.broadcast %broadcast_in_dim3A_44 : vector<1x128xf32> to vector<10000x128xf32>
    %div3A_46 = arith.divf %mul3A_40, %div3A_45 : vector<10000x128xf32>
    %broadcast_in_dim3A_47 = vector.shape_cast %get3A_25 : vector<128xf32> to vector<1x128xf32>
    %add3A_48 = vector.broadcast %broadcast_in_dim3A_47 : vector<1x128xf32> to vector<10000x128xf32>
    %add3A_49 = arith.addf %div3A_46, %add3A_48 : vector<10000x128xf32>
    %get3A_50 = arith.constant 0 : index
    %get3A_51 = arith.constant 0 : index
    %get3A_52 = vector.load %arg4[%get3A_50, %get3A_51] : memref<128x64xf32, #tpu.memory_space<vmem>>, vector<128x64xf32>
    %dot_general3A = arith.constant dense<0.000000e+00> : vector<10000x64xf32>
    %dot_general3A_53 = tpu.matmul %add3A_49, %get3A_52, %dot_general3A {dimension_numbers = #tpu.dot_dimension_numbers<[1], [0], [0], [1], [0, 0, 1, 1], [], []>, transpose_lhs_hint = false} : vector<10000x128xf32>, vector<128x64xf32>, vector<10000x64xf32> -> vector<10000x64xf32>
    %get3A_54 = arith.constant 0 : index
    %get3A_55 = arith.constant 0 : index
    %get3A_56 = vector.load %arg5[%get3A_54, %get3A_55] : memref<3x64xf32, #tpu.memory_space<vmem>>, vector<1x64xf32>
    %add3A_57 = vector.broadcast %get3A_56 : vector<1x64xf32> to vector<10000x64xf32>
    %add3A_58 = arith.addf %dot_general3A_53, %add3A_57 : vector<10000x64xf32>
    %ge3A = arith.constant 0.000000e+00 : f32
    %ge3A_59 = vector.broadcast %ge3A : f32 to vector<10000x64xf32>
    %ge3A_60 = arith.cmpf oge, %add3A_58, %ge3A_59 : vector<10000x64xf32>
    %mul3A_61 = arith.constant 1.000000e-01 : f32
    %mul3A_62 = vector.broadcast %mul3A_61 : f32 to vector<10000x64xf32>
    %mul3A_63 = arith.mulf %mul3A_62, %add3A_58 : vector<10000x64xf32>
    %select_n3A = arith.select %ge3A_60, %add3A_58, %mul3A_63 : vector<10000x64xi1>, vector<10000x64xf32>
    %get3A_64 = arith.constant 0 : index
    %get3A_65 = arith.constant 0 : index
    %get3A_66 = vector.load %arg6[%get3A_64, %get3A_65] : memref<4x64xf32, #tpu.memory_space<vmem>>, vector<1x64xf32>
    %get3A_67 = vector.shape_cast %get3A_66 : vector<1x64xf32> to vector<64xf32>
    %get3A_68 = arith.constant 1 : index
    %get3A_69 = arith.constant 0 : index
    %get3A_70 = vector.load %arg6[%get3A_68, %get3A_69] : memref<4x64xf32, #tpu.memory_space<vmem>>, vector<1x64xf32>
    %get3A_71 = vector.shape_cast %get3A_70 : vector<1x64xf32> to vector<64xf32>
    %reduce_sum3A_72 = arith.constant dense<0.000000e+00> : vector<64xf32>
    %reduce_sum3A_73 = vector.multi_reduction <add>, %select_n3A, %reduce_sum3A_72 [0] : vector<10000x64xf32> to vector<64xf32>
    %div3A_74 = arith.constant 1.000000e+04 : f32
    %div3A_75 = vector.broadcast %div3A_74 : f32 to vector<64xf32>
    %div3A_76 = arith.divf %reduce_sum3A_73, %div3A_75 : vector<64xf32>
    %broadcast_in_dim3A_77 = vector.shape_cast %div3A_76 : vector<64xf32> to vector<1x64xf32>
    %sub3A_78 = vector.broadcast %broadcast_in_dim3A_77 : vector<1x64xf32> to vector<10000x64xf32>
    %sub3A_79 = arith.subf %select_n3A, %sub3A_78 : vector<10000x64xf32>
    %abs3A_80 = math.absf %sub3A_79 : vector<10000x64xf32>
    %integer_pow3A_81 = arith.mulf %abs3A_80, %abs3A_80 : vector<10000x64xf32>
    %reduce_sum3A_82 = arith.constant dense<0.000000e+00> : vector<64xf32>
    %reduce_sum3A_83 = vector.multi_reduction <add>, %integer_pow3A_81, %reduce_sum3A_82 [0] : vector<10000x64xf32> to vector<64xf32>
    %div3A_84 = arith.constant 1.000000e+04 : f32
    %div3A_85 = vector.broadcast %div3A_84 : f32 to vector<64xf32>
    %div3A_86 = arith.divf %reduce_sum3A_83, %div3A_85 : vector<64xf32>
    %broadcast_in_dim3A_87 = vector.shape_cast %div3A_76 : vector<64xf32> to vector<1x64xf32>
    %sub3A_88 = vector.broadcast %broadcast_in_dim3A_87 : vector<1x64xf32> to vector<10000x64xf32>
    %sub3A_89 = arith.subf %select_n3A, %sub3A_88 : vector<10000x64xf32>
    %broadcast_in_dim3A_90 = vector.shape_cast %get3A_67 : vector<64xf32> to vector<1x64xf32>
    %mul3A_91 = vector.broadcast %broadcast_in_dim3A_90 : vector<1x64xf32> to vector<10000x64xf32>
    %mul3A_92 = arith.mulf %mul3A_91, %sub3A_89 : vector<10000x64xf32>
    %add3A_93 = arith.constant 9.99999974E-6 : f32
    %add3A_94 = vector.broadcast %add3A_93 : f32 to vector<64xf32>
    %add3A_95 = arith.addf %div3A_86, %add3A_94 : vector<64xf32>
    %sqrt3A_96 = math.sqrt %add3A_95 : vector<64xf32>
    %broadcast_in_dim3A_97 = vector.shape_cast %sqrt3A_96 : vector<64xf32> to vector<1x64xf32>
    %div3A_98 = vector.broadcast %broadcast_in_dim3A_97 : vector<1x64xf32> to vector<10000x64xf32>
    %div3A_99 = arith.divf %mul3A_92, %div3A_98 : vector<10000x64xf32>
    %broadcast_in_dim3A_100 = vector.shape_cast %get3A_71 : vector<64xf32> to vector<1x64xf32>
    %add3A_101 = vector.broadcast %broadcast_in_dim3A_100 : vector<1x64xf32> to vector<10000x64xf32>
    %add3A_102 = arith.addf %div3A_99, %add3A_101 : vector<10000x64xf32>
    %get3A_103 = arith.constant 0 : index
    %get3A_104 = arith.constant 0 : index
    %get3A_105 = vector.load %arg7[%get3A_103, %get3A_104] : memref<64x64xf32, #tpu.memory_space<vmem>>, vector<64x64xf32>
    %dot_general3A_106 = arith.constant dense<0.000000e+00> : vector<10000x64xf32>
    %dot_general3A_107 = tpu.matmul %add3A_102, %get3A_105, %dot_general3A_106 {dimension_numbers = #tpu.dot_dimension_numbers<[1], [0], [0], [1], [0, 0, 1, 1], [], []>, transpose_lhs_hint = false} : vector<10000x64xf32>, vector<64x64xf32>, vector<10000x64xf32> -> vector<10000x64xf32>
    %get3A_108 = arith.constant 1 : index
    %get3A_109 = arith.constant 0 : index
    %get3A_110 = vector.load %arg5[%get3A_108, %get3A_109] : memref<3x64xf32, #tpu.memory_space<vmem>>, vector<1x64xf32>
    %add3A_111 = vector.broadcast %get3A_110 : vector<1x64xf32> to vector<10000x64xf32>
    %add3A_112 = arith.addf %dot_general3A_107, %add3A_111 : vector<10000x64xf32>
    %ge3A_113 = arith.constant 0.000000e+00 : f32
    %ge3A_114 = vector.broadcast %ge3A_113 : f32 to vector<10000x64xf32>
    %ge3A_115 = arith.cmpf oge, %add3A_112, %ge3A_114 : vector<10000x64xf32>
    %mul3A_116 = arith.constant 1.000000e-01 : f32
    %mul3A_117 = vector.broadcast %mul3A_116 : f32 to vector<10000x64xf32>
    %mul3A_118 = arith.mulf %mul3A_117, %add3A_112 : vector<10000x64xf32>
    %select_n3A_119 = arith.select %ge3A_115, %add3A_112, %mul3A_118 : vector<10000x64xi1>, vector<10000x64xf32>
    %get3A_120 = arith.constant 2 : index
    %get3A_121 = arith.constant 0 : index
    %get3A_122 = vector.load %arg6[%get3A_120, %get3A_121] : memref<4x64xf32, #tpu.memory_space<vmem>>, vector<1x64xf32>
    %get3A_123 = vector.shape_cast %get3A_122 : vector<1x64xf32> to vector<64xf32>
    %get3A_124 = arith.constant 3 : index
    %get3A_125 = arith.constant 0 : index
    %get3A_126 = vector.load %arg6[%get3A_124, %get3A_125] : memref<4x64xf32, #tpu.memory_space<vmem>>, vector<1x64xf32>
    %get3A_127 = vector.shape_cast %get3A_126 : vector<1x64xf32> to vector<64xf32>
    %reduce_sum3A_128 = arith.constant dense<0.000000e+00> : vector<64xf32>
    %reduce_sum3A_129 = vector.multi_reduction <add>, %select_n3A_119, %reduce_sum3A_128 [0] : vector<10000x64xf32> to vector<64xf32>
    %div3A_130 = arith.constant 1.000000e+04 : f32
    %div3A_131 = vector.broadcast %div3A_130 : f32 to vector<64xf32>
    %div3A_132 = arith.divf %reduce_sum3A_129, %div3A_131 : vector<64xf32>
    %broadcast_in_dim3A_133 = vector.shape_cast %div3A_132 : vector<64xf32> to vector<1x64xf32>
    %sub3A_134 = vector.broadcast %broadcast_in_dim3A_133 : vector<1x64xf32> to vector<10000x64xf32>
    %sub3A_135 = arith.subf %select_n3A_119, %sub3A_134 : vector<10000x64xf32>
    %abs3A_136 = math.absf %sub3A_135 : vector<10000x64xf32>
    %integer_pow3A_137 = arith.mulf %abs3A_136, %abs3A_136 : vector<10000x64xf32>
    %reduce_sum3A_138 = arith.constant dense<0.000000e+00> : vector<64xf32>
    %reduce_sum3A_139 = vector.multi_reduction <add>, %integer_pow3A_137, %reduce_sum3A_138 [0] : vector<10000x64xf32> to vector<64xf32>
    %div3A_140 = arith.constant 1.000000e+04 : f32
    %div3A_141 = vector.broadcast %div3A_140 : f32 to vector<64xf32>
    %div3A_142 = arith.divf %reduce_sum3A_139, %div3A_141 : vector<64xf32>
    %broadcast_in_dim3A_143 = vector.shape_cast %div3A_132 : vector<64xf32> to vector<1x64xf32>
    %sub3A_144 = vector.broadcast %broadcast_in_dim3A_143 : vector<1x64xf32> to vector<10000x64xf32>
    %sub3A_145 = arith.subf %select_n3A_119, %sub3A_144 : vector<10000x64xf32>
    %broadcast_in_dim3A_146 = vector.shape_cast %get3A_123 : vector<64xf32> to vector<1x64xf32>
    %mul3A_147 = vector.broadcast %broadcast_in_dim3A_146 : vector<1x64xf32> to vector<10000x64xf32>
    %mul3A_148 = arith.mulf %mul3A_147, %sub3A_145 : vector<10000x64xf32>
    %add3A_149 = arith.constant 9.99999974E-6 : f32
    %add3A_150 = vector.broadcast %add3A_149 : f32 to vector<64xf32>
    %add3A_151 = arith.addf %div3A_142, %add3A_150 : vector<64xf32>
    %sqrt3A_152 = math.sqrt %add3A_151 : vector<64xf32>
    %broadcast_in_dim3A_153 = vector.shape_cast %sqrt3A_152 : vector<64xf32> to vector<1x64xf32>
    %div3A_154 = vector.broadcast %broadcast_in_dim3A_153 : vector<1x64xf32> to vector<10000x64xf32>
    %div3A_155 = arith.divf %mul3A_148, %div3A_154 : vector<10000x64xf32>
    %broadcast_in_dim3A_156 = vector.shape_cast %get3A_127 : vector<64xf32> to vector<1x64xf32>
    %add3A_157 = vector.broadcast %broadcast_in_dim3A_156 : vector<1x64xf32> to vector<10000x64xf32>
    %add3A_158 = arith.addf %div3A_155, %add3A_157 : vector<10000x64xf32>
    %get3A_159 = arith.constant 0 : index
    %get3A_160 = arith.constant 0 : index
    %get3A_161 = vector.load %arg8[%get3A_159, %get3A_160] : memref<64x64xf32, #tpu.memory_space<vmem>>, vector<64x64xf32>
    %dot_general3A_162 = arith.constant dense<0.000000e+00> : vector<10000x64xf32>
    %dot_general3A_163 = tpu.matmul %add3A_158, %get3A_161, %dot_general3A_162 {dimension_numbers = #tpu.dot_dimension_numbers<[1], [0], [0], [1], [0, 0, 1, 1], [], []>, transpose_lhs_hint = false} : vector<10000x64xf32>, vector<64x64xf32>, vector<10000x64xf32> -> vector<10000x64xf32>
    %get3A_164 = arith.constant 2 : index
    %get3A_165 = arith.constant 0 : index
    %get3A_166 = vector.load %arg5[%get3A_164, %get3A_165] : memref<3x64xf32, #tpu.memory_space<vmem>>, vector<1x64xf32>
    %add3A_167 = vector.broadcast %get3A_166 : vector<1x64xf32> to vector<10000x64xf32>
    %add3A_168 = arith.addf %dot_general3A_163, %add3A_167 : vector<10000x64xf32>
    %swap3A = arith.constant 0 : index
    %swap3A_169 = arith.constant 0 : index
    %swap3A_170 = vector.load %arg9[%swap3A, %swap3A_169] : memref<10000x64xf32, #tpu.memory_space<vmem>>, vector<10000x64xf32>
    tpu.vector_store %arg9[%swap3A, %swap3A_169], %add3A_168 {strides = array<i32>} : memref<10000x64xf32, #tpu.memory_space<vmem>>, vector<10000x64xf32>,
    return
  }
}

module attributes {stable_mosaic.version = 14 : i64} {
  func.func @body(%arg0: i32, %arg1: memref<2560x64xf32, #tpu.memory_space<vmem>>, %arg2: memref<4x64xf32, #tpu.memory_space<vmem>>, %arg3: memref<64x64xf32, #tpu.memory_space<vmem>>, %arg4: memref<1x64xf32, #tpu.memory_space<vmem>>, %arg5: memref<64x2xf32, #tpu.memory_space<vmem>>, %arg6: memref<1x2xf32, #tpu.memory_space<vmem>>, %arg7: memref<2560x64xf32, #tpu.memory_space<vmem>>, %arg8: memref<2x64xf32, #tpu.memory_space<vmem>>, %arg9: memref<2560x2xf32, #tpu.memory_space<vmem>>) attributes {dimension_semantics = [#tpu.dimension_semantics<arbitrary>], iteration_bounds = array<i64: 125>, scalar_prefetch = 0 : i64, scratch_operands = 0 : i64, tpu.core_type = #tpu.core_type<tc>, window_params = [{transform_indices = @transform_0, window_bounds = array<i64: 2560, 64>}, {pipeline_mode = #tpu.pipeline_mode<synchronous>, transform_indices = @transform_1, window_bounds = array<i64: 4, 64>}, {pipeline_mode = #tpu.pipeline_mode<synchronous>, transform_indices = @transform_2, window_bounds = array<i64: 64, 64>}, {pipeline_mode = #tpu.pipeline_mode<synchronous>, transform_indices = @transform_3, window_bounds = array<i64: 1, 64>}, {pipeline_mode = #tpu.pipeline_mode<synchronous>, transform_indices = @transform_4, window_bounds = array<i64: 64, 2>}, {pipeline_mode = #tpu.pipeline_mode<synchronous>, transform_indices = @transform_5, window_bounds = array<i64: 1, 2>}, {transform_indices = @transform_6, window_bounds = array<i64: 2560, 64>}, {pipeline_mode = #tpu.pipeline_mode<synchronous>, transform_indices = @transform_7, window_bounds = array<i64: 2, 64>}, {transform_indices = @transform_8, window_bounds = array<i64: 2560, 2>}]} {
    %get3A = arith.constant 0 : index
    %get3A_0 = arith.constant 0 : index
    %get3A_1 = vector.load %arg1[%get3A, %get3A_0] : memref<2560x64xf32, #tpu.memory_space<vmem>>, vector<2560x64xf32>
    %get3A_2 = arith.constant 0 : index
    %get3A_3 = arith.constant 0 : index
    %get3A_4 = vector.load %arg2[%get3A_2, %get3A_3] : memref<4x64xf32, #tpu.memory_space<vmem>>, vector<1x64xf32>
    %get3A_5 = arith.constant 2 : index
    %get3A_6 = arith.constant 0 : index
    %get3A_7 = vector.load %arg2[%get3A_5, %get3A_6] : memref<4x64xf32, #tpu.memory_space<vmem>>, vector<1x64xf32>
    %sub3A = vector.broadcast %get3A_7 : vector<1x64xf32> to vector<2560x64xf32>
    %sub3A_8 = arith.subf %get3A_1, %sub3A : vector<2560x64xf32>
    %mul3A = vector.broadcast %get3A_4 : vector<1x64xf32> to vector<2560x64xf32>
    %mul3A_9 = arith.mulf %mul3A, %sub3A_8 : vector<2560x64xf32>
    %get3A_10 = arith.constant 3 : index
    %get3A_11 = arith.constant 0 : index
    %get3A_12 = vector.load %arg2[%get3A_10, %get3A_11] : memref<4x64xf32, #tpu.memory_space<vmem>>, vector<1x64xf32>
    %add3A = arith.constant 9.99999974E-6 : f32
    %add3A_13 = vector.broadcast %add3A : f32 to vector<1x64xf32>
    %add3A_14 = arith.addf %get3A_12, %add3A_13 : vector<1x64xf32>
    %sqrt3A = math.sqrt %add3A_14 : vector<1x64xf32>
    %div3A = vector.broadcast %sqrt3A : vector<1x64xf32> to vector<2560x64xf32>
    %div3A_15 = arith.divf %mul3A_9, %div3A : vector<2560x64xf32>
    %get3A_16 = arith.constant 1 : index
    %get3A_17 = arith.constant 0 : index
    %get3A_18 = vector.load %arg2[%get3A_16, %get3A_17] : memref<4x64xf32, #tpu.memory_space<vmem>>, vector<1x64xf32>
    %add3A_19 = vector.broadcast %get3A_18 : vector<1x64xf32> to vector<2560x64xf32>
    %add3A_20 = arith.addf %div3A_15, %add3A_19 : vector<2560x64xf32>
    %get3A_21 = arith.constant 0 : index
    %get3A_22 = arith.constant 0 : index
    %get3A_23 = vector.load %arg3[%get3A_21, %get3A_22] : memref<64x64xf32, #tpu.memory_space<vmem>>, vector<64x64xf32>
    %dot_general3A = arith.constant dense<0.000000e+00> : vector<2560x64xf32>
    %dot_general3A_24 = tpu.matmul %add3A_20, %get3A_23, %dot_general3A {dimension_numbers = #tpu.dot_dimension_numbers<[1], [0], [0], [1], [0, 0, 1, 1], [], []>, transpose_lhs_hint = false} : vector<2560x64xf32>, vector<64x64xf32>, vector<2560x64xf32> -> vector<2560x64xf32>
    %get3A_25 = arith.constant 0 : index
    %get3A_26 = arith.constant 0 : index
    %get3A_27 = vector.load %arg4[%get3A_25, %get3A_26] : memref<1x64xf32, #tpu.memory_space<vmem>>, vector<1x64xf32>
    %add3A_28 = vector.broadcast %get3A_27 : vector<1x64xf32> to vector<2560x64xf32>
    %add3A_29 = arith.addf %dot_general3A_24, %add3A_28 : vector<2560x64xf32>
    %swap3A = arith.constant 0 : index
    %swap3A_30 = arith.constant 0 : index
    %swap3A_31 = vector.load %arg7[%swap3A, %swap3A_30] : memref<2560x64xf32, #tpu.memory_space<vmem>>, vector<2560x64xf32>
    tpu.vector_store %arg7[%swap3A, %swap3A_30], %add3A_29 {strides = array<i32>} : memref<2560x64xf32, #tpu.memory_space<vmem>>, vector<2560x64xf32>,
    %get3A_32 = arith.constant 0 : index
    %get3A_33 = arith.constant 0 : index
    %get3A_34 = vector.load %arg5[%get3A_32, %get3A_33] : memref<64x2xf32, #tpu.memory_space<vmem>>, vector<64x2xf32>
    %dot_general3A_35 = arith.constant dense<0.000000e+00> : vector<2560x2xf32>
    %dot_general3A_36 = tpu.matmul %add3A_29, %get3A_34, %dot_general3A_35 {dimension_numbers = #tpu.dot_dimension_numbers<[1], [0], [0], [1], [0, 0, 1, 1], [], []>, transpose_lhs_hint = false} : vector<2560x64xf32>, vector<64x2xf32>, vector<2560x2xf32> -> vector<2560x2xf32>
    %get3A_37 = arith.constant 0 : index
    %get3A_38 = arith.constant 0 : index
    %get3A_39 = vector.load %arg6[%get3A_37, %get3A_38] : memref<1x2xf32, #tpu.memory_space<vmem>>, vector<1x2xf32>
    %add3A_40 = vector.broadcast %get3A_39 : vector<1x2xf32> to vector<2560x2xf32>
    %add3A_41 = arith.addf %dot_general3A_36, %add3A_40 : vector<2560x2xf32>
    %swap3A_42 = arith.constant 0 : index
    %swap3A_43 = arith.constant 0 : index
    %swap3A_44 = vector.load %arg9[%swap3A_42, %swap3A_43] : memref<2560x2xf32, #tpu.memory_space<vmem>>, vector<2560x2xf32>
    tpu.vector_store %arg9[%swap3A_42, %swap3A_43], %add3A_41 {strides = array<i32>} : memref<2560x2xf32, #tpu.memory_space<vmem>>, vector<2560x2xf32>,
    %eq3A = arith.constant 0 : i32
    %eq3A_45 = arith.cmpi eq, %arg0, %eq3A : i32
    %convert_element_type3A = arith.extui %eq3A_45 : i1 to i32
    %cond3A = arith.constant 0 : i32
    %cond3A_46 = arith.cmpi ne, %convert_element_type3A, %cond3A : i32
    scf.if %cond3A_46 {
      %broadcast_in_dim3A = arith.constant 0.000000e+00 : f32
      %broadcast_in_dim3A_60 = vector.broadcast %broadcast_in_dim3A : f32 to vector<2x64xf32>
      %swap3A_61 = arith.constant 0 : index
      %swap3A_62 = arith.constant 0 : index
      %swap3A_63 = vector.load %arg8[%swap3A_61, %swap3A_62] : memref<2x64xf32, #tpu.memory_space<vmem>>, vector<2x64xf32>
      tpu.vector_store %arg8[%swap3A_61, %swap3A_62], %broadcast_in_dim3A_60 {strides = array<i32>} : memref<2x64xf32, #tpu.memory_space<vmem>>, vector<2x64xf32>,
    } else {
    }
    %get3A_47 = arith.constant 0 : index
    %get3A_48 = arith.constant 0 : index
    %get3A_49 = vector.load %arg8[%get3A_47, %get3A_48] : memref<2x64xf32, #tpu.memory_space<vmem>>, vector<2x64xf32>
    %reduce_sum3A = arith.constant dense<0.000000e+00> : vector<64xf32>
    %reduce_sum3A_50 = vector.multi_reduction <add>, %add3A_29, %reduce_sum3A [0] : vector<2560x64xf32> to vector<64xf32>
    %mul3A_51 = arith.mulf %add3A_29, %add3A_29 : vector<2560x64xf32>
    %reduce_sum3A_52 = arith.constant dense<0.000000e+00> : vector<64xf32>
    %reduce_sum3A_53 = vector.multi_reduction <add>, %mul3A_51, %reduce_sum3A_52 [0] : vector<2560x64xf32> to vector<64xf32>
    %stack3A = vector.shape_cast %reduce_sum3A_50 : vector<64xf32> to vector<1x64xf32>
    %stack3A_54 = vector.shape_cast %reduce_sum3A_53 : vector<64xf32> to vector<1x64xf32>
    %stack3A_55 = tpu.concatenate %stack3A, %stack3A_54 in 0 : vector<1x64xf32>, vector<1x64xf32> -> vector<2x64xf32>
    %add3A_56 = arith.addf %get3A_49, %stack3A_55 : vector<2x64xf32>
    %swap3A_57 = arith.constant 0 : index
    %swap3A_58 = arith.constant 0 : index
    %swap3A_59 = vector.load %arg8[%swap3A_57, %swap3A_58] : memref<2x64xf32, #tpu.memory_space<vmem>>, vector<2x64xf32>
    tpu.vector_store %arg8[%swap3A_57, %swap3A_58], %add3A_56 {strides = array<i32>} : memref<2x64xf32, #tpu.memory_space<vmem>>, vector<2x64xf32>,
    return
  }
  func.func @transform_0(%arg0: i32) -> (i32, i32) {
    %c0_i32 = arith.constant 0 : i32
    %c0_i32_0 = arith.constant 0 : i32
    return %arg0, %c0_i32 : i32, i32
  }
  func.func @transform_1(%arg0: i32) -> (i32, i32) {
    %c0_i32 = arith.constant 0 : i32
    %c0_i32_0 = arith.constant 0 : i32
    %c0_i32_1 = arith.constant 0 : i32
    return %c0_i32, %c0_i32_0 : i32, i32
  }
  func.func @transform_2(%arg0: i32) -> (i32, i32) {
    %c0_i32 = arith.constant 0 : i32
    %c0_i32_0 = arith.constant 0 : i32
    %c0_i32_1 = arith.constant 0 : i32
    return %c0_i32, %c0_i32_0 : i32, i32
  }
  func.func @transform_3(%arg0: i32) -> (i32, i32) {
    %c0_i32 = arith.constant 0 : i32
    %c0_i32_0 = arith.constant 0 : i32
    %c0_i32_1 = arith.constant 0 : i32
    return %c0_i32, %c0_i32_0 : i32, i32
  }
  func.func @transform_4(%arg0: i32) -> (i32, i32) {
    %c0_i32 = arith.constant 0 : i32
    %c0_i32_0 = arith.constant 0 : i32
    %c0_i32_1 = arith.constant 0 : i32
    return %c0_i32, %c0_i32_0 : i32, i32
  }
  func.func @transform_5(%arg0: i32) -> (i32, i32) {
    %c0_i32 = arith.constant 0 : i32
    %c0_i32_0 = arith.constant 0 : i32
    %c0_i32_1 = arith.constant 0 : i32
    return %c0_i32, %c0_i32_0 : i32, i32
  }
  func.func @transform_6(%arg0: i32) -> (i32, i32) {
    %c0_i32 = arith.constant 0 : i32
    %c0_i32_0 = arith.constant 0 : i32
    return %arg0, %c0_i32 : i32, i32
  }
  func.func @transform_7(%arg0: i32) -> (i32, i32) {
    %c0_i32 = arith.constant 0 : i32
    %c0_i32_0 = arith.constant 0 : i32
    %c0_i32_1 = arith.constant 0 : i32
    return %c0_i32, %c0_i32_0 : i32, i32
  }
  func.func @transform_8(%arg0: i32) -> (i32, i32) {
    %c0_i32 = arith.constant 0 : i32
    %c0_i32_0 = arith.constant 0 : i32
    return %arg0, %c0_i32 : i32, i32
  }
}

module attributes {stable_mosaic.version = 14 : i64} {
  func.func @body(%arg0: memref<10000x64xf32, #tpu.memory_space<vmem>>, %arg1: memref<2x10000x64xf32, #tpu.memory_space<vmem>>, %arg2: memref<10000x2xf32, #tpu.memory_space<vmem>>, %arg3: memref<2x128xf32, #tpu.memory_space<vmem>>, %arg4: memref<128x64xf32, #tpu.memory_space<vmem>>, %arg5: memref<3x64xf32, #tpu.memory_space<vmem>>, %arg6: memref<4x64xf32, #tpu.memory_space<vmem>>, %arg7: memref<64x64xf32, #tpu.memory_space<vmem>>, %arg8: memref<64x64xf32, #tpu.memory_space<vmem>>, %arg9: memref<64x5xf32, #tpu.memory_space<vmem>>, %arg10: memref<1x5xf32, #tpu.memory_space<vmem>>, %arg11: memref<10000x64xf32, #tpu.memory_space<vmem>>, %arg12: memref<10000x5xf32, #tpu.memory_space<vmem>>) attributes {dimension_semantics = [], scalar_prefetch = 0 : i64, scratch_operands = 0 : i64, tpu.core_type = #tpu.core_type<tc>} {
    %get3A = arith.constant 0 : index
    %get3A_0 = arith.constant 1 : index
    %get3A_1 = vector.load %arg2[%get3A, %get3A_0] : memref<10000x2xf32, #tpu.memory_space<vmem>>, vector<10000x1xf32>
    %get3A_2 = arith.constant 0 : index
    %get3A_3 = arith.constant 0 : index
    %get3A_4 = arith.constant 0 : index
    %get3A_5 = vector.load %arg1[%get3A_2, %get3A_3, %get3A_4] : memref<2x10000x64xf32, #tpu.memory_space<vmem>>, vector<1x10000x64xf32>
    %get3A_6 = vector.shape_cast %get3A_5 : vector<1x10000x64xf32> to vector<10000x64xf32>
    %get3A_7 = arith.constant 1 : index
    %get3A_8 = arith.constant 0 : index
    %get3A_9 = arith.constant 0 : index
    %get3A_10 = vector.load %arg1[%get3A_7, %get3A_8, %get3A_9] : memref<2x10000x64xf32, #tpu.memory_space<vmem>>, vector<1x10000x64xf32>
    %get3A_11 = vector.shape_cast %get3A_10 : vector<1x10000x64xf32> to vector<10000x64xf32>
    %add3A = arith.addf %get3A_6, %get3A_11 : vector<10000x64xf32>
    %max3A = arith.constant 1.000000e+00 : f32
    %max3A_12 = vector.broadcast %max3A : f32 to vector<10000x1xf32>
    %max3A_13 = arith.maximumf %get3A_1, %max3A_12 : vector<10000x1xf32>
    %div3A = vector.broadcast %max3A_13 : vector<10000x1xf32> to vector<10000x64xf32>
    %div3A_14 = arith.divf %add3A, %div3A : vector<10000x64xf32>
    %get3A_15 = arith.constant 0 : index
    %get3A_16 = arith.constant 0 : index
    %get3A_17 = vector.load %arg0[%get3A_15, %get3A_16] : memref<10000x64xf32, #tpu.memory_space<vmem>>, vector<10000x64xf32>
    %concatenate3A = tpu.concatenate %get3A_17, %div3A_14 in 1 : vector<10000x64xf32>, vector<10000x64xf32> -> vector<10000x128xf32>
    %get3A_18 = arith.constant 0 : index
    %get3A_19 = arith.constant 0 : index
    %get3A_20 = vector.load %arg3[%get3A_18, %get3A_19] : memref<2x128xf32, #tpu.memory_space<vmem>>, vector<1x128xf32>
    %get3A_21 = vector.shape_cast %get3A_20 : vector<1x128xf32> to vector<128xf32>
    %get3A_22 = arith.constant 1 : index
    %get3A_23 = arith.constant 0 : index
    %get3A_24 = vector.load %arg3[%get3A_22, %get3A_23] : memref<2x128xf32, #tpu.memory_space<vmem>>, vector<1x128xf32>
    %get3A_25 = vector.shape_cast %get3A_24 : vector<1x128xf32> to vector<128xf32>
    %reduce_sum3A = arith.constant dense<0.000000e+00> : vector<128xf32>
    %reduce_sum3A_26 = vector.multi_reduction <add>, %concatenate3A, %reduce_sum3A [0] : vector<10000x128xf32> to vector<128xf32>
    %div3A_27 = arith.constant 1.000000e+04 : f32
    %div3A_28 = vector.broadcast %div3A_27 : f32 to vector<128xf32>
    %div3A_29 = arith.divf %reduce_sum3A_26, %div3A_28 : vector<128xf32>
    %broadcast_in_dim3A = vector.shape_cast %div3A_29 : vector<128xf32> to vector<1x128xf32>
    %sub3A = vector.broadcast %broadcast_in_dim3A : vector<1x128xf32> to vector<10000x128xf32>
    %sub3A_30 = arith.subf %concatenate3A, %sub3A : vector<10000x128xf32>
    %abs3A = math.absf %sub3A_30 : vector<10000x128xf32>
    %integer_pow3A = arith.mulf %abs3A, %abs3A : vector<10000x128xf32>
    %reduce_sum3A_31 = arith.constant dense<0.000000e+00> : vector<128xf32>
    %reduce_sum3A_32 = vector.multi_reduction <add>, %integer_pow3A, %reduce_sum3A_31 [0] : vector<10000x128xf32> to vector<128xf32>
    %div3A_33 = arith.constant 1.000000e+04 : f32
    %div3A_34 = vector.broadcast %div3A_33 : f32 to vector<128xf32>
    %div3A_35 = arith.divf %reduce_sum3A_32, %div3A_34 : vector<128xf32>
    %broadcast_in_dim3A_36 = vector.shape_cast %div3A_29 : vector<128xf32> to vector<1x128xf32>
    %sub3A_37 = vector.broadcast %broadcast_in_dim3A_36 : vector<1x128xf32> to vector<10000x128xf32>
    %sub3A_38 = arith.subf %concatenate3A, %sub3A_37 : vector<10000x128xf32>
    %broadcast_in_dim3A_39 = vector.shape_cast %get3A_21 : vector<128xf32> to vector<1x128xf32>
    %mul3A = vector.broadcast %broadcast_in_dim3A_39 : vector<1x128xf32> to vector<10000x128xf32>
    %mul3A_40 = arith.mulf %mul3A, %sub3A_38 : vector<10000x128xf32>
    %add3A_41 = arith.constant 9.99999974E-6 : f32
    %add3A_42 = vector.broadcast %add3A_41 : f32 to vector<128xf32>
    %add3A_43 = arith.addf %div3A_35, %add3A_42 : vector<128xf32>
    %sqrt3A = math.sqrt %add3A_43 : vector<128xf32>
    %broadcast_in_dim3A_44 = vector.shape_cast %sqrt3A : vector<128xf32> to vector<1x128xf32>
    %div3A_45 = vector.broadcast %broadcast_in_dim3A_44 : vector<1x128xf32> to vector<10000x128xf32>
    %div3A_46 = arith.divf %mul3A_40, %div3A_45 : vector<10000x128xf32>
    %broadcast_in_dim3A_47 = vector.shape_cast %get3A_25 : vector<128xf32> to vector<1x128xf32>
    %add3A_48 = vector.broadcast %broadcast_in_dim3A_47 : vector<1x128xf32> to vector<10000x128xf32>
    %add3A_49 = arith.addf %div3A_46, %add3A_48 : vector<10000x128xf32>
    %get3A_50 = arith.constant 0 : index
    %get3A_51 = arith.constant 0 : index
    %get3A_52 = vector.load %arg4[%get3A_50, %get3A_51] : memref<128x64xf32, #tpu.memory_space<vmem>>, vector<128x64xf32>
    %dot_general3A = arith.constant dense<0.000000e+00> : vector<10000x64xf32>
    %dot_general3A_53 = tpu.matmul %add3A_49, %get3A_52, %dot_general3A {dimension_numbers = #tpu.dot_dimension_numbers<[1], [0], [0], [1], [0, 0, 1, 1], [], []>, transpose_lhs_hint = false} : vector<10000x128xf32>, vector<128x64xf32>, vector<10000x64xf32> -> vector<10000x64xf32>
    %get3A_54 = arith.constant 0 : index
    %get3A_55 = arith.constant 0 : index
    %get3A_56 = vector.load %arg5[%get3A_54, %get3A_55] : memref<3x64xf32, #tpu.memory_space<vmem>>, vector<1x64xf32>
    %add3A_57 = vector.broadcast %get3A_56 : vector<1x64xf32> to vector<10000x64xf32>
    %add3A_58 = arith.addf %dot_general3A_53, %add3A_57 : vector<10000x64xf32>
    %ge3A = arith.constant 0.000000e+00 : f32
    %ge3A_59 = vector.broadcast %ge3A : f32 to vector<10000x64xf32>
    %ge3A_60 = arith.cmpf oge, %add3A_58, %ge3A_59 : vector<10000x64xf32>
    %mul3A_61 = arith.constant 1.000000e-01 : f32
    %mul3A_62 = vector.broadcast %mul3A_61 : f32 to vector<10000x64xf32>
    %mul3A_63 = arith.mulf %mul3A_62, %add3A_58 : vector<10000x64xf32>
    %select_n3A = arith.select %ge3A_60, %add3A_58, %mul3A_63 : vector<10000x64xi1>, vector<10000x64xf32>
    %get3A_64 = arith.constant 0 : index
    %get3A_65 = arith.constant 0 : index
    %get3A_66 = vector.load %arg6[%get3A_64, %get3A_65] : memref<4x64xf32, #tpu.memory_space<vmem>>, vector<1x64xf32>
    %get3A_67 = vector.shape_cast %get3A_66 : vector<1x64xf32> to vector<64xf32>
    %get3A_68 = arith.constant 1 : index
    %get3A_69 = arith.constant 0 : index
    %get3A_70 = vector.load %arg6[%get3A_68, %get3A_69] : memref<4x64xf32, #tpu.memory_space<vmem>>, vector<1x64xf32>
    %get3A_71 = vector.shape_cast %get3A_70 : vector<1x64xf32> to vector<64xf32>
    %reduce_sum3A_72 = arith.constant dense<0.000000e+00> : vector<64xf32>
    %reduce_sum3A_73 = vector.multi_reduction <add>, %select_n3A, %reduce_sum3A_72 [0] : vector<10000x64xf32> to vector<64xf32>
    %div3A_74 = arith.constant 1.000000e+04 : f32
    %div3A_75 = vector.broadcast %div3A_74 : f32 to vector<64xf32>
    %div3A_76 = arith.divf %reduce_sum3A_73, %div3A_75 : vector<64xf32>
    %broadcast_in_dim3A_77 = vector.shape_cast %div3A_76 : vector<64xf32> to vector<1x64xf32>
    %sub3A_78 = vector.broadcast %broadcast_in_dim3A_77 : vector<1x64xf32> to vector<10000x64xf32>
    %sub3A_79 = arith.subf %select_n3A, %sub3A_78 : vector<10000x64xf32>
    %abs3A_80 = math.absf %sub3A_79 : vector<10000x64xf32>
    %integer_pow3A_81 = arith.mulf %abs3A_80, %abs3A_80 : vector<10000x64xf32>
    %reduce_sum3A_82 = arith.constant dense<0.000000e+00> : vector<64xf32>
    %reduce_sum3A_83 = vector.multi_reduction <add>, %integer_pow3A_81, %reduce_sum3A_82 [0] : vector<10000x64xf32> to vector<64xf32>
    %div3A_84 = arith.constant 1.000000e+04 : f32
    %div3A_85 = vector.broadcast %div3A_84 : f32 to vector<64xf32>
    %div3A_86 = arith.divf %reduce_sum3A_83, %div3A_85 : vector<64xf32>
    %broadcast_in_dim3A_87 = vector.shape_cast %div3A_76 : vector<64xf32> to vector<1x64xf32>
    %sub3A_88 = vector.broadcast %broadcast_in_dim3A_87 : vector<1x64xf32> to vector<10000x64xf32>
    %sub3A_89 = arith.subf %select_n3A, %sub3A_88 : vector<10000x64xf32>
    %broadcast_in_dim3A_90 = vector.shape_cast %get3A_67 : vector<64xf32> to vector<1x64xf32>
    %mul3A_91 = vector.broadcast %broadcast_in_dim3A_90 : vector<1x64xf32> to vector<10000x64xf32>
    %mul3A_92 = arith.mulf %mul3A_91, %sub3A_89 : vector<10000x64xf32>
    %add3A_93 = arith.constant 9.99999974E-6 : f32
    %add3A_94 = vector.broadcast %add3A_93 : f32 to vector<64xf32>
    %add3A_95 = arith.addf %div3A_86, %add3A_94 : vector<64xf32>
    %sqrt3A_96 = math.sqrt %add3A_95 : vector<64xf32>
    %broadcast_in_dim3A_97 = vector.shape_cast %sqrt3A_96 : vector<64xf32> to vector<1x64xf32>
    %div3A_98 = vector.broadcast %broadcast_in_dim3A_97 : vector<1x64xf32> to vector<10000x64xf32>
    %div3A_99 = arith.divf %mul3A_92, %div3A_98 : vector<10000x64xf32>
    %broadcast_in_dim3A_100 = vector.shape_cast %get3A_71 : vector<64xf32> to vector<1x64xf32>
    %add3A_101 = vector.broadcast %broadcast_in_dim3A_100 : vector<1x64xf32> to vector<10000x64xf32>
    %add3A_102 = arith.addf %div3A_99, %add3A_101 : vector<10000x64xf32>
    %get3A_103 = arith.constant 0 : index
    %get3A_104 = arith.constant 0 : index
    %get3A_105 = vector.load %arg7[%get3A_103, %get3A_104] : memref<64x64xf32, #tpu.memory_space<vmem>>, vector<64x64xf32>
    %dot_general3A_106 = arith.constant dense<0.000000e+00> : vector<10000x64xf32>
    %dot_general3A_107 = tpu.matmul %add3A_102, %get3A_105, %dot_general3A_106 {dimension_numbers = #tpu.dot_dimension_numbers<[1], [0], [0], [1], [0, 0, 1, 1], [], []>, transpose_lhs_hint = false} : vector<10000x64xf32>, vector<64x64xf32>, vector<10000x64xf32> -> vector<10000x64xf32>
    %get3A_108 = arith.constant 1 : index
    %get3A_109 = arith.constant 0 : index
    %get3A_110 = vector.load %arg5[%get3A_108, %get3A_109] : memref<3x64xf32, #tpu.memory_space<vmem>>, vector<1x64xf32>
    %add3A_111 = vector.broadcast %get3A_110 : vector<1x64xf32> to vector<10000x64xf32>
    %add3A_112 = arith.addf %dot_general3A_107, %add3A_111 : vector<10000x64xf32>
    %ge3A_113 = arith.constant 0.000000e+00 : f32
    %ge3A_114 = vector.broadcast %ge3A_113 : f32 to vector<10000x64xf32>
    %ge3A_115 = arith.cmpf oge, %add3A_112, %ge3A_114 : vector<10000x64xf32>
    %mul3A_116 = arith.constant 1.000000e-01 : f32
    %mul3A_117 = vector.broadcast %mul3A_116 : f32 to vector<10000x64xf32>
    %mul3A_118 = arith.mulf %mul3A_117, %add3A_112 : vector<10000x64xf32>
    %select_n3A_119 = arith.select %ge3A_115, %add3A_112, %mul3A_118 : vector<10000x64xi1>, vector<10000x64xf32>
    %get3A_120 = arith.constant 2 : index
    %get3A_121 = arith.constant 0 : index
    %get3A_122 = vector.load %arg6[%get3A_120, %get3A_121] : memref<4x64xf32, #tpu.memory_space<vmem>>, vector<1x64xf32>
    %get3A_123 = vector.shape_cast %get3A_122 : vector<1x64xf32> to vector<64xf32>
    %get3A_124 = arith.constant 3 : index
    %get3A_125 = arith.constant 0 : index
    %get3A_126 = vector.load %arg6[%get3A_124, %get3A_125] : memref<4x64xf32, #tpu.memory_space<vmem>>, vector<1x64xf32>
    %get3A_127 = vector.shape_cast %get3A_126 : vector<1x64xf32> to vector<64xf32>
    %reduce_sum3A_128 = arith.constant dense<0.000000e+00> : vector<64xf32>
    %reduce_sum3A_129 = vector.multi_reduction <add>, %select_n3A_119, %reduce_sum3A_128 [0] : vector<10000x64xf32> to vector<64xf32>
    %div3A_130 = arith.constant 1.000000e+04 : f32
    %div3A_131 = vector.broadcast %div3A_130 : f32 to vector<64xf32>
    %div3A_132 = arith.divf %reduce_sum3A_129, %div3A_131 : vector<64xf32>
    %broadcast_in_dim3A_133 = vector.shape_cast %div3A_132 : vector<64xf32> to vector<1x64xf32>
    %sub3A_134 = vector.broadcast %broadcast_in_dim3A_133 : vector<1x64xf32> to vector<10000x64xf32>
    %sub3A_135 = arith.subf %select_n3A_119, %sub3A_134 : vector<10000x64xf32>
    %abs3A_136 = math.absf %sub3A_135 : vector<10000x64xf32>
    %integer_pow3A_137 = arith.mulf %abs3A_136, %abs3A_136 : vector<10000x64xf32>
    %reduce_sum3A_138 = arith.constant dense<0.000000e+00> : vector<64xf32>
    %reduce_sum3A_139 = vector.multi_reduction <add>, %integer_pow3A_137, %reduce_sum3A_138 [0] : vector<10000x64xf32> to vector<64xf32>
    %div3A_140 = arith.constant 1.000000e+04 : f32
    %div3A_141 = vector.broadcast %div3A_140 : f32 to vector<64xf32>
    %div3A_142 = arith.divf %reduce_sum3A_139, %div3A_141 : vector<64xf32>
    %broadcast_in_dim3A_143 = vector.shape_cast %div3A_132 : vector<64xf32> to vector<1x64xf32>
    %sub3A_144 = vector.broadcast %broadcast_in_dim3A_143 : vector<1x64xf32> to vector<10000x64xf32>
    %sub3A_145 = arith.subf %select_n3A_119, %sub3A_144 : vector<10000x64xf32>
    %broadcast_in_dim3A_146 = vector.shape_cast %get3A_123 : vector<64xf32> to vector<1x64xf32>
    %mul3A_147 = vector.broadcast %broadcast_in_dim3A_146 : vector<1x64xf32> to vector<10000x64xf32>
    %mul3A_148 = arith.mulf %mul3A_147, %sub3A_145 : vector<10000x64xf32>
    %add3A_149 = arith.constant 9.99999974E-6 : f32
    %add3A_150 = vector.broadcast %add3A_149 : f32 to vector<64xf32>
    %add3A_151 = arith.addf %div3A_142, %add3A_150 : vector<64xf32>
    %sqrt3A_152 = math.sqrt %add3A_151 : vector<64xf32>
    %broadcast_in_dim3A_153 = vector.shape_cast %sqrt3A_152 : vector<64xf32> to vector<1x64xf32>
    %div3A_154 = vector.broadcast %broadcast_in_dim3A_153 : vector<1x64xf32> to vector<10000x64xf32>
    %div3A_155 = arith.divf %mul3A_148, %div3A_154 : vector<10000x64xf32>
    %broadcast_in_dim3A_156 = vector.shape_cast %get3A_127 : vector<64xf32> to vector<1x64xf32>
    %add3A_157 = vector.broadcast %broadcast_in_dim3A_156 : vector<1x64xf32> to vector<10000x64xf32>
    %add3A_158 = arith.addf %div3A_155, %add3A_157 : vector<10000x64xf32>
    %get3A_159 = arith.constant 0 : index
    %get3A_160 = arith.constant 0 : index
    %get3A_161 = vector.load %arg8[%get3A_159, %get3A_160] : memref<64x64xf32, #tpu.memory_space<vmem>>, vector<64x64xf32>
    %dot_general3A_162 = arith.constant dense<0.000000e+00> : vector<10000x64xf32>
    %dot_general3A_163 = tpu.matmul %add3A_158, %get3A_161, %dot_general3A_162 {dimension_numbers = #tpu.dot_dimension_numbers<[1], [0], [0], [1], [0, 0, 1, 1], [], []>, transpose_lhs_hint = false} : vector<10000x64xf32>, vector<64x64xf32>, vector<10000x64xf32> -> vector<10000x64xf32>
    %get3A_164 = arith.constant 2 : index
    %get3A_165 = arith.constant 0 : index
    %get3A_166 = vector.load %arg5[%get3A_164, %get3A_165] : memref<3x64xf32, #tpu.memory_space<vmem>>, vector<1x64xf32>
    %add3A_167 = vector.broadcast %get3A_166 : vector<1x64xf32> to vector<10000x64xf32>
    %add3A_168 = arith.addf %dot_general3A_163, %add3A_167 : vector<10000x64xf32>
    %swap3A = arith.constant 0 : index
    %swap3A_169 = arith.constant 0 : index
    %swap3A_170 = vector.load %arg11[%swap3A, %swap3A_169] : memref<10000x64xf32, #tpu.memory_space<vmem>>, vector<10000x64xf32>
    tpu.vector_store %arg11[%swap3A, %swap3A_169], %add3A_168 {strides = array<i32>} : memref<10000x64xf32, #tpu.memory_space<vmem>>, vector<10000x64xf32>,
    %get3A_171 = arith.constant 0 : index
    %get3A_172 = arith.constant 0 : index
    %get3A_173 = vector.load %arg9[%get3A_171, %get3A_172] : memref<64x5xf32, #tpu.memory_space<vmem>>, vector<64x5xf32>
    %dot_general3A_174 = arith.constant dense<0.000000e+00> : vector<10000x5xf32>
    %dot_general3A_175 = tpu.matmul %add3A_168, %get3A_173, %dot_general3A_174 {dimension_numbers = #tpu.dot_dimension_numbers<[1], [0], [0], [1], [0, 0, 1, 1], [], []>, transpose_lhs_hint = false} : vector<10000x64xf32>, vector<64x5xf32>, vector<10000x5xf32> -> vector<10000x5xf32>
    %get3A_176 = arith.constant 0 : index
    %get3A_177 = arith.constant 0 : index
    %get3A_178 = vector.load %arg10[%get3A_176, %get3A_177] : memref<1x5xf32, #tpu.memory_space<vmem>>, vector<1x5xf32>
    %add3A_179 = vector.broadcast %get3A_178 : vector<1x5xf32> to vector<10000x5xf32>
    %add3A_180 = arith.addf %dot_general3A_175, %add3A_179 : vector<10000x5xf32>
    %swap3A_181 = arith.constant 0 : index
    %swap3A_182 = arith.constant 0 : index
    %swap3A_183 = vector.load %arg12[%swap3A_181, %swap3A_182] : memref<10000x5xf32, #tpu.memory_space<vmem>>, vector<10000x5xf32>
    tpu.vector_store %arg12[%swap3A_181, %swap3A_182], %add3A_180 {strides = array<i32>} : memref<10000x5xf32, #tpu.memory_space<vmem>>, vector<10000x5xf32>,
    return
  }
}

</mosaic_0001>

<sc_bundles>
// kernel: kernel.32.cloned.1.call-start
scs
__scs_entry_jumppad:
0x0: {  	(pc) =	sbr.rel $0x88, $3  }
0x1: {  	(tag) =	ssettag $0x0;
	lr =	simm.s32 $0x1  }
0x2: {  	[smem:$0x3F26] =	sst lr;
	_ =	strace $0xD0000000  }
0x3: {  	_ = 	snop  }
0x4: {  	_ = 	snop  }
0x5: {  	_ = 	snop  }
0x6: {  	_ = 	snop  }
0x7: {  	_ = 	snop  }
__scs_overlays_trampoline_lowered:
0x8: {  	[smem:$0x3F35] =	sst s0  }
0x9: {  	[smem:$0x3F36] =	sst s1  }
0xa: {  	[smem:$0x3F37] =	sst s2  }
0xb: {  	[smem:$0x3F38] =	sst s3  }
0xc: {  	[smem:$0x3F39] =	sst s4  }
0xd: {  	[smem:$0x3F3A] =	sst s5  }
0xe: {  	[smem:$0x3F3B] =	sst s6  }
0xf: {  	[smem:$0x3F3C] =	sst s7  }
0x10: {  	[smem:$0x3F3D] =	sst s8  }
0x11: {  	[smem:$0x3F3E] =	sst s9;
	s0 =	simm.s32 @!p0 $0x0  }
0x12: {  	s1 =	sld [smem:$0x3F24];
	s0 =	simm.s32 @p0 $0x1  }
0x13: {  	[smem:$0x3F3F] =	sst s0;
	s0 =	simm.s32 @!p1 $0x0  }
0x14: {  	s2 =	sld [smem:$0x3F23];
	s0 =	simm.s32 @p1 $0x1  }
0x15: {  	[smem:$0x3F40] =	sst s0;
	s0 =	simm.s32 @!p2 $0x0  }
0x16: {  	s3 =	sld [smem:$0x3FDB];
	s0 =	simm.s32 @p2 $0x1  }
0x17: {  	s4 =	simm.s32 $0x1BF5;
	[smem:$0x3F42] =	sst s0  }
0x18: {  	s0 =	sld [smem:$0x3F25];
	_ =	swait.ge [sflag:s4], $0x0  }
0x19: {  	s7 =	sld [smem:$0x3F26]  }
0x1a: {  	s8 =	sadd.s32 $0xFFFFE003, lr  }
0x1b: {  	s9 =	sadd.s32 $0xFFFFFEF7, lr;
	s5 =	simm.s32 $0xFFFFFFFF;
	p2 =	slt.u32 s8, $0xFFFFF086  }
0x1c: {  	p1 =	slt.u32 s9, $0xF7A;
	s5 =	simm.s32 @!p2 $0x0  }
0x1d: {  	s5 =	simm.s32 @p1 $0x1;
	p0 =	seq.s32 s7, s2  }
0x1e: {  	s7 =	smul.u32 @!p0 $0xF7A, s2;
	p2 =	seq.s32 @!p0 s5, $0x0  }
0x1f: {  	s9 =	smul.u32 $0xF7A, s1;
	s8 =	simm.s32 @!p0 $0x1BF5;
	p2 =	por !p2, p0  }
0x20: {  	[sflag:s8] =	ssyncset.s32 @!p0 $0xFFFFF086;
	s6 =	sadd.s32 @!p0 s3, s7;
	s7 =	simm.s32 @!p0 $0x108  }
0x21: {  	s3 =	sadd.s32 s3, s9;
	s6 =	sadd.s32 @!p0 $0x88, s6;
	s7 =	simm.s32 @p2 $0x1082  }
0x22: {  	[simem:s7], [sflag:s8] =	dma.local @!p0 [hbm:s6], $0xF7A  }
0x23: {  	s9 =	sor.u32 $0xD0000000, s2;
	s6 =	simm.s32 $0x108;
	_ =	swait.ge @!p0 [sflag:s8], $0x0  }
0x24: {  	s3 =	sadd.s32 $0x88, s3;
	s6 =	simm.s32 @!p1 $0x1082;
	[sflag:s4] =	ssyncset.s32 $0xFFFFF086  }
0x25: {  	[simem:s6], [sflag:s4] =	dma.local [hbm:s3], $0xF7A  }
0x26: {  	[smem:$0x3F26] =	sst s1;
	(tag) =	ssettag s2;
	_ =	strace s9  }
0x27: {  	s1 =	sld [smem:$0x3F36]  }
0x28: {  	s2 =	sld [smem:$0x3F37]  }
0x29: {  	s4 =	sld [smem:$0x3F39]  }
0x2a: {  	p0 =	seq.s32 s5, $0x0;
	s5 =	sld [smem:$0x3F3A]  }
0x2b: {  	s6 =	sld [smem:$0x3F3B]  }
0x2c: {  	s7 =	sld [smem:$0x3F3C]  }
0x2d: {  	s3 =	simm.s32 $0x108;
	s8 =	sld [smem:$0x3F3D]  }
0x2e: {  	s3 =	simm.s32 @!p0 $0x1082;
	s9 =	sld [smem:$0x3F3E]  }
0x2f: {  	lr =	sadd.s32 s0, s3;
	s0 =	sld [smem:$0x3F35]  }
0x30: {  	s3 =	sld [smem:$0x3F38]  }
0x31: {  	[smem:$0x3F41] =	sst s10  }
0x32: {  	s10 =	sld [smem:$0x3F3F];
	_ =	sdelay $0x3  }
0x33: {  	p0 =	seq.s32 s10, $0x1;
	s10 =	sld [smem:$0x3F41];
	_ =	sdelay $0x3  }
0x34: {  	[smem:$0x3F41] =	sst s10  }
0x35: {  	s10 =	sld [smem:$0x3F40];
	_ =	sdelay $0x3  }
0x36: {  	p1 =	seq.s32 s10, $0x1;
	s10 =	sld [smem:$0x3F41];
	_ =	sdelay $0x3  }
0x37: {  	[smem:$0x3F41] =	sst s10  }
0x38: {  	s10 =	sld [smem:$0x3F42]  }
0x39: {  	_ = 	snop;
	(pc) =	sbr.ind lr, $3  }
0x3a: {  	_ = 	snop  }
0x3b: {  	_ = 	snop  }
0x3c: {  	p2 =	seq.s32 s10, $0x1;
	s10 =	sld [smem:$0x3F41]  }
0x3d: {  	_ =	shalt  }
0x3e: {  	_ =	shalt  }
0x3f: {  	_ =	shalt  }
0x40: {  	_ =	shalt  }
0x41: {  	_ =	shalt  }
0x42: {  	_ =	shalt  }
0x43: {  	_ =	shalt  }
0x44: {  	_ =	shalt  }
0x45: {  	_ =	shalt  }
0x46: {  	_ =	shalt  }
0x47: {  	_ =	shalt  }
0x48: {  	_ =	shalt  }
0x49: {  	_ =	shalt  }
0x4a: {  	_ =	shalt  }
0x4b: {  	_ =	shalt  }
0x4c: {  	_ =	shalt  }
0x4d: {  	_ =	shalt  }
0x4e: {  	_ =	shalt  }
0x4f: {  	_ =	shalt  }
0x50: {  	_ =	shalt  }
0x51: {  	_ =	shalt  }
0x52: {  	_ =	shalt  }
0x53: {  	_ =	shalt  }
0x54: {  	_ =	shalt  }
0x55: {  	_ =	shalt  }
0x56: {  	_ =	shalt  }
0x57: {  	_ =	shalt  }
0x58: {  	_ =	shalt  }
0x59: {  	_ =	shalt  }
0x5a: {  	_ =	shalt  }
0x5b: {  	_ =	shalt  }
0x5c: {  	_ =	shalt  }
0x5d: {  	_ =	shalt  }
0x5e: {  	_ =	shalt  }
0x5f: {  	_ =	shalt  }
0x60: {  	_ =	shalt  }
0x61: {  	_ =	shalt  }
0x62: {  	_ =	shalt  }
0x63: {  	_ =	shalt  }
0x64: {  	_ =	shalt  }
0x65: {  	_ =	shalt  }
0x66: {  	_ =	shalt  }
0x67: {  	_ =	shalt  }
0x68: {  	_ =	shalt  }
0x69: {  	_ =	shalt  }
0x6a: {  	_ =	shalt  }
0x6b: {  	_ =	shalt  }
0x6c: {  	_ =	shalt  }
0x6d: {  	_ =	shalt  }
0x6e: {  	_ =	shalt  }
0x6f: {  	_ =	shalt  }
0x70: {  	_ =	shalt  }
0x71: {  	_ =	shalt  }
0x72: {  	_ =	shalt  }
0x73: {  	_ =	shalt  }
0x74: {  	_ =	shalt  }
0x75: {  	_ =	shalt  }
0x76: {  	_ =	shalt  }
0x77: {  	_ =	shalt  }
0x78: {  	_ =	shalt  }
0x79: {  	_ =	shalt  }
0x7a: {  	_ =	shalt  }
0x7b: {  	_ =	shalt  }
0x7c: {  	_ =	shalt  }
0x7d: {  	_ =	shalt  }
0x7e: {  	_ =	shalt  }
0x7f: {  	_ =	shalt  }
0x80: {  	_ =	shalt  }
0x81: {  	_ =	shalt  }
0x82: {  	_ =	shalt  }
0x83: {  	_ =	shalt  }
0x84: {  	_ =	shalt  }
0x85: {  	_ =	shalt  }
0x86: {  	_ =	shalt  }
0x87: {  	_ =	shalt  }
.Lfunc_end0:
.L_simem_size_0:
called_computation_lowered:
.L_overlay_start_0:
0x88: {  	s2 =	sld [smem:$0x3FD9]  }
0x89: {  	s3 =	sld [smem:$0x3FFE];
	_ =	sdelay $0x1  }
0x8a: {  	s1 =	srdreg.scid  }
0x8b: {  	s0 =	sand.u32 $0x1, s1  }
0x8c: {  	s14 =	sshll.u32 s0, $0xA;
	s2 =	sadd.s32 s3, s2  }
0x8d: {  	s2 =	sadd.s32 s2, s14  }
0x8e: {  	[smem:$0x3F4D] =	sst s2  }
0x8f: {  	_ = 	snop  }
0x90: {  	s2 =	sld [smem:$0x3FD0];
	_ =	sdelay $0x2  }
0x91: {  	s15 =	simm.s32 $0xA;
	s4 =	simm.s32 $0x10  }
0x92: {  	[smem:s4], [sflag:s15] =	dma.local [hbm:s2], $0x1  }
0x93: {  	_ =	swait.eq [sflag:s15], $0x1  }
0x94: {  	[sflag:s15] =	ssyncset.done $0x0  }
0x95: {  	[sflag:s15] =	ssyncadd.s32 $0xFFFFFFFF  }
0x96: {  	s16 =	sld [smem:$0x11];
	(tm) =	ssettm $0x1  }
0x97: {  	s17 =	sld [smem:$0x3FFB];
	_ =	sdelay $0x3  }
0x98: {  	_ =	strace s17  }
0x99: {  	s3 =	sld [smem:$0x3FFC];
	_ =	sdelay $0x3  }
0x9a: {  	_ =	strace s3  }
0x9b: {  	s3 =	sld [smem:$0x3FFD];
	_ =	sdelay $0x3  }
0x9c: {  	_ =	strace s3  }
0x9d: {  	_ =	strace $0x8FFFFFFF  }
0x9e: {  	s18 =	sld [smem:$0x3FDB];
	_ =	sdelay $0x1  }
0x9f: {  	s19 =	simm.s32 $_scs_section_size  }
0xa0: {  	s5 =	simm.s32 $_size__tile_overlayer_lowered;
	s6 =	simm.s32 $_tile_overlayer_lowered  }
0xa1: {  	s22 =	simm.s32 $0x1BFF;
	s21 =	sshll.u32 s6, $0x1;
	s3 =	sadd.s32 s19, s18  }
0xa2: {  	s7 =	simm.s32 $0x0;
	s20 =	sshll.u32 s5, $0x1;
	s5 =	sadd.s32 s21, s3  }
0xa3: {  	[timem:s7], [sflag:s22] =	dma.local [hbm:s5], s20  }
0xa4: {  	_ =	swait.ge [sflag:s22], s20  }
0xa5: {  	s4 =	ssub.s32 $0x0, s20;
	[sflag:s22] =	ssyncset.done $0x0  }
0xa6: {  	[sflag:s22] =	ssyncadd.s32 s4;
	_ =	sdelay $0x1  }
0xa7: {  	s23 =	simm.s32 $0x1B8B  }
0xa8: {  	_ =	swait.ge [sflag:s23], $0x1  }
0xa9: {  	[sflag:s23] =	ssyncset.done $0x0  }
0xaa: {  	s25 =	simm.s32 $0x1B8E;
	s24 =	sld [smem:$0x3FFE];
	[sflag:s23] =	ssyncadd.s32 $0xFFFFFFFF  }
0xab: {  	s26 =	simm.s32 $execute0_lowered;
	[smem:$0x3FD2] =	sst s25  }
0xac: {  	s5 =	sshll.u32 s26, $0x1;
	_ =	strace $0x80000046;
	[dreg:$0x1] =	wrdreg $0xFFFFFFFF  }
0xad: {  	s28 =	simm.s32 $_size_execute0_lowered;
	s3 =	sadd.s32 s3, s5;
	[dreg:$0x0] =	wrdreg $0x0  }
0xae: {  	s5 =	sshll.u32 s28, $0x1;
	[dreg:$0x2] =	wrdreg s3  }
0xaf: {  	[dreg:$0x3] =	wrdreg s5  }
0xb0: {  	[dreg:$0x4] =	wrdreg $0xC0  }
0xb1: {  	_ =	task [dreg:s7], $0x5FFFF  }
0xb2: {  	[dreg:$0x1] =	wrdreg $0xFFFFFFFF  }
0xb3: {  	[dreg:$0x0] =	wrdreg $0x60  }
0xb4: {  	[dreg:$0x2] =	wrdreg s24  }
0xb5: {  	[dreg:$0x3] =	wrdreg s16  }
0xb6: {  	[dreg:$0x4] =	wrdreg $0xE900  }
0xb7: {  	[dreg:$0x5] =	wrdreg $0x35A00  }
0xb8: {  	[dreg:$0x6] =	wrdreg $0x9  }
0xb9: {  	_ =	task.clear_ibuf [dreg:s7], $0x7FFFF;
	_ =	strace $0x90000046  }
0xba: {  	s29 =	simm.s32 $0x9;
	_ =	strace $0x80000048  }
0xbb: {  	_ =	swait.ge [sflag:s29], $0x1  }
0xbc: {  	[sflag:s29] =	ssyncadd.s32 $0xFFFFFFFF  }
0xbd: {  	_ =	strace $0x90000048  }
0xbe: {  	_ =	sfence  }
0xbf: {  	s30 =	sld [smem:$0x0];
	_ =	sdelay $0x2  }
0xc0: {  	s31 =	sshll.u32 s1, $0xD;
	s1 =	sshrl.u32 s1, $0x2  }
0xc1: {  	s3 =	sand.u32 $0x4000, s31;
	s1 =	sadd.s32 s1, s30  }
0xc2: {  	s0 =	sor.u32 s3, s0;
	s1 =	sshll.u32 s1, $0x11  }
0xc3: {  	s0 =	sor.u32 s1, s0  }
0xc4: {  	s0 =	sadd.s32 $0x8F2B, s0  }
0xc5: {  	[sflag:s0] =	ssyncadd.remote.s32 $0x1  }
0xc6: {  	_ =	sfence.sel $0xFFFF  }
0xc7: {  	[dreg:$0x0] =	wrdreg $0xFFFFFFFF;
	(pc) =	sbr.abs _section_cstart, $3  }
0xc8: {  	[dreg:$0x1] =	wrdreg $0xFFFFFFFF  }
0xc9: {  	_ =	task.clear_ibuf [dreg:s7], $0x2FFFF;
	_ =	strace $0x9FFFFFFF  }
0xca: {  	(tm) =	ssettm $0x7FFFFFFF  }
0xcb: {  	_ =	shalt  }
tec
execute0_lowered:
.L_overlay_start_1:
0x0: {  	(tag) =	ssettag $0x1  }
0x1: {  	s5 =	rddreg [dreg:$0x0]  }
0x2: {  	s7 =	rddreg [dreg:$0x1]  }
0x3: {  	s2 =	rddreg [dreg:$0x2]  }
0x4: {  	s0 =	srdreg.scid;
	s3 =	rddreg [dreg:$0x3]  }
0x5: {  	s1 =	rddreg [dreg:$0x4];
	s4 =	simm.s32 $0x0;
	s18 =	simm.s32 $0xE10  }
0x6: {  	s19 =	simm.s32 $0x1;
	s20 =	simm.s32 $0xC8;
	s6 =	sand.u32 $0x1, s0  }
0x7: {  	s21 =	simm.s32 $0x190;
	s0 =	stileid.u32;
	s8 =	smul.u32 $0x27100, s6  }
0x8: {  	s24 =	simm.s32 $0x0;
	[smem:$0x7FF] =	sst s4;
	s9 =	smul.u32 $0x2710, s0  }
0x9: {  	s12 =	sadd.s32 $0x2A600, s5;
	s10 =	smul.u32 $0x2700, s0;
	_ =	strace $0x80000047  }
0xa: {  	s6 =	ssub.s32 $0x2, s6;
	s14 =	smul.u32 $0x9C00, s0;
	p0 =	sne.s32 s0, $0xF  }
0xb: {  	s29 =	sshrl.u32 s6, $0x1;
	s9 =	sadd.s32 s9, s8;
	s11 =	sadd.s32 s10, s8  }
0xc: {  	s13 =	ssub.s32 s6, s29;
	s22 =	sadd.s32 s10, s2;
	s8 =	sshrl.u32 s8, $0x3  }
0xd: {  	s23 =	sadd.s32 s10, s3;
	s10 =	sadd.s32 $0x27000, s3;
	s15 =	sshrl.u32 s14, $0x2  }
0xe: {  	s9 =	sshrl.u32 s9, $0x3;
	s30 =	sshrl.u32 s11, $0x3;
	s31 =	sadd.s32 $0x4E00, s8  }
0xf: {  	s8 =	sadd.s32 $0x27000, s2;
	s11 =	smax.u32 s13, $0x1;
	s13 =	sadd.s32 $0x27080, s3  }
0x10: {  	s14 =	sadd.s32 s15, s3;
	s15 =	sadd.s32 s15, s2;
	s22 =	sshrl.u32 s22, $0x3  }
0x11: {  	s23 =	sshrl.u32 s23, $0x3;
	s17 =	sadd.s32 s9, s5;
	s5 =	sadd.s32 s7, s30  }
0x12: {  	s6 =	sadd.s32 s12, s30;
	s7 =	sadd.s32 s7, s31;
	s9 =	sadd.s32 s12, s31  }
0x13: {  	v0 =	vimm.f32 $0.0e+00;
	v1 =	vimm.f32 $1.000000000e+00;
	s12 =	sadd.s32 $0x27080, s2;
	s16 =	sadd.s32 $0x20800, s17;
	s17 =	sadd.s32 $0x16A00, s17  }
.LBB2_1:
0x14: {  	[tilespmem:$0xE10] =	vst v0  }
0x15: {  	[tilespmem:$0xE20] =	vst v0  }
0x16: {  	[tilespmem:$0xE30] =	vst v0  }
0x17: {  	[tilespmem:$0xE40] =	vst v0  }
0x18: {  	[tilespmem:$0xE50] =	vst v0  }
0x19: {  	[tilespmem:$0xE60] =	vst v0  }
0x1a: {  	[tilespmem:$0xE70] =	vst v0  }
0x1b: {  	[tilespmem:$0xE80] =	vst v0;
	s25 =	simm.s32 $0x0  }
.LBB2_2:
0x1c: {  	p1 =	sne.s32 s25, $0x31C0  }
.Ltmp0:
0x1d: {  	_ = 	snop;
	(pc) =	sbr.rel @p1 .LBB2_2-.Ltmp0, $3  }
0x1e: {  	_ =	sdelay $0x1  }
0x1f: {  	s26 =	sshra.s32 s25, $0x2  }
0x20: {  	s25 =	sadd.s32 $0x40, s25;
	[tilespmem:s26+$0x190] =	vst v1  }
0x21: {  	s25 =	sadd.s32 $0x0, s15  }
0x22: {  	[spmem:s25] =	stream.linear.scatter [tilespmem:s18], [sflag:$0x1], $0x80, $0x38;
	[tilespmem:$0x5CB0] =	vst v63  }
0x23: {  	_ =	swait.ge [sflag:s19], $0x80  }
0x24: {  	[sflag:s19] =	ssyncset.done $0x0  }
0x25: {  	s31 =	sadd.s32 $0x0, s14;
	[sflag:s19] =	ssyncadd.s32 $0xFFFFFF80  }
0x26: {  	[spmem:s31] =	stream.linear.scatter [tilespmem:s18], [sflag:$0x1], $0x80, $0x38;
	[tilespmem:$0x5CB0] =	vst v63  }
0x27: {  	_ =	swait.ge [sflag:s19], $0x80  }
0x28: {  	s26 =	simm.s32 $0x400;
	s25 =	simm.s32 $0x80;
	[sflag:s19] =	ssyncset.done $0x0  }
.LBB2_4:
0x29: {  	s28 =	sadd.s32 s25, s15  }
0x2a: {  	[sflag:s19] =	ssyncadd.s32 $0xFFFFFF80;
	s29 =	smov.u32 s26;
	s30 =	sadd.s32 $0x200, s26  }
0x2b: {  	[spmem:s28] =	stream.linear.scatter [tilespmem:s18], [sflag:$0x1], $0x80, $0x38;
	[tilespmem:$0x5CB0] =	vst v63  }
0x2c: {  	p1 =	sne.s32 s26, $0x9A00;
	_ =	swait.ge [sflag:s19], $0x80  }
.Ltmp1:
0x2d: {  	[sflag:s19] =	ssyncset.done $0x0;
	(pc) =	sbr.rel @p1 .LBB2_4-.Ltmp1, $4  }
0x2e: {  	s25 =	sadd.s32 s25, s14;
	[sflag:s19] =	ssyncadd.s32 $0xFFFFFF80  }
0x2f: {  	[spmem:s25] =	stream.linear.scatter [tilespmem:s18], [sflag:$0x1], $0x80, $0x38;
	[tilespmem:$0x5CB0] =	vst v63  }
0x30: {  	_ =	swait.ge [sflag:s19], $0x80  }
0x31: {  	s26 =	smov.u32 s30;
	s25 =	sshra.s32 s29, $0x2;
	[sflag:s19] =	ssyncset.done $0x0  }
0x32: {  	s26 =	sadd.s32 s25, s15;
	[sflag:s19] =	ssyncadd.s32 $0xFFFFFF80  }
0x33: {  	[spmem:s26] =	stream.linear.scatter [tilespmem:s18], [sflag:$0x1], $0x80, $0x38;
	[tilespmem:$0x5CB0] =	vst v63  }
0x34: {  	_ =	swait.ge [sflag:s19], $0x80  }
0x35: {  	[sflag:s19] =	ssyncset.done $0x0  }
0x36: {  	s29 =	sadd.s32 s25, s14;
	[sflag:s19] =	ssyncadd.s32 $0xFFFFFF80  }
0x37: {  	[spmem:s29] =	stream.linear.scatter [tilespmem:s18], [sflag:$0x1], $0x80, $0x38;
	[tilespmem:$0x5CB0] =	vst v63  }
0x38: {  	_ =	swait.ge [sflag:s19], $0x80  }
0x39: {  	[sflag:s19] =	ssyncset.done $0x0  }
0x3a: {  	s25 =	simm.s32 @!p0 $0xE10;
	s26 =	simm.s32 @!p0 $0x1;
	[sflag:s19] =	ssyncadd.s32 $0xFFFFFF80  }
0x3b: {  	[spmem:s8] =	stream.linear.scatter @!p0 [tilespmem:s25], [sflag:$0x1], $0x80, $0x38;
	[tilespmem:$0x5CB0] =	vst v63  }
0x3c: {  	_ =	swait.ge @!p0 [sflag:s26], $0x80  }
0x3d: {  	[sflag:s26] =	ssyncset.done @!p0 $0x0  }
0x3e: {  	[sflag:s26] =	ssyncadd.s32 @!p0 $0xFFFFFF80  }
0x3f: {  	[spmem:s10] =	stream.linear.scatter @!p0 [tilespmem:s25], [sflag:$0x1], $0x80, $0x38;
	[tilespmem:$0x5CB0] =	vst v63  }
0x40: {  	_ =	swait.ge @!p0 [sflag:s26], $0x80  }
0x41: {  	[sflag:s26] =	ssyncset.done @!p0 $0x0  }
0x42: {  	[sflag:s26] =	ssyncadd.s32 @!p0 $0xFFFFFF80  }
0x43: {  	[spmem:s12] =	stream.linear.scatter @!p0 [tilespmem:s25], [sflag:$0x1], $0x80, $0x38;
	[tilespmem:$0x5CB0] =	vst v63  }
0x44: {  	_ =	swait.ge @!p0 [sflag:s26], $0x80  }
0x45: {  	[sflag:s26] =	ssyncset.done @!p0 $0x0  }
0x46: {  	[sflag:s26] =	ssyncadd.s32 @!p0 $0xFFFFFF80  }
0x47: {  	[spmem:s13] =	stream.linear.scatter @!p0 [tilespmem:s25], [sflag:$0x1], $0x80, $0x38;
	[tilespmem:$0x5CB0] =	vst v63  }
0x48: {  	_ =	swait.ge @!p0 [sflag:s26], $0x80  }
0x49: {  	[sflag:s26] =	ssyncset.done @!p0 $0x0  }
0x4a: {  	[sflag:s26] =	ssyncadd.s32 @!p0 $0xFFFFFF80  }
0x4b: {  	s30 =	sadd.s32 $0x0, s17;
	[bflag:$0x0] =	sbarrier.arrive $0xFFFF  }
0x4c: {  	[tilespmem:s4], [sflag:$0x1] =	stream.linear.gather [hbm4b:s30+s4], $0xC8, $0x38;
	[tilespmem:$0x5CB0] =	vst v63  }
0x4d: {  	_ =	swait.ge [sflag:s19], $0xC8  }
0x4e: {  	[sflag:s19] =	ssyncset.done $0x0  }
0x4f: {  	s31 =	sadd.s32 $0x0, s16;
	[sflag:s19] =	ssyncadd.s32 $0xFFFFFF38  }
0x50: {  	[tilespmem:s20], [sflag:$0x1] =	stream.linear.gather [hbm4b:s31+s4], $0xC8, $0x38;
	[tilespmem:$0x5CB0] =	vst v63  }
0x51: {  	_ =	swait.ge [sflag:s19], $0xC8  }
0x52: {  	[sflag:s19] =	ssyncset.done $0x0  }
0x53: {  	[sflag:s19] =	ssyncadd.s32 $0xFFFFFF38  }
0x54: {  	[spmem:s2] =	stream.indirect.scatter.add.f32 [tilespmem:s21], [sflag:$0x1], $0x10, s4, s20, $0xb8;
	[tilespmem:$0x5CB0] =	vst v63  }
0x55: {  	_ =	swait.ge [sflag:s19], $0xC80  }
0x56: {  	[sflag:s19] =	ssyncset.done $0x0  }
0x57: {  	[sflag:s19] =	ssyncadd.s32 $0xFFFFF380  }
0x58: {  	[spmem:s3] =	stream.indirect.scatter.add.f32 [tilespmem:s21], [sflag:$0x1], $0x10, s20, s20, $0xb8;
	[tilespmem:$0x5CB0] =	vst v63  }
0x59: {  	_ =	swait.ge [sflag:s19], $0xC80  }
0x5a: {  	s25 =	simm.s32 $0x19;
	s26 =	simm.s32 $0x32;
	[sflag:s19] =	ssyncset.done $0x0  }
.LBB2_6:
0x5b: {  	s28 =	sadd.s32 s25, s17  }
0x5c: {  	[sflag:s19] =	ssyncadd.s32 $0xFFFFF380;
	s29 =	smov.u32 s26;
	s30 =	sadd.s32 $0x19, s26  }
0x5d: {  	[tilespmem:s4], [sflag:$0x1] =	stream.linear.gather [hbm4b:s28+s4], $0xC8, $0x38;
	[tilespmem:$0x5CB0] =	vst v63  }
0x5e: {  	p1 =	sne.s32 s26, $0x4C9;
	_ =	swait.ge [sflag:s19], $0xC8  }
0x5f: {  	[sflag:s19] =	ssyncset.done $0x0  }
0x60: {  	s26 =	sadd.s32 s25, s16;
	s25 =	smov.u32 s29;
	[sflag:s19] =	ssyncadd.s32 $0xFFFFFF38  }
0x61: {  	[tilespmem:s20], [sflag:$0x1] =	stream.linear.gather [hbm4b:s26+s4], $0xC8, $0x38;
	[tilespmem:$0x5CB0] =	vst v63  }
0x62: {  	_ =	swait.ge [sflag:s19], $0xC8  }
0x63: {  	[sflag:s19] =	ssyncset.done $0x0  }
0x64: {  	[sflag:s19] =	ssyncadd.s32 $0xFFFFFF38  }
0x65: {  	[spmem:s2] =	stream.indirect.scatter.add.f32 [tilespmem:s21], [sflag:$0x1], $0x10, s4, s20, $0xb8;
	[tilespmem:$0x5CB0] =	vst v63  }
0x66: {  	_ =	swait.ge [sflag:s19], $0xC80  }
.Ltmp2:
0x67: {  	[sflag:s19] =	ssyncset.done $0x0;
	(pc) =	sbr.rel @p1 .LBB2_6-.Ltmp2, $4  }
0x68: {  	[sflag:s19] =	ssyncadd.s32 $0xFFFFF380  }
0x69: {  	[spmem:s3] =	stream.indirect.scatter.add.f32 [tilespmem:s21], [sflag:$0x1], $0x10, s20, s20, $0xb8;
	[tilespmem:$0x5CB0] =	vst v63  }
0x6a: {  	_ =	swait.ge [sflag:s19], $0xC80  }
0x6b: {  	s26 =	smov.u32 s30;
	[sflag:s19] =	ssyncset.done $0x0  }
0x6c: {  	s26 =	sadd.s32 s25, s17;
	[sflag:s19] =	ssyncadd.s32 $0xFFFFF380  }
0x6d: {  	[tilespmem:s4], [sflag:$0x1] =	stream.linear.gather [hbm4b:s26+s4], $0xC8, $0x38;
	[tilespmem:$0x5CB0] =	vst v63  }
0x6e: {  	_ =	swait.ge [sflag:s19], $0xC8  }
0x6f: {  	[sflag:s19] =	ssyncset.done $0x0  }
0x70: {  	s30 =	sadd.s32 s25, s16;
	[sflag:s19] =	ssyncadd.s32 $0xFFFFFF38  }
0x71: {  	[tilespmem:s20], [sflag:$0x1] =	stream.linear.gather [hbm4b:s30+s4], $0xC8, $0x38;
	[tilespmem:$0x5CB0] =	vst v63  }
0x72: {  	_ =	swait.ge [sflag:s19], $0xC8  }
0x73: {  	[sflag:s19] =	ssyncset.done $0x0  }
0x74: {  	[sflag:s19] =	ssyncadd.s32 $0xFFFFFF38  }
0x75: {  	[spmem:s2] =	stream.indirect.scatter.add.f32 [tilespmem:s21], [sflag:$0x1], $0x10, s4, s20, $0xb8;
	[tilespmem:$0x5CB0] =	vst v63  }
0x76: {  	_ =	swait.ge [sflag:s19], $0xC80  }
0x77: {  	[sflag:s19] =	ssyncset.done $0x0  }
0x78: {  	[sflag:s19] =	ssyncadd.s32 $0xFFFFF380  }
0x79: {  	[spmem:s3] =	stream.indirect.scatter.add.f32 [tilespmem:s21], [sflag:$0x1], $0x10, s20, s20, $0xb8;
	[tilespmem:$0x5CB0] =	vst v63  }
0x7a: {  	_ =	swait.ge [sflag:s19], $0xC80  }
0x7b: {  	[sflag:s19] =	ssyncset.done $0x0  }
0x7c: {  	s31 =	sshll.u32 s0, $0x6;
	[sflag:s19] =	ssyncadd.s32 $0xFFFFF380  }
0x7d: {  	s25 =	sor.u32 $0x1C01, s31;
	[bflag:$0x0] =	sbarrier.arrive $0xFFFF  }
0x7e: {  	[hbm:s5], [sflag:s25] =	dma.local [spmem:s22], $0x4E0  }
0x7f: {  	_ =	swait.ge [sflag:s19], $0x4E0  }
0x80: {  	[sflag:s19] =	ssyncset.done $0x0  }
0x81: {  	[sflag:s19] =	ssyncadd.s32 $0xFFFFFB20  }
0x82: {  	[hbm:s6], [sflag:s25] =	dma.local [spmem:s23], $0x4E0  }
0x83: {  	_ =	swait.ge [sflag:s19], $0x4E0  }
0x84: {  	[sflag:s19] =	ssyncset.done $0x0  }
0x85: {  	s26 =	sshrl.u32 @!p0 s8, $0x3;
	[sflag:s19] =	ssyncadd.s32 $0xFFFFFB20  }
0x86: {  	[hbm:s7], [sflag:s25] =	dma.local @!p0 [spmem:s26], $0x20  }
0x87: {  	s26 =	simm.s32 @!p0 $0x1  }
0x88: {  	s24 =	sadd.s32 $0x1, s24;
	_ =	swait.ge @!p0 [sflag:s26], $0x20  }
0x89: {  	p1 =	sne.s32 s24, s11;
	[sflag:s26] =	ssyncset.done @!p0 $0x0  }
.Ltmp3:
0x8a: {  	s28 =	sshrl.u32 @!p0 s10, $0x3;
	[sflag:s26] =	ssyncadd.s32 @!p0 $0xFFFFFFE0;
	(pc) =	sbr.rel @p1 .LBB2_1-.Ltmp3, $4  }
0x8b: {  	[hbm:s9], [sflag:s25] =	dma.local @!p0 [spmem:s28], $0x20  }
0x8c: {  	_ =	swait.ge @!p0 [sflag:s26], $0x20  }
0x8d: {  	[sflag:s26] =	ssyncset.done @!p0 $0x0  }
0x8e: {  	[sflag:s26] =	ssyncadd.s32 @!p0 $0xFFFFFFE0  }
0x8f: {  	_ =	sfence.sel $0x180000  }
0x90: {  	[bflag:$0x0] =	sbarrier.arrive $0xFFFF  }
0x91: {  	p0 =	sne.s32 s0, $0x0;
	_ =	strace $0x90000047  }
0x92: {  	s0 =	sadd.s32 @!p0 $0x100000, s1;
	[bflag:$0x2] =	sbarrier.arrive $0xFFFF  }
0x93: {  	[sflag:s0] =	ssyncadd.tile.s32 @!p0 $0x1;
	_ =	shalt  }
.Lfunc_end2:
_tile_overlayer_lowered:
.L_overlay_start_2:
0x94: {  	(tag) =	ssettag $0x2  }
0x95: {  	s0 =	rddreg [dreg:$0x0];
	s2 =	stileid.u32  }
0x96: {  	s1 =	rddreg [dreg:$0x1];
	p0 =	sne.s32 s2, $0x0  }
0x97: {  	s3 =	rddreg [dreg:$0x2];
	[bflag:$0x3] =	sbarrier.arrive $0xFFFF;
	s2 =	simm.s32 @!p0 $0x1C01  }
0x98: {  	[timem:s3], [sflag:s2] =	dma.local @!p0 [hbm:s0], s1  }
0x99: {  	s0 =	simm.s32 @!p0 $0x1  }
0x9a: {  	_ =	swait.ge @!p0 [sflag:s0], s1  }
0x9b: {  	s1 =	ssub.s32 @!p0 $0x0, s1;
	[sflag:s0] =	ssyncset.done @!p0 $0x0  }
0x9c: {  	[sflag:s0] =	ssyncadd.s32 @!p0 s1  }
0x9d: {  	[bflag:$0x3] =	sbarrier.arrive $0xFFFF  }
0x9e: {  	_ =	shalt  }

// kernel: kernel.35.cloned.1.call-start
scs
__scs_entry_jumppad:
0x0: {  	(pc) =	sbr.rel $0x88, $3  }
0x1: {  	(tag) =	ssettag $0x0;
	lr =	simm.s32 $0x1  }
0x2: {  	[smem:$0x3F26] =	sst lr;
	_ =	strace $0xD0000000  }
0x3: {  	_ = 	snop  }
0x4: {  	_ = 	snop  }
0x5: {  	_ = 	snop  }
0x6: {  	_ = 	snop  }
0x7: {  	_ = 	snop  }
__scs_overlays_trampoline_lowered:
0x8: {  	[smem:$0x3F35] =	sst s0  }
0x9: {  	[smem:$0x3F36] =	sst s1  }
0xa: {  	[smem:$0x3F37] =	sst s2  }
0xb: {  	[smem:$0x3F38] =	sst s3  }
0xc: {  	[smem:$0x3F39] =	sst s4  }
0xd: {  	[smem:$0x3F3A] =	sst s5  }
0xe: {  	[smem:$0x3F3B] =	sst s6  }
0xf: {  	[smem:$0x3F3C] =	sst s7  }
0x10: {  	[smem:$0x3F3D] =	sst s8  }
0x11: {  	[smem:$0x3F3E] =	sst s9;
	s0 =	simm.s32 @!p0 $0x0  }
0x12: {  	s1 =	sld [smem:$0x3F24];
	s0 =	simm.s32 @p0 $0x1  }
0x13: {  	[smem:$0x3F3F] =	sst s0;
	s0 =	simm.s32 @!p1 $0x0  }
0x14: {  	s2 =	sld [smem:$0x3F23];
	s0 =	simm.s32 @p1 $0x1  }
0x15: {  	[smem:$0x3F40] =	sst s0;
	s0 =	simm.s32 @!p2 $0x0  }
0x16: {  	s3 =	sld [smem:$0x3FDB];
	s0 =	simm.s32 @p2 $0x1  }
0x17: {  	s4 =	simm.s32 $0x1BF5;
	[smem:$0x3F42] =	sst s0  }
0x18: {  	s0 =	sld [smem:$0x3F25];
	_ =	swait.ge [sflag:s4], $0x0  }
0x19: {  	s7 =	sld [smem:$0x3F26]  }
0x1a: {  	s8 =	sadd.s32 $0xFFFFE003, lr  }
0x1b: {  	s9 =	sadd.s32 $0xFFFFFEF7, lr;
	s5 =	simm.s32 $0xFFFFFFFF;
	p2 =	slt.u32 s8, $0xFFFFF086  }
0x1c: {  	p1 =	slt.u32 s9, $0xF7A;
	s5 =	simm.s32 @!p2 $0x0  }
0x1d: {  	s5 =	simm.s32 @p1 $0x1;
	p0 =	seq.s32 s7, s2  }
0x1e: {  	s7 =	smul.u32 @!p0 $0xF7A, s2;
	p2 =	seq.s32 @!p0 s5, $0x0  }
0x1f: {  	s9 =	smul.u32 $0xF7A, s1;
	s8 =	simm.s32 @!p0 $0x1BF5;
	p2 =	por !p2, p0  }
0x20: {  	[sflag:s8] =	ssyncset.s32 @!p0 $0xFFFFF086;
	s6 =	sadd.s32 @!p0 s3, s7;
	s7 =	simm.s32 @!p0 $0x108  }
0x21: {  	s3 =	sadd.s32 s3, s9;
	s6 =	sadd.s32 @!p0 $0x88, s6;
	s7 =	simm.s32 @p2 $0x1082  }
0x22: {  	[simem:s7], [sflag:s8] =	dma.local @!p0 [hbm:s6], $0xF7A  }
0x23: {  	s9 =	sor.u32 $0xD0000000, s2;
	s6 =	simm.s32 $0x108;
	_ =	swait.ge @!p0 [sflag:s8], $0x0  }
0x24: {  	s3 =	sadd.s32 $0x88, s3;
	s6 =	simm.s32 @!p1 $0x1082;
	[sflag:s4] =	ssyncset.s32 $0xFFFFF086  }
0x25: {  	[simem:s6], [sflag:s4] =	dma.local [hbm:s3], $0xF7A  }
0x26: {  	[smem:$0x3F26] =	sst s1;
	(tag) =	ssettag s2;
	_ =	strace s9  }
0x27: {  	s1 =	sld [smem:$0x3F36]  }
0x28: {  	s2 =	sld [smem:$0x3F37]  }
0x29: {  	s4 =	sld [smem:$0x3F39]  }
0x2a: {  	p0 =	seq.s32 s5, $0x0;
	s5 =	sld [smem:$0x3F3A]  }
0x2b: {  	s6 =	sld [smem:$0x3F3B]  }
0x2c: {  	s7 =	sld [smem:$0x3F3C]  }
0x2d: {  	s3 =	simm.s32 $0x108;
	s8 =	sld [smem:$0x3F3D]  }
0x2e: {  	s3 =	simm.s32 @!p0 $0x1082;
	s9 =	sld [smem:$0x3F3E]  }
0x2f: {  	lr =	sadd.s32 s0, s3;
	s0 =	sld [smem:$0x3F35]  }
0x30: {  	s3 =	sld [smem:$0x3F38]  }
0x31: {  	[smem:$0x3F41] =	sst s10  }
0x32: {  	s10 =	sld [smem:$0x3F3F];
	_ =	sdelay $0x3  }
0x33: {  	p0 =	seq.s32 s10, $0x1;
	s10 =	sld [smem:$0x3F41];
	_ =	sdelay $0x3  }
0x34: {  	[smem:$0x3F41] =	sst s10  }
0x35: {  	s10 =	sld [smem:$0x3F40];
	_ =	sdelay $0x3  }
0x36: {  	p1 =	seq.s32 s10, $0x1;
	s10 =	sld [smem:$0x3F41];
	_ =	sdelay $0x3  }
0x37: {  	[smem:$0x3F41] =	sst s10  }
0x38: {  	s10 =	sld [smem:$0x3F42]  }
0x39: {  	_ = 	snop;
	(pc) =	sbr.ind lr, $3  }
0x3a: {  	_ = 	snop  }
0x3b: {  	_ = 	snop  }
0x3c: {  	p2 =	seq.s32 s10, $0x1;
	s10 =	sld [smem:$0x3F41]  }
0x3d: {  	_ =	shalt  }
0x3e: {  	_ =	shalt  }
0x3f: {  	_ =	shalt  }
0x40: {  	_ =	shalt  }
0x41: {  	_ =	shalt  }
0x42: {  	_ =	shalt  }
0x43: {  	_ =	shalt  }
0x44: {  	_ =	shalt  }
0x45: {  	_ =	shalt  }
0x46: {  	_ =	shalt  }
0x47: {  	_ =	shalt  }
0x48: {  	_ =	shalt  }
0x49: {  	_ =	shalt  }
0x4a: {  	_ =	shalt  }
0x4b: {  	_ =	shalt  }
0x4c: {  	_ =	shalt  }
0x4d: {  	_ =	shalt  }
0x4e: {  	_ =	shalt  }
0x4f: {  	_ =	shalt  }
0x50: {  	_ =	shalt  }
0x51: {  	_ =	shalt  }
0x52: {  	_ =	shalt  }
0x53: {  	_ =	shalt  }
0x54: {  	_ =	shalt  }
0x55: {  	_ =	shalt  }
0x56: {  	_ =	shalt  }
0x57: {  	_ =	shalt  }
0x58: {  	_ =	shalt  }
0x59: {  	_ =	shalt  }
0x5a: {  	_ =	shalt  }
0x5b: {  	_ =	shalt  }
0x5c: {  	_ =	shalt  }
0x5d: {  	_ =	shalt  }
0x5e: {  	_ =	shalt  }
0x5f: {  	_ =	shalt  }
0x60: {  	_ =	shalt  }
0x61: {  	_ =	shalt  }
0x62: {  	_ =	shalt  }
0x63: {  	_ =	shalt  }
0x64: {  	_ =	shalt  }
0x65: {  	_ =	shalt  }
0x66: {  	_ =	shalt  }
0x67: {  	_ =	shalt  }
0x68: {  	_ =	shalt  }
0x69: {  	_ =	shalt  }
0x6a: {  	_ =	shalt  }
0x6b: {  	_ =	shalt  }
0x6c: {  	_ =	shalt  }
0x6d: {  	_ =	shalt  }
0x6e: {  	_ =	shalt  }
0x6f: {  	_ =	shalt  }
0x70: {  	_ =	shalt  }
0x71: {  	_ =	shalt  }
0x72: {  	_ =	shalt  }
0x73: {  	_ =	shalt  }
0x74: {  	_ =	shalt  }
0x75: {  	_ =	shalt  }
0x76: {  	_ =	shalt  }
0x77: {  	_ =	shalt  }
0x78: {  	_ =	shalt  }
0x79: {  	_ =	shalt  }
0x7a: {  	_ =	shalt  }
0x7b: {  	_ =	shalt  }
0x7c: {  	_ =	shalt  }
0x7d: {  	_ =	shalt  }
0x7e: {  	_ =	shalt  }
0x7f: {  	_ =	shalt  }
0x80: {  	_ =	shalt  }
0x81: {  	_ =	shalt  }
0x82: {  	_ =	shalt  }
0x83: {  	_ =	shalt  }
0x84: {  	_ =	shalt  }
0x85: {  	_ =	shalt  }
0x86: {  	_ =	shalt  }
0x87: {  	_ =	shalt  }
.Lfunc_end0:
.L_simem_size_0:
called_computation.1_lowered:
.L_overlay_start_0:
0x88: {  	s2 =	sld [smem:$0x3FD9]  }
0x89: {  	s3 =	sld [smem:$0x3FFE];
	_ =	sdelay $0x1  }
0x8a: {  	s1 =	srdreg.scid  }
0x8b: {  	s0 =	sand.u32 $0x1, s1  }
0x8c: {  	s16 =	sshll.u32 s0, $0xA;
	s2 =	sadd.s32 s3, s2  }
0x8d: {  	s2 =	sadd.s32 s2, s16  }
0x8e: {  	[smem:$0x3F4D] =	sst s2  }
0x8f: {  	_ = 	snop  }
0x90: {  	(tm) =	ssettm $0x1  }
0x91: {  	s17 =	sld [smem:$0x3FFB];
	_ =	sdelay $0x3  }
0x92: {  	_ =	strace s17  }
0x93: {  	s2 =	sld [smem:$0x3FFC];
	_ =	sdelay $0x3  }
0x94: {  	_ =	strace s2  }
0x95: {  	s2 =	sld [smem:$0x3FFD];
	_ =	sdelay $0x3  }
0x96: {  	_ =	strace s2  }
0x97: {  	_ =	strace $0x8FFFFFFF  }
0x98: {  	s18 =	sld [smem:$0x3FDB];
	_ =	sdelay $0x1  }
0x99: {  	s19 =	simm.s32 $_scs_section_size  }
0x9a: {  	s4 =	simm.s32 $_size__tile_overlayer_lowered;
	s5 =	simm.s32 $_tile_overlayer_lowered  }
0x9b: {  	s22 =	simm.s32 $0x1BFF;
	s21 =	sshll.u32 s5, $0x1;
	s2 =	sadd.s32 s19, s18  }
0x9c: {  	s6 =	simm.s32 $0x0;
	s20 =	sshll.u32 s4, $0x1;
	s4 =	sadd.s32 s21, s2  }
0x9d: {  	[timem:s6], [sflag:s22] =	dma.local [hbm:s4], s20  }
0x9e: {  	_ =	swait.ge [sflag:s22], s20  }
0x9f: {  	s3 =	ssub.s32 $0x0, s20;
	[sflag:s22] =	ssyncset.done $0x0  }
0xa0: {  	[sflag:s22] =	ssyncadd.s32 s3;
	_ =	sdelay $0x1  }
0xa1: {  	s23 =	simm.s32 $0x1B8B  }
0xa2: {  	_ =	swait.ge [sflag:s23], $0x1  }
0xa3: {  	[sflag:s23] =	ssyncset.done $0x0  }
0xa4: {  	s25 =	simm.s32 $0x1B8E;
	s24 =	sld [smem:$0x3FFE];
	[sflag:s23] =	ssyncadd.s32 $0xFFFFFFFF  }
0xa5: {  	s26 =	simm.s32 $execute0_lowered;
	[smem:$0x3FD2] =	sst s25  }
0xa6: {  	s4 =	sshll.u32 s26, $0x1;
	_ =	strace $0x80000049;
	[dreg:$0x1] =	wrdreg $0xFFFFFFFF  }
0xa7: {  	s28 =	simm.s32 $_size_execute0_lowered;
	s2 =	sadd.s32 s2, s4;
	[dreg:$0x0] =	wrdreg $0x0  }
0xa8: {  	s4 =	sshll.u32 s28, $0x1;
	[dreg:$0x2] =	wrdreg s2  }
0xa9: {  	[dreg:$0x3] =	wrdreg s4  }
0xaa: {  	[dreg:$0x4] =	wrdreg $0xC0  }
0xab: {  	_ =	task [dreg:s6], $0x5FFFF  }
0xac: {  	[dreg:$0x1] =	wrdreg $0xFFFFFFFF  }
0xad: {  	[dreg:$0x0] =	wrdreg $0x60  }
0xae: {  	[dreg:$0x2] =	wrdreg s24  }
0xaf: {  	[dreg:$0x3] =	wrdreg $0x9  }
0xb0: {  	_ =	task.clear_ibuf [dreg:s6], $0x4FFFF;
	_ =	strace $0x90000049  }
0xb1: {  	s29 =	simm.s32 $0x9;
	_ =	strace $0x8000004B  }
0xb2: {  	_ =	swait.ge [sflag:s29], $0x1  }
0xb3: {  	[sflag:s29] =	ssyncadd.s32 $0xFFFFFFFF  }
0xb4: {  	_ =	strace $0x9000004B  }
0xb5: {  	_ =	sfence  }
0xb6: {  	s30 =	sld [smem:$0x0];
	_ =	sdelay $0x2  }
0xb7: {  	s31 =	sshll.u32 s1, $0xD;
	s1 =	sshrl.u32 s1, $0x2  }
0xb8: {  	s3 =	sand.u32 $0x4000, s31;
	s1 =	sadd.s32 s1, s30  }
0xb9: {  	s0 =	sor.u32 s3, s0;
	s1 =	sshll.u32 s1, $0x11  }
0xba: {  	s0 =	sor.u32 s1, s0  }
0xbb: {  	s0 =	sadd.s32 $0x8F2B, s0  }
0xbc: {  	[sflag:s0] =	ssyncadd.remote.s32 $0x1  }
0xbd: {  	_ =	sfence.sel $0xFFFF  }
0xbe: {  	[dreg:$0x0] =	wrdreg $0xFFFFFFFF;
	(pc) =	sbr.abs _section_cstart, $3  }
0xbf: {  	[dreg:$0x1] =	wrdreg $0xFFFFFFFF  }
0xc0: {  	_ =	task.clear_ibuf [dreg:s6], $0x2FFFF;
	_ =	strace $0x9FFFFFFF  }
0xc1: {  	(tm) =	ssettm $0x7FFFFFFF  }
tec
execute0_lowered:
.L_overlay_start_1:
0x0: {  	(tag) =	ssettag $0x1  }
0x1: {  	s4 =	rddreg [dreg:$0x0]  }
0x2: {  	s1 =	srdreg.scid;
	s0 =	rddreg [dreg:$0x1]  }
0x3: {  	s2 =	simm.s32 $0x0;
	s11 =	simm.s32 $0xA0;
	s12 =	simm.s32 $0x28A0  }
0x4: {  	s13 =	simm.s32 $0x1;
	s14 =	simm.s32 $0x2;
	s5 =	sand.u32 $0x1, s1  }
0x5: {  	s15 =	simm.s32 $0x0;
	s1 =	stileid.u32;
	s6 =	smul.u32 $0x27100, s5  }
0x6: {  	[smem:$0x7FF] =	sst s2;
	s3 =	sadd.s32 $0x2B400, s4;
	s7 =	smul.u32 $0x2710, s1  }
0x7: {  	_ =	strace $0x8000004A;
	s8 =	smul.u32 $0x271000, s5;
	s5 =	ssub.s32 $0x2, s5  }
0x8: {  	s29 =	smul.u32 $0x27100, s1;
	s9 =	sshrl.u32 s5, $0x1;
	s6 =	sadd.s32 s7, s6  }
0x9: {  	s8 =	sadd.s32 s8, s4;
	s30 =	ssub.s32 s5, s9;
	s6 =	sshrl.u32 s6, $0x3  }
0xa: {  	s9 =	simm.s32 $0x3;
	s31 =	sadd.s32 s29, s8;
	s10 =	sadd.s32 s6, s4  }
0xb: {  	s4 =	smax.u32 s30, $0x1;
	s5 =	sadd.s32 $0x52600, s31;
	s6 =	sadd.s32 $0x534600, s31  }
0xc: {  	s7 =	sadd.s32 $0x20800, s10;
	s8 =	sadd.s32 $0x16A00, s10;
	s10 =	simm.s32 $0x50  }
.LBB2_1:
0xd: {  	s16 =	sadd.s32 $0x0, s8  }
0xe: {  	[tilespmem:s2], [sflag:$0x3] =	stream.linear.gather [hbm4b:s16+s2], $0x50, $0x38;
	[tilespmem:$0x50A0] =	vst v63  }
0xf: {  	_ =	swait.ge [sflag:s9], $0x50  }
0x10: {  	[sflag:s9] =	ssyncset.done $0x0  }
0x11: {  	s31 =	sadd.s32 $0x0, s7;
	[sflag:s9] =	ssyncadd.s32 $0xFFFFFFB0  }
0x12: {  	[tilespmem:s10], [sflag:$0x3] =	stream.linear.gather [hbm4b:s31+s2], $0x50, $0x38;
	[tilespmem:$0x50A0] =	vst v63  }
0x13: {  	_ =	swait.ge [sflag:s9], $0x50  }
0x14: {  	[sflag:s9] =	ssyncset.done $0x0  }
0x15: {  	[sflag:s9] =	ssyncadd.s32 $0xFFFFFFB0  }
0x16: {  	[tilespmem:s11], [sflag:$0x1] =	stream.indirect.gather [hbm4b:s3+s10], $0x80, s2, s10, $0xb8;
	[tilespmem:$0x50A0] =	vst v63  }
0x17: {  	_ = 	snop  }
0x18: {  	[tilespmem:s12], [sflag:$0x2] =	stream.indirect.gather [hbm4b:s3+s10], $0x80, s10, s10, $0xb8;
	[tilespmem:$0x50A0] =	vst v63  }
0x19: {  	_ =	swait.ge [sflag:s13], $0x2800  }
0x1a: {  	[sflag:s13] =	ssyncset.done $0x0  }
0x1b: {  	[sflag:s13] =	ssyncadd.s32 $0xFFFFD800  }
0x1c: {  	[hbm4b:s6+s2] =	stream.linear.scatter [tilespmem:s11], [sflag:$0x3], $0x2800, $0x38;
	[tilespmem:$0x50A0] =	vst v63  }
0x1d: {  	_ =	swait.ge [sflag:s9], $0x2800  }
0x1e: {  	[sflag:s9] =	ssyncset.done $0x0  }
0x1f: {  	[sflag:s9] =	ssyncadd.s32 $0xFFFFD800  }
0x20: {  	_ =	swait.ge [sflag:s14], $0x2800  }
0x21: {  	[sflag:s14] =	ssyncset.done $0x0  }
0x22: {  	[sflag:s14] =	ssyncadd.s32 $0xFFFFD800  }
0x23: {  	[hbm4b:s5+s2] =	stream.linear.scatter [tilespmem:s12], [sflag:$0x3], $0x2800, $0x38;
	[tilespmem:$0x50A0] =	vst v63  }
0x24: {  	s18 =	simm.s32 $0xA;
	s19 =	simm.s32 $0x14;
	_ =	swait.ge [sflag:s9], $0x2800  }
0x25: {  	s17 =	sadd.s32 $0x500, s6;
	s16 =	sadd.s32 $0x500, s5;
	[sflag:s9] =	ssyncset.done $0x0  }
.LBB2_2:
0x26: {  	s20 =	sadd.s32 s18, s8  }
0x27: {  	[sflag:s9] =	ssyncadd.s32 $0xFFFFD800;
	s21 =	smov.u32 s19;
	s22 =	sadd.s32 $0xA, s19  }
0x28: {  	[tilespmem:s2], [sflag:$0x3] =	stream.linear.gather [hbm4b:s20+s2], $0x50, $0x38;
	[tilespmem:$0x50A0] =	vst v63  }
0x29: {  	p0 =	sne.s32 s19, $0x4D8;
	_ =	swait.ge [sflag:s9], $0x50  }
0x2a: {  	[sflag:s9] =	ssyncset.done $0x0  }
0x2b: {  	s19 =	sadd.s32 s18, s7;
	s18 =	smov.u32 s21;
	[sflag:s9] =	ssyncadd.s32 $0xFFFFFFB0  }
0x2c: {  	[tilespmem:s10], [sflag:$0x3] =	stream.linear.gather [hbm4b:s19+s2], $0x50, $0x38;
	[tilespmem:$0x50A0] =	vst v63  }
0x2d: {  	_ =	swait.ge [sflag:s9], $0x50  }
0x2e: {  	[sflag:s9] =	ssyncset.done $0x0  }
0x2f: {  	[sflag:s9] =	ssyncadd.s32 $0xFFFFFFB0  }
0x30: {  	[tilespmem:s11], [sflag:$0x1] =	stream.indirect.gather [hbm4b:s3+s10], $0x80, s2, s10, $0xb8;
	[tilespmem:$0x50A0] =	vst v63  }
0x31: {  	_ = 	snop  }
0x32: {  	[tilespmem:s12], [sflag:$0x2] =	stream.indirect.gather [hbm4b:s3+s10], $0x80, s10, s10, $0xb8;
	[tilespmem:$0x50A0] =	vst v63  }
0x33: {  	_ =	swait.ge [sflag:s13], $0x2800  }
0x34: {  	[sflag:s13] =	ssyncset.done $0x0  }
0x35: {  	[sflag:s13] =	ssyncadd.s32 $0xFFFFD800  }
0x36: {  	[hbm4b:s17+s2] =	stream.linear.scatter [tilespmem:s11], [sflag:$0x3], $0x2800, $0x38;
	[tilespmem:$0x50A0] =	vst v63  }
0x37: {  	_ =	swait.ge [sflag:s9], $0x2800  }
0x38: {  	[sflag:s9] =	ssyncset.done $0x0  }
0x39: {  	[sflag:s9] =	ssyncadd.s32 $0xFFFFD800  }
0x3a: {  	_ =	swait.ge [sflag:s14], $0x2800  }
.Ltmp0:
0x3b: {  	[sflag:s14] =	ssyncset.done $0x0;
	(pc) =	sbr.rel @p0 .LBB2_2-.Ltmp0, $4  }
0x3c: {  	[sflag:s14] =	ssyncadd.s32 $0xFFFFD800  }
0x3d: {  	[hbm4b:s16+s2] =	stream.linear.scatter [tilespmem:s12], [sflag:$0x3], $0x2800, $0x38;
	[tilespmem:$0x50A0] =	vst v63  }
0x3e: {  	s19 =	smov.u32 s22;
	_ =	swait.ge [sflag:s9], $0x2800  }
0x3f: {  	s17 =	sadd.s32 $0x500, s17;
	s16 =	sadd.s32 $0x500, s16;
	[sflag:s9] =	ssyncset.done $0x0  }
0x40: {  	s19 =	sadd.s32 s18, s8;
	[sflag:s9] =	ssyncadd.s32 $0xFFFFD800  }
0x41: {  	[tilespmem:s2], [sflag:$0x3] =	stream.linear.gather [hbm4b:s19+s2], $0x50, $0x38;
	[tilespmem:$0x50A0] =	vst v63  }
0x42: {  	_ =	swait.ge [sflag:s9], $0x50  }
0x43: {  	[sflag:s9] =	ssyncset.done $0x0  }
0x44: {  	s31 =	sadd.s32 s18, s7;
	[sflag:s9] =	ssyncadd.s32 $0xFFFFFFB0  }
0x45: {  	[tilespmem:s10], [sflag:$0x3] =	stream.linear.gather [hbm4b:s31+s2], $0x50, $0x38;
	[tilespmem:$0x50A0] =	vst v63  }
0x46: {  	_ =	swait.ge [sflag:s9], $0x50  }
0x47: {  	[sflag:s9] =	ssyncset.done $0x0  }
0x48: {  	[sflag:s9] =	ssyncadd.s32 $0xFFFFFFB0  }
0x49: {  	[tilespmem:s11], [sflag:$0x1] =	stream.indirect.gather [hbm4b:s3+s10], $0x80, s2, s10, $0xb8;
	[tilespmem:$0x50A0] =	vst v63  }
0x4a: {  	_ = 	snop  }
0x4b: {  	[tilespmem:s12], [sflag:$0x2] =	stream.indirect.gather [hbm4b:s3+s10], $0x80, s10, s10, $0xb8;
	[tilespmem:$0x50A0] =	vst v63  }
0x4c: {  	_ =	swait.ge [sflag:s13], $0x2800  }
0x4d: {  	[sflag:s13] =	ssyncset.done $0x0  }
0x4e: {  	[sflag:s13] =	ssyncadd.s32 $0xFFFFD800  }
0x4f: {  	[hbm4b:s17+s2] =	stream.linear.scatter [tilespmem:s11], [sflag:$0x3], $0x2800, $0x38;
	[tilespmem:$0x50A0] =	vst v63  }
0x50: {  	_ =	swait.ge [sflag:s9], $0x2800  }
0x51: {  	[sflag:s9] =	ssyncset.done $0x0  }
0x52: {  	[sflag:s9] =	ssyncadd.s32 $0xFFFFD800  }
0x53: {  	s15 =	sadd.s32 $0x1, s15;
	_ =	swait.ge [sflag:s14], $0x2800  }
0x54: {  	p0 =	sne.s32 s15, s4;
	[sflag:s14] =	ssyncset.done $0x0  }
.Ltmp1:
0x55: {  	[sflag:s14] =	ssyncadd.s32 $0xFFFFD800;
	(pc) =	sbr.rel @p0 .LBB2_1-.Ltmp1, $4  }
0x56: {  	[hbm4b:s16+s2] =	stream.linear.scatter [tilespmem:s12], [sflag:$0x3], $0x2800, $0x38;
	[tilespmem:$0x50A0] =	vst v63  }
0x57: {  	_ =	swait.ge [sflag:s9], $0x2800  }
0x58: {  	[sflag:s9] =	ssyncset.done $0x0  }
0x59: {  	[sflag:s9] =	ssyncadd.s32 $0xFFFFD800  }
0x5a: {  	_ =	sfence.sel $0x180000  }
0x5b: {  	[bflag:$0x0] =	sbarrier.arrive $0xFFFF  }
0x5c: {  	p0 =	sne.s32 s1, $0x0;
	_ =	strace $0x9000004A  }
0x5d: {  	s0 =	sadd.s32 @!p0 $0x100000, s0;
	[bflag:$0x2] =	sbarrier.arrive $0xFFFF  }
0x5e: {  	[sflag:s0] =	ssyncadd.tile.s32 @!p0 $0x1;
	_ =	shalt  }
.Lfunc_end2:
_tile_overlayer_lowered:
.L_overlay_start_2:
0x5f: {  	(tag) =	ssettag $0x2  }
0x60: {  	s0 =	rddreg [dreg:$0x0];
	s2 =	stileid.u32  }
0x61: {  	s1 =	rddreg [dreg:$0x1];
	p0 =	sne.s32 s2, $0x0  }
0x62: {  	s3 =	rddreg [dreg:$0x2];
	[bflag:$0x3] =	sbarrier.arrive $0xFFFF;
	s2 =	simm.s32 @!p0 $0x1C03  }
0x63: {  	[timem:s3], [sflag:s2] =	dma.local @!p0 [hbm:s0], s1  }
0x64: {  	s0 =	simm.s32 @!p0 $0x3  }
0x65: {  	_ =	swait.ge @!p0 [sflag:s0], s1  }
0x66: {  	s1 =	ssub.s32 @!p0 $0x0, s1;
	[sflag:s0] =	ssyncset.done @!p0 $0x0  }
0x67: {  	[sflag:s0] =	ssyncadd.s32 @!p0 s1  }
0x68: {  	[bflag:$0x3] =	sbarrier.arrive $0xFFFF  }
0x69: {  	_ =	shalt  }

// kernel: kernel.38.cloned.1.call-start
scs
__scs_entry_jumppad:
0x0: {  	(pc) =	sbr.rel $0x88, $3  }
0x1: {  	(tag) =	ssettag $0x0;
	lr =	simm.s32 $0x1  }
0x2: {  	[smem:$0x3F26] =	sst lr;
	_ =	strace $0xD0000000  }
0x3: {  	_ = 	snop  }
0x4: {  	_ = 	snop  }
0x5: {  	_ = 	snop  }
0x6: {  	_ = 	snop  }
0x7: {  	_ = 	snop  }
__scs_overlays_trampoline_lowered:
0x8: {  	[smem:$0x3F35] =	sst s0  }
0x9: {  	[smem:$0x3F36] =	sst s1  }
0xa: {  	[smem:$0x3F37] =	sst s2  }
0xb: {  	[smem:$0x3F38] =	sst s3  }
0xc: {  	[smem:$0x3F39] =	sst s4  }
0xd: {  	[smem:$0x3F3A] =	sst s5  }
0xe: {  	[smem:$0x3F3B] =	sst s6  }
0xf: {  	[smem:$0x3F3C] =	sst s7  }
0x10: {  	[smem:$0x3F3D] =	sst s8  }
0x11: {  	[smem:$0x3F3E] =	sst s9;
	s0 =	simm.s32 @!p0 $0x0  }
0x12: {  	s1 =	sld [smem:$0x3F24];
	s0 =	simm.s32 @p0 $0x1  }
0x13: {  	[smem:$0x3F3F] =	sst s0;
	s0 =	simm.s32 @!p1 $0x0  }
0x14: {  	s2 =	sld [smem:$0x3F23];
	s0 =	simm.s32 @p1 $0x1  }
0x15: {  	[smem:$0x3F40] =	sst s0;
	s0 =	simm.s32 @!p2 $0x0  }
0x16: {  	s3 =	sld [smem:$0x3FDB];
	s0 =	simm.s32 @p2 $0x1  }
0x17: {  	s4 =	simm.s32 $0x1BF5;
	[smem:$0x3F42] =	sst s0  }
0x18: {  	s0 =	sld [smem:$0x3F25];
	_ =	swait.ge [sflag:s4], $0x0  }
0x19: {  	s7 =	sld [smem:$0x3F26]  }
0x1a: {  	s8 =	sadd.s32 $0xFFFFE003, lr  }
0x1b: {  	s9 =	sadd.s32 $0xFFFFFEF7, lr;
	s5 =	simm.s32 $0xFFFFFFFF;
	p2 =	slt.u32 s8, $0xFFFFF086  }
0x1c: {  	p1 =	slt.u32 s9, $0xF7A;
	s5 =	simm.s32 @!p2 $0x0  }
0x1d: {  	s5 =	simm.s32 @p1 $0x1;
	p0 =	seq.s32 s7, s2  }
0x1e: {  	s7 =	smul.u32 @!p0 $0xF7A, s2;
	p2 =	seq.s32 @!p0 s5, $0x0  }
0x1f: {  	s9 =	smul.u32 $0xF7A, s1;
	s8 =	simm.s32 @!p0 $0x1BF5;
	p2 =	por !p2, p0  }
0x20: {  	[sflag:s8] =	ssyncset.s32 @!p0 $0xFFFFF086;
	s6 =	sadd.s32 @!p0 s3, s7;
	s7 =	simm.s32 @!p0 $0x108  }
0x21: {  	s3 =	sadd.s32 s3, s9;
	s6 =	sadd.s32 @!p0 $0x88, s6;
	s7 =	simm.s32 @p2 $0x1082  }
0x22: {  	[simem:s7], [sflag:s8] =	dma.local @!p0 [hbm:s6], $0xF7A  }
0x23: {  	s9 =	sor.u32 $0xD0000000, s2;
	s6 =	simm.s32 $0x108;
	_ =	swait.ge @!p0 [sflag:s8], $0x0  }
0x24: {  	s3 =	sadd.s32 $0x88, s3;
	s6 =	simm.s32 @!p1 $0x1082;
	[sflag:s4] =	ssyncset.s32 $0xFFFFF086  }
0x25: {  	[simem:s6], [sflag:s4] =	dma.local [hbm:s3], $0xF7A  }
0x26: {  	[smem:$0x3F26] =	sst s1;
	(tag) =	ssettag s2;
	_ =	strace s9  }
0x27: {  	s1 =	sld [smem:$0x3F36]  }
0x28: {  	s2 =	sld [smem:$0x3F37]  }
0x29: {  	s4 =	sld [smem:$0x3F39]  }
0x2a: {  	p0 =	seq.s32 s5, $0x0;
	s5 =	sld [smem:$0x3F3A]  }
0x2b: {  	s6 =	sld [smem:$0x3F3B]  }
0x2c: {  	s7 =	sld [smem:$0x3F3C]  }
0x2d: {  	s3 =	simm.s32 $0x108;
	s8 =	sld [smem:$0x3F3D]  }
0x2e: {  	s3 =	simm.s32 @!p0 $0x1082;
	s9 =	sld [smem:$0x3F3E]  }
0x2f: {  	lr =	sadd.s32 s0, s3;
	s0 =	sld [smem:$0x3F35]  }
0x30: {  	s3 =	sld [smem:$0x3F38]  }
0x31: {  	[smem:$0x3F41] =	sst s10  }
0x32: {  	s10 =	sld [smem:$0x3F3F];
	_ =	sdelay $0x3  }
0x33: {  	p0 =	seq.s32 s10, $0x1;
	s10 =	sld [smem:$0x3F41];
	_ =	sdelay $0x3  }
0x34: {  	[smem:$0x3F41] =	sst s10  }
0x35: {  	s10 =	sld [smem:$0x3F40];
	_ =	sdelay $0x3  }
0x36: {  	p1 =	seq.s32 s10, $0x1;
	s10 =	sld [smem:$0x3F41];
	_ =	sdelay $0x3  }
0x37: {  	[smem:$0x3F41] =	sst s10  }
0x38: {  	s10 =	sld [smem:$0x3F42]  }
0x39: {  	_ = 	snop;
	(pc) =	sbr.ind lr, $3  }
0x3a: {  	_ = 	snop  }
0x3b: {  	_ = 	snop  }
0x3c: {  	p2 =	seq.s32 s10, $0x1;
	s10 =	sld [smem:$0x3F41]  }
0x3d: {  	_ =	shalt  }
0x3e: {  	_ =	shalt  }
0x3f: {  	_ =	shalt  }
0x40: {  	_ =	shalt  }
0x41: {  	_ =	shalt  }
0x42: {  	_ =	shalt  }
0x43: {  	_ =	shalt  }
0x44: {  	_ =	shalt  }
0x45: {  	_ =	shalt  }
0x46: {  	_ =	shalt  }
0x47: {  	_ =	shalt  }
0x48: {  	_ =	shalt  }
0x49: {  	_ =	shalt  }
0x4a: {  	_ =	shalt  }
0x4b: {  	_ =	shalt  }
0x4c: {  	_ =	shalt  }
0x4d: {  	_ =	shalt  }
0x4e: {  	_ =	shalt  }
0x4f: {  	_ =	shalt  }
0x50: {  	_ =	shalt  }
0x51: {  	_ =	shalt  }
0x52: {  	_ =	shalt  }
0x53: {  	_ =	shalt  }
0x54: {  	_ =	shalt  }
0x55: {  	_ =	shalt  }
0x56: {  	_ =	shalt  }
0x57: {  	_ =	shalt  }
0x58: {  	_ =	shalt  }
0x59: {  	_ =	shalt  }
0x5a: {  	_ =	shalt  }
0x5b: {  	_ =	shalt  }
0x5c: {  	_ =	shalt  }
0x5d: {  	_ =	shalt  }
0x5e: {  	_ =	shalt  }
0x5f: {  	_ =	shalt  }
0x60: {  	_ =	shalt  }
0x61: {  	_ =	shalt  }
0x62: {  	_ =	shalt  }
0x63: {  	_ =	shalt  }
0x64: {  	_ =	shalt  }
0x65: {  	_ =	shalt  }
0x66: {  	_ =	shalt  }
0x67: {  	_ =	shalt  }
0x68: {  	_ =	shalt  }
0x69: {  	_ =	shalt  }
0x6a: {  	_ =	shalt  }
0x6b: {  	_ =	shalt  }
0x6c: {  	_ =	shalt  }
0x6d: {  	_ =	shalt  }
0x6e: {  	_ =	shalt  }
0x6f: {  	_ =	shalt  }
0x70: {  	_ =	shalt  }
0x71: {  	_ =	shalt  }
0x72: {  	_ =	shalt  }
0x73: {  	_ =	shalt  }
0x74: {  	_ =	shalt  }
0x75: {  	_ =	shalt  }
0x76: {  	_ =	shalt  }
0x77: {  	_ =	shalt  }
0x78: {  	_ =	shalt  }
0x79: {  	_ =	shalt  }
0x7a: {  	_ =	shalt  }
0x7b: {  	_ =	shalt  }
0x7c: {  	_ =	shalt  }
0x7d: {  	_ =	shalt  }
0x7e: {  	_ =	shalt  }
0x7f: {  	_ =	shalt  }
0x80: {  	_ =	shalt  }
0x81: {  	_ =	shalt  }
0x82: {  	_ =	shalt  }
0x83: {  	_ =	shalt  }
0x84: {  	_ =	shalt  }
0x85: {  	_ =	shalt  }
0x86: {  	_ =	shalt  }
0x87: {  	_ =	shalt  }
.Lfunc_end0:
.L_simem_size_0:
called_computation.2_lowered:
.L_overlay_start_0:
0x88: {  	s2 =	sld [smem:$0x3FD9]  }
0x89: {  	s3 =	sld [smem:$0x3FFE];
	_ =	sdelay $0x1  }
0x8a: {  	s1 =	srdreg.scid  }
0x8b: {  	s0 =	sand.u32 $0x1, s1  }
0x8c: {  	s16 =	sshll.u32 s0, $0xA;
	s2 =	sadd.s32 s3, s2  }
0x8d: {  	s2 =	sadd.s32 s2, s16  }
0x8e: {  	[smem:$0x3F4D] =	sst s2  }
0x8f: {  	_ = 	snop  }
0x90: {  	(tm) =	ssettm $0x1  }
0x91: {  	s17 =	sld [smem:$0x3FFB];
	_ =	sdelay $0x3  }
0x92: {  	_ =	strace s17  }
0x93: {  	s2 =	sld [smem:$0x3FFC];
	_ =	sdelay $0x3  }
0x94: {  	_ =	strace s2  }
0x95: {  	s2 =	sld [smem:$0x3FFD];
	_ =	sdelay $0x3  }
0x96: {  	_ =	strace s2  }
0x97: {  	_ =	strace $0x8FFFFFFF  }
0x98: {  	s18 =	sld [smem:$0x3FDB];
	_ =	sdelay $0x1  }
0x99: {  	s19 =	simm.s32 $_scs_section_size  }
0x9a: {  	s4 =	simm.s32 $_size__tile_overlayer_lowered;
	s5 =	simm.s32 $_tile_overlayer_lowered  }
0x9b: {  	s22 =	simm.s32 $0x1BFF;
	s21 =	sshll.u32 s5, $0x1;
	s2 =	sadd.s32 s19, s18  }
0x9c: {  	s6 =	simm.s32 $0x0;
	s20 =	sshll.u32 s4, $0x1;
	s4 =	sadd.s32 s21, s2  }
0x9d: {  	[timem:s6], [sflag:s22] =	dma.local [hbm:s4], s20  }
0x9e: {  	_ =	swait.ge [sflag:s22], s20  }
0x9f: {  	s3 =	ssub.s32 $0x0, s20;
	[sflag:s22] =	ssyncset.done $0x0  }
0xa0: {  	[sflag:s22] =	ssyncadd.s32 s3;
	_ =	sdelay $0x1  }
0xa1: {  	s23 =	simm.s32 $0x1B8B  }
0xa2: {  	_ =	swait.ge [sflag:s23], $0x1  }
0xa3: {  	[sflag:s23] =	ssyncset.done $0x0  }
0xa4: {  	s25 =	simm.s32 $0x1B8E;
	s24 =	sld [smem:$0x3FFE];
	[sflag:s23] =	ssyncadd.s32 $0xFFFFFFFF  }
0xa5: {  	s26 =	simm.s32 $execute0_lowered;
	[smem:$0x3FD2] =	sst s25  }
0xa6: {  	s4 =	sshll.u32 s26, $0x1;
	_ =	strace $0x8000004C;
	[dreg:$0x1] =	wrdreg $0xFFFFFFFF  }
0xa7: {  	s28 =	simm.s32 $_size_execute0_lowered;
	s2 =	sadd.s32 s2, s4;
	[dreg:$0x0] =	wrdreg $0x0  }
0xa8: {  	s4 =	sshll.u32 s28, $0x1;
	[dreg:$0x2] =	wrdreg s2  }
0xa9: {  	[dreg:$0x3] =	wrdreg s4  }
0xaa: {  	[dreg:$0x4] =	wrdreg $0xC0  }
0xab: {  	_ =	task [dreg:s6], $0x5FFFF  }
0xac: {  	[dreg:$0x1] =	wrdreg $0xFFFFFFFF  }
0xad: {  	[dreg:$0x0] =	wrdreg $0x60  }
0xae: {  	[dreg:$0x2] =	wrdreg s24  }
0xaf: {  	[dreg:$0x3] =	wrdreg $0x67900  }
0xb0: {  	[dreg:$0x4] =	wrdreg $0x9  }
0xb1: {  	_ =	task.clear_ibuf [dreg:s6], $0x5FFFF;
	_ =	strace $0x9000004C  }
0xb2: {  	s29 =	simm.s32 $0x9;
	_ =	strace $0x8000004E  }
0xb3: {  	_ =	swait.ge [sflag:s29], $0x1  }
0xb4: {  	[sflag:s29] =	ssyncadd.s32 $0xFFFFFFFF  }
0xb5: {  	_ =	strace $0x9000004E  }
0xb6: {  	_ =	sfence  }
0xb7: {  	s30 =	sld [smem:$0x0];
	_ =	sdelay $0x2  }
0xb8: {  	s31 =	sshll.u32 s1, $0xD;
	s1 =	sshrl.u32 s1, $0x2  }
0xb9: {  	s3 =	sand.u32 $0x4000, s31;
	s1 =	sadd.s32 s1, s30  }
0xba: {  	s0 =	sor.u32 s3, s0;
	s1 =	sshll.u32 s1, $0x11  }
0xbb: {  	s0 =	sor.u32 s1, s0  }
0xbc: {  	s0 =	sadd.s32 $0x8F2B, s0  }
0xbd: {  	[sflag:s0] =	ssyncadd.remote.s32 $0x1  }
0xbe: {  	_ =	sfence.sel $0xFFFF  }
0xbf: {  	[dreg:$0x0] =	wrdreg $0xFFFFFFFF;
	(pc) =	sbr.abs _section_cstart, $3  }
0xc0: {  	[dreg:$0x1] =	wrdreg $0xFFFFFFFF  }
0xc1: {  	_ =	task.clear_ibuf [dreg:s6], $0x2FFFF;
	_ =	strace $0x9FFFFFFF  }
0xc2: {  	(tm) =	ssettm $0x7FFFFFFF  }
0xc3: {  	_ =	shalt  }
tec
execute0_lowered:
.L_overlay_start_1:
0x0: {  	(tag) =	ssettag $0x1  }
0x1: {  	s4 =	rddreg [dreg:$0x0]  }
0x2: {  	s0 =	srdreg.scid;
	s2 =	stileid.u32  }
0x3: {  	s1 =	rddreg [dreg:$0x1];
	s3 =	simm.s32 $0x0;
	s8 =	smul.u32 $0x2710, s2  }
0x4: {  	s14 =	simm.s32 $0x190;
	s18 =	simm.s32 $0x0;
	s24 =	smul.u32 $0x27000, s2  }
0x5: {  	s5 =	sand.u32 $0x1, s0;
	s0 =	rddreg [dreg:$0x2];
	s10 =	smul.u32 $0x9C00, s2  }
0x6: {  	[smem:$0x7FF] =	sst s3;
	s12 =	sadd.s32 $0x2C3800, s4;
	s13 =	smul.u32 $0x13880, s2  }
0x7: {  	s15 =	sshll.u32 s2, $0x6;
	p0 =	sne.s32 s2, $0xF;
	s6 =	smul.u32 $0x138800, s5  }
0x8: {  	s7 =	smul.u32 $0x27100, s5;
	_ =	strace $0x8000004D;
	s25 =	ssub.s32 $0x2, s5  }
0x9: {  	s5 =	smul.u32 $0x9C400, s5;
	s15 =	sor.u32 $0x1C01, s15;
	s26 =	sshrl.u32 s25, $0x1  }
0xa: {  	s28 =	sshrl.u32 s24, $0x2;
	s16 =	sadd.s32 s10, s1;
	s9 =	sadd.s32 s6, s4  }
0xb: {  	s23 =	sadd.s32 s8, s7;
	s8 =	ssub.s32 s25, s26;
	s29 =	sadd.s32 s10, s5  }
0xc: {  	s5 =	sshrl.u32 s5, $0x3;
	s7 =	sadd.s32 $0x9C000, s1;
	s16 =	sshrl.u32 s16, $0x3  }
0xd: {  	s6 =	sshrl.u32 s23, $0x3;
	s30 =	sadd.s32 s12, s5;
	s8 =	smax.u32 s8, $0x1  }
0xe: {  	s31 =	sadd.s32 s13, s9;
	s9 =	sadd.s32 $0x9C200, s1;
	s13 =	simm.s32 $0x1  }
0xf: {  	s17 =	sshrl.u32 @!p0 s7, $0x3;
	s11 =	sadd.s32 s6, s4;
	s6 =	sshrl.u32 s29, $0x3  }
0x10: {  	s4 =	sadd.s32 s28, s1;
	s10 =	sadd.s32 $0x52800, s31;
	s5 =	sadd.s32 s12, s6  }
0x11: {  	v0 =	vimm.f32 $0.0e+00;
	s6 =	sadd.s32 $0x13800, s30;
	s11 =	sadd.s32 $0x20800, s11;
	s12 =	simm.s32 $0x6590  }
.LBB2_1:
0x12: {  	[tilespmem:$0x6590] =	vst v0  }
0x13: {  	[tilespmem:$0x65A0] =	vst v0  }
0x14: {  	[tilespmem:$0x65B0] =	vst v0  }
0x15: {  	[tilespmem:$0x65C0] =	vst v0  }
0x16: {  	[tilespmem:$0x65D0] =	vst v0  }
0x17: {  	[tilespmem:$0x65E0] =	vst v0  }
0x18: {  	[tilespmem:$0x65F0] =	vst v0  }
0x19: {  	[tilespmem:$0x6600] =	vst v0  }
0x1a: {  	[tilespmem:$0x6610] =	vst v0  }
0x1b: {  	[tilespmem:$0x6620] =	vst v0  }
0x1c: {  	[tilespmem:$0x6630] =	vst v0  }
0x1d: {  	[tilespmem:$0x6640] =	vst v0  }
0x1e: {  	[tilespmem:$0x6650] =	vst v0  }
0x1f: {  	[tilespmem:$0x6660] =	vst v0  }
0x20: {  	[tilespmem:$0x6670] =	vst v0  }
0x21: {  	[tilespmem:$0x6680] =	vst v0  }
0x22: {  	[tilespmem:$0x6690] =	vst v0  }
0x23: {  	[tilespmem:$0x66A0] =	vst v0  }
0x24: {  	[tilespmem:$0x66B0] =	vst v0  }
0x25: {  	[tilespmem:$0x66C0] =	vst v0  }
0x26: {  	[tilespmem:$0x66D0] =	vst v0  }
0x27: {  	[tilespmem:$0x66E0] =	vst v0  }
0x28: {  	[tilespmem:$0x66F0] =	vst v0  }
0x29: {  	[tilespmem:$0x6700] =	vst v0  }
0x2a: {  	[tilespmem:$0x6710] =	vst v0  }
0x2b: {  	[tilespmem:$0x6720] =	vst v0  }
0x2c: {  	[tilespmem:$0x6730] =	vst v0  }
0x2d: {  	[tilespmem:$0x6740] =	vst v0  }
0x2e: {  	[tilespmem:$0x6750] =	vst v0  }
0x2f: {  	[tilespmem:$0x6760] =	vst v0  }
0x30: {  	[tilespmem:$0x6770] =	vst v0  }
0x31: {  	[tilespmem:$0x6780] =	vst v0;
	s19 =	sadd.s32 $0x0, s4  }
0x32: {  	[spmem:s19] =	stream.linear.scatter [tilespmem:s12], [sflag:$0x1], $0x200, $0x38;
	[tilespmem:$0x103D0] =	vst v63  }
0x33: {  	s19 =	simm.s32 $0x800;
	_ =	swait.ge [sflag:s13], $0x200  }
.LBB2_2:
0x34: {  	s20 =	sshra.s32 s19, $0x2;
	[sflag:s13] =	ssyncset.done $0x0;
	p1 =	sne.s32 s19, $0x26800  }
.Ltmp0:
0x35: {  	s20 =	sadd.s32 s20, s4;
	[sflag:s13] =	ssyncadd.s32 $0xFFFFFE00;
	(pc) =	sbr.rel @p1 .LBB2_2-.Ltmp0, $3  }
0x36: {  	[spmem:s20] =	stream.linear.scatter [tilespmem:s12], [sflag:$0x1], $0x200, $0x38;
	[tilespmem:$0x103D0] =	vst v63  }
0x37: {  	s19 =	sadd.s32 $0x800, s19;
	_ =	sdelay $0x1  }
0x38: {  	_ =	swait.ge [sflag:s13], $0x200  }
0x39: {  	[sflag:s13] =	ssyncset.done $0x0  }
0x3a: {  	s19 =	simm.s32 @!p0 $0x6590;
	s20 =	simm.s32 @!p0 $0x1;
	[sflag:s13] =	ssyncadd.s32 $0xFFFFFE00  }
0x3b: {  	[spmem:s7] =	stream.linear.scatter @!p0 [tilespmem:s19], [sflag:$0x1], $0x200, $0x38;
	[tilespmem:$0x103D0] =	vst v63  }
0x3c: {  	_ =	swait.ge @!p0 [sflag:s20], $0x200  }
0x3d: {  	[sflag:s20] =	ssyncset.done @!p0 $0x0  }
0x3e: {  	[sflag:s20] =	ssyncadd.s32 @!p0 $0xFFFFFE00  }
0x3f: {  	[spmem:s9] =	stream.linear.scatter @!p0 [tilespmem:s19], [sflag:$0x1], $0x200, $0x38;
	[tilespmem:$0x103D0] =	vst v63  }
0x40: {  	_ =	swait.ge @!p0 [sflag:s20], $0x200  }
0x41: {  	[sflag:s20] =	ssyncset.done @!p0 $0x0  }
0x42: {  	[sflag:s20] =	ssyncadd.s32 @!p0 $0xFFFFFE00  }
0x43: {  	s31 =	sadd.s32 $0x0, s11;
	[bflag:$0x0] =	sbarrier.arrive $0xFFFF  }
0x44: {  	[tilespmem:s3], [sflag:$0x1] =	stream.linear.gather [hbm4b:s31+s3], $0x190, $0x38;
	[tilespmem:$0x103D0] =	vst v63  }
0x45: {  	_ =	swait.ge [sflag:s13], $0x190  }
0x46: {  	[sflag:s13] =	ssyncset.done $0x0  }
0x47: {  	[sflag:s13] =	ssyncadd.s32 $0xFFFFFE70  }
0x48: {  	[tilespmem:s14], [sflag:$0x1] =	stream.linear.gather [hbm4b:s10+s3], $0x6400, $0x38;
	[tilespmem:$0x103D0] =	vst v63  }
0x49: {  	_ =	swait.ge [sflag:s13], $0x6400  }
0x4a: {  	[sflag:s13] =	ssyncset.done $0x0  }
0x4b: {  	[sflag:s13] =	ssyncadd.s32 $0xFFFF9C00  }
0x4c: {  	[spmem:s1] =	stream.indirect.scatter.add.f32 [tilespmem:s14], [sflag:$0x1], $0x40, s3, s14, $0xb8;
	[tilespmem:$0x103D0] =	vst v63  }
0x4d: {  	s21 =	simm.s32 $0x64;
	_ =	swait.ge [sflag:s13], $0x6400  }
0x4e: {  	s19 =	sadd.s32 $0xC80, s10;
	s20 =	simm.s32 $0x32;
	[sflag:s13] =	ssyncset.done $0x0  }
.LBB2_4:
0x4f: {  	s22 =	sadd.s32 s20, s11  }
0x50: {  	[sflag:s13] =	ssyncadd.s32 $0xFFFF9C00;
	s20 =	smov.u32 s21;
	s23 =	sadd.s32 $0x32, s21  }
0x51: {  	[tilespmem:s3], [sflag:$0x1] =	stream.linear.gather [hbm4b:s22+s3], $0x190, $0x38;
	[tilespmem:$0x103D0] =	vst v63  }
0x52: {  	p1 =	sne.s32 s21, $0x4B0;
	_ =	swait.ge [sflag:s13], $0x190  }
0x53: {  	[sflag:s13] =	ssyncset.done $0x0  }
0x54: {  	[sflag:s13] =	ssyncadd.s32 $0xFFFFFE70  }
0x55: {  	[tilespmem:s14], [sflag:$0x1] =	stream.linear.gather [hbm4b:s19+s3], $0x6400, $0x38;
	[tilespmem:$0x103D0] =	vst v63  }
0x56: {  	_ =	swait.ge [sflag:s13], $0x6400  }
.Ltmp1:
0x57: {  	[sflag:s13] =	ssyncset.done $0x0;
	(pc) =	sbr.rel @p1 .LBB2_4-.Ltmp1, $4  }
0x58: {  	[sflag:s13] =	ssyncadd.s32 $0xFFFF9C00  }
0x59: {  	[spmem:s1] =	stream.indirect.scatter.add.f32 [tilespmem:s14], [sflag:$0x1], $0x40, s3, s14, $0xb8;
	[tilespmem:$0x103D0] =	vst v63  }
0x5a: {  	_ =	swait.ge [sflag:s13], $0x6400  }
0x5b: {  	s21 =	smov.u32 s23;
	s19 =	sadd.s32 $0xC80, s19;
	[sflag:s13] =	ssyncset.done $0x0  }
0x5c: {  	s20 =	sadd.s32 s20, s11;
	[sflag:s13] =	ssyncadd.s32 $0xFFFF9C00  }
0x5d: {  	[tilespmem:s3], [sflag:$0x1] =	stream.linear.gather [hbm4b:s20+s3], $0x190, $0x38;
	[tilespmem:$0x103D0] =	vst v63  }
0x5e: {  	_ =	swait.ge [sflag:s13], $0x190  }
0x5f: {  	[sflag:s13] =	ssyncset.done $0x0  }
0x60: {  	[sflag:s13] =	ssyncadd.s32 $0xFFFFFE70  }
0x61: {  	[tilespmem:s14], [sflag:$0x1] =	stream.linear.gather [hbm4b:s19+s3], $0x6400, $0x38;
	[tilespmem:$0x103D0] =	vst v63  }
0x62: {  	_ =	swait.ge [sflag:s13], $0x6400  }
0x63: {  	[sflag:s13] =	ssyncset.done $0x0  }
0x64: {  	[sflag:s13] =	ssyncadd.s32 $0xFFFF9C00  }
0x65: {  	[spmem:s1] =	stream.indirect.scatter.add.f32 [tilespmem:s14], [sflag:$0x1], $0x40, s3, s14, $0xb8;
	[tilespmem:$0x103D0] =	vst v63  }
0x66: {  	_ =	swait.ge [sflag:s13], $0x6400  }
0x67: {  	[sflag:s13] =	ssyncset.done $0x0  }
0x68: {  	[sflag:s13] =	ssyncadd.s32 $0xFFFF9C00  }
0x69: {  	[bflag:$0x0] =	sbarrier.arrive $0xFFFF  }
0x6a: {  	[hbm:s5], [sflag:s15] =	dma.local [spmem:s16], $0x1380  }
0x6b: {  	s18 =	sadd.s32 $0x1, s18;
	_ =	swait.ge [sflag:s13], $0x1380  }
0x6c: {  	p1 =	sne.s32 s18, s8;
	[sflag:s13] =	ssyncset.done $0x0  }
.Ltmp2:
0x6d: {  	s19 =	simm.s32 @!p0 $0x1;
	[sflag:s13] =	ssyncadd.s32 $0xFFFFEC80;
	(pc) =	sbr.rel @p1 .LBB2_1-.Ltmp2, $4  }
0x6e: {  	[hbm:s6], [sflag:s15] =	dma.local @!p0 [spmem:s17], $0x80  }
0x6f: {  	_ =	swait.ge @!p0 [sflag:s19], $0x80  }
0x70: {  	[sflag:s19] =	ssyncset.done @!p0 $0x0  }
0x71: {  	[sflag:s19] =	ssyncadd.s32 @!p0 $0xFFFFFF80  }
0x72: {  	_ =	sfence.sel $0x180000  }
0x73: {  	[bflag:$0x0] =	sbarrier.arrive $0xFFFF  }
0x74: {  	p0 =	sne.s32 s2, $0x0;
	_ =	strace $0x9000004D  }
0x75: {  	s0 =	sadd.s32 @!p0 $0x100000, s0;
	[bflag:$0x2] =	sbarrier.arrive $0xFFFF  }
0x76: {  	[sflag:s0] =	ssyncadd.tile.s32 @!p0 $0x1;
	_ =	shalt  }
.Lfunc_end2:
_tile_overlayer_lowered:
.L_overlay_start_2:
0x77: {  	(tag) =	ssettag $0x2  }
0x78: {  	s0 =	rddreg [dreg:$0x0];
	s2 =	stileid.u32  }
0x79: {  	s1 =	rddreg [dreg:$0x1];
	p0 =	sne.s32 s2, $0x0  }
0x7a: {  	s3 =	rddreg [dreg:$0x2];
	[bflag:$0x3] =	sbarrier.arrive $0xFFFF;
	s2 =	simm.s32 @!p0 $0x1C01  }
0x7b: {  	[timem:s3], [sflag:s2] =	dma.local @!p0 [hbm:s0], s1  }
0x7c: {  	s0 =	simm.s32 @!p0 $0x1  }
0x7d: {  	_ =	swait.ge @!p0 [sflag:s0], s1  }
0x7e: {  	s1 =	ssub.s32 @!p0 $0x0, s1;
	[sflag:s0] =	ssyncset.done @!p0 $0x0  }
0x7f: {  	[sflag:s0] =	ssyncadd.s32 @!p0 s1  }
0x80: {  	[bflag:$0x3] =	sbarrier.arrive $0xFFFF  }
0x81: {  	_ =	shalt  }

// kernel: kernel.41.cloned.1.call-start
scs
__scs_entry_jumppad:
0x0: {  	(pc) =	sbr.rel $0x88, $3  }
0x1: {  	(tag) =	ssettag $0x0;
	lr =	simm.s32 $0x1  }
0x2: {  	[smem:$0x3F26] =	sst lr;
	_ =	strace $0xD0000000  }
0x3: {  	_ = 	snop  }
0x4: {  	_ = 	snop  }
0x5: {  	_ = 	snop  }
0x6: {  	_ = 	snop  }
0x7: {  	_ = 	snop  }
__scs_overlays_trampoline_lowered:
0x8: {  	[smem:$0x3F35] =	sst s0  }
0x9: {  	[smem:$0x3F36] =	sst s1  }
0xa: {  	[smem:$0x3F37] =	sst s2  }
0xb: {  	[smem:$0x3F38] =	sst s3  }
0xc: {  	[smem:$0x3F39] =	sst s4  }
0xd: {  	[smem:$0x3F3A] =	sst s5  }
0xe: {  	[smem:$0x3F3B] =	sst s6  }
0xf: {  	[smem:$0x3F3C] =	sst s7  }
0x10: {  	[smem:$0x3F3D] =	sst s8  }
0x11: {  	[smem:$0x3F3E] =	sst s9;
	s0 =	simm.s32 @!p0 $0x0  }
0x12: {  	s1 =	sld [smem:$0x3F24];
	s0 =	simm.s32 @p0 $0x1  }
0x13: {  	[smem:$0x3F3F] =	sst s0;
	s0 =	simm.s32 @!p1 $0x0  }
0x14: {  	s2 =	sld [smem:$0x3F23];
	s0 =	simm.s32 @p1 $0x1  }
0x15: {  	[smem:$0x3F40] =	sst s0;
	s0 =	simm.s32 @!p2 $0x0  }
0x16: {  	s3 =	sld [smem:$0x3FDB];
	s0 =	simm.s32 @p2 $0x1  }
0x17: {  	s4 =	simm.s32 $0x1BF5;
	[smem:$0x3F42] =	sst s0  }
0x18: {  	s0 =	sld [smem:$0x3F25];
	_ =	swait.ge [sflag:s4], $0x0  }
0x19: {  	s7 =	sld [smem:$0x3F26]  }
0x1a: {  	s8 =	sadd.s32 $0xFFFFE003, lr  }
0x1b: {  	s9 =	sadd.s32 $0xFFFFFEF7, lr;
	s5 =	simm.s32 $0xFFFFFFFF;
	p2 =	slt.u32 s8, $0xFFFFF086  }
0x1c: {  	p1 =	slt.u32 s9, $0xF7A;
	s5 =	simm.s32 @!p2 $0x0  }
0x1d: {  	s5 =	simm.s32 @p1 $0x1;
	p0 =	seq.s32 s7, s2  }
0x1e: {  	s7 =	smul.u32 @!p0 $0xF7A, s2;
	p2 =	seq.s32 @!p0 s5, $0x0  }
0x1f: {  	s9 =	smul.u32 $0xF7A, s1;
	s8 =	simm.s32 @!p0 $0x1BF5;
	p2 =	por !p2, p0  }
0x20: {  	[sflag:s8] =	ssyncset.s32 @!p0 $0xFFFFF086;
	s6 =	sadd.s32 @!p0 s3, s7;
	s7 =	simm.s32 @!p0 $0x108  }
0x21: {  	s3 =	sadd.s32 s3, s9;
	s6 =	sadd.s32 @!p0 $0x88, s6;
	s7 =	simm.s32 @p2 $0x1082  }
0x22: {  	[simem:s7], [sflag:s8] =	dma.local @!p0 [hbm:s6], $0xF7A  }
0x23: {  	s9 =	sor.u32 $0xD0000000, s2;
	s6 =	simm.s32 $0x108;
	_ =	swait.ge @!p0 [sflag:s8], $0x0  }
0x24: {  	s3 =	sadd.s32 $0x88, s3;
	s6 =	simm.s32 @!p1 $0x1082;
	[sflag:s4] =	ssyncset.s32 $0xFFFFF086  }
0x25: {  	[simem:s6], [sflag:s4] =	dma.local [hbm:s3], $0xF7A  }
0x26: {  	[smem:$0x3F26] =	sst s1;
	(tag) =	ssettag s2;
	_ =	strace s9  }
0x27: {  	s1 =	sld [smem:$0x3F36]  }
0x28: {  	s2 =	sld [smem:$0x3F37]  }
0x29: {  	s4 =	sld [smem:$0x3F39]  }
0x2a: {  	p0 =	seq.s32 s5, $0x0;
	s5 =	sld [smem:$0x3F3A]  }
0x2b: {  	s6 =	sld [smem:$0x3F3B]  }
0x2c: {  	s7 =	sld [smem:$0x3F3C]  }
0x2d: {  	s3 =	simm.s32 $0x108;
	s8 =	sld [smem:$0x3F3D]  }
0x2e: {  	s3 =	simm.s32 @!p0 $0x1082;
	s9 =	sld [smem:$0x3F3E]  }
0x2f: {  	lr =	sadd.s32 s0, s3;
	s0 =	sld [smem:$0x3F35]  }
0x30: {  	s3 =	sld [smem:$0x3F38]  }
0x31: {  	[smem:$0x3F41] =	sst s10  }
0x32: {  	s10 =	sld [smem:$0x3F3F];
	_ =	sdelay $0x3  }
0x33: {  	p0 =	seq.s32 s10, $0x1;
	s10 =	sld [smem:$0x3F41];
	_ =	sdelay $0x3  }
0x34: {  	[smem:$0x3F41] =	sst s10  }
0x35: {  	s10 =	sld [smem:$0x3F40];
	_ =	sdelay $0x3  }
0x36: {  	p1 =	seq.s32 s10, $0x1;
	s10 =	sld [smem:$0x3F41];
	_ =	sdelay $0x3  }
0x37: {  	[smem:$0x3F41] =	sst s10  }
0x38: {  	s10 =	sld [smem:$0x3F42]  }
0x39: {  	_ = 	snop;
	(pc) =	sbr.ind lr, $3  }
0x3a: {  	_ = 	snop  }
0x3b: {  	_ = 	snop  }
0x3c: {  	p2 =	seq.s32 s10, $0x1;
	s10 =	sld [smem:$0x3F41]  }
0x3d: {  	_ =	shalt  }
0x3e: {  	_ =	shalt  }
0x3f: {  	_ =	shalt  }
0x40: {  	_ =	shalt  }
0x41: {  	_ =	shalt  }
0x42: {  	_ =	shalt  }
0x43: {  	_ =	shalt  }
0x44: {  	_ =	shalt  }
0x45: {  	_ =	shalt  }
0x46: {  	_ =	shalt  }
0x47: {  	_ =	shalt  }
0x48: {  	_ =	shalt  }
0x49: {  	_ =	shalt  }
0x4a: {  	_ =	shalt  }
0x4b: {  	_ =	shalt  }
0x4c: {  	_ =	shalt  }
0x4d: {  	_ =	shalt  }
0x4e: {  	_ =	shalt  }
0x4f: {  	_ =	shalt  }
0x50: {  	_ =	shalt  }
0x51: {  	_ =	shalt  }
0x52: {  	_ =	shalt  }
0x53: {  	_ =	shalt  }
0x54: {  	_ =	shalt  }
0x55: {  	_ =	shalt  }
0x56: {  	_ =	shalt  }
0x57: {  	_ =	shalt  }
0x58: {  	_ =	shalt  }
0x59: {  	_ =	shalt  }
0x5a: {  	_ =	shalt  }
0x5b: {  	_ =	shalt  }
0x5c: {  	_ =	shalt  }
0x5d: {  	_ =	shalt  }
0x5e: {  	_ =	shalt  }
0x5f: {  	_ =	shalt  }
0x60: {  	_ =	shalt  }
0x61: {  	_ =	shalt  }
0x62: {  	_ =	shalt  }
0x63: {  	_ =	shalt  }
0x64: {  	_ =	shalt  }
0x65: {  	_ =	shalt  }
0x66: {  	_ =	shalt  }
0x67: {  	_ =	shalt  }
0x68: {  	_ =	shalt  }
0x69: {  	_ =	shalt  }
0x6a: {  	_ =	shalt  }
0x6b: {  	_ =	shalt  }
0x6c: {  	_ =	shalt  }
0x6d: {  	_ =	shalt  }
0x6e: {  	_ =	shalt  }
0x6f: {  	_ =	shalt  }
0x70: {  	_ =	shalt  }
0x71: {  	_ =	shalt  }
0x72: {  	_ =	shalt  }
0x73: {  	_ =	shalt  }
0x74: {  	_ =	shalt  }
0x75: {  	_ =	shalt  }
0x76: {  	_ =	shalt  }
0x77: {  	_ =	shalt  }
0x78: {  	_ =	shalt  }
0x79: {  	_ =	shalt  }
0x7a: {  	_ =	shalt  }
0x7b: {  	_ =	shalt  }
0x7c: {  	_ =	shalt  }
0x7d: {  	_ =	shalt  }
0x7e: {  	_ =	shalt  }
0x7f: {  	_ =	shalt  }
0x80: {  	_ =	shalt  }
0x81: {  	_ =	shalt  }
0x82: {  	_ =	shalt  }
0x83: {  	_ =	shalt  }
0x84: {  	_ =	shalt  }
0x85: {  	_ =	shalt  }
0x86: {  	_ =	shalt  }
0x87: {  	_ =	shalt  }
.Lfunc_end0:
.L_simem_size_0:
called_computation.3_lowered:
.L_overlay_start_0:
0x88: {  	s2 =	sld [smem:$0x3FD9]  }
0x89: {  	s3 =	sld [smem:$0x3FFE];
	_ =	sdelay $0x1  }
0x8a: {  	s1 =	srdreg.scid  }
0x8b: {  	s0 =	sand.u32 $0x1, s1  }
0x8c: {  	s14 =	sshll.u32 s0, $0xA;
	s2 =	sadd.s32 s3, s2  }
0x8d: {  	s2 =	sadd.s32 s2, s14  }
0x8e: {  	[smem:$0x3F4D] =	sst s2  }
0x8f: {  	_ = 	snop  }
0x90: {  	s2 =	sld [smem:$0x3FD0];
	_ =	sdelay $0x2  }
0x91: {  	s15 =	simm.s32 $0xA;
	s4 =	simm.s32 $0x10  }
0x92: {  	[smem:s4], [sflag:s15] =	dma.local [hbm:s2], $0x1  }
0x93: {  	_ =	swait.eq [sflag:s15], $0x1  }
0x94: {  	[sflag:s15] =	ssyncset.done $0x0  }
0x95: {  	[sflag:s15] =	ssyncadd.s32 $0xFFFFFFFF  }
0x96: {  	s16 =	sld [smem:$0x11];
	(tm) =	ssettm $0x1  }
0x97: {  	s17 =	sld [smem:$0x3FFB];
	_ =	sdelay $0x3  }
0x98: {  	_ =	strace s17  }
0x99: {  	s3 =	sld [smem:$0x3FFC];
	_ =	sdelay $0x3  }
0x9a: {  	_ =	strace s3  }
0x9b: {  	s3 =	sld [smem:$0x3FFD];
	_ =	sdelay $0x3  }
0x9c: {  	_ =	strace s3  }
0x9d: {  	_ =	strace $0x8FFFFFFF  }
0x9e: {  	s18 =	sld [smem:$0x3FDB];
	_ =	sdelay $0x1  }
0x9f: {  	s19 =	simm.s32 $_scs_section_size  }
0xa0: {  	s5 =	simm.s32 $_size__tile_overlayer_lowered;
	s6 =	simm.s32 $_tile_overlayer_lowered  }
0xa1: {  	s22 =	simm.s32 $0x1BFF;
	s21 =	sshll.u32 s6, $0x1;
	s3 =	sadd.s32 s19, s18  }
0xa2: {  	s7 =	simm.s32 $0x0;
	s20 =	sshll.u32 s5, $0x1;
	s5 =	sadd.s32 s21, s3  }
0xa3: {  	[timem:s7], [sflag:s22] =	dma.local [hbm:s5], s20  }
0xa4: {  	_ =	swait.ge [sflag:s22], s20  }
0xa5: {  	s4 =	ssub.s32 $0x0, s20;
	[sflag:s22] =	ssyncset.done $0x0  }
0xa6: {  	[sflag:s22] =	ssyncadd.s32 s4;
	_ =	sdelay $0x1  }
0xa7: {  	s23 =	simm.s32 $0x1B8B  }
0xa8: {  	_ =	swait.ge [sflag:s23], $0x1  }
0xa9: {  	[sflag:s23] =	ssyncset.done $0x0  }
0xaa: {  	s25 =	simm.s32 $0x1B8E;
	s24 =	sld [smem:$0x3FFE];
	[sflag:s23] =	ssyncadd.s32 $0xFFFFFFFF  }
0xab: {  	s26 =	simm.s32 $execute0_lowered;
	[smem:$0x3FD2] =	sst s25  }
0xac: {  	s5 =	sshll.u32 s26, $0x1;
	_ =	strace $0x8000004F;
	[dreg:$0x1] =	wrdreg $0xFFFFFFFF  }
0xad: {  	s28 =	simm.s32 $_size_execute0_lowered;
	s3 =	sadd.s32 s3, s5;
	[dreg:$0x0] =	wrdreg $0x0  }
0xae: {  	s5 =	sshll.u32 s28, $0x1;
	[dreg:$0x2] =	wrdreg s3  }
0xaf: {  	[dreg:$0x3] =	wrdreg s5  }
0xb0: {  	[dreg:$0x4] =	wrdreg $0xC0  }
0xb1: {  	_ =	task [dreg:s7], $0x5FFFF  }
0xb2: {  	[dreg:$0x1] =	wrdreg $0xFFFFFFFF  }
0xb3: {  	[dreg:$0x0] =	wrdreg $0x60  }
0xb4: {  	[dreg:$0x2] =	wrdreg s16  }
0xb5: {  	[dreg:$0x3] =	wrdreg s24  }
0xb6: {  	[dreg:$0x4] =	wrdreg $0x9  }
0xb7: {  	_ =	task.clear_ibuf [dreg:s7], $0x5FFFF;
	_ =	strace $0x9000004F  }
0xb8: {  	s29 =	simm.s32 $0x9;
	_ =	strace $0x80000051  }
0xb9: {  	_ =	swait.ge [sflag:s29], $0x1  }
0xba: {  	[sflag:s29] =	ssyncadd.s32 $0xFFFFFFFF  }
0xbb: {  	_ =	strace $0x90000051  }
0xbc: {  	_ =	sfence  }
0xbd: {  	s30 =	sld [smem:$0x0];
	_ =	sdelay $0x2  }
0xbe: {  	s31 =	sshll.u32 s1, $0xD;
	s1 =	sshrl.u32 s1, $0x2  }
0xbf: {  	s3 =	sand.u32 $0x4000, s31;
	s1 =	sadd.s32 s1, s30  }
0xc0: {  	s0 =	sor.u32 s3, s0;
	s1 =	sshll.u32 s1, $0x11  }
0xc1: {  	s0 =	sor.u32 s1, s0  }
0xc2: {  	s0 =	sadd.s32 $0x8F2B, s0  }
0xc3: {  	[sflag:s0] =	ssyncadd.remote.s32 $0x1  }
0xc4: {  	_ =	sfence.sel $0xFFFF  }
0xc5: {  	[dreg:$0x0] =	wrdreg $0xFFFFFFFF;
	(pc) =	sbr.abs _section_cstart, $3  }
0xc6: {  	[dreg:$0x1] =	wrdreg $0xFFFFFFFF  }
0xc7: {  	_ =	task.clear_ibuf [dreg:s7], $0x2FFFF;
	_ =	strace $0x9FFFFFFF  }
0xc8: {  	(tm) =	ssettm $0x7FFFFFFF  }
0xc9: {  	_ =	shalt  }
tec
execute0_lowered:
.L_overlay_start_1:
0x0: {  	(tag) =	ssettag $0x1  }
0x1: {  	s1 =	rddreg [dreg:$0x0]  }
0x2: {  	s4 =	rddreg [dreg:$0x1];
	s2 =	srdreg.scid  }
0x3: {  	s0 =	rddreg [dreg:$0x2];
	s3 =	simm.s32 $0x0;
	s11 =	simm.s32 $0x190  }
0x4: {  	s12 =	simm.s32 $0x3390;
	s13 =	simm.s32 $0x1;
	s5 =	sand.u32 $0x1, s2  }
0x5: {  	s14 =	simm.s32 $0x2;
	s2 =	stileid.u32;
	s6 =	smul.u32 $0x27100, s5  }
0x6: {  	s15 =	simm.s32 $0x0;
	[smem:$0x7FF] =	sst s3;
	s7 =	smul.u32 $0x2710, s2  }
0x7: {  	_ =	strace $0x80000050;
	s8 =	smul.u32 $0x138800, s5;
	s5 =	ssub.s32 $0x2, s5  }
0x8: {  	s29 =	smul.u32 $0x13880, s2;
	s9 =	sshrl.u32 s5, $0x1;
	s6 =	sadd.s32 s7, s6  }
0x9: {  	s8 =	sadd.s32 s8, s4;
	s30 =	ssub.s32 s5, s9;
	s6 =	sshrl.u32 s6, $0x3  }
0xa: {  	s9 =	simm.s32 $0x3;
	s31 =	sadd.s32 s29, s8;
	s10 =	sadd.s32 s6, s4  }
0xb: {  	s4 =	smax.u32 s30, $0x1;
	s5 =	sadd.s32 $0x52800, s31;
	s6 =	sadd.s32 $0x311C00, s31  }
0xc: {  	s7 =	sadd.s32 $0x20800, s10;
	s8 =	sadd.s32 $0x16A00, s10;
	s10 =	simm.s32 $0xC8  }
.LBB2_1:
0xd: {  	s16 =	sadd.s32 $0x0, s8  }
0xe: {  	[tilespmem:s3], [sflag:$0x3] =	stream.linear.gather [hbm4b:s16+s3], $0xC8, $0x38;
	[tilespmem:$0x6590] =	vst v63  }
0xf: {  	_ =	swait.ge [sflag:s9], $0xC8  }
0x10: {  	[sflag:s9] =	ssyncset.done $0x0  }
0x11: {  	s31 =	sadd.s32 $0x0, s7;
	[sflag:s9] =	ssyncadd.s32 $0xFFFFFF38  }
0x12: {  	[tilespmem:s10], [sflag:$0x3] =	stream.linear.gather [hbm4b:s31+s3], $0xC8, $0x38;
	[tilespmem:$0x6590] =	vst v63  }
0x13: {  	_ =	swait.ge [sflag:s9], $0xC8  }
0x14: {  	[sflag:s9] =	ssyncset.done $0x0  }
0x15: {  	[sflag:s9] =	ssyncadd.s32 $0xFFFFFF38  }
0x16: {  	[tilespmem:s11], [sflag:$0x1] =	stream.indirect.gather [hbm4b:s1+s10], $0x40, s3, s10, $0xb8;
	[tilespmem:$0x6590] =	vst v63  }
0x17: {  	_ = 	snop  }
0x18: {  	[tilespmem:s12], [sflag:$0x2] =	stream.indirect.gather [hbm4b:s1+s10], $0x40, s10, s10, $0xb8;
	[tilespmem:$0x6590] =	vst v63  }
0x19: {  	_ =	swait.ge [sflag:s13], $0x3200  }
0x1a: {  	[sflag:s13] =	ssyncset.done $0x0  }
0x1b: {  	[sflag:s13] =	ssyncadd.s32 $0xFFFFCE00  }
0x1c: {  	[hbm4b:s6+s3] =	stream.linear.scatter [tilespmem:s11], [sflag:$0x3], $0x3200, $0x38;
	[tilespmem:$0x6590] =	vst v63  }
0x1d: {  	_ =	swait.ge [sflag:s9], $0x3200  }
0x1e: {  	[sflag:s9] =	ssyncset.done $0x0  }
0x1f: {  	[sflag:s9] =	ssyncadd.s32 $0xFFFFCE00  }
0x20: {  	_ =	swait.ge [sflag:s14], $0x3200  }
0x21: {  	[sflag:s14] =	ssyncset.done $0x0  }
0x22: {  	[sflag:s14] =	ssyncadd.s32 $0xFFFFCE00  }
0x23: {  	[hbm4b:s5+s3] =	stream.linear.scatter [tilespmem:s12], [sflag:$0x3], $0x3200, $0x38;
	[tilespmem:$0x6590] =	vst v63  }
0x24: {  	s18 =	simm.s32 $0x19;
	s19 =	simm.s32 $0x32;
	_ =	swait.ge [sflag:s9], $0x3200  }
0x25: {  	s17 =	sadd.s32 $0x640, s6;
	s16 =	sadd.s32 $0x640, s5;
	[sflag:s9] =	ssyncset.done $0x0  }
.LBB2_2:
0x26: {  	s20 =	sadd.s32 s18, s8  }
0x27: {  	[sflag:s9] =	ssyncadd.s32 $0xFFFFCE00;
	s21 =	smov.u32 s19;
	s22 =	sadd.s32 $0x19, s19  }
0x28: {  	[tilespmem:s3], [sflag:$0x3] =	stream.linear.gather [hbm4b:s20+s3], $0xC8, $0x38;
	[tilespmem:$0x6590] =	vst v63  }
0x29: {  	p0 =	sne.s32 s19, $0x4C9;
	_ =	swait.ge [sflag:s9], $0xC8  }
0x2a: {  	[sflag:s9] =	ssyncset.done $0x0  }
0x2b: {  	s19 =	sadd.s32 s18, s7;
	s18 =	smov.u32 s21;
	[sflag:s9] =	ssyncadd.s32 $0xFFFFFF38  }
0x2c: {  	[tilespmem:s10], [sflag:$0x3] =	stream.linear.gather [hbm4b:s19+s3], $0xC8, $0x38;
	[tilespmem:$0x6590] =	vst v63  }
0x2d: {  	_ =	swait.ge [sflag:s9], $0xC8  }
0x2e: {  	[sflag:s9] =	ssyncset.done $0x0  }
0x2f: {  	[sflag:s9] =	ssyncadd.s32 $0xFFFFFF38  }
0x30: {  	[tilespmem:s11], [sflag:$0x1] =	stream.indirect.gather [hbm4b:s1+s10], $0x40, s3, s10, $0xb8;
	[tilespmem:$0x6590] =	vst v63  }
0x31: {  	_ = 	snop  }
0x32: {  	[tilespmem:s12], [sflag:$0x2] =	stream.indirect.gather [hbm4b:s1+s10], $0x40, s10, s10, $0xb8;
	[tilespmem:$0x6590] =	vst v63  }
0x33: {  	_ =	swait.ge [sflag:s13], $0x3200  }
0x34: {  	[sflag:s13] =	ssyncset.done $0x0  }
0x35: {  	[sflag:s13] =	ssyncadd.s32 $0xFFFFCE00  }
0x36: {  	[hbm4b:s17+s3] =	stream.linear.scatter [tilespmem:s11], [sflag:$0x3], $0x3200, $0x38;
	[tilespmem:$0x6590] =	vst v63  }
0x37: {  	_ =	swait.ge [sflag:s9], $0x3200  }
0x38: {  	[sflag:s9] =	ssyncset.done $0x0  }
0x39: {  	[sflag:s9] =	ssyncadd.s32 $0xFFFFCE00  }
0x3a: {  	_ =	swait.ge [sflag:s14], $0x3200  }
.Ltmp0:
0x3b: {  	[sflag:s14] =	ssyncset.done $0x0;
	(pc) =	sbr.rel @p0 .LBB2_2-.Ltmp0, $4  }
0x3c: {  	[sflag:s14] =	ssyncadd.s32 $0xFFFFCE00  }
0x3d: {  	[hbm4b:s16+s3] =	stream.linear.scatter [tilespmem:s12], [sflag:$0x3], $0x3200, $0x38;
	[tilespmem:$0x6590] =	vst v63  }
0x3e: {  	s19 =	smov.u32 s22;
	_ =	swait.ge [sflag:s9], $0x3200  }
0x3f: {  	s17 =	sadd.s32 $0x640, s17;
	s16 =	sadd.s32 $0x640, s16;
	[sflag:s9] =	ssyncset.done $0x0  }
0x40: {  	s19 =	sadd.s32 s18, s8;
	[sflag:s9] =	ssyncadd.s32 $0xFFFFCE00  }
0x41: {  	[tilespmem:s3], [sflag:$0x3] =	stream.linear.gather [hbm4b:s19+s3], $0xC8, $0x38;
	[tilespmem:$0x6590] =	vst v63  }
0x42: {  	_ =	swait.ge [sflag:s9], $0xC8  }
0x43: {  	[sflag:s9] =	ssyncset.done $0x0  }
0x44: {  	s31 =	sadd.s32 s18, s7;
	[sflag:s9] =	ssyncadd.s32 $0xFFFFFF38  }
0x45: {  	[tilespmem:s10], [sflag:$0x3] =	stream.linear.gather [hbm4b:s31+s3], $0xC8, $0x38;
	[tilespmem:$0x6590] =	vst v63  }
0x46: {  	_ =	swait.ge [sflag:s9], $0xC8  }
0x47: {  	[sflag:s9] =	ssyncset.done $0x0  }
0x48: {  	[sflag:s9] =	ssyncadd.s32 $0xFFFFFF38  }
0x49: {  	[tilespmem:s11], [sflag:$0x1] =	stream.indirect.gather [hbm4b:s1+s10], $0x40, s3, s10, $0xb8;
	[tilespmem:$0x6590] =	vst v63  }
0x4a: {  	_ = 	snop  }
0x4b: {  	[tilespmem:s12], [sflag:$0x2] =	stream.indirect.gather [hbm4b:s1+s10], $0x40, s10, s10, $0xb8;
	[tilespmem:$0x6590] =	vst v63  }
0x4c: {  	_ =	swait.ge [sflag:s13], $0x3200  }
0x4d: {  	[sflag:s13] =	ssyncset.done $0x0  }
0x4e: {  	[sflag:s13] =	ssyncadd.s32 $0xFFFFCE00  }
0x4f: {  	[hbm4b:s17+s3] =	stream.linear.scatter [tilespmem:s11], [sflag:$0x3], $0x3200, $0x38;
	[tilespmem:$0x6590] =	vst v63  }
0x50: {  	_ =	swait.ge [sflag:s9], $0x3200  }
0x51: {  	[sflag:s9] =	ssyncset.done $0x0  }
0x52: {  	[sflag:s9] =	ssyncadd.s32 $0xFFFFCE00  }
0x53: {  	s15 =	sadd.s32 $0x1, s15;
	_ =	swait.ge [sflag:s14], $0x3200  }
0x54: {  	p0 =	sne.s32 s15, s4;
	[sflag:s14] =	ssyncset.done $0x0  }
.Ltmp1:
0x55: {  	[sflag:s14] =	ssyncadd.s32 $0xFFFFCE00;
	(pc) =	sbr.rel @p0 .LBB2_1-.Ltmp1, $4  }
0x56: {  	[hbm4b:s16+s3] =	stream.linear.scatter [tilespmem:s12], [sflag:$0x3], $0x3200, $0x38;
	[tilespmem:$0x6590] =	vst v63  }
0x57: {  	_ =	swait.ge [sflag:s9], $0x3200  }
0x58: {  	[sflag:s9] =	ssyncset.done $0x0  }
0x59: {  	[sflag:s9] =	ssyncadd.s32 $0xFFFFCE00  }
0x5a: {  	_ =	sfence.sel $0x180000  }
0x5b: {  	[bflag:$0x0] =	sbarrier.arrive $0xFFFF  }
0x5c: {  	p0 =	sne.s32 s2, $0x0;
	_ =	strace $0x90000050  }
0x5d: {  	s0 =	sadd.s32 @!p0 $0x100000, s0;
	[bflag:$0x2] =	sbarrier.arrive $0xFFFF  }
0x5e: {  	[sflag:s0] =	ssyncadd.tile.s32 @!p0 $0x1;
	_ =	shalt  }
.Lfunc_end2:
_tile_overlayer_lowered:
.L_overlay_start_2:
0x5f: {  	(tag) =	ssettag $0x2  }
0x60: {  	s0 =	rddreg [dreg:$0x0];
	s2 =	stileid.u32  }
0x61: {  	s1 =	rddreg [dreg:$0x1];
	p0 =	sne.s32 s2, $0x0  }
0x62: {  	s3 =	rddreg [dreg:$0x2];
	[bflag:$0x3] =	sbarrier.arrive $0xFFFF;
	s2 =	simm.s32 @!p0 $0x1C03  }
0x63: {  	[timem:s3], [sflag:s2] =	dma.local @!p0 [hbm:s0], s1  }
0x64: {  	s0 =	simm.s32 @!p0 $0x3  }
0x65: {  	_ =	swait.ge @!p0 [sflag:s0], s1  }
0x66: {  	s1 =	ssub.s32 @!p0 $0x0, s1;
	[sflag:s0] =	ssyncset.done @!p0 $0x0  }
0x67: {  	[sflag:s0] =	ssyncadd.s32 @!p0 s1  }
0x68: {  	[bflag:$0x3] =	sbarrier.arrive $0xFFFF  }
0x69: {  	_ =	shalt  }

// kernel: kernel.44.cloned.1.call-start
scs
__scs_entry_jumppad:
0x0: {  	(pc) =	sbr.rel $0x88, $3  }
0x1: {  	(tag) =	ssettag $0x0;
	lr =	simm.s32 $0x1  }
0x2: {  	[smem:$0x3F26] =	sst lr;
	_ =	strace $0xD0000000  }
0x3: {  	_ = 	snop  }
0x4: {  	_ = 	snop  }
0x5: {  	_ = 	snop  }
0x6: {  	_ = 	snop  }
0x7: {  	_ = 	snop  }
__scs_overlays_trampoline_lowered:
0x8: {  	[smem:$0x3F35] =	sst s0  }
0x9: {  	[smem:$0x3F36] =	sst s1  }
0xa: {  	[smem:$0x3F37] =	sst s2  }
0xb: {  	[smem:$0x3F38] =	sst s3  }
0xc: {  	[smem:$0x3F39] =	sst s4  }
0xd: {  	[smem:$0x3F3A] =	sst s5  }
0xe: {  	[smem:$0x3F3B] =	sst s6  }
0xf: {  	[smem:$0x3F3C] =	sst s7  }
0x10: {  	[smem:$0x3F3D] =	sst s8  }
0x11: {  	[smem:$0x3F3E] =	sst s9;
	s0 =	simm.s32 @!p0 $0x0  }
0x12: {  	s1 =	sld [smem:$0x3F24];
	s0 =	simm.s32 @p0 $0x1  }
0x13: {  	[smem:$0x3F3F] =	sst s0;
	s0 =	simm.s32 @!p1 $0x0  }
0x14: {  	s2 =	sld [smem:$0x3F23];
	s0 =	simm.s32 @p1 $0x1  }
0x15: {  	[smem:$0x3F40] =	sst s0;
	s0 =	simm.s32 @!p2 $0x0  }
0x16: {  	s3 =	sld [smem:$0x3FDB];
	s0 =	simm.s32 @p2 $0x1  }
0x17: {  	s4 =	simm.s32 $0x1BF5;
	[smem:$0x3F42] =	sst s0  }
0x18: {  	s0 =	sld [smem:$0x3F25];
	_ =	swait.ge [sflag:s4], $0x0  }
0x19: {  	s7 =	sld [smem:$0x3F26]  }
0x1a: {  	s8 =	sadd.s32 $0xFFFFE003, lr  }
0x1b: {  	s9 =	sadd.s32 $0xFFFFFEF7, lr;
	s5 =	simm.s32 $0xFFFFFFFF;
	p2 =	slt.u32 s8, $0xFFFFF086  }
0x1c: {  	p1 =	slt.u32 s9, $0xF7A;
	s5 =	simm.s32 @!p2 $0x0  }
0x1d: {  	s5 =	simm.s32 @p1 $0x1;
	p0 =	seq.s32 s7, s2  }
0x1e: {  	s7 =	smul.u32 @!p0 $0xF7A, s2;
	p2 =	seq.s32 @!p0 s5, $0x0  }
0x1f: {  	s9 =	smul.u32 $0xF7A, s1;
	s8 =	simm.s32 @!p0 $0x1BF5;
	p2 =	por !p2, p0  }
0x20: {  	[sflag:s8] =	ssyncset.s32 @!p0 $0xFFFFF086;
	s6 =	sadd.s32 @!p0 s3, s7;
	s7 =	simm.s32 @!p0 $0x108  }
0x21: {  	s3 =	sadd.s32 s3, s9;
	s6 =	sadd.s32 @!p0 $0x88, s6;
	s7 =	simm.s32 @p2 $0x1082  }
0x22: {  	[simem:s7], [sflag:s8] =	dma.local @!p0 [hbm:s6], $0xF7A  }
0x23: {  	s9 =	sor.u32 $0xD0000000, s2;
	s6 =	simm.s32 $0x108;
	_ =	swait.ge @!p0 [sflag:s8], $0x0  }
0x24: {  	s3 =	sadd.s32 $0x88, s3;
	s6 =	simm.s32 @!p1 $0x1082;
	[sflag:s4] =	ssyncset.s32 $0xFFFFF086  }
0x25: {  	[simem:s6], [sflag:s4] =	dma.local [hbm:s3], $0xF7A  }
0x26: {  	[smem:$0x3F26] =	sst s1;
	(tag) =	ssettag s2;
	_ =	strace s9  }
0x27: {  	s1 =	sld [smem:$0x3F36]  }
0x28: {  	s2 =	sld [smem:$0x3F37]  }
0x29: {  	s4 =	sld [smem:$0x3F39]  }
0x2a: {  	p0 =	seq.s32 s5, $0x0;
	s5 =	sld [smem:$0x3F3A]  }
0x2b: {  	s6 =	sld [smem:$0x3F3B]  }
0x2c: {  	s7 =	sld [smem:$0x3F3C]  }
0x2d: {  	s3 =	simm.s32 $0x108;
	s8 =	sld [smem:$0x3F3D]  }
0x2e: {  	s3 =	simm.s32 @!p0 $0x1082;
	s9 =	sld [smem:$0x3F3E]  }
0x2f: {  	lr =	sadd.s32 s0, s3;
	s0 =	sld [smem:$0x3F35]  }
0x30: {  	s3 =	sld [smem:$0x3F38]  }
0x31: {  	[smem:$0x3F41] =	sst s10  }
0x32: {  	s10 =	sld [smem:$0x3F3F];
	_ =	sdelay $0x3  }
0x33: {  	p0 =	seq.s32 s10, $0x1;
	s10 =	sld [smem:$0x3F41];
	_ =	sdelay $0x3  }
0x34: {  	[smem:$0x3F41] =	sst s10  }
0x35: {  	s10 =	sld [smem:$0x3F40];
	_ =	sdelay $0x3  }
0x36: {  	p1 =	seq.s32 s10, $0x1;
	s10 =	sld [smem:$0x3F41];
	_ =	sdelay $0x3  }
0x37: {  	[smem:$0x3F41] =	sst s10  }
0x38: {  	s10 =	sld [smem:$0x3F42]  }
0x39: {  	_ = 	snop;
	(pc) =	sbr.ind lr, $3  }
0x3a: {  	_ = 	snop  }
0x3b: {  	_ = 	snop  }
0x3c: {  	p2 =	seq.s32 s10, $0x1;
	s10 =	sld [smem:$0x3F41]  }
0x3d: {  	_ =	shalt  }
0x3e: {  	_ =	shalt  }
0x3f: {  	_ =	shalt  }
0x40: {  	_ =	shalt  }
0x41: {  	_ =	shalt  }
0x42: {  	_ =	shalt  }
0x43: {  	_ =	shalt  }
0x44: {  	_ =	shalt  }
0x45: {  	_ =	shalt  }
0x46: {  	_ =	shalt  }
0x47: {  	_ =	shalt  }
0x48: {  	_ =	shalt  }
0x49: {  	_ =	shalt  }
0x4a: {  	_ =	shalt  }
0x4b: {  	_ =	shalt  }
0x4c: {  	_ =	shalt  }
0x4d: {  	_ =	shalt  }
0x4e: {  	_ =	shalt  }
0x4f: {  	_ =	shalt  }
0x50: {  	_ =	shalt  }
0x51: {  	_ =	shalt  }
0x52: {  	_ =	shalt  }
0x53: {  	_ =	shalt  }
0x54: {  	_ =	shalt  }
0x55: {  	_ =	shalt  }
0x56: {  	_ =	shalt  }
0x57: {  	_ =	shalt  }
0x58: {  	_ =	shalt  }
0x59: {  	_ =	shalt  }
0x5a: {  	_ =	shalt  }
0x5b: {  	_ =	shalt  }
0x5c: {  	_ =	shalt  }
0x5d: {  	_ =	shalt  }
0x5e: {  	_ =	shalt  }
0x5f: {  	_ =	shalt  }
0x60: {  	_ =	shalt  }
0x61: {  	_ =	shalt  }
0x62: {  	_ =	shalt  }
0x63: {  	_ =	shalt  }
0x64: {  	_ =	shalt  }
0x65: {  	_ =	shalt  }
0x66: {  	_ =	shalt  }
0x67: {  	_ =	shalt  }
0x68: {  	_ =	shalt  }
0x69: {  	_ =	shalt  }
0x6a: {  	_ =	shalt  }
0x6b: {  	_ =	shalt  }
0x6c: {  	_ =	shalt  }
0x6d: {  	_ =	shalt  }
0x6e: {  	_ =	shalt  }
0x6f: {  	_ =	shalt  }
0x70: {  	_ =	shalt  }
0x71: {  	_ =	shalt  }
0x72: {  	_ =	shalt  }
0x73: {  	_ =	shalt  }
0x74: {  	_ =	shalt  }
0x75: {  	_ =	shalt  }
0x76: {  	_ =	shalt  }
0x77: {  	_ =	shalt  }
0x78: {  	_ =	shalt  }
0x79: {  	_ =	shalt  }
0x7a: {  	_ =	shalt  }
0x7b: {  	_ =	shalt  }
0x7c: {  	_ =	shalt  }
0x7d: {  	_ =	shalt  }
0x7e: {  	_ =	shalt  }
0x7f: {  	_ =	shalt  }
0x80: {  	_ =	shalt  }
0x81: {  	_ =	shalt  }
0x82: {  	_ =	shalt  }
0x83: {  	_ =	shalt  }
0x84: {  	_ =	shalt  }
0x85: {  	_ =	shalt  }
0x86: {  	_ =	shalt  }
0x87: {  	_ =	shalt  }
.Lfunc_end0:
.L_simem_size_0:
called_computation.4_lowered:
.L_overlay_start_0:
0x88: {  	s2 =	sld [smem:$0x3FD9]  }
0x89: {  	s3 =	sld [smem:$0x3FFE];
	_ =	sdelay $0x1  }
0x8a: {  	s1 =	srdreg.scid  }
0x8b: {  	s0 =	sand.u32 $0x1, s1  }
0x8c: {  	s16 =	sshll.u32 s0, $0xA;
	s2 =	sadd.s32 s3, s2  }
0x8d: {  	s2 =	sadd.s32 s2, s16  }
0x8e: {  	[smem:$0x3F4D] =	sst s2  }
0x8f: {  	_ = 	snop  }
0x90: {  	(tm) =	ssettm $0x1  }
0x91: {  	s17 =	sld [smem:$0x3FFB];
	_ =	sdelay $0x3  }
0x92: {  	_ =	strace s17  }
0x93: {  	s2 =	sld [smem:$0x3FFC];
	_ =	sdelay $0x3  }
0x94: {  	_ =	strace s2  }
0x95: {  	s2 =	sld [smem:$0x3FFD];
	_ =	sdelay $0x3  }
0x96: {  	_ =	strace s2  }
0x97: {  	_ =	strace $0x8FFFFFFF  }
0x98: {  	s18 =	sld [smem:$0x3FDB];
	_ =	sdelay $0x1  }
0x99: {  	s19 =	simm.s32 $_scs_section_size  }
0x9a: {  	s4 =	simm.s32 $_size__tile_overlayer_lowered;
	s5 =	simm.s32 $_tile_overlayer_lowered  }
0x9b: {  	s22 =	simm.s32 $0x1BFF;
	s21 =	sshll.u32 s5, $0x1;
	s2 =	sadd.s32 s19, s18  }
0x9c: {  	s6 =	simm.s32 $0x0;
	s20 =	sshll.u32 s4, $0x1;
	s4 =	sadd.s32 s21, s2  }
0x9d: {  	[timem:s6], [sflag:s22] =	dma.local [hbm:s4], s20  }
0x9e: {  	_ =	swait.ge [sflag:s22], s20  }
0x9f: {  	s3 =	ssub.s32 $0x0, s20;
	[sflag:s22] =	ssyncset.done $0x0  }
0xa0: {  	[sflag:s22] =	ssyncadd.s32 s3;
	_ =	sdelay $0x1  }
0xa1: {  	s23 =	simm.s32 $0x1B8B  }
0xa2: {  	_ =	swait.ge [sflag:s23], $0x1  }
0xa3: {  	[sflag:s23] =	ssyncset.done $0x0  }
0xa4: {  	s25 =	simm.s32 $0x1B8E;
	s24 =	sld [smem:$0x3FFE];
	[sflag:s23] =	ssyncadd.s32 $0xFFFFFFFF  }
0xa5: {  	s26 =	simm.s32 $execute0_lowered;
	[smem:$0x3FD2] =	sst s25  }
0xa6: {  	s4 =	sshll.u32 s26, $0x1;
	_ =	strace $0x80000052;
	[dreg:$0x1] =	wrdreg $0xFFFFFFFF  }
0xa7: {  	s28 =	simm.s32 $_size_execute0_lowered;
	s2 =	sadd.s32 s2, s4;
	[dreg:$0x0] =	wrdreg $0x0  }
0xa8: {  	s4 =	sshll.u32 s28, $0x1;
	[dreg:$0x2] =	wrdreg s2  }
0xa9: {  	[dreg:$0x3] =	wrdreg s4  }
0xaa: {  	[dreg:$0x4] =	wrdreg $0xC0  }
0xab: {  	_ =	task [dreg:s6], $0x5FFFF  }
0xac: {  	[dreg:$0x1] =	wrdreg $0xFFFFFFFF  }
0xad: {  	[dreg:$0x0] =	wrdreg $0x60  }
0xae: {  	[dreg:$0x2] =	wrdreg s24  }
0xaf: {  	[dreg:$0x3] =	wrdreg $0x67900  }
0xb0: {  	[dreg:$0x4] =	wrdreg $0x9  }
0xb1: {  	_ =	task.clear_ibuf [dreg:s6], $0x5FFFF;
	_ =	strace $0x90000052  }
0xb2: {  	s29 =	simm.s32 $0x9;
	_ =	strace $0x80000054  }
0xb3: {  	_ =	swait.ge [sflag:s29], $0x1  }
0xb4: {  	[sflag:s29] =	ssyncadd.s32 $0xFFFFFFFF  }
0xb5: {  	_ =	strace $0x90000054  }
0xb6: {  	_ =	sfence  }
0xb7: {  	s30 =	sld [smem:$0x0];
	_ =	sdelay $0x2  }
0xb8: {  	s31 =	sshll.u32 s1, $0xD;
	s1 =	sshrl.u32 s1, $0x2  }
0xb9: {  	s3 =	sand.u32 $0x4000, s31;
	s1 =	sadd.s32 s1, s30  }
0xba: {  	s0 =	sor.u32 s3, s0;
	s1 =	sshll.u32 s1, $0x11  }
0xbb: {  	s0 =	sor.u32 s1, s0  }
0xbc: {  	s0 =	sadd.s32 $0x8F2B, s0  }
0xbd: {  	[sflag:s0] =	ssyncadd.remote.s32 $0x1  }
0xbe: {  	_ =	sfence.sel $0xFFFF  }
0xbf: {  	[dreg:$0x0] =	wrdreg $0xFFFFFFFF;
	(pc) =	sbr.abs _section_cstart, $3  }
0xc0: {  	[dreg:$0x1] =	wrdreg $0xFFFFFFFF  }
0xc1: {  	_ =	task.clear_ibuf [dreg:s6], $0x2FFFF;
	_ =	strace $0x9FFFFFFF  }
0xc2: {  	(tm) =	ssettm $0x7FFFFFFF  }
0xc3: {  	_ =	shalt  }
tec
execute0_lowered:
.L_overlay_start_1:
0x0: {  	(tag) =	ssettag $0x1  }
0x1: {  	s4 =	rddreg [dreg:$0x0]  }
0x2: {  	s0 =	srdreg.scid;
	s2 =	stileid.u32  }
0x3: {  	s1 =	rddreg [dreg:$0x1];
	s3 =	simm.s32 $0x0;
	s8 =	smul.u32 $0x2710, s2  }
0x4: {  	s14 =	simm.s32 $0x190;
	s18 =	simm.s32 $0x0;
	s24 =	smul.u32 $0x27000, s2  }
0x5: {  	s5 =	sand.u32 $0x1, s0;
	s0 =	rddreg [dreg:$0x2];
	s10 =	smul.u32 $0x9C00, s2  }
0x6: {  	[smem:$0x7FF] =	sst s3;
	s12 =	sadd.s32 $0x7F3C00, s4;
	s13 =	smul.u32 $0x13880, s2  }
0x7: {  	s15 =	sshll.u32 s2, $0x6;
	p0 =	sne.s32 s2, $0xF;
	s6 =	smul.u32 $0x138800, s5  }
0x8: {  	s7 =	smul.u32 $0x27100, s5;
	_ =	strace $0x80000053;
	s25 =	ssub.s32 $0x2, s5  }
0x9: {  	s5 =	smul.u32 $0x9C400, s5;
	s15 =	sor.u32 $0x1C01, s15;
	s26 =	sshrl.u32 s25, $0x1  }
0xa: {  	s28 =	sshrl.u32 s24, $0x2;
	s16 =	sadd.s32 s10, s1;
	s9 =	sadd.s32 s6, s4  }
0xb: {  	s23 =	sadd.s32 s8, s7;
	s8 =	ssub.s32 s25, s26;
	s29 =	sadd.s32 s10, s5  }
0xc: {  	s5 =	sshrl.u32 s5, $0x3;
	s7 =	sadd.s32 $0x9C000, s1;
	s16 =	sshrl.u32 s16, $0x3  }
0xd: {  	s6 =	sshrl.u32 s23, $0x3;
	s30 =	sadd.s32 s12, s5;
	s8 =	smax.u32 s8, $0x1  }
0xe: {  	s31 =	sadd.s32 s13, s9;
	s9 =	sadd.s32 $0x9C200, s1;
	s13 =	simm.s32 $0x1  }
0xf: {  	s17 =	sshrl.u32 @!p0 s7, $0x3;
	s11 =	sadd.s32 s6, s4;
	s6 =	sshrl.u32 s29, $0x3  }
0x10: {  	s4 =	sadd.s32 s28, s1;
	s10 =	sadd.s32 $0x52A00, s31;
	s5 =	sadd.s32 s12, s6  }
0x11: {  	v0 =	vimm.f32 $0.0e+00;
	s6 =	sadd.s32 $0x13800, s30;
	s11 =	sadd.s32 $0x20800, s11;
	s12 =	simm.s32 $0x6590  }
.LBB2_1:
0x12: {  	[tilespmem:$0x6590] =	vst v0  }
0x13: {  	[tilespmem:$0x65A0] =	vst v0  }
0x14: {  	[tilespmem:$0x65B0] =	vst v0  }
0x15: {  	[tilespmem:$0x65C0] =	vst v0  }
0x16: {  	[tilespmem:$0x65D0] =	vst v0  }
0x17: {  	[tilespmem:$0x65E0] =	vst v0  }
0x18: {  	[tilespmem:$0x65F0] =	vst v0  }
0x19: {  	[tilespmem:$0x6600] =	vst v0  }
0x1a: {  	[tilespmem:$0x6610] =	vst v0  }
0x1b: {  	[tilespmem:$0x6620] =	vst v0  }
0x1c: {  	[tilespmem:$0x6630] =	vst v0  }
0x1d: {  	[tilespmem:$0x6640] =	vst v0  }
0x1e: {  	[tilespmem:$0x6650] =	vst v0  }
0x1f: {  	[tilespmem:$0x6660] =	vst v0  }
0x20: {  	[tilespmem:$0x6670] =	vst v0  }
0x21: {  	[tilespmem:$0x6680] =	vst v0  }
0x22: {  	[tilespmem:$0x6690] =	vst v0  }
0x23: {  	[tilespmem:$0x66A0] =	vst v0  }
0x24: {  	[tilespmem:$0x66B0] =	vst v0  }
0x25: {  	[tilespmem:$0x66C0] =	vst v0  }
0x26: {  	[tilespmem:$0x66D0] =	vst v0  }
0x27: {  	[tilespmem:$0x66E0] =	vst v0  }
0x28: {  	[tilespmem:$0x66F0] =	vst v0  }
0x29: {  	[tilespmem:$0x6700] =	vst v0  }
0x2a: {  	[tilespmem:$0x6710] =	vst v0  }
0x2b: {  	[tilespmem:$0x6720] =	vst v0  }
0x2c: {  	[tilespmem:$0x6730] =	vst v0  }
0x2d: {  	[tilespmem:$0x6740] =	vst v0  }
0x2e: {  	[tilespmem:$0x6750] =	vst v0  }
0x2f: {  	[tilespmem:$0x6760] =	vst v0  }
0x30: {  	[tilespmem:$0x6770] =	vst v0  }
0x31: {  	[tilespmem:$0x6780] =	vst v0;
	s19 =	sadd.s32 $0x0, s4  }
0x32: {  	[spmem:s19] =	stream.linear.scatter [tilespmem:s12], [sflag:$0x1], $0x200, $0x38;
	[tilespmem:$0x103D0] =	vst v63  }
0x33: {  	s19 =	simm.s32 $0x800;
	_ =	swait.ge [sflag:s13], $0x200  }
.LBB2_2:
0x34: {  	s20 =	sshra.s32 s19, $0x2;
	[sflag:s13] =	ssyncset.done $0x0;
	p1 =	sne.s32 s19, $0x26800  }
.Ltmp0:
0x35: {  	s20 =	sadd.s32 s20, s4;
	[sflag:s13] =	ssyncadd.s32 $0xFFFFFE00;
	(pc) =	sbr.rel @p1 .LBB2_2-.Ltmp0, $3  }
0x36: {  	[spmem:s20] =	stream.linear.scatter [tilespmem:s12], [sflag:$0x1], $0x200, $0x38;
	[tilespmem:$0x103D0] =	vst v63  }
0x37: {  	s19 =	sadd.s32 $0x800, s19;
	_ =	sdelay $0x1  }
0x38: {  	_ =	swait.ge [sflag:s13], $0x200  }
0x39: {  	[sflag:s13] =	ssyncset.done $0x0  }
0x3a: {  	s19 =	simm.s32 @!p0 $0x6590;
	s20 =	simm.s32 @!p0 $0x1;
	[sflag:s13] =	ssyncadd.s32 $0xFFFFFE00  }
0x3b: {  	[spmem:s7] =	stream.linear.scatter @!p0 [tilespmem:s19], [sflag:$0x1], $0x200, $0x38;
	[tilespmem:$0x103D0] =	vst v63  }
0x3c: {  	_ =	swait.ge @!p0 [sflag:s20], $0x200  }
0x3d: {  	[sflag:s20] =	ssyncset.done @!p0 $0x0  }
0x3e: {  	[sflag:s20] =	ssyncadd.s32 @!p0 $0xFFFFFE00  }
0x3f: {  	[spmem:s9] =	stream.linear.scatter @!p0 [tilespmem:s19], [sflag:$0x1], $0x200, $0x38;
	[tilespmem:$0x103D0] =	vst v63  }
0x40: {  	_ =	swait.ge @!p0 [sflag:s20], $0x200  }
0x41: {  	[sflag:s20] =	ssyncset.done @!p0 $0x0  }
0x42: {  	[sflag:s20] =	ssyncadd.s32 @!p0 $0xFFFFFE00  }
0x43: {  	s31 =	sadd.s32 $0x0, s11;
	[bflag:$0x0] =	sbarrier.arrive $0xFFFF  }
0x44: {  	[tilespmem:s3], [sflag:$0x1] =	stream.linear.gather [hbm4b:s31+s3], $0x190, $0x38;
	[tilespmem:$0x103D0] =	vst v63  }
0x45: {  	_ =	swait.ge [sflag:s13], $0x190  }
0x46: {  	[sflag:s13] =	ssyncset.done $0x0  }
0x47: {  	[sflag:s13] =	ssyncadd.s32 $0xFFFFFE70  }
0x48: {  	[tilespmem:s14], [sflag:$0x1] =	stream.linear.gather [hbm4b:s10+s3], $0x6400, $0x38;
	[tilespmem:$0x103D0] =	vst v63  }
0x49: {  	_ =	swait.ge [sflag:s13], $0x6400  }
0x4a: {  	[sflag:s13] =	ssyncset.done $0x0  }
0x4b: {  	[sflag:s13] =	ssyncadd.s32 $0xFFFF9C00  }
0x4c: {  	[spmem:s1] =	stream.indirect.scatter.add.f32 [tilespmem:s14], [sflag:$0x1], $0x40, s3, s14, $0xb8;
	[tilespmem:$0x103D0] =	vst v63  }
0x4d: {  	s21 =	simm.s32 $0x64;
	_ =	swait.ge [sflag:s13], $0x6400  }
0x4e: {  	s19 =	sadd.s32 $0xC80, s10;
	s20 =	simm.s32 $0x32;
	[sflag:s13] =	ssyncset.done $0x0  }
.LBB2_4:
0x4f: {  	s22 =	sadd.s32 s20, s11  }
0x50: {  	[sflag:s13] =	ssyncadd.s32 $0xFFFF9C00;
	s20 =	smov.u32 s21;
	s23 =	sadd.s32 $0x32, s21  }
0x51: {  	[tilespmem:s3], [sflag:$0x1] =	stream.linear.gather [hbm4b:s22+s3], $0x190, $0x38;
	[tilespmem:$0x103D0] =	vst v63  }
0x52: {  	p1 =	sne.s32 s21, $0x4B0;
	_ =	swait.ge [sflag:s13], $0x190  }
0x53: {  	[sflag:s13] =	ssyncset.done $0x0  }
0x54: {  	[sflag:s13] =	ssyncadd.s32 $0xFFFFFE70  }
0x55: {  	[tilespmem:s14], [sflag:$0x1] =	stream.linear.gather [hbm4b:s19+s3], $0x6400, $0x38;
	[tilespmem:$0x103D0] =	vst v63  }
0x56: {  	_ =	swait.ge [sflag:s13], $0x6400  }
.Ltmp1:
0x57: {  	[sflag:s13] =	ssyncset.done $0x0;
	(pc) =	sbr.rel @p1 .LBB2_4-.Ltmp1, $4  }
0x58: {  	[sflag:s13] =	ssyncadd.s32 $0xFFFF9C00  }
0x59: {  	[spmem:s1] =	stream.indirect.scatter.add.f32 [tilespmem:s14], [sflag:$0x1], $0x40, s3, s14, $0xb8;
	[tilespmem:$0x103D0] =	vst v63  }
0x5a: {  	_ =	swait.ge [sflag:s13], $0x6400  }
0x5b: {  	s21 =	smov.u32 s23;
	s19 =	sadd.s32 $0xC80, s19;
	[sflag:s13] =	ssyncset.done $0x0  }
0x5c: {  	s20 =	sadd.s32 s20, s11;
	[sflag:s13] =	ssyncadd.s32 $0xFFFF9C00  }
0x5d: {  	[tilespmem:s3], [sflag:$0x1] =	stream.linear.gather [hbm4b:s20+s3], $0x190, $0x38;
	[tilespmem:$0x103D0] =	vst v63  }
0x5e: {  	_ =	swait.ge [sflag:s13], $0x190  }
0x5f: {  	[sflag:s13] =	ssyncset.done $0x0  }
0x60: {  	[sflag:s13] =	ssyncadd.s32 $0xFFFFFE70  }
0x61: {  	[tilespmem:s14], [sflag:$0x1] =	stream.linear.gather [hbm4b:s19+s3], $0x6400, $0x38;
	[tilespmem:$0x103D0] =	vst v63  }
0x62: {  	_ =	swait.ge [sflag:s13], $0x6400  }
0x63: {  	[sflag:s13] =	ssyncset.done $0x0  }
0x64: {  	[sflag:s13] =	ssyncadd.s32 $0xFFFF9C00  }
0x65: {  	[spmem:s1] =	stream.indirect.scatter.add.f32 [tilespmem:s14], [sflag:$0x1], $0x40, s3, s14, $0xb8;
	[tilespmem:$0x103D0] =	vst v63  }
0x66: {  	_ =	swait.ge [sflag:s13], $0x6400  }
0x67: {  	[sflag:s13] =	ssyncset.done $0x0  }
0x68: {  	[sflag:s13] =	ssyncadd.s32 $0xFFFF9C00  }
0x69: {  	[bflag:$0x0] =	sbarrier.arrive $0xFFFF  }
0x6a: {  	[hbm:s5], [sflag:s15] =	dma.local [spmem:s16], $0x1380  }
0x6b: {  	s18 =	sadd.s32 $0x1, s18;
	_ =	swait.ge [sflag:s13], $0x1380  }
0x6c: {  	p1 =	sne.s32 s18, s8;
	[sflag:s13] =	ssyncset.done $0x0  }
.Ltmp2:
0x6d: {  	s19 =	simm.s32 @!p0 $0x1;
	[sflag:s13] =	ssyncadd.s32 $0xFFFFEC80;
	(pc) =	sbr.rel @p1 .LBB2_1-.Ltmp2, $4  }
0x6e: {  	[hbm:s6], [sflag:s15] =	dma.local @!p0 [spmem:s17], $0x80  }
0x6f: {  	_ =	swait.ge @!p0 [sflag:s19], $0x80  }
0x70: {  	[sflag:s19] =	ssyncset.done @!p0 $0x0  }
0x71: {  	[sflag:s19] =	ssyncadd.s32 @!p0 $0xFFFFFF80  }
0x72: {  	_ =	sfence.sel $0x180000  }
0x73: {  	[bflag:$0x0] =	sbarrier.arrive $0xFFFF  }
0x74: {  	p0 =	sne.s32 s2, $0x0;
	_ =	strace $0x90000053  }
0x75: {  	s0 =	sadd.s32 @!p0 $0x100000, s0;
	[bflag:$0x2] =	sbarrier.arrive $0xFFFF  }
0x76: {  	[sflag:s0] =	ssyncadd.tile.s32 @!p0 $0x1;
	_ =	shalt  }
.Lfunc_end2:
_tile_overlayer_lowered:
.L_overlay_start_2:
0x77: {  	(tag) =	ssettag $0x2  }
0x78: {  	s0 =	rddreg [dreg:$0x0];
	s2 =	stileid.u32  }
0x79: {  	s1 =	rddreg [dreg:$0x1];
	p0 =	sne.s32 s2, $0x0  }
0x7a: {  	s3 =	rddreg [dreg:$0x2];
	[bflag:$0x3] =	sbarrier.arrive $0xFFFF;
	s2 =	simm.s32 @!p0 $0x1C01  }
0x7b: {  	[timem:s3], [sflag:s2] =	dma.local @!p0 [hbm:s0], s1  }
0x7c: {  	s0 =	simm.s32 @!p0 $0x1  }
0x7d: {  	_ =	swait.ge @!p0 [sflag:s0], s1  }
0x7e: {  	s1 =	ssub.s32 @!p0 $0x0, s1;
	[sflag:s0] =	ssyncset.done @!p0 $0x0  }
0x7f: {  	[sflag:s0] =	ssyncadd.s32 @!p0 s1  }
0x80: {  	[bflag:$0x3] =	sbarrier.arrive $0xFFFF  }
0x81: {  	_ =	shalt  }

// kernel: kernel.47.cloned.1.call-start
scs
__scs_entry_jumppad:
0x0: {  	(pc) =	sbr.rel $0x88, $3  }
0x1: {  	(tag) =	ssettag $0x0;
	lr =	simm.s32 $0x1  }
0x2: {  	[smem:$0x3F26] =	sst lr;
	_ =	strace $0xD0000000  }
0x3: {  	_ = 	snop  }
0x4: {  	_ = 	snop  }
0x5: {  	_ = 	snop  }
0x6: {  	_ = 	snop  }
0x7: {  	_ = 	snop  }
__scs_overlays_trampoline_lowered:
0x8: {  	[smem:$0x3F35] =	sst s0  }
0x9: {  	[smem:$0x3F36] =	sst s1  }
0xa: {  	[smem:$0x3F37] =	sst s2  }
0xb: {  	[smem:$0x3F38] =	sst s3  }
0xc: {  	[smem:$0x3F39] =	sst s4  }
0xd: {  	[smem:$0x3F3A] =	sst s5  }
0xe: {  	[smem:$0x3F3B] =	sst s6  }
0xf: {  	[smem:$0x3F3C] =	sst s7  }
0x10: {  	[smem:$0x3F3D] =	sst s8  }
0x11: {  	[smem:$0x3F3E] =	sst s9;
	s0 =	simm.s32 @!p0 $0x0  }
0x12: {  	s1 =	sld [smem:$0x3F24];
	s0 =	simm.s32 @p0 $0x1  }
0x13: {  	[smem:$0x3F3F] =	sst s0;
	s0 =	simm.s32 @!p1 $0x0  }
0x14: {  	s2 =	sld [smem:$0x3F23];
	s0 =	simm.s32 @p1 $0x1  }
0x15: {  	[smem:$0x3F40] =	sst s0;
	s0 =	simm.s32 @!p2 $0x0  }
0x16: {  	s3 =	sld [smem:$0x3FDB];
	s0 =	simm.s32 @p2 $0x1  }
0x17: {  	s4 =	simm.s32 $0x1BF5;
	[smem:$0x3F42] =	sst s0  }
0x18: {  	s0 =	sld [smem:$0x3F25];
	_ =	swait.ge [sflag:s4], $0x0  }
0x19: {  	s7 =	sld [smem:$0x3F26]  }
0x1a: {  	s8 =	sadd.s32 $0xFFFFE003, lr  }
0x1b: {  	s9 =	sadd.s32 $0xFFFFFEF7, lr;
	s5 =	simm.s32 $0xFFFFFFFF;
	p2 =	slt.u32 s8, $0xFFFFF086  }
0x1c: {  	p1 =	slt.u32 s9, $0xF7A;
	s5 =	simm.s32 @!p2 $0x0  }
0x1d: {  	s5 =	simm.s32 @p1 $0x1;
	p0 =	seq.s32 s7, s2  }
0x1e: {  	s7 =	smul.u32 @!p0 $0xF7A, s2;
	p2 =	seq.s32 @!p0 s5, $0x0  }
0x1f: {  	s9 =	smul.u32 $0xF7A, s1;
	s8 =	simm.s32 @!p0 $0x1BF5;
	p2 =	por !p2, p0  }
0x20: {  	[sflag:s8] =	ssyncset.s32 @!p0 $0xFFFFF086;
	s6 =	sadd.s32 @!p0 s3, s7;
	s7 =	simm.s32 @!p0 $0x108  }
0x21: {  	s3 =	sadd.s32 s3, s9;
	s6 =	sadd.s32 @!p0 $0x88, s6;
	s7 =	simm.s32 @p2 $0x1082  }
0x22: {  	[simem:s7], [sflag:s8] =	dma.local @!p0 [hbm:s6], $0xF7A  }
0x23: {  	s9 =	sor.u32 $0xD0000000, s2;
	s6 =	simm.s32 $0x108;
	_ =	swait.ge @!p0 [sflag:s8], $0x0  }
0x24: {  	s3 =	sadd.s32 $0x88, s3;
	s6 =	simm.s32 @!p1 $0x1082;
	[sflag:s4] =	ssyncset.s32 $0xFFFFF086  }
0x25: {  	[simem:s6], [sflag:s4] =	dma.local [hbm:s3], $0xF7A  }
0x26: {  	[smem:$0x3F26] =	sst s1;
	(tag) =	ssettag s2;
	_ =	strace s9  }
0x27: {  	s1 =	sld [smem:$0x3F36]  }
0x28: {  	s2 =	sld [smem:$0x3F37]  }
0x29: {  	s4 =	sld [smem:$0x3F39]  }
0x2a: {  	p0 =	seq.s32 s5, $0x0;
	s5 =	sld [smem:$0x3F3A]  }
0x2b: {  	s6 =	sld [smem:$0x3F3B]  }
0x2c: {  	s7 =	sld [smem:$0x3F3C]  }
0x2d: {  	s3 =	simm.s32 $0x108;
	s8 =	sld [smem:$0x3F3D]  }
0x2e: {  	s3 =	simm.s32 @!p0 $0x1082;
	s9 =	sld [smem:$0x3F3E]  }
0x2f: {  	lr =	sadd.s32 s0, s3;
	s0 =	sld [smem:$0x3F35]  }
0x30: {  	s3 =	sld [smem:$0x3F38]  }
0x31: {  	[smem:$0x3F41] =	sst s10  }
0x32: {  	s10 =	sld [smem:$0x3F3F];
	_ =	sdelay $0x3  }
0x33: {  	p0 =	seq.s32 s10, $0x1;
	s10 =	sld [smem:$0x3F41];
	_ =	sdelay $0x3  }
0x34: {  	[smem:$0x3F41] =	sst s10  }
0x35: {  	s10 =	sld [smem:$0x3F40];
	_ =	sdelay $0x3  }
0x36: {  	p1 =	seq.s32 s10, $0x1;
	s10 =	sld [smem:$0x3F41];
	_ =	sdelay $0x3  }
0x37: {  	[smem:$0x3F41] =	sst s10  }
0x38: {  	s10 =	sld [smem:$0x3F42]  }
0x39: {  	_ = 	snop;
	(pc) =	sbr.ind lr, $3  }
0x3a: {  	_ = 	snop  }
0x3b: {  	_ = 	snop  }
0x3c: {  	p2 =	seq.s32 s10, $0x1;
	s10 =	sld [smem:$0x3F41]  }
0x3d: {  	_ =	shalt  }
0x3e: {  	_ =	shalt  }
0x3f: {  	_ =	shalt  }
0x40: {  	_ =	shalt  }
0x41: {  	_ =	shalt  }
0x42: {  	_ =	shalt  }
0x43: {  	_ =	shalt  }
0x44: {  	_ =	shalt  }
0x45: {  	_ =	shalt  }
0x46: {  	_ =	shalt  }
0x47: {  	_ =	shalt  }
0x48: {  	_ =	shalt  }
0x49: {  	_ =	shalt  }
0x4a: {  	_ =	shalt  }
0x4b: {  	_ =	shalt  }
0x4c: {  	_ =	shalt  }
0x4d: {  	_ =	shalt  }
0x4e: {  	_ =	shalt  }
0x4f: {  	_ =	shalt  }
0x50: {  	_ =	shalt  }
0x51: {  	_ =	shalt  }
0x52: {  	_ =	shalt  }
0x53: {  	_ =	shalt  }
0x54: {  	_ =	shalt  }
0x55: {  	_ =	shalt  }
0x56: {  	_ =	shalt  }
0x57: {  	_ =	shalt  }
0x58: {  	_ =	shalt  }
0x59: {  	_ =	shalt  }
0x5a: {  	_ =	shalt  }
0x5b: {  	_ =	shalt  }
0x5c: {  	_ =	shalt  }
0x5d: {  	_ =	shalt  }
0x5e: {  	_ =	shalt  }
0x5f: {  	_ =	shalt  }
0x60: {  	_ =	shalt  }
0x61: {  	_ =	shalt  }
0x62: {  	_ =	shalt  }
0x63: {  	_ =	shalt  }
0x64: {  	_ =	shalt  }
0x65: {  	_ =	shalt  }
0x66: {  	_ =	shalt  }
0x67: {  	_ =	shalt  }
0x68: {  	_ =	shalt  }
0x69: {  	_ =	shalt  }
0x6a: {  	_ =	shalt  }
0x6b: {  	_ =	shalt  }
0x6c: {  	_ =	shalt  }
0x6d: {  	_ =	shalt  }
0x6e: {  	_ =	shalt  }
0x6f: {  	_ =	shalt  }
0x70: {  	_ =	shalt  }
0x71: {  	_ =	shalt  }
0x72: {  	_ =	shalt  }
0x73: {  	_ =	shalt  }
0x74: {  	_ =	shalt  }
0x75: {  	_ =	shalt  }
0x76: {  	_ =	shalt  }
0x77: {  	_ =	shalt  }
0x78: {  	_ =	shalt  }
0x79: {  	_ =	shalt  }
0x7a: {  	_ =	shalt  }
0x7b: {  	_ =	shalt  }
0x7c: {  	_ =	shalt  }
0x7d: {  	_ =	shalt  }
0x7e: {  	_ =	shalt  }
0x7f: {  	_ =	shalt  }
0x80: {  	_ =	shalt  }
0x81: {  	_ =	shalt  }
0x82: {  	_ =	shalt  }
0x83: {  	_ =	shalt  }
0x84: {  	_ =	shalt  }
0x85: {  	_ =	shalt  }
0x86: {  	_ =	shalt  }
0x87: {  	_ =	shalt  }
.Lfunc_end0:
.L_simem_size_0:
called_computation.5_lowered:
.L_overlay_start_0:
0x88: {  	s2 =	sld [smem:$0x3FD9]  }
0x89: {  	s3 =	sld [smem:$0x3FFE];
	_ =	sdelay $0x1  }
0x8a: {  	s1 =	srdreg.scid  }
0x8b: {  	s0 =	sand.u32 $0x1, s1  }
0x8c: {  	s14 =	sshll.u32 s0, $0xA;
	s2 =	sadd.s32 s3, s2  }
0x8d: {  	s2 =	sadd.s32 s2, s14  }
0x8e: {  	[smem:$0x3F4D] =	sst s2  }
0x8f: {  	_ = 	snop  }
0x90: {  	s2 =	sld [smem:$0x3FD0];
	_ =	sdelay $0x2  }
0x91: {  	s15 =	simm.s32 $0xA;
	s4 =	simm.s32 $0x10  }
0x92: {  	[smem:s4], [sflag:s15] =	dma.local [hbm:s2], $0x1  }
0x93: {  	_ =	swait.eq [sflag:s15], $0x1  }
0x94: {  	[sflag:s15] =	ssyncset.done $0x0  }
0x95: {  	[sflag:s15] =	ssyncadd.s32 $0xFFFFFFFF  }
0x96: {  	s16 =	sld [smem:$0x11];
	(tm) =	ssettm $0x1  }
0x97: {  	s17 =	sld [smem:$0x3FFB];
	_ =	sdelay $0x3  }
0x98: {  	_ =	strace s17  }
0x99: {  	s3 =	sld [smem:$0x3FFC];
	_ =	sdelay $0x3  }
0x9a: {  	_ =	strace s3  }
0x9b: {  	s3 =	sld [smem:$0x3FFD];
	_ =	sdelay $0x3  }
0x9c: {  	_ =	strace s3  }
0x9d: {  	_ =	strace $0x8FFFFFFF  }
0x9e: {  	s18 =	sld [smem:$0x3FDB];
	_ =	sdelay $0x1  }
0x9f: {  	s19 =	simm.s32 $_scs_section_size  }
0xa0: {  	s5 =	simm.s32 $_size__tile_overlayer_lowered;
	s6 =	simm.s32 $_tile_overlayer_lowered  }
0xa1: {  	s22 =	simm.s32 $0x1BFF;
	s21 =	sshll.u32 s6, $0x1;
	s3 =	sadd.s32 s19, s18  }
0xa2: {  	s7 =	simm.s32 $0x0;
	s20 =	sshll.u32 s5, $0x1;
	s5 =	sadd.s32 s21, s3  }
0xa3: {  	[timem:s7], [sflag:s22] =	dma.local [hbm:s5], s20  }
0xa4: {  	_ =	swait.ge [sflag:s22], s20  }
0xa5: {  	s4 =	ssub.s32 $0x0, s20;
	[sflag:s22] =	ssyncset.done $0x0  }
0xa6: {  	[sflag:s22] =	ssyncadd.s32 s4;
	_ =	sdelay $0x1  }
0xa7: {  	s23 =	simm.s32 $0x1B8B  }
0xa8: {  	_ =	swait.ge [sflag:s23], $0x1  }
0xa9: {  	[sflag:s23] =	ssyncset.done $0x0  }
0xaa: {  	s25 =	simm.s32 $0x1B8E;
	s24 =	sld [smem:$0x3FFE];
	[sflag:s23] =	ssyncadd.s32 $0xFFFFFFFF  }
0xab: {  	s26 =	simm.s32 $execute0_lowered;
	[smem:$0x3FD2] =	sst s25  }
0xac: {  	s5 =	sshll.u32 s26, $0x1;
	_ =	strace $0x80000055;
	[dreg:$0x1] =	wrdreg $0xFFFFFFFF  }
0xad: {  	s28 =	simm.s32 $_size_execute0_lowered;
	s3 =	sadd.s32 s3, s5;
	[dreg:$0x0] =	wrdreg $0x0  }
0xae: {  	s5 =	sshll.u32 s28, $0x1;
	[dreg:$0x2] =	wrdreg s3  }
0xaf: {  	[dreg:$0x3] =	wrdreg s5  }
0xb0: {  	[dreg:$0x4] =	wrdreg $0xC0  }
0xb1: {  	_ =	task [dreg:s7], $0x5FFFF  }
0xb2: {  	[dreg:$0x1] =	wrdreg $0xFFFFFFFF  }
0xb3: {  	[dreg:$0x0] =	wrdreg $0x60  }
0xb4: {  	[dreg:$0x2] =	wrdreg s16  }
0xb5: {  	[dreg:$0x3] =	wrdreg s24  }
0xb6: {  	[dreg:$0x4] =	wrdreg $0x9  }
0xb7: {  	_ =	task.clear_ibuf [dreg:s7], $0x5FFFF;
	_ =	strace $0x90000055  }
0xb8: {  	s29 =	simm.s32 $0x9;
	_ =	strace $0x80000057  }
0xb9: {  	_ =	swait.ge [sflag:s29], $0x1  }
0xba: {  	[sflag:s29] =	ssyncadd.s32 $0xFFFFFFFF  }
0xbb: {  	_ =	strace $0x90000057  }
0xbc: {  	_ =	sfence  }
0xbd: {  	s30 =	sld [smem:$0x0];
	_ =	sdelay $0x2  }
0xbe: {  	s31 =	sshll.u32 s1, $0xD;
	s1 =	sshrl.u32 s1, $0x2  }
0xbf: {  	s3 =	sand.u32 $0x4000, s31;
	s1 =	sadd.s32 s1, s30  }
0xc0: {  	s0 =	sor.u32 s3, s0;
	s1 =	sshll.u32 s1, $0x11  }
0xc1: {  	s0 =	sor.u32 s1, s0  }
0xc2: {  	s0 =	sadd.s32 $0x8F2B, s0  }
0xc3: {  	[sflag:s0] =	ssyncadd.remote.s32 $0x1  }
0xc4: {  	_ =	sfence.sel $0xFFFF  }
0xc5: {  	[dreg:$0x0] =	wrdreg $0xFFFFFFFF;
	(pc) =	sbr.abs _section_cstart, $3  }
0xc6: {  	[dreg:$0x1] =	wrdreg $0xFFFFFFFF  }
0xc7: {  	_ =	task.clear_ibuf [dreg:s7], $0x2FFFF;
	_ =	strace $0x9FFFFFFF  }
0xc8: {  	(tm) =	ssettm $0x7FFFFFFF  }
0xc9: {  	_ =	shalt  }
tec
execute0_lowered:
.L_overlay_start_1:
0x0: {  	(tag) =	ssettag $0x1  }
0x1: {  	s1 =	rddreg [dreg:$0x0]  }
0x2: {  	s4 =	rddreg [dreg:$0x1];
	s2 =	srdreg.scid  }
0x3: {  	s0 =	rddreg [dreg:$0x2];
	s3 =	simm.s32 $0x0;
	s11 =	simm.s32 $0x190  }
0x4: {  	s12 =	simm.s32 $0x3390;
	s13 =	simm.s32 $0x1;
	s5 =	sand.u32 $0x1, s2  }
0x5: {  	s14 =	simm.s32 $0x2;
	s2 =	stileid.u32;
	s6 =	smul.u32 $0x27100, s5  }
0x6: {  	s15 =	simm.s32 $0x0;
	[smem:$0x7FF] =	sst s3;
	s7 =	smul.u32 $0x2710, s2  }
0x7: {  	_ =	strace $0x80000056;
	s8 =	smul.u32 $0x138800, s5;
	s5 =	ssub.s32 $0x2, s5  }
0x8: {  	s29 =	smul.u32 $0x13880, s2;
	s9 =	sshrl.u32 s5, $0x1;
	s6 =	sadd.s32 s7, s6  }
0x9: {  	s8 =	sadd.s32 s8, s4;
	s30 =	ssub.s32 s5, s9;
	s6 =	sshrl.u32 s6, $0x3  }
0xa: {  	s9 =	simm.s32 $0x3;
	s31 =	sadd.s32 s29, s8;
	s10 =	sadd.s32 s6, s4  }
0xb: {  	s4 =	smax.u32 s30, $0x1;
	s5 =	sadd.s32 $0x52A00, s31;
	s6 =	sadd.s32 $0x7F3C00, s31  }
0xc: {  	s7 =	sadd.s32 $0x20800, s10;
	s8 =	sadd.s32 $0x16A00, s10;
	s10 =	simm.s32 $0xC8  }
.LBB2_1:
0xd: {  	s16 =	sadd.s32 $0x0, s8  }
0xe: {  	[tilespmem:s3], [sflag:$0x3] =	stream.linear.gather [hbm4b:s16+s3], $0xC8, $0x38;
	[tilespmem:$0x6590] =	vst v63  }
0xf: {  	_ =	swait.ge [sflag:s9], $0xC8  }
0x10: {  	[sflag:s9] =	ssyncset.done $0x0  }
0x11: {  	s31 =	sadd.s32 $0x0, s7;
	[sflag:s9] =	ssyncadd.s32 $0xFFFFFF38  }
0x12: {  	[tilespmem:s10], [sflag:$0x3] =	stream.linear.gather [hbm4b:s31+s3], $0xC8, $0x38;
	[tilespmem:$0x6590] =	vst v63  }
0x13: {  	_ =	swait.ge [sflag:s9], $0xC8  }
0x14: {  	[sflag:s9] =	ssyncset.done $0x0  }
0x15: {  	[sflag:s9] =	ssyncadd.s32 $0xFFFFFF38  }
0x16: {  	[tilespmem:s11], [sflag:$0x1] =	stream.indirect.gather [hbm4b:s1+s10], $0x40, s3, s10, $0xb8;
	[tilespmem:$0x6590] =	vst v63  }
0x17: {  	_ = 	snop  }
0x18: {  	[tilespmem:s12], [sflag:$0x2] =	stream.indirect.gather [hbm4b:s1+s10], $0x40, s10, s10, $0xb8;
	[tilespmem:$0x6590] =	vst v63  }
0x19: {  	_ =	swait.ge [sflag:s13], $0x3200  }
0x1a: {  	[sflag:s13] =	ssyncset.done $0x0  }
0x1b: {  	[sflag:s13] =	ssyncadd.s32 $0xFFFFCE00  }
0x1c: {  	[hbm4b:s6+s3] =	stream.linear.scatter [tilespmem:s11], [sflag:$0x3], $0x3200, $0x38;
	[tilespmem:$0x6590] =	vst v63  }
0x1d: {  	_ =	swait.ge [sflag:s9], $0x3200  }
0x1e: {  	[sflag:s9] =	ssyncset.done $0x0  }
0x1f: {  	[sflag:s9] =	ssyncadd.s32 $0xFFFFCE00  }
0x20: {  	_ =	swait.ge [sflag:s14], $0x3200  }
0x21: {  	[sflag:s14] =	ssyncset.done $0x0  }
0x22: {  	[sflag:s14] =	ssyncadd.s32 $0xFFFFCE00  }
0x23: {  	[hbm4b:s5+s3] =	stream.linear.scatter [tilespmem:s12], [sflag:$0x3], $0x3200, $0x38;
	[tilespmem:$0x6590] =	vst v63  }
0x24: {  	s18 =	simm.s32 $0x19;
	s19 =	simm.s32 $0x32;
	_ =	swait.ge [sflag:s9], $0x3200  }
0x25: {  	s17 =	sadd.s32 $0x640, s6;
	s16 =	sadd.s32 $0x640, s5;
	[sflag:s9] =	ssyncset.done $0x0  }
.LBB2_2:
0x26: {  	s20 =	sadd.s32 s18, s8  }
0x27: {  	[sflag:s9] =	ssyncadd.s32 $0xFFFFCE00;
	s21 =	smov.u32 s19;
	s22 =	sadd.s32 $0x19, s19  }
0x28: {  	[tilespmem:s3], [sflag:$0x3] =	stream.linear.gather [hbm4b:s20+s3], $0xC8, $0x38;
	[tilespmem:$0x6590] =	vst v63  }
0x29: {  	p0 =	sne.s32 s19, $0x4C9;
	_ =	swait.ge [sflag:s9], $0xC8  }
0x2a: {  	[sflag:s9] =	ssyncset.done $0x0  }
0x2b: {  	s19 =	sadd.s32 s18, s7;
	s18 =	smov.u32 s21;
	[sflag:s9] =	ssyncadd.s32 $0xFFFFFF38  }
0x2c: {  	[tilespmem:s10], [sflag:$0x3] =	stream.linear.gather [hbm4b:s19+s3], $0xC8, $0x38;
	[tilespmem:$0x6590] =	vst v63  }
0x2d: {  	_ =	swait.ge [sflag:s9], $0xC8  }
0x2e: {  	[sflag:s9] =	ssyncset.done $0x0  }
0x2f: {  	[sflag:s9] =	ssyncadd.s32 $0xFFFFFF38  }
0x30: {  	[tilespmem:s11], [sflag:$0x1] =	stream.indirect.gather [hbm4b:s1+s10], $0x40, s3, s10, $0xb8;
	[tilespmem:$0x6590] =	vst v63  }
0x31: {  	_ = 	snop  }
0x32: {  	[tilespmem:s12], [sflag:$0x2] =	stream.indirect.gather [hbm4b:s1+s10], $0x40, s10, s10, $0xb8;
	[tilespmem:$0x6590] =	vst v63  }
0x33: {  	_ =	swait.ge [sflag:s13], $0x3200  }
0x34: {  	[sflag:s13] =	ssyncset.done $0x0  }
0x35: {  	[sflag:s13] =	ssyncadd.s32 $0xFFFFCE00  }
0x36: {  	[hbm4b:s17+s3] =	stream.linear.scatter [tilespmem:s11], [sflag:$0x3], $0x3200, $0x38;
	[tilespmem:$0x6590] =	vst v63  }
0x37: {  	_ =	swait.ge [sflag:s9], $0x3200  }
0x38: {  	[sflag:s9] =	ssyncset.done $0x0  }
0x39: {  	[sflag:s9] =	ssyncadd.s32 $0xFFFFCE00  }
0x3a: {  	_ =	swait.ge [sflag:s14], $0x3200  }
.Ltmp0:
0x3b: {  	[sflag:s14] =	ssyncset.done $0x0;
	(pc) =	sbr.rel @p0 .LBB2_2-.Ltmp0, $4  }
0x3c: {  	[sflag:s14] =	ssyncadd.s32 $0xFFFFCE00  }
0x3d: {  	[hbm4b:s16+s3] =	stream.linear.scatter [tilespmem:s12], [sflag:$0x3], $0x3200, $0x38;
	[tilespmem:$0x6590] =	vst v63  }
0x3e: {  	s19 =	smov.u32 s22;
	_ =	swait.ge [sflag:s9], $0x3200  }
0x3f: {  	s17 =	sadd.s32 $0x640, s17;
	s16 =	sadd.s32 $0x640, s16;
	[sflag:s9] =	ssyncset.done $0x0  }
0x40: {  	s19 =	sadd.s32 s18, s8;
	[sflag:s9] =	ssyncadd.s32 $0xFFFFCE00  }
0x41: {  	[tilespmem:s3], [sflag:$0x3] =	stream.linear.gather [hbm4b:s19+s3], $0xC8, $0x38;
	[tilespmem:$0x6590] =	vst v63  }
0x42: {  	_ =	swait.ge [sflag:s9], $0xC8  }
0x43: {  	[sflag:s9] =	ssyncset.done $0x0  }
0x44: {  	s31 =	sadd.s32 s18, s7;
	[sflag:s9] =	ssyncadd.s32 $0xFFFFFF38  }
0x45: {  	[tilespmem:s10], [sflag:$0x3] =	stream.linear.gather [hbm4b:s31+s3], $0xC8, $0x38;
	[tilespmem:$0x6590] =	vst v63  }
0x46: {  	_ =	swait.ge [sflag:s9], $0xC8  }
0x47: {  	[sflag:s9] =	ssyncset.done $0x0  }
0x48: {  	[sflag:s9] =	ssyncadd.s32 $0xFFFFFF38  }
0x49: {  	[tilespmem:s11], [sflag:$0x1] =	stream.indirect.gather [hbm4b:s1+s10], $0x40, s3, s10, $0xb8;
	[tilespmem:$0x6590] =	vst v63  }
0x4a: {  	_ = 	snop  }
0x4b: {  	[tilespmem:s12], [sflag:$0x2] =	stream.indirect.gather [hbm4b:s1+s10], $0x40, s10, s10, $0xb8;
	[tilespmem:$0x6590] =	vst v63  }
0x4c: {  	_ =	swait.ge [sflag:s13], $0x3200  }
0x4d: {  	[sflag:s13] =	ssyncset.done $0x0  }
0x4e: {  	[sflag:s13] =	ssyncadd.s32 $0xFFFFCE00  }
0x4f: {  	[hbm4b:s17+s3] =	stream.linear.scatter [tilespmem:s11], [sflag:$0x3], $0x3200, $0x38;
	[tilespmem:$0x6590] =	vst v63  }
0x50: {  	_ =	swait.ge [sflag:s9], $0x3200  }
0x51: {  	[sflag:s9] =	ssyncset.done $0x0  }
0x52: {  	[sflag:s9] =	ssyncadd.s32 $0xFFFFCE00  }
0x53: {  	s15 =	sadd.s32 $0x1, s15;
	_ =	swait.ge [sflag:s14], $0x3200  }
0x54: {  	p0 =	sne.s32 s15, s4;
	[sflag:s14] =	ssyncset.done $0x0  }
.Ltmp1:
0x55: {  	[sflag:s14] =	ssyncadd.s32 $0xFFFFCE00;
	(pc) =	sbr.rel @p0 .LBB2_1-.Ltmp1, $4  }
0x56: {  	[hbm4b:s16+s3] =	stream.linear.scatter [tilespmem:s12], [sflag:$0x3], $0x3200, $0x38;
	[tilespmem:$0x6590] =	vst v63  }
0x57: {  	_ =	swait.ge [sflag:s9], $0x3200  }
0x58: {  	[sflag:s9] =	ssyncset.done $0x0  }
0x59: {  	[sflag:s9] =	ssyncadd.s32 $0xFFFFCE00  }
0x5a: {  	_ =	sfence.sel $0x180000  }
0x5b: {  	[bflag:$0x0] =	sbarrier.arrive $0xFFFF  }
0x5c: {  	p0 =	sne.s32 s2, $0x0;
	_ =	strace $0x90000056  }
0x5d: {  	s0 =	sadd.s32 @!p0 $0x100000, s0;
	[bflag:$0x2] =	sbarrier.arrive $0xFFFF  }
0x5e: {  	[sflag:s0] =	ssyncadd.tile.s32 @!p0 $0x1;
	_ =	shalt  }
.Lfunc_end2:
_tile_overlayer_lowered:
.L_overlay_start_2:
0x5f: {  	(tag) =	ssettag $0x2  }
0x60: {  	s0 =	rddreg [dreg:$0x0];
	s2 =	stileid.u32  }
0x61: {  	s1 =	rddreg [dreg:$0x1];
	p0 =	sne.s32 s2, $0x0  }
0x62: {  	s3 =	rddreg [dreg:$0x2];
	[bflag:$0x3] =	sbarrier.arrive $0xFFFF;
	s2 =	simm.s32 @!p0 $0x1C03  }
0x63: {  	[timem:s3], [sflag:s2] =	dma.local @!p0 [hbm:s0], s1  }
0x64: {  	s0 =	simm.s32 @!p0 $0x3  }
0x65: {  	_ =	swait.ge @!p0 [sflag:s0], s1  }
0x66: {  	s1 =	ssub.s32 @!p0 $0x0, s1;
	[sflag:s0] =	ssyncset.done @!p0 $0x0  }
0x67: {  	[sflag:s0] =	ssyncadd.s32 @!p0 s1  }
0x68: {  	[bflag:$0x3] =	sbarrier.arrive $0xFFFF  }
0x69: {  	_ =	shalt  }

// kernel: kernel.50.cloned.1.call-start
scs
__scs_entry_jumppad:
0x0: {  	(pc) =	sbr.rel $0x88, $3  }
0x1: {  	(tag) =	ssettag $0x0;
	lr =	simm.s32 $0x1  }
0x2: {  	[smem:$0x3F26] =	sst lr;
	_ =	strace $0xD0000000  }
0x3: {  	_ = 	snop  }
0x4: {  	_ = 	snop  }
0x5: {  	_ = 	snop  }
0x6: {  	_ = 	snop  }
0x7: {  	_ = 	snop  }
__scs_overlays_trampoline_lowered:
0x8: {  	[smem:$0x3F35] =	sst s0  }
0x9: {  	[smem:$0x3F36] =	sst s1  }
0xa: {  	[smem:$0x3F37] =	sst s2  }
0xb: {  	[smem:$0x3F38] =	sst s3  }
0xc: {  	[smem:$0x3F39] =	sst s4  }
0xd: {  	[smem:$0x3F3A] =	sst s5  }
0xe: {  	[smem:$0x3F3B] =	sst s6  }
0xf: {  	[smem:$0x3F3C] =	sst s7  }
0x10: {  	[smem:$0x3F3D] =	sst s8  }
0x11: {  	[smem:$0x3F3E] =	sst s9;
	s0 =	simm.s32 @!p0 $0x0  }
0x12: {  	s1 =	sld [smem:$0x3F24];
	s0 =	simm.s32 @p0 $0x1  }
0x13: {  	[smem:$0x3F3F] =	sst s0;
	s0 =	simm.s32 @!p1 $0x0  }
0x14: {  	s2 =	sld [smem:$0x3F23];
	s0 =	simm.s32 @p1 $0x1  }
0x15: {  	[smem:$0x3F40] =	sst s0;
	s0 =	simm.s32 @!p2 $0x0  }
0x16: {  	s3 =	sld [smem:$0x3FDB];
	s0 =	simm.s32 @p2 $0x1  }
0x17: {  	s4 =	simm.s32 $0x1BF5;
	[smem:$0x3F42] =	sst s0  }
0x18: {  	s0 =	sld [smem:$0x3F25];
	_ =	swait.ge [sflag:s4], $0x0  }
0x19: {  	s7 =	sld [smem:$0x3F26]  }
0x1a: {  	s8 =	sadd.s32 $0xFFFFE003, lr  }
0x1b: {  	s9 =	sadd.s32 $0xFFFFFEF7, lr;
	s5 =	simm.s32 $0xFFFFFFFF;
	p2 =	slt.u32 s8, $0xFFFFF086  }
0x1c: {  	p1 =	slt.u32 s9, $0xF7A;
	s5 =	simm.s32 @!p2 $0x0  }
0x1d: {  	s5 =	simm.s32 @p1 $0x1;
	p0 =	seq.s32 s7, s2  }
0x1e: {  	s7 =	smul.u32 @!p0 $0xF7A, s2;
	p2 =	seq.s32 @!p0 s5, $0x0  }
0x1f: {  	s9 =	smul.u32 $0xF7A, s1;
	s8 =	simm.s32 @!p0 $0x1BF5;
	p2 =	por !p2, p0  }
0x20: {  	[sflag:s8] =	ssyncset.s32 @!p0 $0xFFFFF086;
	s6 =	sadd.s32 @!p0 s3, s7;
	s7 =	simm.s32 @!p0 $0x108  }
0x21: {  	s3 =	sadd.s32 s3, s9;
	s6 =	sadd.s32 @!p0 $0x88, s6;
	s7 =	simm.s32 @p2 $0x1082  }
0x22: {  	[simem:s7], [sflag:s8] =	dma.local @!p0 [hbm:s6], $0xF7A  }
0x23: {  	s9 =	sor.u32 $0xD0000000, s2;
	s6 =	simm.s32 $0x108;
	_ =	swait.ge @!p0 [sflag:s8], $0x0  }
0x24: {  	s3 =	sadd.s32 $0x88, s3;
	s6 =	simm.s32 @!p1 $0x1082;
	[sflag:s4] =	ssyncset.s32 $0xFFFFF086  }
0x25: {  	[simem:s6], [sflag:s4] =	dma.local [hbm:s3], $0xF7A  }
0x26: {  	[smem:$0x3F26] =	sst s1;
	(tag) =	ssettag s2;
	_ =	strace s9  }
0x27: {  	s1 =	sld [smem:$0x3F36]  }
0x28: {  	s2 =	sld [smem:$0x3F37]  }
0x29: {  	s4 =	sld [smem:$0x3F39]  }
0x2a: {  	p0 =	seq.s32 s5, $0x0;
	s5 =	sld [smem:$0x3F3A]  }
0x2b: {  	s6 =	sld [smem:$0x3F3B]  }
0x2c: {  	s7 =	sld [smem:$0x3F3C]  }
0x2d: {  	s3 =	simm.s32 $0x108;
	s8 =	sld [smem:$0x3F3D]  }
0x2e: {  	s3 =	simm.s32 @!p0 $0x1082;
	s9 =	sld [smem:$0x3F3E]  }
0x2f: {  	lr =	sadd.s32 s0, s3;
	s0 =	sld [smem:$0x3F35]  }
0x30: {  	s3 =	sld [smem:$0x3F38]  }
0x31: {  	[smem:$0x3F41] =	sst s10  }
0x32: {  	s10 =	sld [smem:$0x3F3F];
	_ =	sdelay $0x3  }
0x33: {  	p0 =	seq.s32 s10, $0x1;
	s10 =	sld [smem:$0x3F41];
	_ =	sdelay $0x3  }
0x34: {  	[smem:$0x3F41] =	sst s10  }
0x35: {  	s10 =	sld [smem:$0x3F40];
	_ =	sdelay $0x3  }
0x36: {  	p1 =	seq.s32 s10, $0x1;
	s10 =	sld [smem:$0x3F41];
	_ =	sdelay $0x3  }
0x37: {  	[smem:$0x3F41] =	sst s10  }
0x38: {  	s10 =	sld [smem:$0x3F42]  }
0x39: {  	_ = 	snop;
	(pc) =	sbr.ind lr, $3  }
0x3a: {  	_ = 	snop  }
0x3b: {  	_ = 	snop  }
0x3c: {  	p2 =	seq.s32 s10, $0x1;
	s10 =	sld [smem:$0x3F41]  }
0x3d: {  	_ =	shalt  }
0x3e: {  	_ =	shalt  }
0x3f: {  	_ =	shalt  }
0x40: {  	_ =	shalt  }
0x41: {  	_ =	shalt  }
0x42: {  	_ =	shalt  }
0x43: {  	_ =	shalt  }
0x44: {  	_ =	shalt  }
0x45: {  	_ =	shalt  }
0x46: {  	_ =	shalt  }
0x47: {  	_ =	shalt  }
0x48: {  	_ =	shalt  }
0x49: {  	_ =	shalt  }
0x4a: {  	_ =	shalt  }
0x4b: {  	_ =	shalt  }
0x4c: {  	_ =	shalt  }
0x4d: {  	_ =	shalt  }
0x4e: {  	_ =	shalt  }
0x4f: {  	_ =	shalt  }
0x50: {  	_ =	shalt  }
0x51: {  	_ =	shalt  }
0x52: {  	_ =	shalt  }
0x53: {  	_ =	shalt  }
0x54: {  	_ =	shalt  }
0x55: {  	_ =	shalt  }
0x56: {  	_ =	shalt  }
0x57: {  	_ =	shalt  }
0x58: {  	_ =	shalt  }
0x59: {  	_ =	shalt  }
0x5a: {  	_ =	shalt  }
0x5b: {  	_ =	shalt  }
0x5c: {  	_ =	shalt  }
0x5d: {  	_ =	shalt  }
0x5e: {  	_ =	shalt  }
0x5f: {  	_ =	shalt  }
0x60: {  	_ =	shalt  }
0x61: {  	_ =	shalt  }
0x62: {  	_ =	shalt  }
0x63: {  	_ =	shalt  }
0x64: {  	_ =	shalt  }
0x65: {  	_ =	shalt  }
0x66: {  	_ =	shalt  }
0x67: {  	_ =	shalt  }
0x68: {  	_ =	shalt  }
0x69: {  	_ =	shalt  }
0x6a: {  	_ =	shalt  }
0x6b: {  	_ =	shalt  }
0x6c: {  	_ =	shalt  }
0x6d: {  	_ =	shalt  }
0x6e: {  	_ =	shalt  }
0x6f: {  	_ =	shalt  }
0x70: {  	_ =	shalt  }
0x71: {  	_ =	shalt  }
0x72: {  	_ =	shalt  }
0x73: {  	_ =	shalt  }
0x74: {  	_ =	shalt  }
0x75: {  	_ =	shalt  }
0x76: {  	_ =	shalt  }
0x77: {  	_ =	shalt  }
0x78: {  	_ =	shalt  }
0x79: {  	_ =	shalt  }
0x7a: {  	_ =	shalt  }
0x7b: {  	_ =	shalt  }
0x7c: {  	_ =	shalt  }
0x7d: {  	_ =	shalt  }
0x7e: {  	_ =	shalt  }
0x7f: {  	_ =	shalt  }
0x80: {  	_ =	shalt  }
0x81: {  	_ =	shalt  }
0x82: {  	_ =	shalt  }
0x83: {  	_ =	shalt  }
0x84: {  	_ =	shalt  }
0x85: {  	_ =	shalt  }
0x86: {  	_ =	shalt  }
0x87: {  	_ =	shalt  }
.Lfunc_end0:
.L_simem_size_0:
called_computation.6_lowered:
.L_overlay_start_0:
0x88: {  	s2 =	sld [smem:$0x3FD9]  }
0x89: {  	s3 =	sld [smem:$0x3FFE];
	_ =	sdelay $0x1  }
0x8a: {  	s1 =	srdreg.scid  }
0x8b: {  	s0 =	sand.u32 $0x1, s1  }
0x8c: {  	s16 =	sshll.u32 s0, $0xA;
	s2 =	sadd.s32 s3, s2  }
0x8d: {  	s2 =	sadd.s32 s2, s16  }
0x8e: {  	[smem:$0x3F4D] =	sst s2  }
0x8f: {  	_ = 	snop  }
0x90: {  	(tm) =	ssettm $0x1  }
0x91: {  	s17 =	sld [smem:$0x3FFB];
	_ =	sdelay $0x3  }
0x92: {  	_ =	strace s17  }
0x93: {  	s2 =	sld [smem:$0x3FFC];
	_ =	sdelay $0x3  }
0x94: {  	_ =	strace s2  }
0x95: {  	s2 =	sld [smem:$0x3FFD];
	_ =	sdelay $0x3  }
0x96: {  	_ =	strace s2  }
0x97: {  	_ =	strace $0x8FFFFFFF  }
0x98: {  	s18 =	sld [smem:$0x3FDB];
	_ =	sdelay $0x1  }
0x99: {  	s19 =	simm.s32 $_scs_section_size  }
0x9a: {  	s4 =	simm.s32 $_size__tile_overlayer_lowered;
	s5 =	simm.s32 $_tile_overlayer_lowered  }
0x9b: {  	s22 =	simm.s32 $0x1BFF;
	s21 =	sshll.u32 s5, $0x1;
	s2 =	sadd.s32 s19, s18  }
0x9c: {  	s6 =	simm.s32 $0x0;
	s20 =	sshll.u32 s4, $0x1;
	s4 =	sadd.s32 s21, s2  }
0x9d: {  	[timem:s6], [sflag:s22] =	dma.local [hbm:s4], s20  }
0x9e: {  	_ =	swait.ge [sflag:s22], s20  }
0x9f: {  	s3 =	ssub.s32 $0x0, s20;
	[sflag:s22] =	ssyncset.done $0x0  }
0xa0: {  	[sflag:s22] =	ssyncadd.s32 s3;
	_ =	sdelay $0x1  }
0xa1: {  	s23 =	simm.s32 $0x1B8B  }
0xa2: {  	_ =	swait.ge [sflag:s23], $0x1  }
0xa3: {  	[sflag:s23] =	ssyncset.done $0x0  }
0xa4: {  	s25 =	simm.s32 $0x1B8E;
	s24 =	sld [smem:$0x3FFE];
	[sflag:s23] =	ssyncadd.s32 $0xFFFFFFFF  }
0xa5: {  	s26 =	simm.s32 $execute0_lowered;
	[smem:$0x3FD2] =	sst s25  }
0xa6: {  	s4 =	sshll.u32 s26, $0x1;
	_ =	strace $0x80000058;
	[dreg:$0x1] =	wrdreg $0xFFFFFFFF  }
0xa7: {  	s28 =	simm.s32 $_size_execute0_lowered;
	s2 =	sadd.s32 s2, s4;
	[dreg:$0x0] =	wrdreg $0x0  }
0xa8: {  	s4 =	sshll.u32 s28, $0x1;
	[dreg:$0x2] =	wrdreg s2  }
0xa9: {  	[dreg:$0x3] =	wrdreg s4  }
0xaa: {  	[dreg:$0x4] =	wrdreg $0xC0  }
0xab: {  	_ =	task [dreg:s6], $0x5FFFF  }
0xac: {  	[dreg:$0x1] =	wrdreg $0xFFFFFFFF  }
0xad: {  	[dreg:$0x0] =	wrdreg $0x60  }
0xae: {  	[dreg:$0x2] =	wrdreg s24  }
0xaf: {  	[dreg:$0x3] =	wrdreg $0x67900  }
0xb0: {  	[dreg:$0x4] =	wrdreg $0x9  }
0xb1: {  	_ =	task.clear_ibuf [dreg:s6], $0x5FFFF;
	_ =	strace $0x90000058  }
0xb2: {  	s29 =	simm.s32 $0x9;
	_ =	strace $0x8000005A  }
0xb3: {  	_ =	swait.ge [sflag:s29], $0x1  }
0xb4: {  	[sflag:s29] =	ssyncadd.s32 $0xFFFFFFFF  }
0xb5: {  	_ =	strace $0x9000005A  }
0xb6: {  	_ =	sfence  }
0xb7: {  	s30 =	sld [smem:$0x0];
	_ =	sdelay $0x2  }
0xb8: {  	s31 =	sshll.u32 s1, $0xD;
	s1 =	sshrl.u32 s1, $0x2  }
0xb9: {  	s3 =	sand.u32 $0x4000, s31;
	s1 =	sadd.s32 s1, s30  }
0xba: {  	s0 =	sor.u32 s3, s0;
	s1 =	sshll.u32 s1, $0x11  }
0xbb: {  	s0 =	sor.u32 s1, s0  }
0xbc: {  	s0 =	sadd.s32 $0x8F2B, s0  }
0xbd: {  	[sflag:s0] =	ssyncadd.remote.s32 $0x1  }
0xbe: {  	_ =	sfence.sel $0xFFFF  }
0xbf: {  	[dreg:$0x0] =	wrdreg $0xFFFFFFFF;
	(pc) =	sbr.abs _section_cstart, $3  }
0xc0: {  	[dreg:$0x1] =	wrdreg $0xFFFFFFFF  }
0xc1: {  	_ =	task.clear_ibuf [dreg:s6], $0x2FFFF;
	_ =	strace $0x9FFFFFFF  }
0xc2: {  	(tm) =	ssettm $0x7FFFFFFF  }
0xc3: {  	_ =	shalt  }
tec
execute0_lowered:
.L_overlay_start_1:
0x0: {  	(tag) =	ssettag $0x1  }
0x1: {  	s4 =	rddreg [dreg:$0x0]  }
0x2: {  	s0 =	srdreg.scid;
	s2 =	stileid.u32  }
0x3: {  	s1 =	rddreg [dreg:$0x1];
	s3 =	simm.s32 $0x0;
	s8 =	smul.u32 $0x2710, s2  }
0x4: {  	s14 =	simm.s32 $0x190;
	s18 =	simm.s32 $0x0;
	s24 =	smul.u32 $0x27000, s2  }
0x5: {  	s5 =	sand.u32 $0x1, s0;
	s0 =	rddreg [dreg:$0x2];
	s10 =	smul.u32 $0x9C00, s2  }
0x6: {  	[smem:$0x7FF] =	sst s3;
	s12 =	sadd.s32 $0x2C2800, s4;
	s13 =	smul.u32 $0x13880, s2  }
0x7: {  	s15 =	sshll.u32 s2, $0x6;
	p0 =	sne.s32 s2, $0xF;
	s6 =	smul.u32 $0x138800, s5  }
0x8: {  	s7 =	smul.u32 $0x27100, s5;
	_ =	strace $0x80000059;
	s25 =	ssub.s32 $0x2, s5  }
0x9: {  	s5 =	smul.u32 $0x9C400, s5;
	s15 =	sor.u32 $0x1C01, s15;
	s26 =	sshrl.u32 s25, $0x1  }
0xa: {  	s28 =	sshrl.u32 s24, $0x2;
	s16 =	sadd.s32 s10, s1;
	s9 =	sadd.s32 s6, s4  }
0xb: {  	s23 =	sadd.s32 s8, s7;
	s8 =	ssub.s32 s25, s26;
	s29 =	sadd.s32 s10, s5  }
0xc: {  	s5 =	sshrl.u32 s5, $0x3;
	s7 =	sadd.s32 $0x9C000, s1;
	s16 =	sshrl.u32 s16, $0x3  }
0xd: {  	s6 =	sshrl.u32 s23, $0x3;
	s30 =	sadd.s32 s12, s5;
	s8 =	smax.u32 s8, $0x1  }
0xe: {  	s31 =	sadd.s32 s13, s9;
	s9 =	sadd.s32 $0x9C200, s1;
	s13 =	simm.s32 $0x1  }
0xf: {  	s17 =	sshrl.u32 @!p0 s7, $0x3;
	s11 =	sadd.s32 s6, s4;
	s6 =	sshrl.u32 s29, $0x3  }
0x10: {  	s4 =	sadd.s32 s28, s1;
	s10 =	sadd.s32 $0x51800, s31;
	s5 =	sadd.s32 s12, s6  }
0x11: {  	v0 =	vimm.f32 $0.0e+00;
	s6 =	sadd.s32 $0x13800, s30;
	s11 =	sadd.s32 $0x20800, s11;
	s12 =	simm.s32 $0x6590  }
.LBB2_1:
0x12: {  	[tilespmem:$0x6590] =	vst v0  }
0x13: {  	[tilespmem:$0x65A0] =	vst v0  }
0x14: {  	[tilespmem:$0x65B0] =	vst v0  }
0x15: {  	[tilespmem:$0x65C0] =	vst v0  }
0x16: {  	[tilespmem:$0x65D0] =	vst v0  }
0x17: {  	[tilespmem:$0x65E0] =	vst v0  }
0x18: {  	[tilespmem:$0x65F0] =	vst v0  }
0x19: {  	[tilespmem:$0x6600] =	vst v0  }
0x1a: {  	[tilespmem:$0x6610] =	vst v0  }
0x1b: {  	[tilespmem:$0x6620] =	vst v0  }
0x1c: {  	[tilespmem:$0x6630] =	vst v0  }
0x1d: {  	[tilespmem:$0x6640] =	vst v0  }
0x1e: {  	[tilespmem:$0x6650] =	vst v0  }
0x1f: {  	[tilespmem:$0x6660] =	vst v0  }
0x20: {  	[tilespmem:$0x6670] =	vst v0  }
0x21: {  	[tilespmem:$0x6680] =	vst v0  }
0x22: {  	[tilespmem:$0x6690] =	vst v0  }
0x23: {  	[tilespmem:$0x66A0] =	vst v0  }
0x24: {  	[tilespmem:$0x66B0] =	vst v0  }
0x25: {  	[tilespmem:$0x66C0] =	vst v0  }
0x26: {  	[tilespmem:$0x66D0] =	vst v0  }
0x27: {  	[tilespmem:$0x66E0] =	vst v0  }
0x28: {  	[tilespmem:$0x66F0] =	vst v0  }
0x29: {  	[tilespmem:$0x6700] =	vst v0  }
0x2a: {  	[tilespmem:$0x6710] =	vst v0  }
0x2b: {  	[tilespmem:$0x6720] =	vst v0  }
0x2c: {  	[tilespmem:$0x6730] =	vst v0  }
0x2d: {  	[tilespmem:$0x6740] =	vst v0  }
0x2e: {  	[tilespmem:$0x6750] =	vst v0  }
0x2f: {  	[tilespmem:$0x6760] =	vst v0  }
0x30: {  	[tilespmem:$0x6770] =	vst v0  }
0x31: {  	[tilespmem:$0x6780] =	vst v0;
	s19 =	sadd.s32 $0x0, s4  }
0x32: {  	[spmem:s19] =	stream.linear.scatter [tilespmem:s12], [sflag:$0x1], $0x200, $0x38;
	[tilespmem:$0x103D0] =	vst v63  }
0x33: {  	s19 =	simm.s32 $0x800;
	_ =	swait.ge [sflag:s13], $0x200  }
.LBB2_2:
0x34: {  	s20 =	sshra.s32 s19, $0x2;
	[sflag:s13] =	ssyncset.done $0x0;
	p1 =	sne.s32 s19, $0x26800  }
.Ltmp0:
0x35: {  	s20 =	sadd.s32 s20, s4;
	[sflag:s13] =	ssyncadd.s32 $0xFFFFFE00;
	(pc) =	sbr.rel @p1 .LBB2_2-.Ltmp0, $3  }
0x36: {  	[spmem:s20] =	stream.linear.scatter [tilespmem:s12], [sflag:$0x1], $0x200, $0x38;
	[tilespmem:$0x103D0] =	vst v63  }
0x37: {  	s19 =	sadd.s32 $0x800, s19;
	_ =	sdelay $0x1  }
0x38: {  	_ =	swait.ge [sflag:s13], $0x200  }
0x39: {  	[sflag:s13] =	ssyncset.done $0x0  }
0x3a: {  	s19 =	simm.s32 @!p0 $0x6590;
	s20 =	simm.s32 @!p0 $0x1;
	[sflag:s13] =	ssyncadd.s32 $0xFFFFFE00  }
0x3b: {  	[spmem:s7] =	stream.linear.scatter @!p0 [tilespmem:s19], [sflag:$0x1], $0x200, $0x38;
	[tilespmem:$0x103D0] =	vst v63  }
0x3c: {  	_ =	swait.ge @!p0 [sflag:s20], $0x200  }
0x3d: {  	[sflag:s20] =	ssyncset.done @!p0 $0x0  }
0x3e: {  	[sflag:s20] =	ssyncadd.s32 @!p0 $0xFFFFFE00  }
0x3f: {  	[spmem:s9] =	stream.linear.scatter @!p0 [tilespmem:s19], [sflag:$0x1], $0x200, $0x38;
	[tilespmem:$0x103D0] =	vst v63  }
0x40: {  	_ =	swait.ge @!p0 [sflag:s20], $0x200  }
0x41: {  	[sflag:s20] =	ssyncset.done @!p0 $0x0  }
0x42: {  	[sflag:s20] =	ssyncadd.s32 @!p0 $0xFFFFFE00  }
0x43: {  	s31 =	sadd.s32 $0x0, s11;
	[bflag:$0x0] =	sbarrier.arrive $0xFFFF  }
0x44: {  	[tilespmem:s3], [sflag:$0x1] =	stream.linear.gather [hbm4b:s31+s3], $0x190, $0x38;
	[tilespmem:$0x103D0] =	vst v63  }
0x45: {  	_ =	swait.ge [sflag:s13], $0x190  }
0x46: {  	[sflag:s13] =	ssyncset.done $0x0  }
0x47: {  	[sflag:s13] =	ssyncadd.s32 $0xFFFFFE70  }
0x48: {  	[tilespmem:s14], [sflag:$0x1] =	stream.linear.gather [hbm4b:s10+s3], $0x6400, $0x38;
	[tilespmem:$0x103D0] =	vst v63  }
0x49: {  	_ =	swait.ge [sflag:s13], $0x6400  }
0x4a: {  	[sflag:s13] =	ssyncset.done $0x0  }
0x4b: {  	[sflag:s13] =	ssyncadd.s32 $0xFFFF9C00  }
0x4c: {  	[spmem:s1] =	stream.indirect.scatter.add.f32 [tilespmem:s14], [sflag:$0x1], $0x40, s3, s14, $0xb8;
	[tilespmem:$0x103D0] =	vst v63  }
0x4d: {  	s21 =	simm.s32 $0x64;
	_ =	swait.ge [sflag:s13], $0x6400  }
0x4e: {  	s19 =	sadd.s32 $0xC80, s10;
	s20 =	simm.s32 $0x32;
	[sflag:s13] =	ssyncset.done $0x0  }
.LBB2_4:
0x4f: {  	s22 =	sadd.s32 s20, s11  }
0x50: {  	[sflag:s13] =	ssyncadd.s32 $0xFFFF9C00;
	s20 =	smov.u32 s21;
	s23 =	sadd.s32 $0x32, s21  }
0x51: {  	[tilespmem:s3], [sflag:$0x1] =	stream.linear.gather [hbm4b:s22+s3], $0x190, $0x38;
	[tilespmem:$0x103D0] =	vst v63  }
0x52: {  	p1 =	sne.s32 s21, $0x4B0;
	_ =	swait.ge [sflag:s13], $0x190  }
0x53: {  	[sflag:s13] =	ssyncset.done $0x0  }
0x54: {  	[sflag:s13] =	ssyncadd.s32 $0xFFFFFE70  }
0x55: {  	[tilespmem:s14], [sflag:$0x1] =	stream.linear.gather [hbm4b:s19+s3], $0x6400, $0x38;
	[tilespmem:$0x103D0] =	vst v63  }
0x56: {  	_ =	swait.ge [sflag:s13], $0x6400  }
.Ltmp1:
0x57: {  	[sflag:s13] =	ssyncset.done $0x0;
	(pc) =	sbr.rel @p1 .LBB2_4-.Ltmp1, $4  }
0x58: {  	[sflag:s13] =	ssyncadd.s32 $0xFFFF9C00  }
0x59: {  	[spmem:s1] =	stream.indirect.scatter.add.f32 [tilespmem:s14], [sflag:$0x1], $0x40, s3, s14, $0xb8;
	[tilespmem:$0x103D0] =	vst v63  }
0x5a: {  	_ =	swait.ge [sflag:s13], $0x6400  }
0x5b: {  	s21 =	smov.u32 s23;
	s19 =	sadd.s32 $0xC80, s19;
	[sflag:s13] =	ssyncset.done $0x0  }
0x5c: {  	s20 =	sadd.s32 s20, s11;
	[sflag:s13] =	ssyncadd.s32 $0xFFFF9C00  }
0x5d: {  	[tilespmem:s3], [sflag:$0x1] =	stream.linear.gather [hbm4b:s20+s3], $0x190, $0x38;
	[tilespmem:$0x103D0] =	vst v63  }
0x5e: {  	_ =	swait.ge [sflag:s13], $0x190  }
0x5f: {  	[sflag:s13] =	ssyncset.done $0x0  }
0x60: {  	[sflag:s13] =	ssyncadd.s32 $0xFFFFFE70  }
0x61: {  	[tilespmem:s14], [sflag:$0x1] =	stream.linear.gather [hbm4b:s19+s3], $0x6400, $0x38;
	[tilespmem:$0x103D0] =	vst v63  }
0x62: {  	_ =	swait.ge [sflag:s13], $0x6400  }
0x63: {  	[sflag:s13] =	ssyncset.done $0x0  }
0x64: {  	[sflag:s13] =	ssyncadd.s32 $0xFFFF9C00  }
0x65: {  	[spmem:s1] =	stream.indirect.scatter.add.f32 [tilespmem:s14], [sflag:$0x1], $0x40, s3, s14, $0xb8;
	[tilespmem:$0x103D0] =	vst v63  }
0x66: {  	_ =	swait.ge [sflag:s13], $0x6400  }
0x67: {  	[sflag:s13] =	ssyncset.done $0x0  }
0x68: {  	[sflag:s13] =	ssyncadd.s32 $0xFFFF9C00  }
0x69: {  	[bflag:$0x0] =	sbarrier.arrive $0xFFFF  }
0x6a: {  	[hbm:s5], [sflag:s15] =	dma.local [spmem:s16], $0x1380  }
0x6b: {  	s18 =	sadd.s32 $0x1, s18;
	_ =	swait.ge [sflag:s13], $0x1380  }
0x6c: {  	p1 =	sne.s32 s18, s8;
	[sflag:s13] =	ssyncset.done $0x0  }
.Ltmp2:
0x6d: {  	s19 =	simm.s32 @!p0 $0x1;
	[sflag:s13] =	ssyncadd.s32 $0xFFFFEC80;
	(pc) =	sbr.rel @p1 .LBB2_1-.Ltmp2, $4  }
0x6e: {  	[hbm:s6], [sflag:s15] =	dma.local @!p0 [spmem:s17], $0x80  }
0x6f: {  	_ =	swait.ge @!p0 [sflag:s19], $0x80  }
0x70: {  	[sflag:s19] =	ssyncset.done @!p0 $0x0  }
0x71: {  	[sflag:s19] =	ssyncadd.s32 @!p0 $0xFFFFFF80  }
0x72: {  	_ =	sfence.sel $0x180000  }
0x73: {  	[bflag:$0x0] =	sbarrier.arrive $0xFFFF  }
0x74: {  	p0 =	sne.s32 s2, $0x0;
	_ =	strace $0x90000059  }
0x75: {  	s0 =	sadd.s32 @!p0 $0x100000, s0;
	[bflag:$0x2] =	sbarrier.arrive $0xFFFF  }
0x76: {  	[sflag:s0] =	ssyncadd.tile.s32 @!p0 $0x1;
	_ =	shalt  }
.Lfunc_end2:
_tile_overlayer_lowered:
.L_overlay_start_2:
0x77: {  	(tag) =	ssettag $0x2  }
0x78: {  	s0 =	rddreg [dreg:$0x0];
	s2 =	stileid.u32  }
0x79: {  	s1 =	rddreg [dreg:$0x1];
	p0 =	sne.s32 s2, $0x0  }
0x7a: {  	s3 =	rddreg [dreg:$0x2];
	[bflag:$0x3] =	sbarrier.arrive $0xFFFF;
	s2 =	simm.s32 @!p0 $0x1C01  }
0x7b: {  	[timem:s3], [sflag:s2] =	dma.local @!p0 [hbm:s0], s1  }
0x7c: {  	s0 =	simm.s32 @!p0 $0x1  }
0x7d: {  	_ =	swait.ge @!p0 [sflag:s0], s1  }
0x7e: {  	s1 =	ssub.s32 @!p0 $0x0, s1;
	[sflag:s0] =	ssyncset.done @!p0 $0x0  }
0x7f: {  	[sflag:s0] =	ssyncadd.s32 @!p0 s1  }
0x80: {  	[bflag:$0x3] =	sbarrier.arrive $0xFFFF  }
0x81: {  	_ =	shalt  }

</sc_bundles>
